<compile_context>
chip_gen: v7x
topology: tpu7x:2x2x1
jax: 0.10.2.dev20260603
libtpu: 0.0.44.dev20260713+nightly
codegen_flags: <defaults>
</compile_context>

<pallas_src>
import functools

import jax
import jax.numpy as jnp
from jax import lax
from jax.experimental import pallas as pl
from jax.experimental.pallas import tpu as pltpu
from jax.experimental.pallas import tpu_sc as plsc

B = 8
P = 8
N = 8192
G = 64
V = G ** 3
CHUNKS = N // 16
PAIRS_PER_WORKER = (B * P) // 32


def _sc_body(px_hbm, py_hbm, pz_hbm, planes_hbm, cpx_hbm, cpy_hbm, cpz_hbm,
             m2_hbm, out_hbm,
             px_v, py_v, pz_v, tx_v, ty_v, tz_v,
             iv_v, ga_v, gb_v, gc_v, gv_v,
             plane_v, acc_v, sem_a, sem_b, sem_c, sem_v):
    wid = lax.axis_index("s") * 2 + lax.axis_index("c")
    b = wid // 4

    pbase = b * N
    pltpu.sync_copy(px_hbm.at[pl.ds(pl.multiple_of(pbase, N), N)], px_v)
    pltpu.sync_copy(py_hbm.at[pl.ds(pl.multiple_of(pbase, N), N)], py_v)
    pltpu.sync_copy(pz_hbm.at[pl.ds(pl.multiple_of(pbase, N), N)], pz_v)

    acc = jnp.zeros((16,), jnp.float32)
    base_off = b * V

    for k in range(PAIRS_PER_WORKER):
        pair = wid * PAIRS_PER_WORKER + k
        pltpu.sync_copy(
            planes_hbm.at[pl.ds(pl.multiple_of(pair * 64, 64), 64)], plane_v)
        nx = plane_v[pl.ds(0, 16)]
        ny = plane_v[pl.ds(16, 16)]
        nz = plane_v[pl.ds(32, 16)]
        dd = plane_v[pl.ds(48, 16)]
        inv2 = 2.0 / (nx * nx + ny * ny + nz * nz)

        def body_a(r, carry):
            sl = pl.ds(pl.multiple_of(r * 16, 16), 16)
            px = px_v[sl]
            py = py_v[sl]
            pz = pz_v[sl]
            f = (px * nx + py * ny + pz * nz + dd) * inv2
            tx = px - f * nx
            ty = py - f * ny
            tz = pz - f * nz
            tx_v[sl] = tx
            ty_v[sl] = ty
            tz_v[sl] = tz

            def ceil_i(t):
                z = (t + 0.5) * float(G) - 0.5
                i = z.astype(jnp.int32)
                return jnp.where(z > i.astype(jnp.float32), i + 1, i)

            flat = ceil_i(tx) * (G * G) + ceil_i(ty) * G + ceil_i(tz)
            flat = jnp.minimum(jnp.maximum(flat, 0), V - 1)
            iv_v[sl] = flat + base_off
            return carry

        lax.fori_loop(0, CHUNKS, body_a, 0, unroll=8)

        copies = []
        nsplit = 4
        csz = N // nsplit
        for h in range(nsplit):
            hs = pl.ds(h * csz, csz)
            copies.append(pltpu.async_copy(cpx_hbm.at[iv_v.at[hs]], ga_v.at[hs], sem_a))
            copies.append(pltpu.async_copy(cpy_hbm.at[iv_v.at[hs]], gb_v.at[hs], sem_b))
            copies.append(pltpu.async_copy(cpz_hbm.at[iv_v.at[hs]], gc_v.at[hs], sem_c))
            copies.append(pltpu.async_copy(m2_hbm.at[iv_v.at[hs]], gv_v.at[hs], sem_v))
        for cp in copies:
            cp.wait()

        def body_c(r, a):
            sl = pl.ds(pl.multiple_of(r * 16, 16), 16)
            dx = tx_v[sl] - ga_v[sl]
            dy = ty_v[sl] - gb_v[sl]
            dz = tz_v[sl] - gc_v[sl]
            return a + gv_v[sl] * (dx * dx + dy * dy + dz * dz)

        acc = lax.fori_loop(0, CHUNKS, body_c, acc, unroll=8)

    acc_v[...] = acc
    pltpu.sync_copy(acc_v, out_hbm.at[pl.ds(pl.multiple_of(wid * 16, 16), 16)])


@jax.jit
def _sc_loss(px, py, pz, planes_pad, cpx, cpy, cpz, m2):
    mesh = plsc.VectorSubcoreMesh(core_axis_name="c", subcore_axis_name="s")
    f32 = jnp.float32
    i32 = jnp.int32
    kern = functools.partial(
        pl.kernel,
        mesh=mesh,
        out_type=jax.ShapeDtypeStruct((32 * 16,), f32),
        scratch_types=[
            pltpu.VMEM((N,), f32),
            pltpu.VMEM((N,), f32),
            pltpu.VMEM((N,), f32),
            pltpu.VMEM((N,), f32),
            pltpu.VMEM((N,), f32),
            pltpu.VMEM((N,), f32),
            pltpu.VMEM((N,), i32),
            pltpu.VMEM((N,), f32),
            pltpu.VMEM((N,), f32),
            pltpu.VMEM((N,), f32),
            pltpu.VMEM((N,), f32),
            pltpu.VMEM((64,), f32),
            pltpu.VMEM((16,), f32),
            pltpu.SemaphoreType.DMA,
            pltpu.SemaphoreType.DMA,
            pltpu.SemaphoreType.DMA,
            pltpu.SemaphoreType.DMA,
        ],
    )(_sc_body)
    return kern(px, py, pz, planes_pad, cpx, cpy, cpz, m2)


def kernel(voxel, points, closest_points, planes):
    s = 1.0 + 0.0 * jnp.sum(planes)
    px = (points[:, :, 0] * s).reshape(-1)
    py = (points[:, :, 1] * s).reshape(-1)
    pz = (points[:, :, 2] * s).reshape(-1)
    cpx = (closest_points[:, :, 0] * s).reshape(-1)
    cpy = (closest_points[:, :, 1] * s).reshape(-1)
    cpz = (closest_points[:, :, 2] * s).reshape(-1)
    mask = 1.0 - voxel
    m2 = (mask * mask).reshape(-1)
    planes_pad = (jnp.broadcast_to(
        planes.reshape(B * P, 4)[:, :, None], (B * P, 4, 16)) * s).reshape(-1)
    partial = _sc_loss(px, py, pz, planes_pad, cpx, cpy, cpz, m2)
    return jnp.sum(partial) / (B * P)

# --- scband reference (transcript-rebuilt; emitter-appended) ---
"""Pipeline reference for scband-sym-plane-loss-18760417149453 (READ-ONLY COPY).

The authoritative reference and input builder live on the scoring server;
editing this copy changes nothing except your own understanding.
"""

import jax, jax.numpy as jnp
import numpy as np


def setup_inputs(seed: int = 0) -> dict:
    key = jax.random.key(seed)
    k1, k2, k3, k4 = jax.random.split(key, 4)
    voxel = jax.random.uniform(k1, (8, 64, 64, 64), dtype=jnp.float32)
    # points roughly in [-0.5, 0.5) so reflected points land inside the grid
    points = jax.random.uniform(k2, (8, 8192, 3), dtype=jnp.float32) - 0.5
    closest_points = jax.random.uniform(k3, (8, 262144, 3), dtype=jnp.float32) - 0.5
    planes = jax.random.normal(k4, (8, 8, 4), dtype=jnp.float32)
    return {"voxel": voxel, "points": points, "closest_points": closest_points, "planes": planes}


def sym_plane_tran(points, planes):
    # points: [B, N, 3], planes: [B, P, 4] -> [B, P, N, 3]
    ns = planes[..., 0:-1]
    ds = planes[..., -1]
    ns_norm = jnp.linalg.norm(ns, ord=2, axis=2, keepdims=True)
    ds = ds / jnp.linalg.norm(ns, ord=2, axis=2)
    ns = ns / ns_norm
    ns_e = ns[:, :, None, :]          # [B, P, 1, 3] (broadcast == repeat over points)
    ds_e = ds[:, :, None, None]       # [B, P, 1, 1]
    pts = points[:, None, :, :]       # [B, 1, N, 3] (broadcast == repeat over planes)
    return pts - 2.0 * (jnp.sum(pts * ns_e, axis=3, keepdims=True) + ds_e) * ns_e


def reference(voxel, points, closest_points, planes):
    batch_num = planes.shape[0]
    planes_num = planes.shape[1]
    tpoints = sym_plane_tran(points, planes)          # [B, P, N, 3]
    grid_size = voxel.shape[1]
    indexs = jnp.ceil((tpoints + 0.5) * grid_size - 0.5).astype(jnp.int32)
    indexs = indexs[..., 0] * grid_size ** 2 + indexs[..., 1] * grid_size + indexs[..., 2]
    indexs = jnp.clip(indexs, 0, grid_size ** 3 - 1)  # [B, P, N]
    # gather closest points: table [B, 1, G^3, 3], idx [B, P, N, 1] -> [B, P, N, 3]
    cp = jnp.take_along_axis(closest_points[:, None, :, :], indexs[..., None], axis=2)
    vox_flat = voxel.reshape(batch_num, 1, -1)        # [B, 1, G^3]
    mask = 1.0 - jnp.take_along_axis(vox_flat, indexs, axis=2)  # [B, P, N]
    distance = (tpoints - cp) * mask[..., None]
    return jnp.mean(jnp.sum(jnp.sum(distance ** 2, axis=3), axis=2))

if __name__ == "__main__":
    import jax
    _d = setup_inputs()
    print(jax.jit(kernel)(*tuple(_d.values())))

</pallas_src>

<mosaic_0001>
#map = affine_map<(d0, d1) -> (0)>
module attributes {stable_mosaic.version = 14 : i64} {
  func.func @_sc_body(%arg0: i32, %arg1: i32, %arg2: memref<65536xf32, #tpu.memory_space<hbm>>, %arg3: memref<65536xf32, #tpu.memory_space<hbm>>, %arg4: memref<65536xf32, #tpu.memory_space<hbm>>, %arg5: memref<4096xf32, #tpu.memory_space<hbm>>, %arg6: memref<2097152xf32, #tpu.memory_space<hbm>>, %arg7: memref<2097152xf32, #tpu.memory_space<hbm>>, %arg8: memref<2097152xf32, #tpu.memory_space<hbm>>, %arg9: memref<2097152xf32, #tpu.memory_space<hbm>>, %arg10: memref<512xf32, #tpu.memory_space<hbm>>, %arg11: memref<8192xf32, #tpu.memory_space<vmem>>, %arg12: memref<8192xf32, #tpu.memory_space<vmem>>, %arg13: memref<8192xf32, #tpu.memory_space<vmem>>, %arg14: memref<8192xf32, #tpu.memory_space<vmem>>, %arg15: memref<8192xf32, #tpu.memory_space<vmem>>, %arg16: memref<8192xf32, #tpu.memory_space<vmem>>, %arg17: memref<8192xi32, #tpu.memory_space<vmem>>, %arg18: memref<8192xf32, #tpu.memory_space<vmem>>, %arg19: memref<8192xf32, #tpu.memory_space<vmem>>, %arg20: memref<8192xf32, #tpu.memory_space<vmem>>, %arg21: memref<8192xf32, #tpu.memory_space<vmem>>, %arg22: memref<64xf32, #tpu.memory_space<vmem>>, %arg23: memref<16xf32, #tpu.memory_space<vmem>>, %arg24: memref<!tpu.dma_semaphore, #tpu.memory_space<semaphore_mem>>, %arg25: memref<!tpu.dma_semaphore, #tpu.memory_space<semaphore_mem>>, %arg26: memref<!tpu.dma_semaphore, #tpu.memory_space<semaphore_mem>>, %arg27: memref<!tpu.dma_semaphore, #tpu.memory_space<semaphore_mem>>) attributes {dimension_semantics = [#tpu.dimension_semantics<core_parallel>, #tpu.dimension_semantics<subcore_parallel>], iteration_bounds = array<i64: 2, 16>, scalar_prefetch = 0 : i64, scratch_operands = 17 : i64, tpu.core_type = #tpu.core_type<sc_vector_subcore>, window_params = [{transform_indices = #map}, {transform_indices = #map}, {transform_indices = #map}, {transform_indices = #map}, {transform_indices = #map}, {transform_indices = #map}, {transform_indices = #map}, {transform_indices = #map}, {transform_indices = #map}]} {
    %mul3A = arith.constant 2 : i32
    %mul3A_0 = arith.muli %arg1, %mul3A : i32
    %add3A = arith.addi %mul3A_0, %arg0 : i32
    %jit3A = arith.constant 4 : i32
    %div3A = arith.divsi %add3A, %jit3A : i32
    %sign3A = arith.constant 0 : i32
    %sign3A_1 = arith.cmpi sgt, %add3A, %sign3A : i32
    %sign3A_2 = arith.extui %sign3A_1 : i1 to i32
    %sign3A_3 = arith.constant 0 : i32
    %sign3A_4 = arith.cmpi slt, %add3A, %sign3A_3 : i32
    %sign3A_5 = arith.extui %sign3A_4 : i1 to i32
    %sign3A_6 = arith.subi %sign3A_2, %sign3A_5 : i32
    %sign3A_7 = arith.constant 0 : i32
    %sign3A_8 = arith.cmpi sgt, %jit3A, %sign3A_7 : i32
    %sign3A_9 = arith.extui %sign3A_8 : i1 to i32
    %sign3A_10 = arith.constant 0 : i32
    %sign3A_11 = arith.cmpi slt, %jit3A, %sign3A_10 : i32
    %sign3A_12 = arith.extui %sign3A_11 : i1 to i32
    %sign3A_13 = arith.subi %sign3A_9, %sign3A_12 : i32
    %ne3A = arith.cmpi ne, %sign3A_6, %sign3A_13 : i32
    %rem3A = arith.remsi %add3A, %jit3A : i32
    %ne3A_14 = arith.constant 0 : i32
    %ne3A_15 = arith.cmpi ne, %rem3A, %ne3A_14 : i32
    %and3A = arith.andi %ne3A, %ne3A_15 : i1
    %sub3A = arith.constant 1 : i32
    %sub3A_16 = arith.subi %div3A, %sub3A : i32
    %select_n3A = arith.select %and3A, %sub3A_16, %div3A : i32
    %mul3A_17 = arith.constant 8192 : i32
    %mul3A_18 = arith.muli %select_n3A, %mul3A_17 : i32
    %multiple_of3A = tpu.assume_multiple %mul3A_18, 8192 : i32
    "tpu.region"() ({
      %run_scoped3A = tpu.sem_alloc : memref<!tpu.dma_semaphore, #tpu.memory_space<semaphore_mem>>
      %dma_start3A_488 = tpu.memref_slice %arg2[%multiple_of3A] : memref<65536xf32, #tpu.memory_space<hbm>> -> memref<8192xf32, #tpu.memory_space<hbm>>
      %dma_start3A_489 = tpu.memref_slice %arg2[%multiple_of3A] : memref<65536xf32, #tpu.memory_space<hbm>> -> memref<8192xf32, #tpu.memory_space<hbm>>
      tpu.enqueue_dma source(%dma_start3A_489 : memref<8192xf32, #tpu.memory_space<hbm>>) target(%arg11 : memref<8192xf32, #tpu.memory_space<vmem>>) target_semaphore(%run_scoped3A : memref<!tpu.dma_semaphore, #tpu.memory_space<semaphore_mem>>)
      %dma_wait3A_490 = tpu.memref_slice %arg2[%multiple_of3A] : memref<65536xf32, #tpu.memory_space<hbm>> -> memref<8192xf32, #tpu.memory_space<hbm>>
      %dma_wait3A_491 = tpu.memref_slice %arg2[%multiple_of3A] : memref<65536xf32, #tpu.memory_space<hbm>> -> memref<8192xf32, #tpu.memory_space<hbm>>
      tpu.wait_dma2 semaphore(%run_scoped3A : memref<!tpu.dma_semaphore, #tpu.memory_space<semaphore_mem>>) src(%dma_wait3A_491 : memref<8192xf32, #tpu.memory_space<hbm>>) dst(%arg11 : memref<8192xf32, #tpu.memory_space<vmem>>)
      tpu.yield
    }) : () -> ()
    %multiple_of3A_19 = tpu.assume_multiple %mul3A_18, 8192 : i32
    "tpu.region"() ({
      %run_scoped3A = tpu.sem_alloc : memref<!tpu.dma_semaphore, #tpu.memory_space<semaphore_mem>>
      %dma_start3A_488 = tpu.memref_slice %arg3[%multiple_of3A_19] : memref<65536xf32, #tpu.memory_space<hbm>> -> memref<8192xf32, #tpu.memory_space<hbm>>
      %dma_start3A_489 = tpu.memref_slice %arg3[%multiple_of3A_19] : memref<65536xf32, #tpu.memory_space<hbm>> -> memref<8192xf32, #tpu.memory_space<hbm>>
      tpu.enqueue_dma source(%dma_start3A_489 : memref<8192xf32, #tpu.memory_space<hbm>>) target(%arg12 : memref<8192xf32, #tpu.memory_space<vmem>>) target_semaphore(%run_scoped3A : memref<!tpu.dma_semaphore, #tpu.memory_space<semaphore_mem>>)
      %dma_wait3A_490 = tpu.memref_slice %arg3[%multiple_of3A_19] : memref<65536xf32, #tpu.memory_space<hbm>> -> memref<8192xf32, #tpu.memory_space<hbm>>
      %dma_wait3A_491 = tpu.memref_slice %arg3[%multiple_of3A_19] : memref<65536xf32, #tpu.memory_space<hbm>> -> memref<8192xf32, #tpu.memory_space<hbm>>
      tpu.wait_dma2 semaphore(%run_scoped3A : memref<!tpu.dma_semaphore, #tpu.memory_space<semaphore_mem>>) src(%dma_wait3A_491 : memref<8192xf32, #tpu.memory_space<hbm>>) dst(%arg12 : memref<8192xf32, #tpu.memory_space<vmem>>)
      tpu.yield
    }) : () -> ()
    %multiple_of3A_20 = tpu.assume_multiple %mul3A_18, 8192 : i32
    "tpu.region"() ({
      %run_scoped3A = tpu.sem_alloc : memref<!tpu.dma_semaphore, #tpu.memory_space<semaphore_mem>>
      %dma_start3A_488 = tpu.memref_slice %arg4[%multiple_of3A_20] : memref<65536xf32, #tpu.memory_space<hbm>> -> memref<8192xf32, #tpu.memory_space<hbm>>
      %dma_start3A_489 = tpu.memref_slice %arg4[%multiple_of3A_20] : memref<65536xf32, #tpu.memory_space<hbm>> -> memref<8192xf32, #tpu.memory_space<hbm>>
      tpu.enqueue_dma source(%dma_start3A_489 : memref<8192xf32, #tpu.memory_space<hbm>>) target(%arg13 : memref<8192xf32, #tpu.memory_space<vmem>>) target_semaphore(%run_scoped3A : memref<!tpu.dma_semaphore, #tpu.memory_space<semaphore_mem>>)
      %dma_wait3A_490 = tpu.memref_slice %arg4[%multiple_of3A_20] : memref<65536xf32, #tpu.memory_space<hbm>> -> memref<8192xf32, #tpu.memory_space<hbm>>
      %dma_wait3A_491 = tpu.memref_slice %arg4[%multiple_of3A_20] : memref<65536xf32, #tpu.memory_space<hbm>> -> memref<8192xf32, #tpu.memory_space<hbm>>
      tpu.wait_dma2 semaphore(%run_scoped3A : memref<!tpu.dma_semaphore, #tpu.memory_space<semaphore_mem>>) src(%dma_wait3A_491 : memref<8192xf32, #tpu.memory_space<hbm>>) dst(%arg13 : memref<8192xf32, #tpu.memory_space<vmem>>)
      tpu.yield
    }) : () -> ()
    %broadcast_in_dim3A = arith.constant 0.000000e+00 : f32
    %broadcast_in_dim3A_21 = vector.broadcast %broadcast_in_dim3A : f32 to vector<16xf32>
    %mul3A_22 = arith.constant 262144 : i32
    %mul3A_23 = arith.muli %select_n3A, %mul3A_22 : i32
    %mul3A_24 = arith.constant 2 : i32
    %mul3A_25 = arith.muli %add3A, %mul3A_24 : i32
    %add3A_26 = arith.constant 0 : i32
    %add3A_27 = arith.addi %mul3A_25, %add3A_26 : i32
    %mul3A_28 = arith.constant 64 : i32
    %mul3A_29 = arith.muli %add3A_27, %mul3A_28 : i32
    %multiple_of3A_30 = tpu.assume_multiple %mul3A_29, 64 : i32
    "tpu.region"() ({
      %run_scoped3A = tpu.sem_alloc : memref<!tpu.dma_semaphore, #tpu.memory_space<semaphore_mem>>
      %dma_start3A_488 = tpu.memref_slice %arg5[%multiple_of3A_30] : memref<4096xf32, #tpu.memory_space<hbm>> -> memref<64xf32, #tpu.memory_space<hbm>>
      %dma_start3A_489 = tpu.memref_slice %arg5[%multiple_of3A_30] : memref<4096xf32, #tpu.memory_space<hbm>> -> memref<64xf32, #tpu.memory_space<hbm>>
      tpu.enqueue_dma source(%dma_start3A_489 : memref<64xf32, #tpu.memory_space<hbm>>) target(%arg22 : memref<64xf32, #tpu.memory_space<vmem>>) target_semaphore(%run_scoped3A : memref<!tpu.dma_semaphore, #tpu.memory_space<semaphore_mem>>)
      %dma_wait3A_490 = tpu.memref_slice %arg5[%multiple_of3A_30] : memref<4096xf32, #tpu.memory_space<hbm>> -> memref<64xf32, #tpu.memory_space<hbm>>
      %dma_wait3A_491 = tpu.memref_slice %arg5[%multiple_of3A_30] : memref<4096xf32, #tpu.memory_space<hbm>> -> memref<64xf32, #tpu.memory_space<hbm>>
      tpu.wait_dma2 semaphore(%run_scoped3A : memref<!tpu.dma_semaphore, #tpu.memory_space<semaphore_mem>>) src(%dma_wait3A_491 : memref<64xf32, #tpu.memory_space<hbm>>) dst(%arg22 : memref<64xf32, #tpu.memory_space<vmem>>)
      tpu.yield
    }) : () -> ()
    %get3A = arith.constant 0 : index
    %get3A_31 = tpu.vector_load %arg22[%get3A] {strides = array<i32>} : memref<64xf32, #tpu.memory_space<vmem>>, vector<16xf32>,
    %get3A_32 = vector.shape_cast %get3A_31 : vector<16xf32> to vector<16xf32>
    %get3A_33 = arith.constant 16 : index
    %get3A_34 = tpu.vector_load %arg22[%get3A_33] {strides = array<i32>} : memref<64xf32, #tpu.memory_space<vmem>>, vector<16xf32>,
    %get3A_35 = vector.shape_cast %get3A_34 : vector<16xf32> to vector<16xf32>
    %get3A_36 = arith.constant 32 : index
    %get3A_37 = tpu.vector_load %arg22[%get3A_36] {strides = array<i32>} : memref<64xf32, #tpu.memory_space<vmem>>, vector<16xf32>,
    %get3A_38 = vector.shape_cast %get3A_37 : vector<16xf32> to vector<16xf32>
    %get3A_39 = arith.constant 48 : index
    %get3A_40 = tpu.vector_load %arg22[%get3A_39] {strides = array<i32>} : memref<64xf32, #tpu.memory_space<vmem>>, vector<16xf32>,
    %get3A_41 = vector.shape_cast %get3A_40 : vector<16xf32> to vector<16xf32>
    %mul3A_42 = arith.mulf %get3A_32, %get3A_32 : vector<16xf32>
    %mul3A_43 = arith.mulf %get3A_35, %get3A_35 : vector<16xf32>
    %add3A_44 = arith.addf %mul3A_42, %mul3A_43 : vector<16xf32>
    %mul3A_45 = arith.mulf %get3A_38, %get3A_38 : vector<16xf32>
    %add3A_46 = arith.addf %add3A_44, %mul3A_45 : vector<16xf32>
    %div3A_47 = arith.constant 2.000000e+00 : f32
    %div3A_48 = vector.broadcast %div3A_47 : f32 to vector<16xf32>
    %div3A_49 = arith.divf %div3A_48, %add3A_46 : vector<16xf32>
    %scan3A = arith.constant 0 : i32
    %scan3A_50 = arith.constant 0 : i32
    %scan3A_51 = arith.constant 512 : i32
    %scan3A_52 = arith.addi %scan3A_50, %scan3A_51 : i32
    %scan3A_53 = arith.constant 8 : i32
    scf.for %scan3A_488 = %scan3A_50 to %scan3A_52 step %scan3A_53  : i32 {
      %mul3A_489 = arith.constant 16 : i32
      %mul3A_490 = arith.muli %scan3A_488, %mul3A_489 : i32
      %multiple_of3A_491 = tpu.assume_multiple %mul3A_490, 16 : i32
      %get3A_492 = arith.index_cast %multiple_of3A_491 : i32 to index
      %get3A_493 = tpu.vector_load %arg11[%get3A_492] {strides = array<i32>} : memref<8192xf32, #tpu.memory_space<vmem>>, vector<16xf32>,
      %get3A_494 = vector.shape_cast %get3A_493 : vector<16xf32> to vector<16xf32>
      %get3A_495 = arith.index_cast %multiple_of3A_491 : i32 to index
      %get3A_496 = tpu.vector_load %arg12[%get3A_495] {strides = array<i32>} : memref<8192xf32, #tpu.memory_space<vmem>>, vector<16xf32>,
      %get3A_497 = vector.shape_cast %get3A_496 : vector<16xf32> to vector<16xf32>
      %get3A_498 = arith.index_cast %multiple_of3A_491 : i32 to index
      %get3A_499 = tpu.vector_load %arg13[%get3A_498] {strides = array<i32>} : memref<8192xf32, #tpu.memory_space<vmem>>, vector<16xf32>,
      %get3A_500 = vector.shape_cast %get3A_499 : vector<16xf32> to vector<16xf32>
      %mul3A_501 = arith.mulf %get3A_494, %get3A_32 : vector<16xf32>
      %mul3A_502 = arith.mulf %get3A_497, %get3A_35 : vector<16xf32>
      %add3A_503 = arith.addf %mul3A_501, %mul3A_502 : vector<16xf32>
      %mul3A_504 = arith.mulf %get3A_500, %get3A_38 : vector<16xf32>
      %add3A_505 = arith.addf %add3A_503, %mul3A_504 : vector<16xf32>
      %add3A_506 = arith.addf %add3A_505, %get3A_41 : vector<16xf32>
      %mul3A_507 = arith.mulf %add3A_506, %div3A_49 : vector<16xf32>
      %mul3A_508 = arith.mulf %mul3A_507, %get3A_32 : vector<16xf32>
      %sub3A_509 = arith.subf %get3A_494, %mul3A_508 : vector<16xf32>
      %mul3A_510 = arith.mulf %mul3A_507, %get3A_35 : vector<16xf32>
      %sub3A_511 = arith.subf %get3A_497, %mul3A_510 : vector<16xf32>
      %mul3A_512 = arith.mulf %mul3A_507, %get3A_38 : vector<16xf32>
      %sub3A_513 = arith.subf %get3A_500, %mul3A_512 : vector<16xf32>
      %swap3A_514 = arith.index_cast %multiple_of3A_491 : i32 to index
      %swap3A_515 = tpu.vector_load %arg14[%swap3A_514] {strides = array<i32>} : memref<8192xf32, #tpu.memory_space<vmem>>, vector<16xf32>,
      %swap3A_516 = vector.shape_cast %swap3A_515 : vector<16xf32> to vector<16xf32>
      %swap3A_517 = vector.shape_cast %sub3A_509 : vector<16xf32> to vector<16xf32>
      tpu.vector_store %arg14[%swap3A_514], %swap3A_517 {strides = array<i32>} : memref<8192xf32, #tpu.memory_space<vmem>>, vector<16xf32>,
      %swap3A_518 = arith.index_cast %multiple_of3A_491 : i32 to index
      %swap3A_519 = tpu.vector_load %arg15[%swap3A_518] {strides = array<i32>} : memref<8192xf32, #tpu.memory_space<vmem>>, vector<16xf32>,
      %swap3A_520 = vector.shape_cast %swap3A_519 : vector<16xf32> to vector<16xf32>
      %swap3A_521 = vector.shape_cast %sub3A_511 : vector<16xf32> to vector<16xf32>
      tpu.vector_store %arg15[%swap3A_518], %swap3A_521 {strides = array<i32>} : memref<8192xf32, #tpu.memory_space<vmem>>, vector<16xf32>,
      %swap3A_522 = arith.index_cast %multiple_of3A_491 : i32 to index
      %swap3A_523 = tpu.vector_load %arg16[%swap3A_522] {strides = array<i32>} : memref<8192xf32, #tpu.memory_space<vmem>>, vector<16xf32>,
      %swap3A_524 = vector.shape_cast %swap3A_523 : vector<16xf32> to vector<16xf32>
      %swap3A_525 = vector.shape_cast %sub3A_513 : vector<16xf32> to vector<16xf32>
      tpu.vector_store %arg16[%swap3A_522], %swap3A_525 {strides = array<i32>} : memref<8192xf32, #tpu.memory_space<vmem>>, vector<16xf32>,
      %add3A_526 = arith.constant 5.000000e-01 : f32
      %add3A_527 = vector.broadcast %add3A_526 : f32 to vector<16xf32>
      %add3A_528 = arith.addf %sub3A_509, %add3A_527 : vector<16xf32>
      %mul3A_529 = arith.constant 6.400000e+01 : f32
      %mul3A_530 = vector.broadcast %mul3A_529 : f32 to vector<16xf32>
      %mul3A_531 = arith.mulf %add3A_528, %mul3A_530 : vector<16xf32>
      %sub3A_532 = arith.constant 5.000000e-01 : f32
      %sub3A_533 = vector.broadcast %sub3A_532 : f32 to vector<16xf32>
      %sub3A_534 = arith.subf %mul3A_531, %sub3A_533 : vector<16xf32>
      %convert_element_type3A = arith.fptosi %sub3A_534 : vector<16xf32> to vector<16xi32>
      %convert_element_type3A_535 = arith.sitofp %convert_element_type3A : vector<16xi32> to vector<16xf32>
      %gt3A = arith.cmpf ogt, %sub3A_534, %convert_element_type3A_535 : vector<16xf32>
      %add3A_536 = arith.constant 1 : i32
      %add3A_537 = vector.broadcast %add3A_536 : i32 to vector<16xi32>
      %add3A_538 = arith.addi %convert_element_type3A, %add3A_537 : vector<16xi32>
      %select_n3A_539 = arith.select %gt3A, %add3A_538, %convert_element_type3A : vector<16xi1>, vector<16xi32>
      %mul3A_540 = arith.constant 4096 : i32
      %mul3A_541 = vector.broadcast %mul3A_540 : i32 to vector<16xi32>
      %mul3A_542 = arith.muli %select_n3A_539, %mul3A_541 : vector<16xi32>
      %add3A_543 = arith.constant 5.000000e-01 : f32
      %add3A_544 = vector.broadcast %add3A_543 : f32 to vector<16xf32>
      %add3A_545 = arith.addf %sub3A_511, %add3A_544 : vector<16xf32>
      %mul3A_546 = arith.constant 6.400000e+01 : f32
      %mul3A_547 = vector.broadcast %mul3A_546 : f32 to vector<16xf32>
      %mul3A_548 = arith.mulf %add3A_545, %mul3A_547 : vector<16xf32>
      %sub3A_549 = arith.constant 5.000000e-01 : f32
      %sub3A_550 = vector.broadcast %sub3A_549 : f32 to vector<16xf32>
      %sub3A_551 = arith.subf %mul3A_548, %sub3A_550 : vector<16xf32>
      %convert_element_type3A_552 = arith.fptosi %sub3A_551 : vector<16xf32> to vector<16xi32>
      %convert_element_type3A_553 = arith.sitofp %convert_element_type3A_552 : vector<16xi32> to vector<16xf32>
      %gt3A_554 = arith.cmpf ogt, %sub3A_551, %convert_element_type3A_553 : vector<16xf32>
      %add3A_555 = arith.constant 1 : i32
      %add3A_556 = vector.broadcast %add3A_555 : i32 to vector<16xi32>
      %add3A_557 = arith.addi %convert_element_type3A_552, %add3A_556 : vector<16xi32>
      %select_n3A_558 = arith.select %gt3A_554, %add3A_557, %convert_element_type3A_552 : vector<16xi1>, vector<16xi32>
      %mul3A_559 = arith.constant 64 : i32
      %mul3A_560 = vector.broadcast %mul3A_559 : i32 to vector<16xi32>
      %mul3A_561 = arith.muli %select_n3A_558, %mul3A_560 : vector<16xi32>
      %add3A_562 = arith.addi %mul3A_542, %mul3A_561 : vector<16xi32>
      %add3A_563 = arith.constant 5.000000e-01 : f32
      %add3A_564 = vector.broadcast %add3A_563 : f32 to vector<16xf32>
      %add3A_565 = arith.addf %sub3A_513, %add3A_564 : vector<16xf32>
      %mul3A_566 = arith.constant 6.400000e+01 : f32
      %mul3A_567 = vector.broadcast %mul3A_566 : f32 to vector<16xf32>
      %mul3A_568 = arith.mulf %add3A_565, %mul3A_567 : vector<16xf32>
      %sub3A_569 = arith.constant 5.000000e-01 : f32
      %sub3A_570 = vector.broadcast %sub3A_569 : f32 to vector<16xf32>
      %sub3A_571 = arith.subf %mul3A_568, %sub3A_570 : vector<16xf32>
      %convert_element_type3A_572 = arith.fptosi %sub3A_571 : vector<16xf32> to vector<16xi32>
      %convert_element_type3A_573 = arith.sitofp %convert_element_type3A_572 : vector<16xi32> to vector<16xf32>
      %gt3A_574 = arith.cmpf ogt, %sub3A_571, %convert_element_type3A_573 : vector<16xf32>
      %add3A_575 = arith.constant 1 : i32
      %add3A_576 = vector.broadcast %add3A_575 : i32 to vector<16xi32>
      %add3A_577 = arith.addi %convert_element_type3A_572, %add3A_576 : vector<16xi32>
      %select_n3A_578 = arith.select %gt3A_574, %add3A_577, %convert_element_type3A_572 : vector<16xi1>, vector<16xi32>
      %add3A_579 = arith.addi %add3A_562, %select_n3A_578 : vector<16xi32>
      %max3A = arith.constant 0 : i32
      %max3A_580 = vector.broadcast %max3A : i32 to vector<16xi32>
      %max3A_581 = arith.maxsi %add3A_579, %max3A_580 : vector<16xi32>
      %min3A = arith.constant 262143 : i32
      %min3A_582 = vector.broadcast %min3A : i32 to vector<16xi32>
      %min3A_583 = arith.minsi %max3A_581, %min3A_582 : vector<16xi32>
      %add3A_584 = vector.broadcast %mul3A_23 : i32 to vector<16xi32>
      %add3A_585 = arith.addi %min3A_583, %add3A_584 : vector<16xi32>
      %swap3A_586 = arith.index_cast %multiple_of3A_491 : i32 to index
      %swap3A_587 = tpu.vector_load %arg17[%swap3A_586] {strides = array<i32>} : memref<8192xi32, #tpu.memory_space<vmem>>, vector<16xi32>,
      %swap3A_588 = vector.shape_cast %swap3A_587 : vector<16xi32> to vector<16xi32>
      %swap3A_589 = vector.shape_cast %add3A_585 : vector<16xi32> to vector<16xi32>
      tpu.vector_store %arg17[%swap3A_586], %swap3A_589 {strides = array<i32>} : memref<8192xi32, #tpu.memory_space<vmem>>, vector<16xi32>,
      %scan3A_590 = arith.constant 1 : i32
      %scan3A_591 = arith.addi %scan3A_488, %scan3A_590 : i32
      %mul3A_592 = arith.constant 16 : i32
      %mul3A_593 = arith.muli %scan3A_591, %mul3A_592 : i32
      %multiple_of3A_594 = tpu.assume_multiple %mul3A_593, 16 : i32
      %get3A_595 = arith.index_cast %multiple_of3A_594 : i32 to index
      %get3A_596 = tpu.vector_load %arg11[%get3A_595] {strides = array<i32>} : memref<8192xf32, #tpu.memory_space<vmem>>, vector<16xf32>,
      %get3A_597 = vector.shape_cast %get3A_596 : vector<16xf32> to vector<16xf32>
      %get3A_598 = arith.index_cast %multiple_of3A_594 : i32 to index
      %get3A_599 = tpu.vector_load %arg12[%get3A_598] {strides = array<i32>} : memref<8192xf32, #tpu.memory_space<vmem>>, vector<16xf32>,
      %get3A_600 = vector.shape_cast %get3A_599 : vector<16xf32> to vector<16xf32>
      %get3A_601 = arith.index_cast %multiple_of3A_594 : i32 to index
      %get3A_602 = tpu.vector_load %arg13[%get3A_601] {strides = array<i32>} : memref<8192xf32, #tpu.memory_space<vmem>>, vector<16xf32>,
      %get3A_603 = vector.shape_cast %get3A_602 : vector<16xf32> to vector<16xf32>
      %mul3A_604 = arith.mulf %get3A_597, %get3A_32 : vector<16xf32>
      %mul3A_605 = arith.mulf %get3A_600, %get3A_35 : vector<16xf32>
      %add3A_606 = arith.addf %mul3A_604, %mul3A_605 : vector<16xf32>
      %mul3A_607 = arith.mulf %get3A_603, %get3A_38 : vector<16xf32>
      %add3A_608 = arith.addf %add3A_606, %mul3A_607 : vector<16xf32>
      %add3A_609 = arith.addf %add3A_608, %get3A_41 : vector<16xf32>
      %mul3A_610 = arith.mulf %add3A_609, %div3A_49 : vector<16xf32>
      %mul3A_611 = arith.mulf %mul3A_610, %get3A_32 : vector<16xf32>
      %sub3A_612 = arith.subf %get3A_597, %mul3A_611 : vector<16xf32>
      %mul3A_613 = arith.mulf %mul3A_610, %get3A_35 : vector<16xf32>
      %sub3A_614 = arith.subf %get3A_600, %mul3A_613 : vector<16xf32>
      %mul3A_615 = arith.mulf %mul3A_610, %get3A_38 : vector<16xf32>
      %sub3A_616 = arith.subf %get3A_603, %mul3A_615 : vector<16xf32>
      %swap3A_617 = arith.index_cast %multiple_of3A_594 : i32 to index
      %swap3A_618 = tpu.vector_load %arg14[%swap3A_617] {strides = array<i32>} : memref<8192xf32, #tpu.memory_space<vmem>>, vector<16xf32>,
      %swap3A_619 = vector.shape_cast %swap3A_618 : vector<16xf32> to vector<16xf32>
      %swap3A_620 = vector.shape_cast %sub3A_612 : vector<16xf32> to vector<16xf32>
      tpu.vector_store %arg14[%swap3A_617], %swap3A_620 {strides = array<i32>} : memref<8192xf32, #tpu.memory_space<vmem>>, vector<16xf32>,
      %swap3A_621 = arith.index_cast %multiple_of3A_594 : i32 to index
      %swap3A_622 = tpu.vector_load %arg15[%swap3A_621] {strides = array<i32>} : memref<8192xf32, #tpu.memory_space<vmem>>, vector<16xf32>,
      %swap3A_623 = vector.shape_cast %swap3A_622 : vector<16xf32> to vector<16xf32>
      %swap3A_624 = vector.shape_cast %sub3A_614 : vector<16xf32> to vector<16xf32>
      tpu.vector_store %arg15[%swap3A_621], %swap3A_624 {strides = array<i32>} : memref<8192xf32, #tpu.memory_space<vmem>>, vector<16xf32>,
      %swap3A_625 = arith.index_cast %multiple_of3A_594 : i32 to index
      %swap3A_626 = tpu.vector_load %arg16[%swap3A_625] {strides = array<i32>} : memref<8192xf32, #tpu.memory_space<vmem>>, vector<16xf32>,
      %swap3A_627 = vector.shape_cast %swap3A_626 : vector<16xf32> to vector<16xf32>
      %swap3A_628 = vector.shape_cast %sub3A_616 : vector<16xf32> to vector<16xf32>
      tpu.vector_store %arg16[%swap3A_625], %swap3A_628 {strides = array<i32>} : memref<8192xf32, #tpu.memory_space<vmem>>, vector<16xf32>,
      %add3A_629 = arith.constant 5.000000e-01 : f32
      %add3A_630 = vector.broadcast %add3A_629 : f32 to vector<16xf32>
      %add3A_631 = arith.addf %sub3A_612, %add3A_630 : vector<16xf32>
      %mul3A_632 = arith.constant 6.400000e+01 : f32
      %mul3A_633 = vector.broadcast %mul3A_632 : f32 to vector<16xf32>
      %mul3A_634 = arith.mulf %add3A_631, %mul3A_633 : vector<16xf32>
      %sub3A_635 = arith.constant 5.000000e-01 : f32
      %sub3A_636 = vector.broadcast %sub3A_635 : f32 to vector<16xf32>
      %sub3A_637 = arith.subf %mul3A_634, %sub3A_636 : vector<16xf32>
      %convert_element_type3A_638 = arith.fptosi %sub3A_637 : vector<16xf32> to vector<16xi32>
      %convert_element_type3A_639 = arith.sitofp %convert_element_type3A_638 : vector<16xi32> to vector<16xf32>
      %gt3A_640 = arith.cmpf ogt, %sub3A_637, %convert_element_type3A_639 : vector<16xf32>
      %add3A_641 = arith.constant 1 : i32
      %add3A_642 = vector.broadcast %add3A_641 : i32 to vector<16xi32>
      %add3A_643 = arith.addi %convert_element_type3A_638, %add3A_642 : vector<16xi32>
      %select_n3A_644 = arith.select %gt3A_640, %add3A_643, %convert_element_type3A_638 : vector<16xi1>, vector<16xi32>
      %mul3A_645 = arith.constant 4096 : i32
      %mul3A_646 = vector.broadcast %mul3A_645 : i32 to vector<16xi32>
      %mul3A_647 = arith.muli %select_n3A_644, %mul3A_646 : vector<16xi32>
      %add3A_648 = arith.constant 5.000000e-01 : f32
      %add3A_649 = vector.broadcast %add3A_648 : f32 to vector<16xf32>
      %add3A_650 = arith.addf %sub3A_614, %add3A_649 : vector<16xf32>
      %mul3A_651 = arith.constant 6.400000e+01 : f32
      %mul3A_652 = vector.broadcast %mul3A_651 : f32 to vector<16xf32>
      %mul3A_653 = arith.mulf %add3A_650, %mul3A_652 : vector<16xf32>
      %sub3A_654 = arith.constant 5.000000e-01 : f32
      %sub3A_655 = vector.broadcast %sub3A_654 : f32 to vector<16xf32>
      %sub3A_656 = arith.subf %mul3A_653, %sub3A_655 : vector<16xf32>
      %convert_element_type3A_657 = arith.fptosi %sub3A_656 : vector<16xf32> to vector<16xi32>
      %convert_element_type3A_658 = arith.sitofp %convert_element_type3A_657 : vector<16xi32> to vector<16xf32>
      %gt3A_659 = arith.cmpf ogt, %sub3A_656, %convert_element_type3A_658 : vector<16xf32>
      %add3A_660 = arith.constant 1 : i32
      %add3A_661 = vector.broadcast %add3A_660 : i32 to vector<16xi32>
      %add3A_662 = arith.addi %convert_element_type3A_657, %add3A_661 : vector<16xi32>
      %select_n3A_663 = arith.select %gt3A_659, %add3A_662, %convert_element_type3A_657 : vector<16xi1>, vector<16xi32>
      %mul3A_664 = arith.constant 64 : i32
      %mul3A_665 = vector.broadcast %mul3A_664 : i32 to vector<16xi32>
      %mul3A_666 = arith.muli %select_n3A_663, %mul3A_665 : vector<16xi32>
      %add3A_667 = arith.addi %mul3A_647, %mul3A_666 : vector<16xi32>
      %add3A_668 = arith.constant 5.000000e-01 : f32
      %add3A_669 = vector.broadcast %add3A_668 : f32 to vector<16xf32>
      %add3A_670 = arith.addf %sub3A_616, %add3A_669 : vector<16xf32>
      %mul3A_671 = arith.constant 6.400000e+01 : f32
      %mul3A_672 = vector.broadcast %mul3A_671 : f32 to vector<16xf32>
      %mul3A_673 = arith.mulf %add3A_670, %mul3A_672 : vector<16xf32>
      %sub3A_674 = arith.constant 5.000000e-01 : f32
      %sub3A_675 = vector.broadcast %sub3A_674 : f32 to vector<16xf32>
      %sub3A_676 = arith.subf %mul3A_673, %sub3A_675 : vector<16xf32>
      %convert_element_type3A_677 = arith.fptosi %sub3A_676 : vector<16xf32> to vector<16xi32>
      %convert_element_type3A_678 = arith.sitofp %convert_element_type3A_677 : vector<16xi32> to vector<16xf32>
      %gt3A_679 = arith.cmpf ogt, %sub3A_676, %convert_element_type3A_678 : vector<16xf32>
      %add3A_680 = arith.constant 1 : i32
      %add3A_681 = vector.broadcast %add3A_680 : i32 to vector<16xi32>
      %add3A_682 = arith.addi %convert_element_type3A_677, %add3A_681 : vector<16xi32>
      %select_n3A_683 = arith.select %gt3A_679, %add3A_682, %convert_element_type3A_677 : vector<16xi1>, vector<16xi32>
      %add3A_684 = arith.addi %add3A_667, %select_n3A_683 : vector<16xi32>
      %max3A_685 = arith.constant 0 : i32
      %max3A_686 = vector.broadcast %max3A_685 : i32 to vector<16xi32>
      %max3A_687 = arith.maxsi %add3A_684, %max3A_686 : vector<16xi32>
      %min3A_688 = arith.constant 262143 : i32
      %min3A_689 = vector.broadcast %min3A_688 : i32 to vector<16xi32>
      %min3A_690 = arith.minsi %max3A_687, %min3A_689 : vector<16xi32>
      %add3A_691 = vector.broadcast %mul3A_23 : i32 to vector<16xi32>
      %add3A_692 = arith.addi %min3A_690, %add3A_691 : vector<16xi32>
      %swap3A_693 = arith.index_cast %multiple_of3A_594 : i32 to index
      %swap3A_694 = tpu.vector_load %arg17[%swap3A_693] {strides = array<i32>} : memref<8192xi32, #tpu.memory_space<vmem>>, vector<16xi32>,
      %swap3A_695 = vector.shape_cast %swap3A_694 : vector<16xi32> to vector<16xi32>
      %swap3A_696 = vector.shape_cast %add3A_692 : vector<16xi32> to vector<16xi32>
      tpu.vector_store %arg17[%swap3A_693], %swap3A_696 {strides = array<i32>} : memref<8192xi32, #tpu.memory_space<vmem>>, vector<16xi32>,
      %scan3A_697 = arith.constant 2 : i32
      %scan3A_698 = arith.addi %scan3A_488, %scan3A_697 : i32
      %mul3A_699 = arith.constant 16 : i32
      %mul3A_700 = arith.muli %scan3A_698, %mul3A_699 : i32
      %multiple_of3A_701 = tpu.assume_multiple %mul3A_700, 16 : i32
      %get3A_702 = arith.index_cast %multiple_of3A_701 : i32 to index
      %get3A_703 = tpu.vector_load %arg11[%get3A_702] {strides = array<i32>} : memref<8192xf32, #tpu.memory_space<vmem>>, vector<16xf32>,
      %get3A_704 = vector.shape_cast %get3A_703 : vector<16xf32> to vector<16xf32>
      %get3A_705 = arith.index_cast %multiple_of3A_701 : i32 to index
      %get3A_706 = tpu.vector_load %arg12[%get3A_705] {strides = array<i32>} : memref<8192xf32, #tpu.memory_space<vmem>>, vector<16xf32>,
      %get3A_707 = vector.shape_cast %get3A_706 : vector<16xf32> to vector<16xf32>
      %get3A_708 = arith.index_cast %multiple_of3A_701 : i32 to index
      %get3A_709 = tpu.vector_load %arg13[%get3A_708] {strides = array<i32>} : memref<8192xf32, #tpu.memory_space<vmem>>, vector<16xf32>,
      %get3A_710 = vector.shape_cast %get3A_709 : vector<16xf32> to vector<16xf32>
      %mul3A_711 = arith.mulf %get3A_704, %get3A_32 : vector<16xf32>
      %mul3A_712 = arith.mulf %get3A_707, %get3A_35 : vector<16xf32>
      %add3A_713 = arith.addf %mul3A_711, %mul3A_712 : vector<16xf32>
      %mul3A_714 = arith.mulf %get3A_710, %get3A_38 : vector<16xf32>
      %add3A_715 = arith.addf %add3A_713, %mul3A_714 : vector<16xf32>
      %add3A_716 = arith.addf %add3A_715, %get3A_41 : vector<16xf32>
      %mul3A_717 = arith.mulf %add3A_716, %div3A_49 : vector<16xf32>
      %mul3A_718 = arith.mulf %mul3A_717, %get3A_32 : vector<16xf32>
      %sub3A_719 = arith.subf %get3A_704, %mul3A_718 : vector<16xf32>
      %mul3A_720 = arith.mulf %mul3A_717, %get3A_35 : vector<16xf32>
      %sub3A_721 = arith.subf %get3A_707, %mul3A_720 : vector<16xf32>
      %mul3A_722 = arith.mulf %mul3A_717, %get3A_38 : vector<16xf32>
      %sub3A_723 = arith.subf %get3A_710, %mul3A_722 : vector<16xf32>
      %swap3A_724 = arith.index_cast %multiple_of3A_701 : i32 to index
      %swap3A_725 = tpu.vector_load %arg14[%swap3A_724] {strides = array<i32>} : memref<8192xf32, #tpu.memory_space<vmem>>, vector<16xf32>,
      %swap3A_726 = vector.shape_cast %swap3A_725 : vector<16xf32> to vector<16xf32>
      %swap3A_727 = vector.shape_cast %sub3A_719 : vector<16xf32> to vector<16xf32>
      tpu.vector_store %arg14[%swap3A_724], %swap3A_727 {strides = array<i32>} : memref<8192xf32, #tpu.memory_space<vmem>>, vector<16xf32>,
      %swap3A_728 = arith.index_cast %multiple_of3A_701 : i32 to index
      %swap3A_729 = tpu.vector_load %arg15[%swap3A_728] {strides = array<i32>} : memref<8192xf32, #tpu.memory_space<vmem>>, vector<16xf32>,
      %swap3A_730 = vector.shape_cast %swap3A_729 : vector<16xf32> to vector<16xf32>
      %swap3A_731 = vector.shape_cast %sub3A_721 : vector<16xf32> to vector<16xf32>
      tpu.vector_store %arg15[%swap3A_728], %swap3A_731 {strides = array<i32>} : memref<8192xf32, #tpu.memory_space<vmem>>, vector<16xf32>,
      %swap3A_732 = arith.index_cast %multiple_of3A_701 : i32 to index
      %swap3A_733 = tpu.vector_load %arg16[%swap3A_732] {strides = array<i32>} : memref<8192xf32, #tpu.memory_space<vmem>>, vector<16xf32>,
      %swap3A_734 = vector.shape_cast %swap3A_733 : vector<16xf32> to vector<16xf32>
      %swap3A_735 = vector.shape_cast %sub3A_723 : vector<16xf32> to vector<16xf32>
      tpu.vector_store %arg16[%swap3A_732], %swap3A_735 {strides = array<i32>} : memref<8192xf32, #tpu.memory_space<vmem>>, vector<16xf32>,
      %add3A_736 = arith.constant 5.000000e-01 : f32
      %add3A_737 = vector.broadcast %add3A_736 : f32 to vector<16xf32>
      %add3A_738 = arith.addf %sub3A_719, %add3A_737 : vector<16xf32>
      %mul3A_739 = arith.constant 6.400000e+01 : f32
      %mul3A_740 = vector.broadcast %mul3A_739 : f32 to vector<16xf32>
      %mul3A_741 = arith.mulf %add3A_738, %mul3A_740 : vector<16xf32>
      %sub3A_742 = arith.constant 5.000000e-01 : f32
      %sub3A_743 = vector.broadcast %sub3A_742 : f32 to vector<16xf32>
      %sub3A_744 = arith.subf %mul3A_741, %sub3A_743 : vector<16xf32>
      %convert_element_type3A_745 = arith.fptosi %sub3A_744 : vector<16xf32> to vector<16xi32>
      %convert_element_type3A_746 = arith.sitofp %convert_element_type3A_745 : vector<16xi32> to vector<16xf32>
      %gt3A_747 = arith.cmpf ogt, %sub3A_744, %convert_element_type3A_746 : vector<16xf32>
      %add3A_748 = arith.constant 1 : i32
      %add3A_749 = vector.broadcast %add3A_748 : i32 to vector<16xi32>
      %add3A_750 = arith.addi %convert_element_type3A_745, %add3A_749 : vector<16xi32>
      %select_n3A_751 = arith.select %gt3A_747, %add3A_750, %convert_element_type3A_745 : vector<16xi1>, vector<16xi32>
      %mul3A_752 = arith.constant 4096 : i32
      %mul3A_753 = vector.broadcast %mul3A_752 : i32 to vector<16xi32>
      %mul3A_754 = arith.muli %select_n3A_751, %mul3A_753 : vector<16xi32>
      %add3A_755 = arith.constant 5.000000e-01 : f32
      %add3A_756 = vector.broadcast %add3A_755 : f32 to vector<16xf32>
      %add3A_757 = arith.addf %sub3A_721, %add3A_756 : vector<16xf32>
      %mul3A_758 = arith.constant 6.400000e+01 : f32
      %mul3A_759 = vector.broadcast %mul3A_758 : f32 to vector<16xf32>
      %mul3A_760 = arith.mulf %add3A_757, %mul3A_759 : vector<16xf32>
      %sub3A_761 = arith.constant 5.000000e-01 : f32
      %sub3A_762 = vector.broadcast %sub3A_761 : f32 to vector<16xf32>
      %sub3A_763 = arith.subf %mul3A_760, %sub3A_762 : vector<16xf32>
      %convert_element_type3A_764 = arith.fptosi %sub3A_763 : vector<16xf32> to vector<16xi32>
      %convert_element_type3A_765 = arith.sitofp %convert_element_type3A_764 : vector<16xi32> to vector<16xf32>
      %gt3A_766 = arith.cmpf ogt, %sub3A_763, %convert_element_type3A_765 : vector<16xf32>
      %add3A_767 = arith.constant 1 : i32
      %add3A_768 = vector.broadcast %add3A_767 : i32 to vector<16xi32>
      %add3A_769 = arith.addi %convert_element_type3A_764, %add3A_768 : vector<16xi32>
      %select_n3A_770 = arith.select %gt3A_766, %add3A_769, %convert_element_type3A_764 : vector<16xi1>, vector<16xi32>
      %mul3A_771 = arith.constant 64 : i32
      %mul3A_772 = vector.broadcast %mul3A_771 : i32 to vector<16xi32>
      %mul3A_773 = arith.muli %select_n3A_770, %mul3A_772 : vector<16xi32>
      %add3A_774 = arith.addi %mul3A_754, %mul3A_773 : vector<16xi32>
      %add3A_775 = arith.constant 5.000000e-01 : f32
      %add3A_776 = vector.broadcast %add3A_775 : f32 to vector<16xf32>
      %add3A_777 = arith.addf %sub3A_723, %add3A_776 : vector<16xf32>
      %mul3A_778 = arith.constant 6.400000e+01 : f32
      %mul3A_779 = vector.broadcast %mul3A_778 : f32 to vector<16xf32>
      %mul3A_780 = arith.mulf %add3A_777, %mul3A_779 : vector<16xf32>
      %sub3A_781 = arith.constant 5.000000e-01 : f32
      %sub3A_782 = vector.broadcast %sub3A_781 : f32 to vector<16xf32>
      %sub3A_783 = arith.subf %mul3A_780, %sub3A_782 : vector<16xf32>
      %convert_element_type3A_784 = arith.fptosi %sub3A_783 : vector<16xf32> to vector<16xi32>
      %convert_element_type3A_785 = arith.sitofp %convert_element_type3A_784 : vector<16xi32> to vector<16xf32>
      %gt3A_786 = arith.cmpf ogt, %sub3A_783, %convert_element_type3A_785 : vector<16xf32>
      %add3A_787 = arith.constant 1 : i32
      %add3A_788 = vector.broadcast %add3A_787 : i32 to vector<16xi32>
      %add3A_789 = arith.addi %convert_element_type3A_784, %add3A_788 : vector<16xi32>
      %select_n3A_790 = arith.select %gt3A_786, %add3A_789, %convert_element_type3A_784 : vector<16xi1>, vector<16xi32>
      %add3A_791 = arith.addi %add3A_774, %select_n3A_790 : vector<16xi32>
      %max3A_792 = arith.constant 0 : i32
      %max3A_793 = vector.broadcast %max3A_792 : i32 to vector<16xi32>
      %max3A_794 = arith.maxsi %add3A_791, %max3A_793 : vector<16xi32>
      %min3A_795 = arith.constant 262143 : i32
      %min3A_796 = vector.broadcast %min3A_795 : i32 to vector<16xi32>
      %min3A_797 = arith.minsi %max3A_794, %min3A_796 : vector<16xi32>
      %add3A_798 = vector.broadcast %mul3A_23 : i32 to vector<16xi32>
      %add3A_799 = arith.addi %min3A_797, %add3A_798 : vector<16xi32>
      %swap3A_800 = arith.index_cast %multiple_of3A_701 : i32 to index
      %swap3A_801 = tpu.vector_load %arg17[%swap3A_800] {strides = array<i32>} : memref<8192xi32, #tpu.memory_space<vmem>>, vector<16xi32>,
      %swap3A_802 = vector.shape_cast %swap3A_801 : vector<16xi32> to vector<16xi32>
      %swap3A_803 = vector.shape_cast %add3A_799 : vector<16xi32> to vector<16xi32>
      tpu.vector_store %arg17[%swap3A_800], %swap3A_803 {strides = array<i32>} : memref<8192xi32, #tpu.memory_space<vmem>>, vector<16xi32>,
      %scan3A_804 = arith.constant 3 : i32
      %scan3A_805 = arith.addi %scan3A_488, %scan3A_804 : i32
      %mul3A_806 = arith.constant 16 : i32
      %mul3A_807 = arith.muli %scan3A_805, %mul3A_806 : i32
      %multiple_of3A_808 = tpu.assume_multiple %mul3A_807, 16 : i32
      %get3A_809 = arith.index_cast %multiple_of3A_808 : i32 to index
      %get3A_810 = tpu.vector_load %arg11[%get3A_809] {strides = array<i32>} : memref<8192xf32, #tpu.memory_space<vmem>>, vector<16xf32>,
      %get3A_811 = vector.shape_cast %get3A_810 : vector<16xf32> to vector<16xf32>
      %get3A_812 = arith.index_cast %multiple_of3A_808 : i32 to index
      %get3A_813 = tpu.vector_load %arg12[%get3A_812] {strides = array<i32>} : memref<8192xf32, #tpu.memory_space<vmem>>, vector<16xf32>,
      %get3A_814 = vector.shape_cast %get3A_813 : vector<16xf32> to vector<16xf32>
      %get3A_815 = arith.index_cast %multiple_of3A_808 : i32 to index
      %get3A_816 = tpu.vector_load %arg13[%get3A_815] {strides = array<i32>} : memref<8192xf32, #tpu.memory_space<vmem>>, vector<16xf32>,
      %get3A_817 = vector.shape_cast %get3A_816 : vector<16xf32> to vector<16xf32>
      %mul3A_818 = arith.mulf %get3A_811, %get3A_32 : vector<16xf32>
      %mul3A_819 = arith.mulf %get3A_814, %get3A_35 : vector<16xf32>
      %add3A_820 = arith.addf %mul3A_818, %mul3A_819 : vector<16xf32>
      %mul3A_821 = arith.mulf %get3A_817, %get3A_38 : vector<16xf32>
      %add3A_822 = arith.addf %add3A_820, %mul3A_821 : vector<16xf32>
      %add3A_823 = arith.addf %add3A_822, %get3A_41 : vector<16xf32>
      %mul3A_824 = arith.mulf %add3A_823, %div3A_49 : vector<16xf32>
      %mul3A_825 = arith.mulf %mul3A_824, %get3A_32 : vector<16xf32>
      %sub3A_826 = arith.subf %get3A_811, %mul3A_825 : vector<16xf32>
      %mul3A_827 = arith.mulf %mul3A_824, %get3A_35 : vector<16xf32>
      %sub3A_828 = arith.subf %get3A_814, %mul3A_827 : vector<16xf32>
      %mul3A_829 = arith.mulf %mul3A_824, %get3A_38 : vector<16xf32>
      %sub3A_830 = arith.subf %get3A_817, %mul3A_829 : vector<16xf32>
      %swap3A_831 = arith.index_cast %multiple_of3A_808 : i32 to index
      %swap3A_832 = tpu.vector_load %arg14[%swap3A_831] {strides = array<i32>} : memref<8192xf32, #tpu.memory_space<vmem>>, vector<16xf32>,
      %swap3A_833 = vector.shape_cast %swap3A_832 : vector<16xf32> to vector<16xf32>
      %swap3A_834 = vector.shape_cast %sub3A_826 : vector<16xf32> to vector<16xf32>
      tpu.vector_store %arg14[%swap3A_831], %swap3A_834 {strides = array<i32>} : memref<8192xf32, #tpu.memory_space<vmem>>, vector<16xf32>,
      %swap3A_835 = arith.index_cast %multiple_of3A_808 : i32 to index
      %swap3A_836 = tpu.vector_load %arg15[%swap3A_835] {strides = array<i32>} : memref<8192xf32, #tpu.memory_space<vmem>>, vector<16xf32>,
      %swap3A_837 = vector.shape_cast %swap3A_836 : vector<16xf32> to vector<16xf32>
      %swap3A_838 = vector.shape_cast %sub3A_828 : vector<16xf32> to vector<16xf32>
      tpu.vector_store %arg15[%swap3A_835], %swap3A_838 {strides = array<i32>} : memref<8192xf32, #tpu.memory_space<vmem>>, vector<16xf32>,
      %swap3A_839 = arith.index_cast %multiple_of3A_808 : i32 to index
      %swap3A_840 = tpu.vector_load %arg16[%swap3A_839] {strides = array<i32>} : memref<8192xf32, #tpu.memory_space<vmem>>, vector<16xf32>,
      %swap3A_841 = vector.shape_cast %swap3A_840 : vector<16xf32> to vector<16xf32>
      %swap3A_842 = vector.shape_cast %sub3A_830 : vector<16xf32> to vector<16xf32>
      tpu.vector_store %arg16[%swap3A_839], %swap3A_842 {strides = array<i32>} : memref<8192xf32, #tpu.memory_space<vmem>>, vector<16xf32>,
      %add3A_843 = arith.constant 5.000000e-01 : f32
      %add3A_844 = vector.broadcast %add3A_843 : f32 to vector<16xf32>
      %add3A_845 = arith.addf %sub3A_826, %add3A_844 : vector<16xf32>
      %mul3A_846 = arith.constant 6.400000e+01 : f32
      %mul3A_847 = vector.broadcast %mul3A_846 : f32 to vector<16xf32>
      %mul3A_848 = arith.mulf %add3A_845, %mul3A_847 : vector<16xf32>
      %sub3A_849 = arith.constant 5.000000e-01 : f32
      %sub3A_850 = vector.broadcast %sub3A_849 : f32 to vector<16xf32>
      %sub3A_851 = arith.subf %mul3A_848, %sub3A_850 : vector<16xf32>
      %convert_element_type3A_852 = arith.fptosi %sub3A_851 : vector<16xf32> to vector<16xi32>
      %convert_element_type3A_853 = arith.sitofp %convert_element_type3A_852 : vector<16xi32> to vector<16xf32>
      %gt3A_854 = arith.cmpf ogt, %sub3A_851, %convert_element_type3A_853 : vector<16xf32>
      %add3A_855 = arith.constant 1 : i32
      %add3A_856 = vector.broadcast %add3A_855 : i32 to vector<16xi32>
      %add3A_857 = arith.addi %convert_element_type3A_852, %add3A_856 : vector<16xi32>
      %select_n3A_858 = arith.select %gt3A_854, %add3A_857, %convert_element_type3A_852 : vector<16xi1>, vector<16xi32>
      %mul3A_859 = arith.constant 4096 : i32
      %mul3A_860 = vector.broadcast %mul3A_859 : i32 to vector<16xi32>
      %mul3A_861 = arith.muli %select_n3A_858, %mul3A_860 : vector<16xi32>
      %add3A_862 = arith.constant 5.000000e-01 : f32
      %add3A_863 = vector.broadcast %add3A_862 : f32 to vector<16xf32>
      %add3A_864 = arith.addf %sub3A_828, %add3A_863 : vector<16xf32>
      %mul3A_865 = arith.constant 6.400000e+01 : f32
      %mul3A_866 = vector.broadcast %mul3A_865 : f32 to vector<16xf32>
      %mul3A_867 = arith.mulf %add3A_864, %mul3A_866 : vector<16xf32>
      %sub3A_868 = arith.constant 5.000000e-01 : f32
      %sub3A_869 = vector.broadcast %sub3A_868 : f32 to vector<16xf32>
      %sub3A_870 = arith.subf %mul3A_867, %sub3A_869 : vector<16xf32>
      %convert_element_type3A_871 = arith.fptosi %sub3A_870 : vector<16xf32> to vector<16xi32>
      %convert_element_type3A_872 = arith.sitofp %convert_element_type3A_871 : vector<16xi32> to vector<16xf32>
      %gt3A_873 = arith.cmpf ogt, %sub3A_870, %convert_element_type3A_872 : vector<16xf32>
      %add3A_874 = arith.constant 1 : i32
      %add3A_875 = vector.broadcast %add3A_874 : i32 to vector<16xi32>
      %add3A_876 = arith.addi %convert_element_type3A_871, %add3A_875 : vector<16xi32>
      %select_n3A_877 = arith.select %gt3A_873, %add3A_876, %convert_element_type3A_871 : vector<16xi1>, vector<16xi32>
      %mul3A_878 = arith.constant 64 : i32
      %mul3A_879 = vector.broadcast %mul3A_878 : i32 to vector<16xi32>
      %mul3A_880 = arith.muli %select_n3A_877, %mul3A_879 : vector<16xi32>
      %add3A_881 = arith.addi %mul3A_861, %mul3A_880 : vector<16xi32>
      %add3A_882 = arith.constant 5.000000e-01 : f32
      %add3A_883 = vector.broadcast %add3A_882 : f32 to vector<16xf32>
      %add3A_884 = arith.addf %sub3A_830, %add3A_883 : vector<16xf32>
      %mul3A_885 = arith.constant 6.400000e+01 : f32
      %mul3A_886 = vector.broadcast %mul3A_885 : f32 to vector<16xf32>
      %mul3A_887 = arith.mulf %add3A_884, %mul3A_886 : vector<16xf32>
      %sub3A_888 = arith.constant 5.000000e-01 : f32
      %sub3A_889 = vector.broadcast %sub3A_888 : f32 to vector<16xf32>
      %sub3A_890 = arith.subf %mul3A_887, %sub3A_889 : vector<16xf32>
      %convert_element_type3A_891 = arith.fptosi %sub3A_890 : vector<16xf32> to vector<16xi32>
      %convert_element_type3A_892 = arith.sitofp %convert_element_type3A_891 : vector<16xi32> to vector<16xf32>
      %gt3A_893 = arith.cmpf ogt, %sub3A_890, %convert_element_type3A_892 : vector<16xf32>
      %add3A_894 = arith.constant 1 : i32
      %add3A_895 = vector.broadcast %add3A_894 : i32 to vector<16xi32>
      %add3A_896 = arith.addi %convert_element_type3A_891, %add3A_895 : vector<16xi32>
      %select_n3A_897 = arith.select %gt3A_893, %add3A_896, %convert_element_type3A_891 : vector<16xi1>, vector<16xi32>
      %add3A_898 = arith.addi %add3A_881, %select_n3A_897 : vector<16xi32>
      %max3A_899 = arith.constant 0 : i32
      %max3A_900 = vector.broadcast %max3A_899 : i32 to vector<16xi32>
      %max3A_901 = arith.maxsi %add3A_898, %max3A_900 : vector<16xi32>
      %min3A_902 = arith.constant 262143 : i32
      %min3A_903 = vector.broadcast %min3A_902 : i32 to vector<16xi32>
      %min3A_904 = arith.minsi %max3A_901, %min3A_903 : vector<16xi32>
      %add3A_905 = vector.broadcast %mul3A_23 : i32 to vector<16xi32>
      %add3A_906 = arith.addi %min3A_904, %add3A_905 : vector<16xi32>
      %swap3A_907 = arith.index_cast %multiple_of3A_808 : i32 to index
      %swap3A_908 = tpu.vector_load %arg17[%swap3A_907] {strides = array<i32>} : memref<8192xi32, #tpu.memory_space<vmem>>, vector<16xi32>,
      %swap3A_909 = vector.shape_cast %swap3A_908 : vector<16xi32> to vector<16xi32>
      %swap3A_910 = vector.shape_cast %add3A_906 : vector<16xi32> to vector<16xi32>
      tpu.vector_store %arg17[%swap3A_907], %swap3A_910 {strides = array<i32>} : memref<8192xi32, #tpu.memory_space<vmem>>, vector<16xi32>,
      %scan3A_911 = arith.constant 4 : i32
      %scan3A_912 = arith.addi %scan3A_488, %scan3A_911 : i32
      %mul3A_913 = arith.constant 16 : i32
      %mul3A_914 = arith.muli %scan3A_912, %mul3A_913 : i32
      %multiple_of3A_915 = tpu.assume_multiple %mul3A_914, 16 : i32
      %get3A_916 = arith.index_cast %multiple_of3A_915 : i32 to index
      %get3A_917 = tpu.vector_load %arg11[%get3A_916] {strides = array<i32>} : memref<8192xf32, #tpu.memory_space<vmem>>, vector<16xf32>,
      %get3A_918 = vector.shape_cast %get3A_917 : vector<16xf32> to vector<16xf32>
      %get3A_919 = arith.index_cast %multiple_of3A_915 : i32 to index
      %get3A_920 = tpu.vector_load %arg12[%get3A_919] {strides = array<i32>} : memref<8192xf32, #tpu.memory_space<vmem>>, vector<16xf32>,
      %get3A_921 = vector.shape_cast %get3A_920 : vector<16xf32> to vector<16xf32>
      %get3A_922 = arith.index_cast %multiple_of3A_915 : i32 to index
      %get3A_923 = tpu.vector_load %arg13[%get3A_922] {strides = array<i32>} : memref<8192xf32, #tpu.memory_space<vmem>>, vector<16xf32>,
      %get3A_924 = vector.shape_cast %get3A_923 : vector<16xf32> to vector<16xf32>
      %mul3A_925 = arith.mulf %get3A_918, %get3A_32 : vector<16xf32>
      %mul3A_926 = arith.mulf %get3A_921, %get3A_35 : vector<16xf32>
      %add3A_927 = arith.addf %mul3A_925, %mul3A_926 : vector<16xf32>
      %mul3A_928 = arith.mulf %get3A_924, %get3A_38 : vector<16xf32>
      %add3A_929 = arith.addf %add3A_927, %mul3A_928 : vector<16xf32>
      %add3A_930 = arith.addf %add3A_929, %get3A_41 : vector<16xf32>
      %mul3A_931 = arith.mulf %add3A_930, %div3A_49 : vector<16xf32>
      %mul3A_932 = arith.mulf %mul3A_931, %get3A_32 : vector<16xf32>
      %sub3A_933 = arith.subf %get3A_918, %mul3A_932 : vector<16xf32>
      %mul3A_934 = arith.mulf %mul3A_931, %get3A_35 : vector<16xf32>
      %sub3A_935 = arith.subf %get3A_921, %mul3A_934 : vector<16xf32>
      %mul3A_936 = arith.mulf %mul3A_931, %get3A_38 : vector<16xf32>
      %sub3A_937 = arith.subf %get3A_924, %mul3A_936 : vector<16xf32>
      %swap3A_938 = arith.index_cast %multiple_of3A_915 : i32 to index
      %swap3A_939 = tpu.vector_load %arg14[%swap3A_938] {strides = array<i32>} : memref<8192xf32, #tpu.memory_space<vmem>>, vector<16xf32>,
      %swap3A_940 = vector.shape_cast %swap3A_939 : vector<16xf32> to vector<16xf32>
      %swap3A_941 = vector.shape_cast %sub3A_933 : vector<16xf32> to vector<16xf32>
      tpu.vector_store %arg14[%swap3A_938], %swap3A_941 {strides = array<i32>} : memref<8192xf32, #tpu.memory_space<vmem>>, vector<16xf32>,
      %swap3A_942 = arith.index_cast %multiple_of3A_915 : i32 to index
      %swap3A_943 = tpu.vector_load %arg15[%swap3A_942] {strides = array<i32>} : memref<8192xf32, #tpu.memory_space<vmem>>, vector<16xf32>,
      %swap3A_944 = vector.shape_cast %swap3A_943 : vector<16xf32> to vector<16xf32>
      %swap3A_945 = vector.shape_cast %sub3A_935 : vector<16xf32> to vector<16xf32>
      tpu.vector_store %arg15[%swap3A_942], %swap3A_945 {strides = array<i32>} : memref<8192xf32, #tpu.memory_space<vmem>>, vector<16xf32>,
      %swap3A_946 = arith.index_cast %multiple_of3A_915 : i32 to index
      %swap3A_947 = tpu.vector_load %arg16[%swap3A_946] {strides = array<i32>} : memref<8192xf32, #tpu.memory_space<vmem>>, vector<16xf32>,
      %swap3A_948 = vector.shape_cast %swap3A_947 : vector<16xf32> to vector<16xf32>
      %swap3A_949 = vector.shape_cast %sub3A_937 : vector<16xf32> to vector<16xf32>
      tpu.vector_store %arg16[%swap3A_946], %swap3A_949 {strides = array<i32>} : memref<8192xf32, #tpu.memory_space<vmem>>, vector<16xf32>,
      %add3A_950 = arith.constant 5.000000e-01 : f32
      %add3A_951 = vector.broadcast %add3A_950 : f32 to vector<16xf32>
      %add3A_952 = arith.addf %sub3A_933, %add3A_951 : vector<16xf32>
      %mul3A_953 = arith.constant 6.400000e+01 : f32
      %mul3A_954 = vector.broadcast %mul3A_953 : f32 to vector<16xf32>
      %mul3A_955 = arith.mulf %add3A_952, %mul3A_954 : vector<16xf32>
      %sub3A_956 = arith.constant 5.000000e-01 : f32
      %sub3A_957 = vector.broadcast %sub3A_956 : f32 to vector<16xf32>
      %sub3A_958 = arith.subf %mul3A_955, %sub3A_957 : vector<16xf32>
      %convert_element_type3A_959 = arith.fptosi %sub3A_958 : vector<16xf32> to vector<16xi32>
      %convert_element_type3A_960 = arith.sitofp %convert_element_type3A_959 : vector<16xi32> to vector<16xf32>
      %gt3A_961 = arith.cmpf ogt, %sub3A_958, %convert_element_type3A_960 : vector<16xf32>
      %add3A_962 = arith.constant 1 : i32
      %add3A_963 = vector.broadcast %add3A_962 : i32 to vector<16xi32>
      %add3A_964 = arith.addi %convert_element_type3A_959, %add3A_963 : vector<16xi32>
      %select_n3A_965 = arith.select %gt3A_961, %add3A_964, %convert_element_type3A_959 : vector<16xi1>, vector<16xi32>
      %mul3A_966 = arith.constant 4096 : i32
      %mul3A_967 = vector.broadcast %mul3A_966 : i32 to vector<16xi32>
      %mul3A_968 = arith.muli %select_n3A_965, %mul3A_967 : vector<16xi32>
      %add3A_969 = arith.constant 5.000000e-01 : f32
      %add3A_970 = vector.broadcast %add3A_969 : f32 to vector<16xf32>
      %add3A_971 = arith.addf %sub3A_935, %add3A_970 : vector<16xf32>
      %mul3A_972 = arith.constant 6.400000e+01 : f32
      %mul3A_973 = vector.broadcast %mul3A_972 : f32 to vector<16xf32>
      %mul3A_974 = arith.mulf %add3A_971, %mul3A_973 : vector<16xf32>
      %sub3A_975 = arith.constant 5.000000e-01 : f32
      %sub3A_976 = vector.broadcast %sub3A_975 : f32 to vector<16xf32>
      %sub3A_977 = arith.subf %mul3A_974, %sub3A_976 : vector<16xf32>
      %convert_element_type3A_978 = arith.fptosi %sub3A_977 : vector<16xf32> to vector<16xi32>
      %convert_element_type3A_979 = arith.sitofp %convert_element_type3A_978 : vector<16xi32> to vector<16xf32>
      %gt3A_980 = arith.cmpf ogt, %sub3A_977, %convert_element_type3A_979 : vector<16xf32>
      %add3A_981 = arith.constant 1 : i32
      %add3A_982 = vector.broadcast %add3A_981 : i32 to vector<16xi32>
      %add3A_983 = arith.addi %convert_element_type3A_978, %add3A_982 : vector<16xi32>
      %select_n3A_984 = arith.select %gt3A_980, %add3A_983, %convert_element_type3A_978 : vector<16xi1>, vector<16xi32>
      %mul3A_985 = arith.constant 64 : i32
      %mul3A_986 = vector.broadcast %mul3A_985 : i32 to vector<16xi32>
      %mul3A_987 = arith.muli %select_n3A_984, %mul3A_986 : vector<16xi32>
      %add3A_988 = arith.addi %mul3A_968, %mul3A_987 : vector<16xi32>
      %add3A_989 = arith.constant 5.000000e-01 : f32
      %add3A_990 = vector.broadcast %add3A_989 : f32 to vector<16xf32>
      %add3A_991 = arith.addf %sub3A_937, %add3A_990 : vector<16xf32>
      %mul3A_992 = arith.constant 6.400000e+01 : f32
      %mul3A_993 = vector.broadcast %mul3A_992 : f32 to vector<16xf32>
      %mul3A_994 = arith.mulf %add3A_991, %mul3A_993 : vector<16xf32>
      %sub3A_995 = arith.constant 5.000000e-01 : f32
      %sub3A_996 = vector.broadcast %sub3A_995 : f32 to vector<16xf32>
      %sub3A_997 = arith.subf %mul3A_994, %sub3A_996 : vector<16xf32>
      %convert_element_type3A_998 = arith.fptosi %sub3A_997 : vector<16xf32> to vector<16xi32>
      %convert_element_type3A_999 = arith.sitofp %convert_element_type3A_998 : vector<16xi32> to vector<16xf32>
      %gt3A_1000 = arith.cmpf ogt, %sub3A_997, %convert_element_type3A_999 : vector<16xf32>
      %add3A_1001 = arith.constant 1 : i32
      %add3A_1002 = vector.broadcast %add3A_1001 : i32 to vector<16xi32>
      %add3A_1003 = arith.addi %convert_element_type3A_998, %add3A_1002 : vector<16xi32>
      %select_n3A_1004 = arith.select %gt3A_1000, %add3A_1003, %convert_element_type3A_998 : vector<16xi1>, vector<16xi32>
      %add3A_1005 = arith.addi %add3A_988, %select_n3A_1004 : vector<16xi32>
      %max3A_1006 = arith.constant 0 : i32
      %max3A_1007 = vector.broadcast %max3A_1006 : i32 to vector<16xi32>
      %max3A_1008 = arith.maxsi %add3A_1005, %max3A_1007 : vector<16xi32>
      %min3A_1009 = arith.constant 262143 : i32
      %min3A_1010 = vector.broadcast %min3A_1009 : i32 to vector<16xi32>
      %min3A_1011 = arith.minsi %max3A_1008, %min3A_1010 : vector<16xi32>
      %add3A_1012 = vector.broadcast %mul3A_23 : i32 to vector<16xi32>
      %add3A_1013 = arith.addi %min3A_1011, %add3A_1012 : vector<16xi32>
      %swap3A_1014 = arith.index_cast %multiple_of3A_915 : i32 to index
      %swap3A_1015 = tpu.vector_load %arg17[%swap3A_1014] {strides = array<i32>} : memref<8192xi32, #tpu.memory_space<vmem>>, vector<16xi32>,
      %swap3A_1016 = vector.shape_cast %swap3A_1015 : vector<16xi32> to vector<16xi32>
      %swap3A_1017 = vector.shape_cast %add3A_1013 : vector<16xi32> to vector<16xi32>
      tpu.vector_store %arg17[%swap3A_1014], %swap3A_1017 {strides = array<i32>} : memref<8192xi32, #tpu.memory_space<vmem>>, vector<16xi32>,
      %scan3A_1018 = arith.constant 5 : i32
      %scan3A_1019 = arith.addi %scan3A_488, %scan3A_1018 : i32
      %mul3A_1020 = arith.constant 16 : i32
      %mul3A_1021 = arith.muli %scan3A_1019, %mul3A_1020 : i32
      %multiple_of3A_1022 = tpu.assume_multiple %mul3A_1021, 16 : i32
      %get3A_1023 = arith.index_cast %multiple_of3A_1022 : i32 to index
      %get3A_1024 = tpu.vector_load %arg11[%get3A_1023] {strides = array<i32>} : memref<8192xf32, #tpu.memory_space<vmem>>, vector<16xf32>,
      %get3A_1025 = vector.shape_cast %get3A_1024 : vector<16xf32> to vector<16xf32>
      %get3A_1026 = arith.index_cast %multiple_of3A_1022 : i32 to index
      %get3A_1027 = tpu.vector_load %arg12[%get3A_1026] {strides = array<i32>} : memref<8192xf32, #tpu.memory_space<vmem>>, vector<16xf32>,
      %get3A_1028 = vector.shape_cast %get3A_1027 : vector<16xf32> to vector<16xf32>
      %get3A_1029 = arith.index_cast %multiple_of3A_1022 : i32 to index
      %get3A_1030 = tpu.vector_load %arg13[%get3A_1029] {strides = array<i32>} : memref<8192xf32, #tpu.memory_space<vmem>>, vector<16xf32>,
      %get3A_1031 = vector.shape_cast %get3A_1030 : vector<16xf32> to vector<16xf32>
      %mul3A_1032 = arith.mulf %get3A_1025, %get3A_32 : vector<16xf32>
      %mul3A_1033 = arith.mulf %get3A_1028, %get3A_35 : vector<16xf32>
      %add3A_1034 = arith.addf %mul3A_1032, %mul3A_1033 : vector<16xf32>
      %mul3A_1035 = arith.mulf %get3A_1031, %get3A_38 : vector<16xf32>
      %add3A_1036 = arith.addf %add3A_1034, %mul3A_1035 : vector<16xf32>
      %add3A_1037 = arith.addf %add3A_1036, %get3A_41 : vector<16xf32>
      %mul3A_1038 = arith.mulf %add3A_1037, %div3A_49 : vector<16xf32>
      %mul3A_1039 = arith.mulf %mul3A_1038, %get3A_32 : vector<16xf32>
      %sub3A_1040 = arith.subf %get3A_1025, %mul3A_1039 : vector<16xf32>
      %mul3A_1041 = arith.mulf %mul3A_1038, %get3A_35 : vector<16xf32>
      %sub3A_1042 = arith.subf %get3A_1028, %mul3A_1041 : vector<16xf32>
      %mul3A_1043 = arith.mulf %mul3A_1038, %get3A_38 : vector<16xf32>
      %sub3A_1044 = arith.subf %get3A_1031, %mul3A_1043 : vector<16xf32>
      %swap3A_1045 = arith.index_cast %multiple_of3A_1022 : i32 to index
      %swap3A_1046 = tpu.vector_load %arg14[%swap3A_1045] {strides = array<i32>} : memref<8192xf32, #tpu.memory_space<vmem>>, vector<16xf32>,
      %swap3A_1047 = vector.shape_cast %swap3A_1046 : vector<16xf32> to vector<16xf32>
      %swap3A_1048 = vector.shape_cast %sub3A_1040 : vector<16xf32> to vector<16xf32>
      tpu.vector_store %arg14[%swap3A_1045], %swap3A_1048 {strides = array<i32>} : memref<8192xf32, #tpu.memory_space<vmem>>, vector<16xf32>,
      %swap3A_1049 = arith.index_cast %multiple_of3A_1022 : i32 to index
      %swap3A_1050 = tpu.vector_load %arg15[%swap3A_1049] {strides = array<i32>} : memref<8192xf32, #tpu.memory_space<vmem>>, vector<16xf32>,
      %swap3A_1051 = vector.shape_cast %swap3A_1050 : vector<16xf32> to vector<16xf32>
      %swap3A_1052 = vector.shape_cast %sub3A_1042 : vector<16xf32> to vector<16xf32>
      tpu.vector_store %arg15[%swap3A_1049], %swap3A_1052 {strides = array<i32>} : memref<8192xf32, #tpu.memory_space<vmem>>, vector<16xf32>,
      %swap3A_1053 = arith.index_cast %multiple_of3A_1022 : i32 to index
      %swap3A_1054 = tpu.vector_load %arg16[%swap3A_1053] {strides = array<i32>} : memref<8192xf32, #tpu.memory_space<vmem>>, vector<16xf32>,
      %swap3A_1055 = vector.shape_cast %swap3A_1054 : vector<16xf32> to vector<16xf32>
      %swap3A_1056 = vector.shape_cast %sub3A_1044 : vector<16xf32> to vector<16xf32>
      tpu.vector_store %arg16[%swap3A_1053], %swap3A_1056 {strides = array<i32>} : memref<8192xf32, #tpu.memory_space<vmem>>, vector<16xf32>,
      %add3A_1057 = arith.constant 5.000000e-01 : f32
      %add3A_1058 = vector.broadcast %add3A_1057 : f32 to vector<16xf32>
      %add3A_1059 = arith.addf %sub3A_1040, %add3A_1058 : vector<16xf32>
      %mul3A_1060 = arith.constant 6.400000e+01 : f32
      %mul3A_1061 = vector.broadcast %mul3A_1060 : f32 to vector<16xf32>
      %mul3A_1062 = arith.mulf %add3A_1059, %mul3A_1061 : vector<16xf32>
      %sub3A_1063 = arith.constant 5.000000e-01 : f32
      %sub3A_1064 = vector.broadcast %sub3A_1063 : f32 to vector<16xf32>
      %sub3A_1065 = arith.subf %mul3A_1062, %sub3A_1064 : vector<16xf32>
      %convert_element_type3A_1066 = arith.fptosi %sub3A_1065 : vector<16xf32> to vector<16xi32>
      %convert_element_type3A_1067 = arith.sitofp %convert_element_type3A_1066 : vector<16xi32> to vector<16xf32>
      %gt3A_1068 = arith.cmpf ogt, %sub3A_1065, %convert_element_type3A_1067 : vector<16xf32>
      %add3A_1069 = arith.constant 1 : i32
      %add3A_1070 = vector.broadcast %add3A_1069 : i32 to vector<16xi32>
      %add3A_1071 = arith.addi %convert_element_type3A_1066, %add3A_1070 : vector<16xi32>
      %select_n3A_1072 = arith.select %gt3A_1068, %add3A_1071, %convert_element_type3A_1066 : vector<16xi1>, vector<16xi32>
      %mul3A_1073 = arith.constant 4096 : i32
      %mul3A_1074 = vector.broadcast %mul3A_1073 : i32 to vector<16xi32>
      %mul3A_1075 = arith.muli %select_n3A_1072, %mul3A_1074 : vector<16xi32>
      %add3A_1076 = arith.constant 5.000000e-01 : f32
      %add3A_1077 = vector.broadcast %add3A_1076 : f32 to vector<16xf32>
      %add3A_1078 = arith.addf %sub3A_1042, %add3A_1077 : vector<16xf32>
      %mul3A_1079 = arith.constant 6.400000e+01 : f32
      %mul3A_1080 = vector.broadcast %mul3A_1079 : f32 to vector<16xf32>
      %mul3A_1081 = arith.mulf %add3A_1078, %mul3A_1080 : vector<16xf32>
      %sub3A_1082 = arith.constant 5.000000e-01 : f32
      %sub3A_1083 = vector.broadcast %sub3A_1082 : f32 to vector<16xf32>
      %sub3A_1084 = arith.subf %mul3A_1081, %sub3A_1083 : vector<16xf32>
      %convert_element_type3A_1085 = arith.fptosi %sub3A_1084 : vector<16xf32> to vector<16xi32>
      %convert_element_type3A_1086 = arith.sitofp %convert_element_type3A_1085 : vector<16xi32> to vector<16xf32>
      %gt3A_1087 = arith.cmpf ogt, %sub3A_1084, %convert_element_type3A_1086 : vector<16xf32>
      %add3A_1088 = arith.constant 1 : i32
      %add3A_1089 = vector.broadcast %add3A_1088 : i32 to vector<16xi32>
      %add3A_1090 = arith.addi %convert_element_type3A_1085, %add3A_1089 : vector<16xi32>
      %select_n3A_1091 = arith.select %gt3A_1087, %add3A_1090, %convert_element_type3A_1085 : vector<16xi1>, vector<16xi32>
      %mul3A_1092 = arith.constant 64 : i32
      %mul3A_1093 = vector.broadcast %mul3A_1092 : i32 to vector<16xi32>
      %mul3A_1094 = arith.muli %select_n3A_1091, %mul3A_1093 : vector<16xi32>
      %add3A_1095 = arith.addi %mul3A_1075, %mul3A_1094 : vector<16xi32>
      %add3A_1096 = arith.constant 5.000000e-01 : f32
      %add3A_1097 = vector.broadcast %add3A_1096 : f32 to vector<16xf32>
      %add3A_1098 = arith.addf %sub3A_1044, %add3A_1097 : vector<16xf32>
      %mul3A_1099 = arith.constant 6.400000e+01 : f32
      %mul3A_1100 = vector.broadcast %mul3A_1099 : f32 to vector<16xf32>
      %mul3A_1101 = arith.mulf %add3A_1098, %mul3A_1100 : vector<16xf32>
      %sub3A_1102 = arith.constant 5.000000e-01 : f32
      %sub3A_1103 = vector.broadcast %sub3A_1102 : f32 to vector<16xf32>
      %sub3A_1104 = arith.subf %mul3A_1101, %sub3A_1103 : vector<16xf32>
      %convert_element_type3A_1105 = arith.fptosi %sub3A_1104 : vector<16xf32> to vector<16xi32>
      %convert_element_type3A_1106 = arith.sitofp %convert_element_type3A_1105 : vector<16xi32> to vector<16xf32>
      %gt3A_1107 = arith.cmpf ogt, %sub3A_1104, %convert_element_type3A_1106 : vector<16xf32>
      %add3A_1108 = arith.constant 1 : i32
      %add3A_1109 = vector.broadcast %add3A_1108 : i32 to vector<16xi32>
      %add3A_1110 = arith.addi %convert_element_type3A_1105, %add3A_1109 : vector<16xi32>
      %select_n3A_1111 = arith.select %gt3A_1107, %add3A_1110, %convert_element_type3A_1105 : vector<16xi1>, vector<16xi32>
      %add3A_1112 = arith.addi %add3A_1095, %select_n3A_1111 : vector<16xi32>
      %max3A_1113 = arith.constant 0 : i32
      %max3A_1114 = vector.broadcast %max3A_1113 : i32 to vector<16xi32>
      %max3A_1115 = arith.maxsi %add3A_1112, %max3A_1114 : vector<16xi32>
      %min3A_1116 = arith.constant 262143 : i32
      %min3A_1117 = vector.broadcast %min3A_1116 : i32 to vector<16xi32>
      %min3A_1118 = arith.minsi %max3A_1115, %min3A_1117 : vector<16xi32>
      %add3A_1119 = vector.broadcast %mul3A_23 : i32 to vector<16xi32>
      %add3A_1120 = arith.addi %min3A_1118, %add3A_1119 : vector<16xi32>
      %swap3A_1121 = arith.index_cast %multiple_of3A_1022 : i32 to index
      %swap3A_1122 = tpu.vector_load %arg17[%swap3A_1121] {strides = array<i32>} : memref<8192xi32, #tpu.memory_space<vmem>>, vector<16xi32>,
      %swap3A_1123 = vector.shape_cast %swap3A_1122 : vector<16xi32> to vector<16xi32>
      %swap3A_1124 = vector.shape_cast %add3A_1120 : vector<16xi32> to vector<16xi32>
      tpu.vector_store %arg17[%swap3A_1121], %swap3A_1124 {strides = array<i32>} : memref<8192xi32, #tpu.memory_space<vmem>>, vector<16xi32>,
      %scan3A_1125 = arith.constant 6 : i32
      %scan3A_1126 = arith.addi %scan3A_488, %scan3A_1125 : i32
      %mul3A_1127 = arith.constant 16 : i32
      %mul3A_1128 = arith.muli %scan3A_1126, %mul3A_1127 : i32
      %multiple_of3A_1129 = tpu.assume_multiple %mul3A_1128, 16 : i32
      %get3A_1130 = arith.index_cast %multiple_of3A_1129 : i32 to index
      %get3A_1131 = tpu.vector_load %arg11[%get3A_1130] {strides = array<i32>} : memref<8192xf32, #tpu.memory_space<vmem>>, vector<16xf32>,
      %get3A_1132 = vector.shape_cast %get3A_1131 : vector<16xf32> to vector<16xf32>
      %get3A_1133 = arith.index_cast %multiple_of3A_1129 : i32 to index
      %get3A_1134 = tpu.vector_load %arg12[%get3A_1133] {strides = array<i32>} : memref<8192xf32, #tpu.memory_space<vmem>>, vector<16xf32>,
      %get3A_1135 = vector.shape_cast %get3A_1134 : vector<16xf32> to vector<16xf32>
      %get3A_1136 = arith.index_cast %multiple_of3A_1129 : i32 to index
      %get3A_1137 = tpu.vector_load %arg13[%get3A_1136] {strides = array<i32>} : memref<8192xf32, #tpu.memory_space<vmem>>, vector<16xf32>,
      %get3A_1138 = vector.shape_cast %get3A_1137 : vector<16xf32> to vector<16xf32>
      %mul3A_1139 = arith.mulf %get3A_1132, %get3A_32 : vector<16xf32>
      %mul3A_1140 = arith.mulf %get3A_1135, %get3A_35 : vector<16xf32>
      %add3A_1141 = arith.addf %mul3A_1139, %mul3A_1140 : vector<16xf32>
      %mul3A_1142 = arith.mulf %get3A_1138, %get3A_38 : vector<16xf32>
      %add3A_1143 = arith.addf %add3A_1141, %mul3A_1142 : vector<16xf32>
      %add3A_1144 = arith.addf %add3A_1143, %get3A_41 : vector<16xf32>
      %mul3A_1145 = arith.mulf %add3A_1144, %div3A_49 : vector<16xf32>
      %mul3A_1146 = arith.mulf %mul3A_1145, %get3A_32 : vector<16xf32>
      %sub3A_1147 = arith.subf %get3A_1132, %mul3A_1146 : vector<16xf32>
      %mul3A_1148 = arith.mulf %mul3A_1145, %get3A_35 : vector<16xf32>
      %sub3A_1149 = arith.subf %get3A_1135, %mul3A_1148 : vector<16xf32>
      %mul3A_1150 = arith.mulf %mul3A_1145, %get3A_38 : vector<16xf32>
      %sub3A_1151 = arith.subf %get3A_1138, %mul3A_1150 : vector<16xf32>
      %swap3A_1152 = arith.index_cast %multiple_of3A_1129 : i32 to index
      %swap3A_1153 = tpu.vector_load %arg14[%swap3A_1152] {strides = array<i32>} : memref<8192xf32, #tpu.memory_space<vmem>>, vector<16xf32>,
      %swap3A_1154 = vector.shape_cast %swap3A_1153 : vector<16xf32> to vector<16xf32>
      %swap3A_1155 = vector.shape_cast %sub3A_1147 : vector<16xf32> to vector<16xf32>
      tpu.vector_store %arg14[%swap3A_1152], %swap3A_1155 {strides = array<i32>} : memref<8192xf32, #tpu.memory_space<vmem>>, vector<16xf32>,
      %swap3A_1156 = arith.index_cast %multiple_of3A_1129 : i32 to index
      %swap3A_1157 = tpu.vector_load %arg15[%swap3A_1156] {strides = array<i32>} : memref<8192xf32, #tpu.memory_space<vmem>>, vector<16xf32>,
      %swap3A_1158 = vector.shape_cast %swap3A_1157 : vector<16xf32> to vector<16xf32>
      %swap3A_1159 = vector.shape_cast %sub3A_1149 : vector<16xf32> to vector<16xf32>
      tpu.vector_store %arg15[%swap3A_1156], %swap3A_1159 {strides = array<i32>} : memref<8192xf32, #tpu.memory_space<vmem>>, vector<16xf32>,
      %swap3A_1160 = arith.index_cast %multiple_of3A_1129 : i32 to index
      %swap3A_1161 = tpu.vector_load %arg16[%swap3A_1160] {strides = array<i32>} : memref<8192xf32, #tpu.memory_space<vmem>>, vector<16xf32>,
      %swap3A_1162 = vector.shape_cast %swap3A_1161 : vector<16xf32> to vector<16xf32>
      %swap3A_1163 = vector.shape_cast %sub3A_1151 : vector<16xf32> to vector<16xf32>
      tpu.vector_store %arg16[%swap3A_1160], %swap3A_1163 {strides = array<i32>} : memref<8192xf32, #tpu.memory_space<vmem>>, vector<16xf32>,
      %add3A_1164 = arith.constant 5.000000e-01 : f32
      %add3A_1165 = vector.broadcast %add3A_1164 : f32 to vector<16xf32>
      %add3A_1166 = arith.addf %sub3A_1147, %add3A_1165 : vector<16xf32>
      %mul3A_1167 = arith.constant 6.400000e+01 : f32
      %mul3A_1168 = vector.broadcast %mul3A_1167 : f32 to vector<16xf32>
      %mul3A_1169 = arith.mulf %add3A_1166, %mul3A_1168 : vector<16xf32>
      %sub3A_1170 = arith.constant 5.000000e-01 : f32
      %sub3A_1171 = vector.broadcast %sub3A_1170 : f32 to vector<16xf32>
      %sub3A_1172 = arith.subf %mul3A_1169, %sub3A_1171 : vector<16xf32>
      %convert_element_type3A_1173 = arith.fptosi %sub3A_1172 : vector<16xf32> to vector<16xi32>
      %convert_element_type3A_1174 = arith.sitofp %convert_element_type3A_1173 : vector<16xi32> to vector<16xf32>
      %gt3A_1175 = arith.cmpf ogt, %sub3A_1172, %convert_element_type3A_1174 : vector<16xf32>
      %add3A_1176 = arith.constant 1 : i32
      %add3A_1177 = vector.broadcast %add3A_1176 : i32 to vector<16xi32>
      %add3A_1178 = arith.addi %convert_element_type3A_1173, %add3A_1177 : vector<16xi32>
      %select_n3A_1179 = arith.select %gt3A_1175, %add3A_1178, %convert_element_type3A_1173 : vector<16xi1>, vector<16xi32>
      %mul3A_1180 = arith.constant 4096 : i32
      %mul3A_1181 = vector.broadcast %mul3A_1180 : i32 to vector<16xi32>
      %mul3A_1182 = arith.muli %select_n3A_1179, %mul3A_1181 : vector<16xi32>
      %add3A_1183 = arith.constant 5.000000e-01 : f32
      %add3A_1184 = vector.broadcast %add3A_1183 : f32 to vector<16xf32>
      %add3A_1185 = arith.addf %sub3A_1149, %add3A_1184 : vector<16xf32>
      %mul3A_1186 = arith.constant 6.400000e+01 : f32
      %mul3A_1187 = vector.broadcast %mul3A_1186 : f32 to vector<16xf32>
      %mul3A_1188 = arith.mulf %add3A_1185, %mul3A_1187 : vector<16xf32>
      %sub3A_1189 = arith.constant 5.000000e-01 : f32
      %sub3A_1190 = vector.broadcast %sub3A_1189 : f32 to vector<16xf32>
      %sub3A_1191 = arith.subf %mul3A_1188, %sub3A_1190 : vector<16xf32>
      %convert_element_type3A_1192 = arith.fptosi %sub3A_1191 : vector<16xf32> to vector<16xi32>
      %convert_element_type3A_1193 = arith.sitofp %convert_element_type3A_1192 : vector<16xi32> to vector<16xf32>
      %gt3A_1194 = arith.cmpf ogt, %sub3A_1191, %convert_element_type3A_1193 : vector<16xf32>
      %add3A_1195 = arith.constant 1 : i32
      %add3A_1196 = vector.broadcast %add3A_1195 : i32 to vector<16xi32>
      %add3A_1197 = arith.addi %convert_element_type3A_1192, %add3A_1196 : vector<16xi32>
      %select_n3A_1198 = arith.select %gt3A_1194, %add3A_1197, %convert_element_type3A_1192 : vector<16xi1>, vector<16xi32>
      %mul3A_1199 = arith.constant 64 : i32
      %mul3A_1200 = vector.broadcast %mul3A_1199 : i32 to vector<16xi32>
      %mul3A_1201 = arith.muli %select_n3A_1198, %mul3A_1200 : vector<16xi32>
      %add3A_1202 = arith.addi %mul3A_1182, %mul3A_1201 : vector<16xi32>
      %add3A_1203 = arith.constant 5.000000e-01 : f32
      %add3A_1204 = vector.broadcast %add3A_1203 : f32 to vector<16xf32>
      %add3A_1205 = arith.addf %sub3A_1151, %add3A_1204 : vector<16xf32>
      %mul3A_1206 = arith.constant 6.400000e+01 : f32
      %mul3A_1207 = vector.broadcast %mul3A_1206 : f32 to vector<16xf32>
      %mul3A_1208 = arith.mulf %add3A_1205, %mul3A_1207 : vector<16xf32>
      %sub3A_1209 = arith.constant 5.000000e-01 : f32
      %sub3A_1210 = vector.broadcast %sub3A_1209 : f32 to vector<16xf32>
      %sub3A_1211 = arith.subf %mul3A_1208, %sub3A_1210 : vector<16xf32>
      %convert_element_type3A_1212 = arith.fptosi %sub3A_1211 : vector<16xf32> to vector<16xi32>
      %convert_element_type3A_1213 = arith.sitofp %convert_element_type3A_1212 : vector<16xi32> to vector<16xf32>
      %gt3A_1214 = arith.cmpf ogt, %sub3A_1211, %convert_element_type3A_1213 : vector<16xf32>
      %add3A_1215 = arith.constant 1 : i32
      %add3A_1216 = vector.broadcast %add3A_1215 : i32 to vector<16xi32>
      %add3A_1217 = arith.addi %convert_element_type3A_1212, %add3A_1216 : vector<16xi32>
      %select_n3A_1218 = arith.select %gt3A_1214, %add3A_1217, %convert_element_type3A_1212 : vector<16xi1>, vector<16xi32>
      %add3A_1219 = arith.addi %add3A_1202, %select_n3A_1218 : vector<16xi32>
      %max3A_1220 = arith.constant 0 : i32
      %max3A_1221 = vector.broadcast %max3A_1220 : i32 to vector<16xi32>
      %max3A_1222 = arith.maxsi %add3A_1219, %max3A_1221 : vector<16xi32>
      %min3A_1223 = arith.constant 262143 : i32
      %min3A_1224 = vector.broadcast %min3A_1223 : i32 to vector<16xi32>
      %min3A_1225 = arith.minsi %max3A_1222, %min3A_1224 : vector<16xi32>
      %add3A_1226 = vector.broadcast %mul3A_23 : i32 to vector<16xi32>
      %add3A_1227 = arith.addi %min3A_1225, %add3A_1226 : vector<16xi32>
      %swap3A_1228 = arith.index_cast %multiple_of3A_1129 : i32 to index
      %swap3A_1229 = tpu.vector_load %arg17[%swap3A_1228] {strides = array<i32>} : memref<8192xi32, #tpu.memory_space<vmem>>, vector<16xi32>,
      %swap3A_1230 = vector.shape_cast %swap3A_1229 : vector<16xi32> to vector<16xi32>
      %swap3A_1231 = vector.shape_cast %add3A_1227 : vector<16xi32> to vector<16xi32>
      tpu.vector_store %arg17[%swap3A_1228], %swap3A_1231 {strides = array<i32>} : memref<8192xi32, #tpu.memory_space<vmem>>, vector<16xi32>,
      %scan3A_1232 = arith.constant 7 : i32
      %scan3A_1233 = arith.addi %scan3A_488, %scan3A_1232 : i32
      %mul3A_1234 = arith.constant 16 : i32
      %mul3A_1235 = arith.muli %scan3A_1233, %mul3A_1234 : i32
      %multiple_of3A_1236 = tpu.assume_multiple %mul3A_1235, 16 : i32
      %get3A_1237 = arith.index_cast %multiple_of3A_1236 : i32 to index
      %get3A_1238 = tpu.vector_load %arg11[%get3A_1237] {strides = array<i32>} : memref<8192xf32, #tpu.memory_space<vmem>>, vector<16xf32>,
      %get3A_1239 = vector.shape_cast %get3A_1238 : vector<16xf32> to vector<16xf32>
      %get3A_1240 = arith.index_cast %multiple_of3A_1236 : i32 to index
      %get3A_1241 = tpu.vector_load %arg12[%get3A_1240] {strides = array<i32>} : memref<8192xf32, #tpu.memory_space<vmem>>, vector<16xf32>,
      %get3A_1242 = vector.shape_cast %get3A_1241 : vector<16xf32> to vector<16xf32>
      %get3A_1243 = arith.index_cast %multiple_of3A_1236 : i32 to index
      %get3A_1244 = tpu.vector_load %arg13[%get3A_1243] {strides = array<i32>} : memref<8192xf32, #tpu.memory_space<vmem>>, vector<16xf32>,
      %get3A_1245 = vector.shape_cast %get3A_1244 : vector<16xf32> to vector<16xf32>
      %mul3A_1246 = arith.mulf %get3A_1239, %get3A_32 : vector<16xf32>
      %mul3A_1247 = arith.mulf %get3A_1242, %get3A_35 : vector<16xf32>
      %add3A_1248 = arith.addf %mul3A_1246, %mul3A_1247 : vector<16xf32>
      %mul3A_1249 = arith.mulf %get3A_1245, %get3A_38 : vector<16xf32>
      %add3A_1250 = arith.addf %add3A_1248, %mul3A_1249 : vector<16xf32>
      %add3A_1251 = arith.addf %add3A_1250, %get3A_41 : vector<16xf32>
      %mul3A_1252 = arith.mulf %add3A_1251, %div3A_49 : vector<16xf32>
      %mul3A_1253 = arith.mulf %mul3A_1252, %get3A_32 : vector<16xf32>
      %sub3A_1254 = arith.subf %get3A_1239, %mul3A_1253 : vector<16xf32>
      %mul3A_1255 = arith.mulf %mul3A_1252, %get3A_35 : vector<16xf32>
      %sub3A_1256 = arith.subf %get3A_1242, %mul3A_1255 : vector<16xf32>
      %mul3A_1257 = arith.mulf %mul3A_1252, %get3A_38 : vector<16xf32>
      %sub3A_1258 = arith.subf %get3A_1245, %mul3A_1257 : vector<16xf32>
      %swap3A_1259 = arith.index_cast %multiple_of3A_1236 : i32 to index
      %swap3A_1260 = tpu.vector_load %arg14[%swap3A_1259] {strides = array<i32>} : memref<8192xf32, #tpu.memory_space<vmem>>, vector<16xf32>,
      %swap3A_1261 = vector.shape_cast %swap3A_1260 : vector<16xf32> to vector<16xf32>
      %swap3A_1262 = vector.shape_cast %sub3A_1254 : vector<16xf32> to vector<16xf32>
      tpu.vector_store %arg14[%swap3A_1259], %swap3A_1262 {strides = array<i32>} : memref<8192xf32, #tpu.memory_space<vmem>>, vector<16xf32>,
      %swap3A_1263 = arith.index_cast %multiple_of3A_1236 : i32 to index
      %swap3A_1264 = tpu.vector_load %arg15[%swap3A_1263] {strides = array<i32>} : memref<8192xf32, #tpu.memory_space<vmem>>, vector<16xf32>,
      %swap3A_1265 = vector.shape_cast %swap3A_1264 : vector<16xf32> to vector<16xf32>
      %swap3A_1266 = vector.shape_cast %sub3A_1256 : vector<16xf32> to vector<16xf32>
      tpu.vector_store %arg15[%swap3A_1263], %swap3A_1266 {strides = array<i32>} : memref<8192xf32, #tpu.memory_space<vmem>>, vector<16xf32>,
      %swap3A_1267 = arith.index_cast %multiple_of3A_1236 : i32 to index
      %swap3A_1268 = tpu.vector_load %arg16[%swap3A_1267] {strides = array<i32>} : memref<8192xf32, #tpu.memory_space<vmem>>, vector<16xf32>,
      %swap3A_1269 = vector.shape_cast %swap3A_1268 : vector<16xf32> to vector<16xf32>
      %swap3A_1270 = vector.shape_cast %sub3A_1258 : vector<16xf32> to vector<16xf32>
      tpu.vector_store %arg16[%swap3A_1267], %swap3A_1270 {strides = array<i32>} : memref<8192xf32, #tpu.memory_space<vmem>>, vector<16xf32>,
      %add3A_1271 = arith.constant 5.000000e-01 : f32
      %add3A_1272 = vector.broadcast %add3A_1271 : f32 to vector<16xf32>
      %add3A_1273 = arith.addf %sub3A_1254, %add3A_1272 : vector<16xf32>
      %mul3A_1274 = arith.constant 6.400000e+01 : f32
      %mul3A_1275 = vector.broadcast %mul3A_1274 : f32 to vector<16xf32>
      %mul3A_1276 = arith.mulf %add3A_1273, %mul3A_1275 : vector<16xf32>
      %sub3A_1277 = arith.constant 5.000000e-01 : f32
      %sub3A_1278 = vector.broadcast %sub3A_1277 : f32 to vector<16xf32>
      %sub3A_1279 = arith.subf %mul3A_1276, %sub3A_1278 : vector<16xf32>
      %convert_element_type3A_1280 = arith.fptosi %sub3A_1279 : vector<16xf32> to vector<16xi32>
      %convert_element_type3A_1281 = arith.sitofp %convert_element_type3A_1280 : vector<16xi32> to vector<16xf32>
      %gt3A_1282 = arith.cmpf ogt, %sub3A_1279, %convert_element_type3A_1281 : vector<16xf32>
      %add3A_1283 = arith.constant 1 : i32
      %add3A_1284 = vector.broadcast %add3A_1283 : i32 to vector<16xi32>
      %add3A_1285 = arith.addi %convert_element_type3A_1280, %add3A_1284 : vector<16xi32>
      %select_n3A_1286 = arith.select %gt3A_1282, %add3A_1285, %convert_element_type3A_1280 : vector<16xi1>, vector<16xi32>
      %mul3A_1287 = arith.constant 4096 : i32
      %mul3A_1288 = vector.broadcast %mul3A_1287 : i32 to vector<16xi32>
      %mul3A_1289 = arith.muli %select_n3A_1286, %mul3A_1288 : vector<16xi32>
      %add3A_1290 = arith.constant 5.000000e-01 : f32
      %add3A_1291 = vector.broadcast %add3A_1290 : f32 to vector<16xf32>
      %add3A_1292 = arith.addf %sub3A_1256, %add3A_1291 : vector<16xf32>
      %mul3A_1293 = arith.constant 6.400000e+01 : f32
      %mul3A_1294 = vector.broadcast %mul3A_1293 : f32 to vector<16xf32>
      %mul3A_1295 = arith.mulf %add3A_1292, %mul3A_1294 : vector<16xf32>
      %sub3A_1296 = arith.constant 5.000000e-01 : f32
      %sub3A_1297 = vector.broadcast %sub3A_1296 : f32 to vector<16xf32>
      %sub3A_1298 = arith.subf %mul3A_1295, %sub3A_1297 : vector<16xf32>
      %convert_element_type3A_1299 = arith.fptosi %sub3A_1298 : vector<16xf32> to vector<16xi32>
      %convert_element_type3A_1300 = arith.sitofp %convert_element_type3A_1299 : vector<16xi32> to vector<16xf32>
      %gt3A_1301 = arith.cmpf ogt, %sub3A_1298, %convert_element_type3A_1300 : vector<16xf32>
      %add3A_1302 = arith.constant 1 : i32
      %add3A_1303 = vector.broadcast %add3A_1302 : i32 to vector<16xi32>
      %add3A_1304 = arith.addi %convert_element_type3A_1299, %add3A_1303 : vector<16xi32>
      %select_n3A_1305 = arith.select %gt3A_1301, %add3A_1304, %convert_element_type3A_1299 : vector<16xi1>, vector<16xi32>
      %mul3A_1306 = arith.constant 64 : i32
      %mul3A_1307 = vector.broadcast %mul3A_1306 : i32 to vector<16xi32>
      %mul3A_1308 = arith.muli %select_n3A_1305, %mul3A_1307 : vector<16xi32>
      %add3A_1309 = arith.addi %mul3A_1289, %mul3A_1308 : vector<16xi32>
      %add3A_1310 = arith.constant 5.000000e-01 : f32
      %add3A_1311 = vector.broadcast %add3A_1310 : f32 to vector<16xf32>
      %add3A_1312 = arith.addf %sub3A_1258, %add3A_1311 : vector<16xf32>
      %mul3A_1313 = arith.constant 6.400000e+01 : f32
      %mul3A_1314 = vector.broadcast %mul3A_1313 : f32 to vector<16xf32>
      %mul3A_1315 = arith.mulf %add3A_1312, %mul3A_1314 : vector<16xf32>
      %sub3A_1316 = arith.constant 5.000000e-01 : f32
      %sub3A_1317 = vector.broadcast %sub3A_1316 : f32 to vector<16xf32>
      %sub3A_1318 = arith.subf %mul3A_1315, %sub3A_1317 : vector<16xf32>
      %convert_element_type3A_1319 = arith.fptosi %sub3A_1318 : vector<16xf32> to vector<16xi32>
      %convert_element_type3A_1320 = arith.sitofp %convert_element_type3A_1319 : vector<16xi32> to vector<16xf32>
      %gt3A_1321 = arith.cmpf ogt, %sub3A_1318, %convert_element_type3A_1320 : vector<16xf32>
      %add3A_1322 = arith.constant 1 : i32
      %add3A_1323 = vector.broadcast %add3A_1322 : i32 to vector<16xi32>
      %add3A_1324 = arith.addi %convert_element_type3A_1319, %add3A_1323 : vector<16xi32>
      %select_n3A_1325 = arith.select %gt3A_1321, %add3A_1324, %convert_element_type3A_1319 : vector<16xi1>, vector<16xi32>
      %add3A_1326 = arith.addi %add3A_1309, %select_n3A_1325 : vector<16xi32>
      %max3A_1327 = arith.constant 0 : i32
      %max3A_1328 = vector.broadcast %max3A_1327 : i32 to vector<16xi32>
      %max3A_1329 = arith.maxsi %add3A_1326, %max3A_1328 : vector<16xi32>
      %min3A_1330 = arith.constant 262143 : i32
      %min3A_1331 = vector.broadcast %min3A_1330 : i32 to vector<16xi32>
      %min3A_1332 = arith.minsi %max3A_1329, %min3A_1331 : vector<16xi32>
      %add3A_1333 = vector.broadcast %mul3A_23 : i32 to vector<16xi32>
      %add3A_1334 = arith.addi %min3A_1332, %add3A_1333 : vector<16xi32>
      %swap3A_1335 = arith.index_cast %multiple_of3A_1236 : i32 to index
      %swap3A_1336 = tpu.vector_load %arg17[%swap3A_1335] {strides = array<i32>} : memref<8192xi32, #tpu.memory_space<vmem>>, vector<16xi32>,
      %swap3A_1337 = vector.shape_cast %swap3A_1336 : vector<16xi32> to vector<16xi32>
      %swap3A_1338 = vector.shape_cast %add3A_1334 : vector<16xi32> to vector<16xi32>
      tpu.vector_store %arg17[%swap3A_1335], %swap3A_1338 {strides = array<i32>} : memref<8192xi32, #tpu.memory_space<vmem>>, vector<16xi32>,
    }
    %scan3A_54 = arith.constant 512 : i32
    %dma_start3A = arith.constant 0 : i32
    %dma_start3A_55 = tpu.memref_slice %arg18[%dma_start3A] : memref<8192xf32, #tpu.memory_space<vmem>> -> memref<2048xf32, #tpu.memory_space<vmem>>
    %dma_start3A_56 = arith.constant 0 : i32
    %dma_start3A_57 = tpu.memref_slice %arg17[%dma_start3A_56] : memref<8192xi32, #tpu.memory_space<vmem>> -> memref<2048xi32, #tpu.memory_space<vmem>>
    %dma_start3A_58 = arith.constant 0 : i32
    %dma_start3A_59 = tpu.memref_slice %arg6[%dma_start3A_58] : memref<2097152xf32, #tpu.memory_space<hbm>> -> memref<2097152xf32, #tpu.memory_space<hbm>>
    tpu.enqueue_indirect_dma source(%dma_start3A_59 : memref<2097152xf32, #tpu.memory_space<hbm>>) target(%dma_start3A_55 : memref<2048xf32, #tpu.memory_space<vmem>>) offsets(%dma_start3A_57 : memref<2048xi32, #tpu.memory_space<vmem>>) semaphore(%arg24 : memref<!tpu.dma_semaphore, #tpu.memory_space<semaphore_mem>>)
    %dma_start3A_60 = arith.constant 0 : i32
    %dma_start3A_61 = tpu.memref_slice %arg19[%dma_start3A_60] : memref<8192xf32, #tpu.memory_space<vmem>> -> memref<2048xf32, #tpu.memory_space<vmem>>
    %dma_start3A_62 = arith.constant 0 : i32
    %dma_start3A_63 = tpu.memref_slice %arg17[%dma_start3A_62] : memref<8192xi32, #tpu.memory_space<vmem>> -> memref<2048xi32, #tpu.memory_space<vmem>>
    %dma_start3A_64 = arith.constant 0 : i32
    %dma_start3A_65 = tpu.memref_slice %arg7[%dma_start3A_64] : memref<2097152xf32, #tpu.memory_space<hbm>> -> memref<2097152xf32, #tpu.memory_space<hbm>>
    tpu.enqueue_indirect_dma source(%dma_start3A_65 : memref<2097152xf32, #tpu.memory_space<hbm>>) target(%dma_start3A_61 : memref<2048xf32, #tpu.memory_space<vmem>>) offsets(%dma_start3A_63 : memref<2048xi32, #tpu.memory_space<vmem>>) semaphore(%arg25 : memref<!tpu.dma_semaphore, #tpu.memory_space<semaphore_mem>>)
    %dma_start3A_66 = arith.constant 0 : i32
    %dma_start3A_67 = tpu.memref_slice %arg20[%dma_start3A_66] : memref<8192xf32, #tpu.memory_space<vmem>> -> memref<2048xf32, #tpu.memory_space<vmem>>
    %dma_start3A_68 = arith.constant 0 : i32
    %dma_start3A_69 = tpu.memref_slice %arg17[%dma_start3A_68] : memref<8192xi32, #tpu.memory_space<vmem>> -> memref<2048xi32, #tpu.memory_space<vmem>>
    %dma_start3A_70 = arith.constant 0 : i32
    %dma_start3A_71 = tpu.memref_slice %arg8[%dma_start3A_70] : memref<2097152xf32, #tpu.memory_space<hbm>> -> memref<2097152xf32, #tpu.memory_space<hbm>>
    tpu.enqueue_indirect_dma source(%dma_start3A_71 : memref<2097152xf32, #tpu.memory_space<hbm>>) target(%dma_start3A_67 : memref<2048xf32, #tpu.memory_space<vmem>>) offsets(%dma_start3A_69 : memref<2048xi32, #tpu.memory_space<vmem>>) semaphore(%arg26 : memref<!tpu.dma_semaphore, #tpu.memory_space<semaphore_mem>>)
    %dma_start3A_72 = arith.constant 0 : i32
    %dma_start3A_73 = tpu.memref_slice %arg21[%dma_start3A_72] : memref<8192xf32, #tpu.memory_space<vmem>> -> memref<2048xf32, #tpu.memory_space<vmem>>
    %dma_start3A_74 = arith.constant 0 : i32
    %dma_start3A_75 = tpu.memref_slice %arg17[%dma_start3A_74] : memref<8192xi32, #tpu.memory_space<vmem>> -> memref<2048xi32, #tpu.memory_space<vmem>>
    %dma_start3A_76 = arith.constant 0 : i32
    %dma_start3A_77 = tpu.memref_slice %arg9[%dma_start3A_76] : memref<2097152xf32, #tpu.memory_space<hbm>> -> memref<2097152xf32, #tpu.memory_space<hbm>>
    tpu.enqueue_indirect_dma source(%dma_start3A_77 : memref<2097152xf32, #tpu.memory_space<hbm>>) target(%dma_start3A_73 : memref<2048xf32, #tpu.memory_space<vmem>>) offsets(%dma_start3A_75 : memref<2048xi32, #tpu.memory_space<vmem>>) semaphore(%arg27 : memref<!tpu.dma_semaphore, #tpu.memory_space<semaphore_mem>>)
    %dma_start3A_78 = arith.constant 2048 : i32
    %dma_start3A_79 = tpu.memref_slice %arg18[%dma_start3A_78] : memref<8192xf32, #tpu.memory_space<vmem>> -> memref<2048xf32, #tpu.memory_space<vmem>>
    %dma_start3A_80 = arith.constant 2048 : i32
    %dma_start3A_81 = tpu.memref_slice %arg17[%dma_start3A_80] : memref<8192xi32, #tpu.memory_space<vmem>> -> memref<2048xi32, #tpu.memory_space<vmem>>
    %dma_start3A_82 = arith.constant 0 : i32
    %dma_start3A_83 = tpu.memref_slice %arg6[%dma_start3A_82] : memref<2097152xf32, #tpu.memory_space<hbm>> -> memref<2097152xf32, #tpu.memory_space<hbm>>
    tpu.enqueue_indirect_dma source(%dma_start3A_83 : memref<2097152xf32, #tpu.memory_space<hbm>>) target(%dma_start3A_79 : memref<2048xf32, #tpu.memory_space<vmem>>) offsets(%dma_start3A_81 : memref<2048xi32, #tpu.memory_space<vmem>>) semaphore(%arg24 : memref<!tpu.dma_semaphore, #tpu.memory_space<semaphore_mem>>)
    %dma_start3A_84 = arith.constant 2048 : i32
    %dma_start3A_85 = tpu.memref_slice %arg19[%dma_start3A_84] : memref<8192xf32, #tpu.memory_space<vmem>> -> memref<2048xf32, #tpu.memory_space<vmem>>
    %dma_start3A_86 = arith.constant 2048 : i32
    %dma_start3A_87 = tpu.memref_slice %arg17[%dma_start3A_86] : memref<8192xi32, #tpu.memory_space<vmem>> -> memref<2048xi32, #tpu.memory_space<vmem>>
    %dma_start3A_88 = arith.constant 0 : i32
    %dma_start3A_89 = tpu.memref_slice %arg7[%dma_start3A_88] : memref<2097152xf32, #tpu.memory_space<hbm>> -> memref<2097152xf32, #tpu.memory_space<hbm>>
    tpu.enqueue_indirect_dma source(%dma_start3A_89 : memref<2097152xf32, #tpu.memory_space<hbm>>) target(%dma_start3A_85 : memref<2048xf32, #tpu.memory_space<vmem>>) offsets(%dma_start3A_87 : memref<2048xi32, #tpu.memory_space<vmem>>) semaphore(%arg25 : memref<!tpu.dma_semaphore, #tpu.memory_space<semaphore_mem>>)
    %dma_start3A_90 = arith.constant 2048 : i32
    %dma_start3A_91 = tpu.memref_slice %arg20[%dma_start3A_90] : memref<8192xf32, #tpu.memory_space<vmem>> -> memref<2048xf32, #tpu.memory_space<vmem>>
    %dma_start3A_92 = arith.constant 2048 : i32
    %dma_start3A_93 = tpu.memref_slice %arg17[%dma_start3A_92] : memref<8192xi32, #tpu.memory_space<vmem>> -> memref<2048xi32, #tpu.memory_space<vmem>>
    %dma_start3A_94 = arith.constant 0 : i32
    %dma_start3A_95 = tpu.memref_slice %arg8[%dma_start3A_94] : memref<2097152xf32, #tpu.memory_space<hbm>> -> memref<2097152xf32, #tpu.memory_space<hbm>>
    tpu.enqueue_indirect_dma source(%dma_start3A_95 : memref<2097152xf32, #tpu.memory_space<hbm>>) target(%dma_start3A_91 : memref<2048xf32, #tpu.memory_space<vmem>>) offsets(%dma_start3A_93 : memref<2048xi32, #tpu.memory_space<vmem>>) semaphore(%arg26 : memref<!tpu.dma_semaphore, #tpu.memory_space<semaphore_mem>>)
    %dma_start3A_96 = arith.constant 2048 : i32
    %dma_start3A_97 = tpu.memref_slice %arg21[%dma_start3A_96] : memref<8192xf32, #tpu.memory_space<vmem>> -> memref<2048xf32, #tpu.memory_space<vmem>>
    %dma_start3A_98 = arith.constant 2048 : i32
    %dma_start3A_99 = tpu.memref_slice %arg17[%dma_start3A_98] : memref<8192xi32, #tpu.memory_space<vmem>> -> memref<2048xi32, #tpu.memory_space<vmem>>
    %dma_start3A_100 = arith.constant 0 : i32
    %dma_start3A_101 = tpu.memref_slice %arg9[%dma_start3A_100] : memref<2097152xf32, #tpu.memory_space<hbm>> -> memref<2097152xf32, #tpu.memory_space<hbm>>
    tpu.enqueue_indirect_dma source(%dma_start3A_101 : memref<2097152xf32, #tpu.memory_space<hbm>>) target(%dma_start3A_97 : memref<2048xf32, #tpu.memory_space<vmem>>) offsets(%dma_start3A_99 : memref<2048xi32, #tpu.memory_space<vmem>>) semaphore(%arg27 : memref<!tpu.dma_semaphore, #tpu.memory_space<semaphore_mem>>)
    %dma_start3A_102 = arith.constant 4096 : i32
    %dma_start3A_103 = tpu.memref_slice %arg18[%dma_start3A_102] : memref<8192xf32, #tpu.memory_space<vmem>> -> memref<2048xf32, #tpu.memory_space<vmem>>
    %dma_start3A_104 = arith.constant 4096 : i32
    %dma_start3A_105 = tpu.memref_slice %arg17[%dma_start3A_104] : memref<8192xi32, #tpu.memory_space<vmem>> -> memref<2048xi32, #tpu.memory_space<vmem>>
    %dma_start3A_106 = arith.constant 0 : i32
    %dma_start3A_107 = tpu.memref_slice %arg6[%dma_start3A_106] : memref<2097152xf32, #tpu.memory_space<hbm>> -> memref<2097152xf32, #tpu.memory_space<hbm>>
    tpu.enqueue_indirect_dma source(%dma_start3A_107 : memref<2097152xf32, #tpu.memory_space<hbm>>) target(%dma_start3A_103 : memref<2048xf32, #tpu.memory_space<vmem>>) offsets(%dma_start3A_105 : memref<2048xi32, #tpu.memory_space<vmem>>) semaphore(%arg24 : memref<!tpu.dma_semaphore, #tpu.memory_space<semaphore_mem>>)
    %dma_start3A_108 = arith.constant 4096 : i32
    %dma_start3A_109 = tpu.memref_slice %arg19[%dma_start3A_108] : memref<8192xf32, #tpu.memory_space<vmem>> -> memref<2048xf32, #tpu.memory_space<vmem>>
    %dma_start3A_110 = arith.constant 4096 : i32
    %dma_start3A_111 = tpu.memref_slice %arg17[%dma_start3A_110] : memref<8192xi32, #tpu.memory_space<vmem>> -> memref<2048xi32, #tpu.memory_space<vmem>>
    %dma_start3A_112 = arith.constant 0 : i32
    %dma_start3A_113 = tpu.memref_slice %arg7[%dma_start3A_112] : memref<2097152xf32, #tpu.memory_space<hbm>> -> memref<2097152xf32, #tpu.memory_space<hbm>>
    tpu.enqueue_indirect_dma source(%dma_start3A_113 : memref<2097152xf32, #tpu.memory_space<hbm>>) target(%dma_start3A_109 : memref<2048xf32, #tpu.memory_space<vmem>>) offsets(%dma_start3A_111 : memref<2048xi32, #tpu.memory_space<vmem>>) semaphore(%arg25 : memref<!tpu.dma_semaphore, #tpu.memory_space<semaphore_mem>>)
    %dma_start3A_114 = arith.constant 4096 : i32
    %dma_start3A_115 = tpu.memref_slice %arg20[%dma_start3A_114] : memref<8192xf32, #tpu.memory_space<vmem>> -> memref<2048xf32, #tpu.memory_space<vmem>>
    %dma_start3A_116 = arith.constant 4096 : i32
    %dma_start3A_117 = tpu.memref_slice %arg17[%dma_start3A_116] : memref<8192xi32, #tpu.memory_space<vmem>> -> memref<2048xi32, #tpu.memory_space<vmem>>
    %dma_start3A_118 = arith.constant 0 : i32
    %dma_start3A_119 = tpu.memref_slice %arg8[%dma_start3A_118] : memref<2097152xf32, #tpu.memory_space<hbm>> -> memref<2097152xf32, #tpu.memory_space<hbm>>
    tpu.enqueue_indirect_dma source(%dma_start3A_119 : memref<2097152xf32, #tpu.memory_space<hbm>>) target(%dma_start3A_115 : memref<2048xf32, #tpu.memory_space<vmem>>) offsets(%dma_start3A_117 : memref<2048xi32, #tpu.memory_space<vmem>>) semaphore(%arg26 : memref<!tpu.dma_semaphore, #tpu.memory_space<semaphore_mem>>)
    %dma_start3A_120 = arith.constant 4096 : i32
    %dma_start3A_121 = tpu.memref_slice %arg21[%dma_start3A_120] : memref<8192xf32, #tpu.memory_space<vmem>> -> memref<2048xf32, #tpu.memory_space<vmem>>
    %dma_start3A_122 = arith.constant 4096 : i32
    %dma_start3A_123 = tpu.memref_slice %arg17[%dma_start3A_122] : memref<8192xi32, #tpu.memory_space<vmem>> -> memref<2048xi32, #tpu.memory_space<vmem>>
    %dma_start3A_124 = arith.constant 0 : i32
    %dma_start3A_125 = tpu.memref_slice %arg9[%dma_start3A_124] : memref<2097152xf32, #tpu.memory_space<hbm>> -> memref<2097152xf32, #tpu.memory_space<hbm>>
    tpu.enqueue_indirect_dma source(%dma_start3A_125 : memref<2097152xf32, #tpu.memory_space<hbm>>) target(%dma_start3A_121 : memref<2048xf32, #tpu.memory_space<vmem>>) offsets(%dma_start3A_123 : memref<2048xi32, #tpu.memory_space<vmem>>) semaphore(%arg27 : memref<!tpu.dma_semaphore, #tpu.memory_space<semaphore_mem>>)
    %dma_start3A_126 = arith.constant 6144 : i32
    %dma_start3A_127 = tpu.memref_slice %arg18[%dma_start3A_126] : memref<8192xf32, #tpu.memory_space<vmem>> -> memref<2048xf32, #tpu.memory_space<vmem>>
    %dma_start3A_128 = arith.constant 6144 : i32
    %dma_start3A_129 = tpu.memref_slice %arg17[%dma_start3A_128] : memref<8192xi32, #tpu.memory_space<vmem>> -> memref<2048xi32, #tpu.memory_space<vmem>>
    %dma_start3A_130 = arith.constant 0 : i32
    %dma_start3A_131 = tpu.memref_slice %arg6[%dma_start3A_130] : memref<2097152xf32, #tpu.memory_space<hbm>> -> memref<2097152xf32, #tpu.memory_space<hbm>>
    tpu.enqueue_indirect_dma source(%dma_start3A_131 : memref<2097152xf32, #tpu.memory_space<hbm>>) target(%dma_start3A_127 : memref<2048xf32, #tpu.memory_space<vmem>>) offsets(%dma_start3A_129 : memref<2048xi32, #tpu.memory_space<vmem>>) semaphore(%arg24 : memref<!tpu.dma_semaphore, #tpu.memory_space<semaphore_mem>>)
    %dma_start3A_132 = arith.constant 6144 : i32
    %dma_start3A_133 = tpu.memref_slice %arg19[%dma_start3A_132] : memref<8192xf32, #tpu.memory_space<vmem>> -> memref<2048xf32, #tpu.memory_space<vmem>>
    %dma_start3A_134 = arith.constant 6144 : i32
    %dma_start3A_135 = tpu.memref_slice %arg17[%dma_start3A_134] : memref<8192xi32, #tpu.memory_space<vmem>> -> memref<2048xi32, #tpu.memory_space<vmem>>
    %dma_start3A_136 = arith.constant 0 : i32
    %dma_start3A_137 = tpu.memref_slice %arg7[%dma_start3A_136] : memref<2097152xf32, #tpu.memory_space<hbm>> -> memref<2097152xf32, #tpu.memory_space<hbm>>
    tpu.enqueue_indirect_dma source(%dma_start3A_137 : memref<2097152xf32, #tpu.memory_space<hbm>>) target(%dma_start3A_133 : memref<2048xf32, #tpu.memory_space<vmem>>) offsets(%dma_start3A_135 : memref<2048xi32, #tpu.memory_space<vmem>>) semaphore(%arg25 : memref<!tpu.dma_semaphore, #tpu.memory_space<semaphore_mem>>)
    %dma_start3A_138 = arith.constant 6144 : i32
    %dma_start3A_139 = tpu.memref_slice %arg20[%dma_start3A_138] : memref<8192xf32, #tpu.memory_space<vmem>> -> memref<2048xf32, #tpu.memory_space<vmem>>
    %dma_start3A_140 = arith.constant 6144 : i32
    %dma_start3A_141 = tpu.memref_slice %arg17[%dma_start3A_140] : memref<8192xi32, #tpu.memory_space<vmem>> -> memref<2048xi32, #tpu.memory_space<vmem>>
    %dma_start3A_142 = arith.constant 0 : i32
    %dma_start3A_143 = tpu.memref_slice %arg8[%dma_start3A_142] : memref<2097152xf32, #tpu.memory_space<hbm>> -> memref<2097152xf32, #tpu.memory_space<hbm>>
    tpu.enqueue_indirect_dma source(%dma_start3A_143 : memref<2097152xf32, #tpu.memory_space<hbm>>) target(%dma_start3A_139 : memref<2048xf32, #tpu.memory_space<vmem>>) offsets(%dma_start3A_141 : memref<2048xi32, #tpu.memory_space<vmem>>) semaphore(%arg26 : memref<!tpu.dma_semaphore, #tpu.memory_space<semaphore_mem>>)
    %dma_start3A_144 = arith.constant 6144 : i32
    %dma_start3A_145 = tpu.memref_slice %arg21[%dma_start3A_144] : memref<8192xf32, #tpu.memory_space<vmem>> -> memref<2048xf32, #tpu.memory_space<vmem>>
    %dma_start3A_146 = arith.constant 6144 : i32
    %dma_start3A_147 = tpu.memref_slice %arg17[%dma_start3A_146] : memref<8192xi32, #tpu.memory_space<vmem>> -> memref<2048xi32, #tpu.memory_space<vmem>>
    %dma_start3A_148 = arith.constant 0 : i32
    %dma_start3A_149 = tpu.memref_slice %arg9[%dma_start3A_148] : memref<2097152xf32, #tpu.memory_space<hbm>> -> memref<2097152xf32, #tpu.memory_space<hbm>>
    tpu.enqueue_indirect_dma source(%dma_start3A_149 : memref<2097152xf32, #tpu.memory_space<hbm>>) target(%dma_start3A_145 : memref<2048xf32, #tpu.memory_space<vmem>>) offsets(%dma_start3A_147 : memref<2048xi32, #tpu.memory_space<vmem>>) semaphore(%arg27 : memref<!tpu.dma_semaphore, #tpu.memory_space<semaphore_mem>>)
    %dma_wait3A = arith.constant 0 : i32
    %dma_wait3A_150 = tpu.memref_slice %arg18[%dma_wait3A] : memref<8192xf32, #tpu.memory_space<vmem>> -> memref<2048xf32, #tpu.memory_space<vmem>>
    %dma_wait3A_151 = arith.constant 0 : i32
    %dma_wait3A_152 = tpu.memref_slice %arg17[%dma_wait3A_151] : memref<8192xi32, #tpu.memory_space<vmem>> -> memref<2048xi32, #tpu.memory_space<vmem>>
    %dma_wait3A_153 = arith.constant 0 : i32
    %dma_wait3A_154 = tpu.memref_slice %arg6[%dma_wait3A_153] : memref<2097152xf32, #tpu.memory_space<hbm>> -> memref<2097152xf32, #tpu.memory_space<hbm>>
    tpu.wait_indirect_dma semaphore(%arg24 : memref<!tpu.dma_semaphore, #tpu.memory_space<semaphore_mem>>) src(%dma_wait3A_154 : memref<2097152xf32, #tpu.memory_space<hbm>>) dst(%dma_wait3A_150 : memref<2048xf32, #tpu.memory_space<vmem>>)
    %dma_wait3A_155 = arith.constant 0 : i32
    %dma_wait3A_156 = tpu.memref_slice %arg19[%dma_wait3A_155] : memref<8192xf32, #tpu.memory_space<vmem>> -> memref<2048xf32, #tpu.memory_space<vmem>>
    %dma_wait3A_157 = arith.constant 0 : i32
    %dma_wait3A_158 = tpu.memref_slice %arg17[%dma_wait3A_157] : memref<8192xi32, #tpu.memory_space<vmem>> -> memref<2048xi32, #tpu.memory_space<vmem>>
    %dma_wait3A_159 = arith.constant 0 : i32
    %dma_wait3A_160 = tpu.memref_slice %arg7[%dma_wait3A_159] : memref<2097152xf32, #tpu.memory_space<hbm>> -> memref<2097152xf32, #tpu.memory_space<hbm>>
    tpu.wait_indirect_dma semaphore(%arg25 : memref<!tpu.dma_semaphore, #tpu.memory_space<semaphore_mem>>) src(%dma_wait3A_160 : memref<2097152xf32, #tpu.memory_space<hbm>>) dst(%dma_wait3A_156 : memref<2048xf32, #tpu.memory_space<vmem>>)
    %dma_wait3A_161 = arith.constant 0 : i32
    %dma_wait3A_162 = tpu.memref_slice %arg20[%dma_wait3A_161] : memref<8192xf32, #tpu.memory_space<vmem>> -> memref<2048xf32, #tpu.memory_space<vmem>>
    %dma_wait3A_163 = arith.constant 0 : i32
    %dma_wait3A_164 = tpu.memref_slice %arg17[%dma_wait3A_163] : memref<8192xi32, #tpu.memory_space<vmem>> -> memref<2048xi32, #tpu.memory_space<vmem>>
    %dma_wait3A_165 = arith.constant 0 : i32
    %dma_wait3A_166 = tpu.memref_slice %arg8[%dma_wait3A_165] : memref<2097152xf32, #tpu.memory_space<hbm>> -> memref<2097152xf32, #tpu.memory_space<hbm>>
    tpu.wait_indirect_dma semaphore(%arg26 : memref<!tpu.dma_semaphore, #tpu.memory_space<semaphore_mem>>) src(%dma_wait3A_166 : memref<2097152xf32, #tpu.memory_space<hbm>>) dst(%dma_wait3A_162 : memref<2048xf32, #tpu.memory_space<vmem>>)
    %dma_wait3A_167 = arith.constant 0 : i32
    %dma_wait3A_168 = tpu.memref_slice %arg21[%dma_wait3A_167] : memref<8192xf32, #tpu.memory_space<vmem>> -> memref<2048xf32, #tpu.memory_space<vmem>>
    %dma_wait3A_169 = arith.constant 0 : i32
    %dma_wait3A_170 = tpu.memref_slice %arg17[%dma_wait3A_169] : memref<8192xi32, #tpu.memory_space<vmem>> -> memref<2048xi32, #tpu.memory_space<vmem>>
    %dma_wait3A_171 = arith.constant 0 : i32
    %dma_wait3A_172 = tpu.memref_slice %arg9[%dma_wait3A_171] : memref<2097152xf32, #tpu.memory_space<hbm>> -> memref<2097152xf32, #tpu.memory_space<hbm>>
    tpu.wait_indirect_dma semaphore(%arg27 : memref<!tpu.dma_semaphore, #tpu.memory_space<semaphore_mem>>) src(%dma_wait3A_172 : memref<2097152xf32, #tpu.memory_space<hbm>>) dst(%dma_wait3A_168 : memref<2048xf32, #tpu.memory_space<vmem>>)
    %dma_wait3A_173 = arith.constant 2048 : i32
    %dma_wait3A_174 = tpu.memref_slice %arg18[%dma_wait3A_173] : memref<8192xf32, #tpu.memory_space<vmem>> -> memref<2048xf32, #tpu.memory_space<vmem>>
    %dma_wait3A_175 = arith.constant 2048 : i32
    %dma_wait3A_176 = tpu.memref_slice %arg17[%dma_wait3A_175] : memref<8192xi32, #tpu.memory_space<vmem>> -> memref<2048xi32, #tpu.memory_space<vmem>>
    %dma_wait3A_177 = arith.constant 0 : i32
    %dma_wait3A_178 = tpu.memref_slice %arg6[%dma_wait3A_177] : memref<2097152xf32, #tpu.memory_space<hbm>> -> memref<2097152xf32, #tpu.memory_space<hbm>>
    tpu.wait_indirect_dma semaphore(%arg24 : memref<!tpu.dma_semaphore, #tpu.memory_space<semaphore_mem>>) src(%dma_wait3A_178 : memref<2097152xf32, #tpu.memory_space<hbm>>) dst(%dma_wait3A_174 : memref<2048xf32, #tpu.memory_space<vmem>>)
    %dma_wait3A_179 = arith.constant 2048 : i32
    %dma_wait3A_180 = tpu.memref_slice %arg19[%dma_wait3A_179] : memref<8192xf32, #tpu.memory_space<vmem>> -> memref<2048xf32, #tpu.memory_space<vmem>>
    %dma_wait3A_181 = arith.constant 2048 : i32
    %dma_wait3A_182 = tpu.memref_slice %arg17[%dma_wait3A_181] : memref<8192xi32, #tpu.memory_space<vmem>> -> memref<2048xi32, #tpu.memory_space<vmem>>
    %dma_wait3A_183 = arith.constant 0 : i32
    %dma_wait3A_184 = tpu.memref_slice %arg7[%dma_wait3A_183] : memref<2097152xf32, #tpu.memory_space<hbm>> -> memref<2097152xf32, #tpu.memory_space<hbm>>
    tpu.wait_indirect_dma semaphore(%arg25 : memref<!tpu.dma_semaphore, #tpu.memory_space<semaphore_mem>>) src(%dma_wait3A_184 : memref<2097152xf32, #tpu.memory_space<hbm>>) dst(%dma_wait3A_180 : memref<2048xf32, #tpu.memory_space<vmem>>)
    %dma_wait3A_185 = arith.constant 2048 : i32
    %dma_wait3A_186 = tpu.memref_slice %arg20[%dma_wait3A_185] : memref<8192xf32, #tpu.memory_space<vmem>> -> memref<2048xf32, #tpu.memory_space<vmem>>
    %dma_wait3A_187 = arith.constant 2048 : i32
    %dma_wait3A_188 = tpu.memref_slice %arg17[%dma_wait3A_187] : memref<8192xi32, #tpu.memory_space<vmem>> -> memref<2048xi32, #tpu.memory_space<vmem>>
    %dma_wait3A_189 = arith.constant 0 : i32
    %dma_wait3A_190 = tpu.memref_slice %arg8[%dma_wait3A_189] : memref<2097152xf32, #tpu.memory_space<hbm>> -> memref<2097152xf32, #tpu.memory_space<hbm>>
    tpu.wait_indirect_dma semaphore(%arg26 : memref<!tpu.dma_semaphore, #tpu.memory_space<semaphore_mem>>) src(%dma_wait3A_190 : memref<2097152xf32, #tpu.memory_space<hbm>>) dst(%dma_wait3A_186 : memref<2048xf32, #tpu.memory_space<vmem>>)
    %dma_wait3A_191 = arith.constant 2048 : i32
    %dma_wait3A_192 = tpu.memref_slice %arg21[%dma_wait3A_191] : memref<8192xf32, #tpu.memory_space<vmem>> -> memref<2048xf32, #tpu.memory_space<vmem>>
    %dma_wait3A_193 = arith.constant 2048 : i32
    %dma_wait3A_194 = tpu.memref_slice %arg17[%dma_wait3A_193] : memref<8192xi32, #tpu.memory_space<vmem>> -> memref<2048xi32, #tpu.memory_space<vmem>>
    %dma_wait3A_195 = arith.constant 0 : i32
    %dma_wait3A_196 = tpu.memref_slice %arg9[%dma_wait3A_195] : memref<2097152xf32, #tpu.memory_space<hbm>> -> memref<2097152xf32, #tpu.memory_space<hbm>>
    tpu.wait_indirect_dma semaphore(%arg27 : memref<!tpu.dma_semaphore, #tpu.memory_space<semaphore_mem>>) src(%dma_wait3A_196 : memref<2097152xf32, #tpu.memory_space<hbm>>) dst(%dma_wait3A_192 : memref<2048xf32, #tpu.memory_space<vmem>>)
    %dma_wait3A_197 = arith.constant 4096 : i32
    %dma_wait3A_198 = tpu.memref_slice %arg18[%dma_wait3A_197] : memref<8192xf32, #tpu.memory_space<vmem>> -> memref<2048xf32, #tpu.memory_space<vmem>>
    %dma_wait3A_199 = arith.constant 4096 : i32
    %dma_wait3A_200 = tpu.memref_slice %arg17[%dma_wait3A_199] : memref<8192xi32, #tpu.memory_space<vmem>> -> memref<2048xi32, #tpu.memory_space<vmem>>
    %dma_wait3A_201 = arith.constant 0 : i32
    %dma_wait3A_202 = tpu.memref_slice %arg6[%dma_wait3A_201] : memref<2097152xf32, #tpu.memory_space<hbm>> -> memref<2097152xf32, #tpu.memory_space<hbm>>
    tpu.wait_indirect_dma semaphore(%arg24 : memref<!tpu.dma_semaphore, #tpu.memory_space<semaphore_mem>>) src(%dma_wait3A_202 : memref<2097152xf32, #tpu.memory_space<hbm>>) dst(%dma_wait3A_198 : memref<2048xf32, #tpu.memory_space<vmem>>)
    %dma_wait3A_203 = arith.constant 4096 : i32
    %dma_wait3A_204 = tpu.memref_slice %arg19[%dma_wait3A_203] : memref<8192xf32, #tpu.memory_space<vmem>> -> memref<2048xf32, #tpu.memory_space<vmem>>
    %dma_wait3A_205 = arith.constant 4096 : i32
    %dma_wait3A_206 = tpu.memref_slice %arg17[%dma_wait3A_205] : memref<8192xi32, #tpu.memory_space<vmem>> -> memref<2048xi32, #tpu.memory_space<vmem>>
    %dma_wait3A_207 = arith.constant 0 : i32
    %dma_wait3A_208 = tpu.memref_slice %arg7[%dma_wait3A_207] : memref<2097152xf32, #tpu.memory_space<hbm>> -> memref<2097152xf32, #tpu.memory_space<hbm>>
    tpu.wait_indirect_dma semaphore(%arg25 : memref<!tpu.dma_semaphore, #tpu.memory_space<semaphore_mem>>) src(%dma_wait3A_208 : memref<2097152xf32, #tpu.memory_space<hbm>>) dst(%dma_wait3A_204 : memref<2048xf32, #tpu.memory_space<vmem>>)
    %dma_wait3A_209 = arith.constant 4096 : i32
    %dma_wait3A_210 = tpu.memref_slice %arg20[%dma_wait3A_209] : memref<8192xf32, #tpu.memory_space<vmem>> -> memref<2048xf32, #tpu.memory_space<vmem>>
    %dma_wait3A_211 = arith.constant 4096 : i32
    %dma_wait3A_212 = tpu.memref_slice %arg17[%dma_wait3A_211] : memref<8192xi32, #tpu.memory_space<vmem>> -> memref<2048xi32, #tpu.memory_space<vmem>>
    %dma_wait3A_213 = arith.constant 0 : i32
    %dma_wait3A_214 = tpu.memref_slice %arg8[%dma_wait3A_213] : memref<2097152xf32, #tpu.memory_space<hbm>> -> memref<2097152xf32, #tpu.memory_space<hbm>>
    tpu.wait_indirect_dma semaphore(%arg26 : memref<!tpu.dma_semaphore, #tpu.memory_space<semaphore_mem>>) src(%dma_wait3A_214 : memref<2097152xf32, #tpu.memory_space<hbm>>) dst(%dma_wait3A_210 : memref<2048xf32, #tpu.memory_space<vmem>>)
    %dma_wait3A_215 = arith.constant 4096 : i32
    %dma_wait3A_216 = tpu.memref_slice %arg21[%dma_wait3A_215] : memref<8192xf32, #tpu.memory_space<vmem>> -> memref<2048xf32, #tpu.memory_space<vmem>>
    %dma_wait3A_217 = arith.constant 4096 : i32
    %dma_wait3A_218 = tpu.memref_slice %arg17[%dma_wait3A_217] : memref<8192xi32, #tpu.memory_space<vmem>> -> memref<2048xi32, #tpu.memory_space<vmem>>
    %dma_wait3A_219 = arith.constant 0 : i32
    %dma_wait3A_220 = tpu.memref_slice %arg9[%dma_wait3A_219] : memref<2097152xf32, #tpu.memory_space<hbm>> -> memref<2097152xf32, #tpu.memory_space<hbm>>
    tpu.wait_indirect_dma semaphore(%arg27 : memref<!tpu.dma_semaphore, #tpu.memory_space<semaphore_mem>>) src(%dma_wait3A_220 : memref<2097152xf32, #tpu.memory_space<hbm>>) dst(%dma_wait3A_216 : memref<2048xf32, #tpu.memory_space<vmem>>)
    %dma_wait3A_221 = arith.constant 6144 : i32
    %dma_wait3A_222 = tpu.memref_slice %arg18[%dma_wait3A_221] : memref<8192xf32, #tpu.memory_space<vmem>> -> memref<2048xf32, #tpu.memory_space<vmem>>
    %dma_wait3A_223 = arith.constant 6144 : i32
    %dma_wait3A_224 = tpu.memref_slice %arg17[%dma_wait3A_223] : memref<8192xi32, #tpu.memory_space<vmem>> -> memref<2048xi32, #tpu.memory_space<vmem>>
    %dma_wait3A_225 = arith.constant 0 : i32
    %dma_wait3A_226 = tpu.memref_slice %arg6[%dma_wait3A_225] : memref<2097152xf32, #tpu.memory_space<hbm>> -> memref<2097152xf32, #tpu.memory_space<hbm>>
    tpu.wait_indirect_dma semaphore(%arg24 : memref<!tpu.dma_semaphore, #tpu.memory_space<semaphore_mem>>) src(%dma_wait3A_226 : memref<2097152xf32, #tpu.memory_space<hbm>>) dst(%dma_wait3A_222 : memref<2048xf32, #tpu.memory_space<vmem>>)
    %dma_wait3A_227 = arith.constant 6144 : i32
    %dma_wait3A_228 = tpu.memref_slice %arg19[%dma_wait3A_227] : memref<8192xf32, #tpu.memory_space<vmem>> -> memref<2048xf32, #tpu.memory_space<vmem>>
    %dma_wait3A_229 = arith.constant 6144 : i32
    %dma_wait3A_230 = tpu.memref_slice %arg17[%dma_wait3A_229] : memref<8192xi32, #tpu.memory_space<vmem>> -> memref<2048xi32, #tpu.memory_space<vmem>>
    %dma_wait3A_231 = arith.constant 0 : i32
    %dma_wait3A_232 = tpu.memref_slice %arg7[%dma_wait3A_231] : memref<2097152xf32, #tpu.memory_space<hbm>> -> memref<2097152xf32, #tpu.memory_space<hbm>>
    tpu.wait_indirect_dma semaphore(%arg25 : memref<!tpu.dma_semaphore, #tpu.memory_space<semaphore_mem>>) src(%dma_wait3A_232 : memref<2097152xf32, #tpu.memory_space<hbm>>) dst(%dma_wait3A_228 : memref<2048xf32, #tpu.memory_space<vmem>>)
    %dma_wait3A_233 = arith.constant 6144 : i32
    %dma_wait3A_234 = tpu.memref_slice %arg20[%dma_wait3A_233] : memref<8192xf32, #tpu.memory_space<vmem>> -> memref<2048xf32, #tpu.memory_space<vmem>>
    %dma_wait3A_235 = arith.constant 6144 : i32
    %dma_wait3A_236 = tpu.memref_slice %arg17[%dma_wait3A_235] : memref<8192xi32, #tpu.memory_space<vmem>> -> memref<2048xi32, #tpu.memory_space<vmem>>
    %dma_wait3A_237 = arith.constant 0 : i32
    %dma_wait3A_238 = tpu.memref_slice %arg8[%dma_wait3A_237] : memref<2097152xf32, #tpu.memory_space<hbm>> -> memref<2097152xf32, #tpu.memory_space<hbm>>
    tpu.wait_indirect_dma semaphore(%arg26 : memref<!tpu.dma_semaphore, #tpu.memory_space<semaphore_mem>>) src(%dma_wait3A_238 : memref<2097152xf32, #tpu.memory_space<hbm>>) dst(%dma_wait3A_234 : memref<2048xf32, #tpu.memory_space<vmem>>)
    %dma_wait3A_239 = arith.constant 6144 : i32
    %dma_wait3A_240 = tpu.memref_slice %arg21[%dma_wait3A_239] : memref<8192xf32, #tpu.memory_space<vmem>> -> memref<2048xf32, #tpu.memory_space<vmem>>
    %dma_wait3A_241 = arith.constant 6144 : i32
    %dma_wait3A_242 = tpu.memref_slice %arg17[%dma_wait3A_241] : memref<8192xi32, #tpu.memory_space<vmem>> -> memref<2048xi32, #tpu.memory_space<vmem>>
    %dma_wait3A_243 = arith.constant 0 : i32
    %dma_wait3A_244 = tpu.memref_slice %arg9[%dma_wait3A_243] : memref<2097152xf32, #tpu.memory_space<hbm>> -> memref<2097152xf32, #tpu.memory_space<hbm>>
    tpu.wait_indirect_dma semaphore(%arg27 : memref<!tpu.dma_semaphore, #tpu.memory_space<semaphore_mem>>) src(%dma_wait3A_244 : memref<2097152xf32, #tpu.memory_space<hbm>>) dst(%dma_wait3A_240 : memref<2048xf32, #tpu.memory_space<vmem>>)
    %scan3A_245 = arith.constant 0 : i32
    %scan3A_246 = arith.constant 512 : i32
    %scan3A_247 = arith.addi %scan3A_245, %scan3A_246 : i32
    %scan3A_248 = arith.constant 8 : i32
    %scan3A_249 = scf.for %scan3A_488 = %scan3A_245 to %scan3A_247 step %scan3A_248 iter_args(%scan3A_489 = %broadcast_in_dim3A_21) -> (vector<16xf32>)  : i32 {
      %mul3A_490 = arith.constant 16 : i32
      %mul3A_491 = arith.muli %scan3A_488, %mul3A_490 : i32
      %multiple_of3A_492 = tpu.assume_multiple %mul3A_491, 16 : i32
      %get3A_493 = arith.index_cast %multiple_of3A_492 : i32 to index
      %get3A_494 = tpu.vector_load %arg14[%get3A_493] {strides = array<i32>} : memref<8192xf32, #tpu.memory_space<vmem>>, vector<16xf32>,
      %get3A_495 = vector.shape_cast %get3A_494 : vector<16xf32> to vector<16xf32>
      %get3A_496 = arith.index_cast %multiple_of3A_492 : i32 to index
      %get3A_497 = tpu.vector_load %arg18[%get3A_496] {strides = array<i32>} : memref<8192xf32, #tpu.memory_space<vmem>>, vector<16xf32>,
      %get3A_498 = vector.shape_cast %get3A_497 : vector<16xf32> to vector<16xf32>
      %sub3A_499 = arith.subf %get3A_495, %get3A_498 : vector<16xf32>
      %get3A_500 = arith.index_cast %multiple_of3A_492 : i32 to index
      %get3A_501 = tpu.vector_load %arg15[%get3A_500] {strides = array<i32>} : memref<8192xf32, #tpu.memory_space<vmem>>, vector<16xf32>,
      %get3A_502 = vector.shape_cast %get3A_501 : vector<16xf32> to vector<16xf32>
      %get3A_503 = arith.index_cast %multiple_of3A_492 : i32 to index
      %get3A_504 = tpu.vector_load %arg19[%get3A_503] {strides = array<i32>} : memref<8192xf32, #tpu.memory_space<vmem>>, vector<16xf32>,
      %get3A_505 = vector.shape_cast %get3A_504 : vector<16xf32> to vector<16xf32>
      %sub3A_506 = arith.subf %get3A_502, %get3A_505 : vector<16xf32>
      %get3A_507 = arith.index_cast %multiple_of3A_492 : i32 to index
      %get3A_508 = tpu.vector_load %arg16[%get3A_507] {strides = array<i32>} : memref<8192xf32, #tpu.memory_space<vmem>>, vector<16xf32>,
      %get3A_509 = vector.shape_cast %get3A_508 : vector<16xf32> to vector<16xf32>
      %get3A_510 = arith.index_cast %multiple_of3A_492 : i32 to index
      %get3A_511 = tpu.vector_load %arg20[%get3A_510] {strides = array<i32>} : memref<8192xf32, #tpu.memory_space<vmem>>, vector<16xf32>,
      %get3A_512 = vector.shape_cast %get3A_511 : vector<16xf32> to vector<16xf32>
      %sub3A_513 = arith.subf %get3A_509, %get3A_512 : vector<16xf32>
      %get3A_514 = arith.index_cast %multiple_of3A_492 : i32 to index
      %get3A_515 = tpu.vector_load %arg21[%get3A_514] {strides = array<i32>} : memref<8192xf32, #tpu.memory_space<vmem>>, vector<16xf32>,
      %get3A_516 = vector.shape_cast %get3A_515 : vector<16xf32> to vector<16xf32>
      %mul3A_517 = arith.mulf %sub3A_499, %sub3A_499 : vector<16xf32>
      %mul3A_518 = arith.mulf %sub3A_506, %sub3A_506 : vector<16xf32>
      %add3A_519 = arith.addf %mul3A_517, %mul3A_518 : vector<16xf32>
      %mul3A_520 = arith.mulf %sub3A_513, %sub3A_513 : vector<16xf32>
      %add3A_521 = arith.addf %add3A_519, %mul3A_520 : vector<16xf32>
      %mul3A_522 = arith.mulf %get3A_516, %add3A_521 : vector<16xf32>
      %add3A_523 = arith.addf %scan3A_489, %mul3A_522 : vector<16xf32>
      %scan3A_524 = arith.constant 1 : i32
      %scan3A_525 = arith.addi %scan3A_488, %scan3A_524 : i32
      %mul3A_526 = arith.constant 16 : i32
      %mul3A_527 = arith.muli %scan3A_525, %mul3A_526 : i32
      %multiple_of3A_528 = tpu.assume_multiple %mul3A_527, 16 : i32
      %get3A_529 = arith.index_cast %multiple_of3A_528 : i32 to index
      %get3A_530 = tpu.vector_load %arg14[%get3A_529] {strides = array<i32>} : memref<8192xf32, #tpu.memory_space<vmem>>, vector<16xf32>,
      %get3A_531 = vector.shape_cast %get3A_530 : vector<16xf32> to vector<16xf32>
      %get3A_532 = arith.index_cast %multiple_of3A_528 : i32 to index
      %get3A_533 = tpu.vector_load %arg18[%get3A_532] {strides = array<i32>} : memref<8192xf32, #tpu.memory_space<vmem>>, vector<16xf32>,
      %get3A_534 = vector.shape_cast %get3A_533 : vector<16xf32> to vector<16xf32>
      %sub3A_535 = arith.subf %get3A_531, %get3A_534 : vector<16xf32>
      %get3A_536 = arith.index_cast %multiple_of3A_528 : i32 to index
      %get3A_537 = tpu.vector_load %arg15[%get3A_536] {strides = array<i32>} : memref<8192xf32, #tpu.memory_space<vmem>>, vector<16xf32>,
      %get3A_538 = vector.shape_cast %get3A_537 : vector<16xf32> to vector<16xf32>
      %get3A_539 = arith.index_cast %multiple_of3A_528 : i32 to index
      %get3A_540 = tpu.vector_load %arg19[%get3A_539] {strides = array<i32>} : memref<8192xf32, #tpu.memory_space<vmem>>, vector<16xf32>,
      %get3A_541 = vector.shape_cast %get3A_540 : vector<16xf32> to vector<16xf32>
      %sub3A_542 = arith.subf %get3A_538, %get3A_541 : vector<16xf32>
      %get3A_543 = arith.index_cast %multiple_of3A_528 : i32 to index
      %get3A_544 = tpu.vector_load %arg16[%get3A_543] {strides = array<i32>} : memref<8192xf32, #tpu.memory_space<vmem>>, vector<16xf32>,
      %get3A_545 = vector.shape_cast %get3A_544 : vector<16xf32> to vector<16xf32>
      %get3A_546 = arith.index_cast %multiple_of3A_528 : i32 to index
      %get3A_547 = tpu.vector_load %arg20[%get3A_546] {strides = array<i32>} : memref<8192xf32, #tpu.memory_space<vmem>>, vector<16xf32>,
      %get3A_548 = vector.shape_cast %get3A_547 : vector<16xf32> to vector<16xf32>
      %sub3A_549 = arith.subf %get3A_545, %get3A_548 : vector<16xf32>
      %get3A_550 = arith.index_cast %multiple_of3A_528 : i32 to index
      %get3A_551 = tpu.vector_load %arg21[%get3A_550] {strides = array<i32>} : memref<8192xf32, #tpu.memory_space<vmem>>, vector<16xf32>,
      %get3A_552 = vector.shape_cast %get3A_551 : vector<16xf32> to vector<16xf32>
      %mul3A_553 = arith.mulf %sub3A_535, %sub3A_535 : vector<16xf32>
      %mul3A_554 = arith.mulf %sub3A_542, %sub3A_542 : vector<16xf32>
      %add3A_555 = arith.addf %mul3A_553, %mul3A_554 : vector<16xf32>
      %mul3A_556 = arith.mulf %sub3A_549, %sub3A_549 : vector<16xf32>
      %add3A_557 = arith.addf %add3A_555, %mul3A_556 : vector<16xf32>
      %mul3A_558 = arith.mulf %get3A_552, %add3A_557 : vector<16xf32>
      %add3A_559 = arith.addf %add3A_523, %mul3A_558 : vector<16xf32>
      %scan3A_560 = arith.constant 2 : i32
      %scan3A_561 = arith.addi %scan3A_488, %scan3A_560 : i32
      %mul3A_562 = arith.constant 16 : i32
      %mul3A_563 = arith.muli %scan3A_561, %mul3A_562 : i32
      %multiple_of3A_564 = tpu.assume_multiple %mul3A_563, 16 : i32
      %get3A_565 = arith.index_cast %multiple_of3A_564 : i32 to index
      %get3A_566 = tpu.vector_load %arg14[%get3A_565] {strides = array<i32>} : memref<8192xf32, #tpu.memory_space<vmem>>, vector<16xf32>,
      %get3A_567 = vector.shape_cast %get3A_566 : vector<16xf32> to vector<16xf32>
      %get3A_568 = arith.index_cast %multiple_of3A_564 : i32 to index
      %get3A_569 = tpu.vector_load %arg18[%get3A_568] {strides = array<i32>} : memref<8192xf32, #tpu.memory_space<vmem>>, vector<16xf32>,
      %get3A_570 = vector.shape_cast %get3A_569 : vector<16xf32> to vector<16xf32>
      %sub3A_571 = arith.subf %get3A_567, %get3A_570 : vector<16xf32>
      %get3A_572 = arith.index_cast %multiple_of3A_564 : i32 to index
      %get3A_573 = tpu.vector_load %arg15[%get3A_572] {strides = array<i32>} : memref<8192xf32, #tpu.memory_space<vmem>>, vector<16xf32>,
      %get3A_574 = vector.shape_cast %get3A_573 : vector<16xf32> to vector<16xf32>
      %get3A_575 = arith.index_cast %multiple_of3A_564 : i32 to index
      %get3A_576 = tpu.vector_load %arg19[%get3A_575] {strides = array<i32>} : memref<8192xf32, #tpu.memory_space<vmem>>, vector<16xf32>,
      %get3A_577 = vector.shape_cast %get3A_576 : vector<16xf32> to vector<16xf32>
      %sub3A_578 = arith.subf %get3A_574, %get3A_577 : vector<16xf32>
      %get3A_579 = arith.index_cast %multiple_of3A_564 : i32 to index
      %get3A_580 = tpu.vector_load %arg16[%get3A_579] {strides = array<i32>} : memref<8192xf32, #tpu.memory_space<vmem>>, vector<16xf32>,
      %get3A_581 = vector.shape_cast %get3A_580 : vector<16xf32> to vector<16xf32>
      %get3A_582 = arith.index_cast %multiple_of3A_564 : i32 to index
      %get3A_583 = tpu.vector_load %arg20[%get3A_582] {strides = array<i32>} : memref<8192xf32, #tpu.memory_space<vmem>>, vector<16xf32>,
      %get3A_584 = vector.shape_cast %get3A_583 : vector<16xf32> to vector<16xf32>
      %sub3A_585 = arith.subf %get3A_581, %get3A_584 : vector<16xf32>
      %get3A_586 = arith.index_cast %multiple_of3A_564 : i32 to index
      %get3A_587 = tpu.vector_load %arg21[%get3A_586] {strides = array<i32>} : memref<8192xf32, #tpu.memory_space<vmem>>, vector<16xf32>,
      %get3A_588 = vector.shape_cast %get3A_587 : vector<16xf32> to vector<16xf32>
      %mul3A_589 = arith.mulf %sub3A_571, %sub3A_571 : vector<16xf32>
      %mul3A_590 = arith.mulf %sub3A_578, %sub3A_578 : vector<16xf32>
      %add3A_591 = arith.addf %mul3A_589, %mul3A_590 : vector<16xf32>
      %mul3A_592 = arith.mulf %sub3A_585, %sub3A_585 : vector<16xf32>
      %add3A_593 = arith.addf %add3A_591, %mul3A_592 : vector<16xf32>
      %mul3A_594 = arith.mulf %get3A_588, %add3A_593 : vector<16xf32>
      %add3A_595 = arith.addf %add3A_559, %mul3A_594 : vector<16xf32>
      %scan3A_596 = arith.constant 3 : i32
      %scan3A_597 = arith.addi %scan3A_488, %scan3A_596 : i32
      %mul3A_598 = arith.constant 16 : i32
      %mul3A_599 = arith.muli %scan3A_597, %mul3A_598 : i32
      %multiple_of3A_600 = tpu.assume_multiple %mul3A_599, 16 : i32
      %get3A_601 = arith.index_cast %multiple_of3A_600 : i32 to index
      %get3A_602 = tpu.vector_load %arg14[%get3A_601] {strides = array<i32>} : memref<8192xf32, #tpu.memory_space<vmem>>, vector<16xf32>,
      %get3A_603 = vector.shape_cast %get3A_602 : vector<16xf32> to vector<16xf32>
      %get3A_604 = arith.index_cast %multiple_of3A_600 : i32 to index
      %get3A_605 = tpu.vector_load %arg18[%get3A_604] {strides = array<i32>} : memref<8192xf32, #tpu.memory_space<vmem>>, vector<16xf32>,
      %get3A_606 = vector.shape_cast %get3A_605 : vector<16xf32> to vector<16xf32>
      %sub3A_607 = arith.subf %get3A_603, %get3A_606 : vector<16xf32>
      %get3A_608 = arith.index_cast %multiple_of3A_600 : i32 to index
      %get3A_609 = tpu.vector_load %arg15[%get3A_608] {strides = array<i32>} : memref<8192xf32, #tpu.memory_space<vmem>>, vector<16xf32>,
      %get3A_610 = vector.shape_cast %get3A_609 : vector<16xf32> to vector<16xf32>
      %get3A_611 = arith.index_cast %multiple_of3A_600 : i32 to index
      %get3A_612 = tpu.vector_load %arg19[%get3A_611] {strides = array<i32>} : memref<8192xf32, #tpu.memory_space<vmem>>, vector<16xf32>,
      %get3A_613 = vector.shape_cast %get3A_612 : vector<16xf32> to vector<16xf32>
      %sub3A_614 = arith.subf %get3A_610, %get3A_613 : vector<16xf32>
      %get3A_615 = arith.index_cast %multiple_of3A_600 : i32 to index
      %get3A_616 = tpu.vector_load %arg16[%get3A_615] {strides = array<i32>} : memref<8192xf32, #tpu.memory_space<vmem>>, vector<16xf32>,
      %get3A_617 = vector.shape_cast %get3A_616 : vector<16xf32> to vector<16xf32>
      %get3A_618 = arith.index_cast %multiple_of3A_600 : i32 to index
      %get3A_619 = tpu.vector_load %arg20[%get3A_618] {strides = array<i32>} : memref<8192xf32, #tpu.memory_space<vmem>>, vector<16xf32>,
      %get3A_620 = vector.shape_cast %get3A_619 : vector<16xf32> to vector<16xf32>
      %sub3A_621 = arith.subf %get3A_617, %get3A_620 : vector<16xf32>
      %get3A_622 = arith.index_cast %multiple_of3A_600 : i32 to index
      %get3A_623 = tpu.vector_load %arg21[%get3A_622] {strides = array<i32>} : memref<8192xf32, #tpu.memory_space<vmem>>, vector<16xf32>,
      %get3A_624 = vector.shape_cast %get3A_623 : vector<16xf32> to vector<16xf32>
      %mul3A_625 = arith.mulf %sub3A_607, %sub3A_607 : vector<16xf32>
      %mul3A_626 = arith.mulf %sub3A_614, %sub3A_614 : vector<16xf32>
      %add3A_627 = arith.addf %mul3A_625, %mul3A_626 : vector<16xf32>
      %mul3A_628 = arith.mulf %sub3A_621, %sub3A_621 : vector<16xf32>
      %add3A_629 = arith.addf %add3A_627, %mul3A_628 : vector<16xf32>
      %mul3A_630 = arith.mulf %get3A_624, %add3A_629 : vector<16xf32>
      %add3A_631 = arith.addf %add3A_595, %mul3A_630 : vector<16xf32>
      %scan3A_632 = arith.constant 4 : i32
      %scan3A_633 = arith.addi %scan3A_488, %scan3A_632 : i32
      %mul3A_634 = arith.constant 16 : i32
      %mul3A_635 = arith.muli %scan3A_633, %mul3A_634 : i32
      %multiple_of3A_636 = tpu.assume_multiple %mul3A_635, 16 : i32
      %get3A_637 = arith.index_cast %multiple_of3A_636 : i32 to index
      %get3A_638 = tpu.vector_load %arg14[%get3A_637] {strides = array<i32>} : memref<8192xf32, #tpu.memory_space<vmem>>, vector<16xf32>,
      %get3A_639 = vector.shape_cast %get3A_638 : vector<16xf32> to vector<16xf32>
      %get3A_640 = arith.index_cast %multiple_of3A_636 : i32 to index
      %get3A_641 = tpu.vector_load %arg18[%get3A_640] {strides = array<i32>} : memref<8192xf32, #tpu.memory_space<vmem>>, vector<16xf32>,
      %get3A_642 = vector.shape_cast %get3A_641 : vector<16xf32> to vector<16xf32>
      %sub3A_643 = arith.subf %get3A_639, %get3A_642 : vector<16xf32>
      %get3A_644 = arith.index_cast %multiple_of3A_636 : i32 to index
      %get3A_645 = tpu.vector_load %arg15[%get3A_644] {strides = array<i32>} : memref<8192xf32, #tpu.memory_space<vmem>>, vector<16xf32>,
      %get3A_646 = vector.shape_cast %get3A_645 : vector<16xf32> to vector<16xf32>
      %get3A_647 = arith.index_cast %multiple_of3A_636 : i32 to index
      %get3A_648 = tpu.vector_load %arg19[%get3A_647] {strides = array<i32>} : memref<8192xf32, #tpu.memory_space<vmem>>, vector<16xf32>,
      %get3A_649 = vector.shape_cast %get3A_648 : vector<16xf32> to vector<16xf32>
      %sub3A_650 = arith.subf %get3A_646, %get3A_649 : vector<16xf32>
      %get3A_651 = arith.index_cast %multiple_of3A_636 : i32 to index
      %get3A_652 = tpu.vector_load %arg16[%get3A_651] {strides = array<i32>} : memref<8192xf32, #tpu.memory_space<vmem>>, vector<16xf32>,
      %get3A_653 = vector.shape_cast %get3A_652 : vector<16xf32> to vector<16xf32>
      %get3A_654 = arith.index_cast %multiple_of3A_636 : i32 to index
      %get3A_655 = tpu.vector_load %arg20[%get3A_654] {strides = array<i32>} : memref<8192xf32, #tpu.memory_space<vmem>>, vector<16xf32>,
      %get3A_656 = vector.shape_cast %get3A_655 : vector<16xf32> to vector<16xf32>
      %sub3A_657 = arith.subf %get3A_653, %get3A_656 : vector<16xf32>
      %get3A_658 = arith.index_cast %multiple_of3A_636 : i32 to index
      %get3A_659 = tpu.vector_load %arg21[%get3A_658] {strides = array<i32>} : memref<8192xf32, #tpu.memory_space<vmem>>, vector<16xf32>,
      %get3A_660 = vector.shape_cast %get3A_659 : vector<16xf32> to vector<16xf32>
      %mul3A_661 = arith.mulf %sub3A_643, %sub3A_643 : vector<16xf32>
      %mul3A_662 = arith.mulf %sub3A_650, %sub3A_650 : vector<16xf32>
      %add3A_663 = arith.addf %mul3A_661, %mul3A_662 : vector<16xf32>
      %mul3A_664 = arith.mulf %sub3A_657, %sub3A_657 : vector<16xf32>
      %add3A_665 = arith.addf %add3A_663, %mul3A_664 : vector<16xf32>
      %mul3A_666 = arith.mulf %get3A_660, %add3A_665 : vector<16xf32>
      %add3A_667 = arith.addf %add3A_631, %mul3A_666 : vector<16xf32>
      %scan3A_668 = arith.constant 5 : i32
      %scan3A_669 = arith.addi %scan3A_488, %scan3A_668 : i32
      %mul3A_670 = arith.constant 16 : i32
      %mul3A_671 = arith.muli %scan3A_669, %mul3A_670 : i32
      %multiple_of3A_672 = tpu.assume_multiple %mul3A_671, 16 : i32
      %get3A_673 = arith.index_cast %multiple_of3A_672 : i32 to index
      %get3A_674 = tpu.vector_load %arg14[%get3A_673] {strides = array<i32>} : memref<8192xf32, #tpu.memory_space<vmem>>, vector<16xf32>,
      %get3A_675 = vector.shape_cast %get3A_674 : vector<16xf32> to vector<16xf32>
      %get3A_676 = arith.index_cast %multiple_of3A_672 : i32 to index
      %get3A_677 = tpu.vector_load %arg18[%get3A_676] {strides = array<i32>} : memref<8192xf32, #tpu.memory_space<vmem>>, vector<16xf32>,
      %get3A_678 = vector.shape_cast %get3A_677 : vector<16xf32> to vector<16xf32>
      %sub3A_679 = arith.subf %get3A_675, %get3A_678 : vector<16xf32>
      %get3A_680 = arith.index_cast %multiple_of3A_672 : i32 to index
      %get3A_681 = tpu.vector_load %arg15[%get3A_680] {strides = array<i32>} : memref<8192xf32, #tpu.memory_space<vmem>>, vector<16xf32>,
      %get3A_682 = vector.shape_cast %get3A_681 : vector<16xf32> to vector<16xf32>
      %get3A_683 = arith.index_cast %multiple_of3A_672 : i32 to index
      %get3A_684 = tpu.vector_load %arg19[%get3A_683] {strides = array<i32>} : memref<8192xf32, #tpu.memory_space<vmem>>, vector<16xf32>,
      %get3A_685 = vector.shape_cast %get3A_684 : vector<16xf32> to vector<16xf32>
      %sub3A_686 = arith.subf %get3A_682, %get3A_685 : vector<16xf32>
      %get3A_687 = arith.index_cast %multiple_of3A_672 : i32 to index
      %get3A_688 = tpu.vector_load %arg16[%get3A_687] {strides = array<i32>} : memref<8192xf32, #tpu.memory_space<vmem>>, vector<16xf32>,
      %get3A_689 = vector.shape_cast %get3A_688 : vector<16xf32> to vector<16xf32>
      %get3A_690 = arith.index_cast %multiple_of3A_672 : i32 to index
      %get3A_691 = tpu.vector_load %arg20[%get3A_690] {strides = array<i32>} : memref<8192xf32, #tpu.memory_space<vmem>>, vector<16xf32>,
      %get3A_692 = vector.shape_cast %get3A_691 : vector<16xf32> to vector<16xf32>
      %sub3A_693 = arith.subf %get3A_689, %get3A_692 : vector<16xf32>
      %get3A_694 = arith.index_cast %multiple_of3A_672 : i32 to index
      %get3A_695 = tpu.vector_load %arg21[%get3A_694] {strides = array<i32>} : memref<8192xf32, #tpu.memory_space<vmem>>, vector<16xf32>,
      %get3A_696 = vector.shape_cast %get3A_695 : vector<16xf32> to vector<16xf32>
      %mul3A_697 = arith.mulf %sub3A_679, %sub3A_679 : vector<16xf32>
      %mul3A_698 = arith.mulf %sub3A_686, %sub3A_686 : vector<16xf32>
      %add3A_699 = arith.addf %mul3A_697, %mul3A_698 : vector<16xf32>
      %mul3A_700 = arith.mulf %sub3A_693, %sub3A_693 : vector<16xf32>
      %add3A_701 = arith.addf %add3A_699, %mul3A_700 : vector<16xf32>
      %mul3A_702 = arith.mulf %get3A_696, %add3A_701 : vector<16xf32>
      %add3A_703 = arith.addf %add3A_667, %mul3A_702 : vector<16xf32>
      %scan3A_704 = arith.constant 6 : i32
      %scan3A_705 = arith.addi %scan3A_488, %scan3A_704 : i32
      %mul3A_706 = arith.constant 16 : i32
      %mul3A_707 = arith.muli %scan3A_705, %mul3A_706 : i32
      %multiple_of3A_708 = tpu.assume_multiple %mul3A_707, 16 : i32
      %get3A_709 = arith.index_cast %multiple_of3A_708 : i32 to index
      %get3A_710 = tpu.vector_load %arg14[%get3A_709] {strides = array<i32>} : memref<8192xf32, #tpu.memory_space<vmem>>, vector<16xf32>,
      %get3A_711 = vector.shape_cast %get3A_710 : vector<16xf32> to vector<16xf32>
      %get3A_712 = arith.index_cast %multiple_of3A_708 : i32 to index
      %get3A_713 = tpu.vector_load %arg18[%get3A_712] {strides = array<i32>} : memref<8192xf32, #tpu.memory_space<vmem>>, vector<16xf32>,
      %get3A_714 = vector.shape_cast %get3A_713 : vector<16xf32> to vector<16xf32>
      %sub3A_715 = arith.subf %get3A_711, %get3A_714 : vector<16xf32>
      %get3A_716 = arith.index_cast %multiple_of3A_708 : i32 to index
      %get3A_717 = tpu.vector_load %arg15[%get3A_716] {strides = array<i32>} : memref<8192xf32, #tpu.memory_space<vmem>>, vector<16xf32>,
      %get3A_718 = vector.shape_cast %get3A_717 : vector<16xf32> to vector<16xf32>
      %get3A_719 = arith.index_cast %multiple_of3A_708 : i32 to index
      %get3A_720 = tpu.vector_load %arg19[%get3A_719] {strides = array<i32>} : memref<8192xf32, #tpu.memory_space<vmem>>, vector<16xf32>,
      %get3A_721 = vector.shape_cast %get3A_720 : vector<16xf32> to vector<16xf32>
      %sub3A_722 = arith.subf %get3A_718, %get3A_721 : vector<16xf32>
      %get3A_723 = arith.index_cast %multiple_of3A_708 : i32 to index
      %get3A_724 = tpu.vector_load %arg16[%get3A_723] {strides = array<i32>} : memref<8192xf32, #tpu.memory_space<vmem>>, vector<16xf32>,
      %get3A_725 = vector.shape_cast %get3A_724 : vector<16xf32> to vector<16xf32>
      %get3A_726 = arith.index_cast %multiple_of3A_708 : i32 to index
      %get3A_727 = tpu.vector_load %arg20[%get3A_726] {strides = array<i32>} : memref<8192xf32, #tpu.memory_space<vmem>>, vector<16xf32>,
      %get3A_728 = vector.shape_cast %get3A_727 : vector<16xf32> to vector<16xf32>
      %sub3A_729 = arith.subf %get3A_725, %get3A_728 : vector<16xf32>
      %get3A_730 = arith.index_cast %multiple_of3A_708 : i32 to index
      %get3A_731 = tpu.vector_load %arg21[%get3A_730] {strides = array<i32>} : memref<8192xf32, #tpu.memory_space<vmem>>, vector<16xf32>,
      %get3A_732 = vector.shape_cast %get3A_731 : vector<16xf32> to vector<16xf32>
      %mul3A_733 = arith.mulf %sub3A_715, %sub3A_715 : vector<16xf32>
      %mul3A_734 = arith.mulf %sub3A_722, %sub3A_722 : vector<16xf32>
      %add3A_735 = arith.addf %mul3A_733, %mul3A_734 : vector<16xf32>
      %mul3A_736 = arith.mulf %sub3A_729, %sub3A_729 : vector<16xf32>
      %add3A_737 = arith.addf %add3A_735, %mul3A_736 : vector<16xf32>
      %mul3A_738 = arith.mulf %get3A_732, %add3A_737 : vector<16xf32>
      %add3A_739 = arith.addf %add3A_703, %mul3A_738 : vector<16xf32>
      %scan3A_740 = arith.constant 7 : i32
      %scan3A_741 = arith.addi %scan3A_488, %scan3A_740 : i32
      %mul3A_742 = arith.constant 16 : i32
      %mul3A_743 = arith.muli %scan3A_741, %mul3A_742 : i32
      %multiple_of3A_744 = tpu.assume_multiple %mul3A_743, 16 : i32
      %get3A_745 = arith.index_cast %multiple_of3A_744 : i32 to index
      %get3A_746 = tpu.vector_load %arg14[%get3A_745] {strides = array<i32>} : memref<8192xf32, #tpu.memory_space<vmem>>, vector<16xf32>,
      %get3A_747 = vector.shape_cast %get3A_746 : vector<16xf32> to vector<16xf32>
      %get3A_748 = arith.index_cast %multiple_of3A_744 : i32 to index
      %get3A_749 = tpu.vector_load %arg18[%get3A_748] {strides = array<i32>} : memref<8192xf32, #tpu.memory_space<vmem>>, vector<16xf32>,
      %get3A_750 = vector.shape_cast %get3A_749 : vector<16xf32> to vector<16xf32>
      %sub3A_751 = arith.subf %get3A_747, %get3A_750 : vector<16xf32>
      %get3A_752 = arith.index_cast %multiple_of3A_744 : i32 to index
      %get3A_753 = tpu.vector_load %arg15[%get3A_752] {strides = array<i32>} : memref<8192xf32, #tpu.memory_space<vmem>>, vector<16xf32>,
      %get3A_754 = vector.shape_cast %get3A_753 : vector<16xf32> to vector<16xf32>
      %get3A_755 = arith.index_cast %multiple_of3A_744 : i32 to index
      %get3A_756 = tpu.vector_load %arg19[%get3A_755] {strides = array<i32>} : memref<8192xf32, #tpu.memory_space<vmem>>, vector<16xf32>,
      %get3A_757 = vector.shape_cast %get3A_756 : vector<16xf32> to vector<16xf32>
      %sub3A_758 = arith.subf %get3A_754, %get3A_757 : vector<16xf32>
      %get3A_759 = arith.index_cast %multiple_of3A_744 : i32 to index
      %get3A_760 = tpu.vector_load %arg16[%get3A_759] {strides = array<i32>} : memref<8192xf32, #tpu.memory_space<vmem>>, vector<16xf32>,
      %get3A_761 = vector.shape_cast %get3A_760 : vector<16xf32> to vector<16xf32>
      %get3A_762 = arith.index_cast %multiple_of3A_744 : i32 to index
      %get3A_763 = tpu.vector_load %arg20[%get3A_762] {strides = array<i32>} : memref<8192xf32, #tpu.memory_space<vmem>>, vector<16xf32>,
      %get3A_764 = vector.shape_cast %get3A_763 : vector<16xf32> to vector<16xf32>
      %sub3A_765 = arith.subf %get3A_761, %get3A_764 : vector<16xf32>
      %get3A_766 = arith.index_cast %multiple_of3A_744 : i32 to index
      %get3A_767 = tpu.vector_load %arg21[%get3A_766] {strides = array<i32>} : memref<8192xf32, #tpu.memory_space<vmem>>, vector<16xf32>,
      %get3A_768 = vector.shape_cast %get3A_767 : vector<16xf32> to vector<16xf32>
      %mul3A_769 = arith.mulf %sub3A_751, %sub3A_751 : vector<16xf32>
      %mul3A_770 = arith.mulf %sub3A_758, %sub3A_758 : vector<16xf32>
      %add3A_771 = arith.addf %mul3A_769, %mul3A_770 : vector<16xf32>
      %mul3A_772 = arith.mulf %sub3A_765, %sub3A_765 : vector<16xf32>
      %add3A_773 = arith.addf %add3A_771, %mul3A_772 : vector<16xf32>
      %mul3A_774 = arith.mulf %get3A_768, %add3A_773 : vector<16xf32>
      %add3A_775 = arith.addf %add3A_739, %mul3A_774 : vector<16xf32>
      scf.yield %add3A_775 : vector<16xf32>
    }
    %scan3A_250 = arith.constant 512 : i32
    %mul3A_251 = arith.constant 2 : i32
    %mul3A_252 = arith.muli %add3A, %mul3A_251 : i32
    %add3A_253 = arith.constant 1 : i32
    %add3A_254 = arith.addi %mul3A_252, %add3A_253 : i32
    %mul3A_255 = arith.constant 64 : i32
    %mul3A_256 = arith.muli %add3A_254, %mul3A_255 : i32
    %multiple_of3A_257 = tpu.assume_multiple %mul3A_256, 64 : i32
    "tpu.region"() ({
      %run_scoped3A = tpu.sem_alloc : memref<!tpu.dma_semaphore, #tpu.memory_space<semaphore_mem>>
      %dma_start3A_488 = tpu.memref_slice %arg5[%multiple_of3A_257] : memref<4096xf32, #tpu.memory_space<hbm>> -> memref<64xf32, #tpu.memory_space<hbm>>
      %dma_start3A_489 = tpu.memref_slice %arg5[%multiple_of3A_257] : memref<4096xf32, #tpu.memory_space<hbm>> -> memref<64xf32, #tpu.memory_space<hbm>>
      tpu.enqueue_dma source(%dma_start3A_489 : memref<64xf32, #tpu.memory_space<hbm>>) target(%arg22 : memref<64xf32, #tpu.memory_space<vmem>>) target_semaphore(%run_scoped3A : memref<!tpu.dma_semaphore, #tpu.memory_space<semaphore_mem>>)
      %dma_wait3A_490 = tpu.memref_slice %arg5[%multiple_of3A_257] : memref<4096xf32, #tpu.memory_space<hbm>> -> memref<64xf32, #tpu.memory_space<hbm>>
      %dma_wait3A_491 = tpu.memref_slice %arg5[%multiple_of3A_257] : memref<4096xf32, #tpu.memory_space<hbm>> -> memref<64xf32, #tpu.memory_space<hbm>>
      tpu.wait_dma2 semaphore(%run_scoped3A : memref<!tpu.dma_semaphore, #tpu.memory_space<semaphore_mem>>) src(%dma_wait3A_491 : memref<64xf32, #tpu.memory_space<hbm>>) dst(%arg22 : memref<64xf32, #tpu.memory_space<vmem>>)
      tpu.yield
    }) : () -> ()
    %get3A_258 = arith.constant 0 : index
    %get3A_259 = tpu.vector_load %arg22[%get3A_258] {strides = array<i32>} : memref<64xf32, #tpu.memory_space<vmem>>, vector<16xf32>,
    %get3A_260 = vector.shape_cast %get3A_259 : vector<16xf32> to vector<16xf32>
    %get3A_261 = arith.constant 16 : index
    %get3A_262 = tpu.vector_load %arg22[%get3A_261] {strides = array<i32>} : memref<64xf32, #tpu.memory_space<vmem>>, vector<16xf32>,
    %get3A_263 = vector.shape_cast %get3A_262 : vector<16xf32> to vector<16xf32>
    %get3A_264 = arith.constant 32 : index
    %get3A_265 = tpu.vector_load %arg22[%get3A_264] {strides = array<i32>} : memref<64xf32, #tpu.memory_space<vmem>>, vector<16xf32>,
    %get3A_266 = vector.shape_cast %get3A_265 : vector<16xf32> to vector<16xf32>
    %get3A_267 = arith.constant 48 : index
    %get3A_268 = tpu.vector_load %arg22[%get3A_267] {strides = array<i32>} : memref<64xf32, #tpu.memory_space<vmem>>, vector<16xf32>,
    %get3A_269 = vector.shape_cast %get3A_268 : vector<16xf32> to vector<16xf32>
    %mul3A_270 = arith.mulf %get3A_260, %get3A_260 : vector<16xf32>
    %mul3A_271 = arith.mulf %get3A_263, %get3A_263 : vector<16xf32>
    %add3A_272 = arith.addf %mul3A_270, %mul3A_271 : vector<16xf32>
    %mul3A_273 = arith.mulf %get3A_266, %get3A_266 : vector<16xf32>
    %add3A_274 = arith.addf %add3A_272, %mul3A_273 : vector<16xf32>
    %div3A_275 = arith.constant 2.000000e+00 : f32
    %div3A_276 = vector.broadcast %div3A_275 : f32 to vector<16xf32>
    %div3A_277 = arith.divf %div3A_276, %add3A_274 : vector<16xf32>
    %scan3A_278 = arith.constant 0 : i32
    %scan3A_279 = arith.constant 0 : i32
    %scan3A_280 = arith.constant 512 : i32
    %scan3A_281 = arith.addi %scan3A_279, %scan3A_280 : i32
    %scan3A_282 = arith.constant 8 : i32
    scf.for %scan3A_488 = %scan3A_279 to %scan3A_281 step %scan3A_282  : i32 {
      %mul3A_489 = arith.constant 16 : i32
      %mul3A_490 = arith.muli %scan3A_488, %mul3A_489 : i32
      %multiple_of3A_491 = tpu.assume_multiple %mul3A_490, 16 : i32
      %get3A_492 = arith.index_cast %multiple_of3A_491 : i32 to index
      %get3A_493 = tpu.vector_load %arg11[%get3A_492] {strides = array<i32>} : memref<8192xf32, #tpu.memory_space<vmem>>, vector<16xf32>,
      %get3A_494 = vector.shape_cast %get3A_493 : vector<16xf32> to vector<16xf32>
      %get3A_495 = arith.index_cast %multiple_of3A_491 : i32 to index
      %get3A_496 = tpu.vector_load %arg12[%get3A_495] {strides = array<i32>} : memref<8192xf32, #tpu.memory_space<vmem>>, vector<16xf32>,
      %get3A_497 = vector.shape_cast %get3A_496 : vector<16xf32> to vector<16xf32>
      %get3A_498 = arith.index_cast %multiple_of3A_491 : i32 to index
      %get3A_499 = tpu.vector_load %arg13[%get3A_498] {strides = array<i32>} : memref<8192xf32, #tpu.memory_space<vmem>>, vector<16xf32>,
      %get3A_500 = vector.shape_cast %get3A_499 : vector<16xf32> to vector<16xf32>
      %mul3A_501 = arith.mulf %get3A_494, %get3A_260 : vector<16xf32>
      %mul3A_502 = arith.mulf %get3A_497, %get3A_263 : vector<16xf32>
      %add3A_503 = arith.addf %mul3A_501, %mul3A_502 : vector<16xf32>
      %mul3A_504 = arith.mulf %get3A_500, %get3A_266 : vector<16xf32>
      %add3A_505 = arith.addf %add3A_503, %mul3A_504 : vector<16xf32>
      %add3A_506 = arith.addf %add3A_505, %get3A_269 : vector<16xf32>
      %mul3A_507 = arith.mulf %add3A_506, %div3A_277 : vector<16xf32>
      %mul3A_508 = arith.mulf %mul3A_507, %get3A_260 : vector<16xf32>
      %sub3A_509 = arith.subf %get3A_494, %mul3A_508 : vector<16xf32>
      %mul3A_510 = arith.mulf %mul3A_507, %get3A_263 : vector<16xf32>
      %sub3A_511 = arith.subf %get3A_497, %mul3A_510 : vector<16xf32>
      %mul3A_512 = arith.mulf %mul3A_507, %get3A_266 : vector<16xf32>
      %sub3A_513 = arith.subf %get3A_500, %mul3A_512 : vector<16xf32>
      %swap3A_514 = arith.index_cast %multiple_of3A_491 : i32 to index
      %swap3A_515 = tpu.vector_load %arg14[%swap3A_514] {strides = array<i32>} : memref<8192xf32, #tpu.memory_space<vmem>>, vector<16xf32>,
      %swap3A_516 = vector.shape_cast %swap3A_515 : vector<16xf32> to vector<16xf32>
      %swap3A_517 = vector.shape_cast %sub3A_509 : vector<16xf32> to vector<16xf32>
      tpu.vector_store %arg14[%swap3A_514], %swap3A_517 {strides = array<i32>} : memref<8192xf32, #tpu.memory_space<vmem>>, vector<16xf32>,
      %swap3A_518 = arith.index_cast %multiple_of3A_491 : i32 to index
      %swap3A_519 = tpu.vector_load %arg15[%swap3A_518] {strides = array<i32>} : memref<8192xf32, #tpu.memory_space<vmem>>, vector<16xf32>,
      %swap3A_520 = vector.shape_cast %swap3A_519 : vector<16xf32> to vector<16xf32>
      %swap3A_521 = vector.shape_cast %sub3A_511 : vector<16xf32> to vector<16xf32>
      tpu.vector_store %arg15[%swap3A_518], %swap3A_521 {strides = array<i32>} : memref<8192xf32, #tpu.memory_space<vmem>>, vector<16xf32>,
      %swap3A_522 = arith.index_cast %multiple_of3A_491 : i32 to index
      %swap3A_523 = tpu.vector_load %arg16[%swap3A_522] {strides = array<i32>} : memref<8192xf32, #tpu.memory_space<vmem>>, vector<16xf32>,
      %swap3A_524 = vector.shape_cast %swap3A_523 : vector<16xf32> to vector<16xf32>
      %swap3A_525 = vector.shape_cast %sub3A_513 : vector<16xf32> to vector<16xf32>
      tpu.vector_store %arg16[%swap3A_522], %swap3A_525 {strides = array<i32>} : memref<8192xf32, #tpu.memory_space<vmem>>, vector<16xf32>,
      %add3A_526 = arith.constant 5.000000e-01 : f32
      %add3A_527 = vector.broadcast %add3A_526 : f32 to vector<16xf32>
      %add3A_528 = arith.addf %sub3A_509, %add3A_527 : vector<16xf32>
      %mul3A_529 = arith.constant 6.400000e+01 : f32
      %mul3A_530 = vector.broadcast %mul3A_529 : f32 to vector<16xf32>
      %mul3A_531 = arith.mulf %add3A_528, %mul3A_530 : vector<16xf32>
      %sub3A_532 = arith.constant 5.000000e-01 : f32
      %sub3A_533 = vector.broadcast %sub3A_532 : f32 to vector<16xf32>
      %sub3A_534 = arith.subf %mul3A_531, %sub3A_533 : vector<16xf32>
      %convert_element_type3A = arith.fptosi %sub3A_534 : vector<16xf32> to vector<16xi32>
      %convert_element_type3A_535 = arith.sitofp %convert_element_type3A : vector<16xi32> to vector<16xf32>
      %gt3A = arith.cmpf ogt, %sub3A_534, %convert_element_type3A_535 : vector<16xf32>
      %add3A_536 = arith.constant 1 : i32
      %add3A_537 = vector.broadcast %add3A_536 : i32 to vector<16xi32>
      %add3A_538 = arith.addi %convert_element_type3A, %add3A_537 : vector<16xi32>
      %select_n3A_539 = arith.select %gt3A, %add3A_538, %convert_element_type3A : vector<16xi1>, vector<16xi32>
      %mul3A_540 = arith.constant 4096 : i32
      %mul3A_541 = vector.broadcast %mul3A_540 : i32 to vector<16xi32>
      %mul3A_542 = arith.muli %select_n3A_539, %mul3A_541 : vector<16xi32>
      %add3A_543 = arith.constant 5.000000e-01 : f32
      %add3A_544 = vector.broadcast %add3A_543 : f32 to vector<16xf32>
      %add3A_545 = arith.addf %sub3A_511, %add3A_544 : vector<16xf32>
      %mul3A_546 = arith.constant 6.400000e+01 : f32
      %mul3A_547 = vector.broadcast %mul3A_546 : f32 to vector<16xf32>
      %mul3A_548 = arith.mulf %add3A_545, %mul3A_547 : vector<16xf32>
      %sub3A_549 = arith.constant 5.000000e-01 : f32
      %sub3A_550 = vector.broadcast %sub3A_549 : f32 to vector<16xf32>
      %sub3A_551 = arith.subf %mul3A_548, %sub3A_550 : vector<16xf32>
      %convert_element_type3A_552 = arith.fptosi %sub3A_551 : vector<16xf32> to vector<16xi32>
      %convert_element_type3A_553 = arith.sitofp %convert_element_type3A_552 : vector<16xi32> to vector<16xf32>
      %gt3A_554 = arith.cmpf ogt, %sub3A_551, %convert_element_type3A_553 : vector<16xf32>
      %add3A_555 = arith.constant 1 : i32
      %add3A_556 = vector.broadcast %add3A_555 : i32 to vector<16xi32>
      %add3A_557 = arith.addi %convert_element_type3A_552, %add3A_556 : vector<16xi32>
      %select_n3A_558 = arith.select %gt3A_554, %add3A_557, %convert_element_type3A_552 : vector<16xi1>, vector<16xi32>
      %mul3A_559 = arith.constant 64 : i32
      %mul3A_560 = vector.broadcast %mul3A_559 : i32 to vector<16xi32>
      %mul3A_561 = arith.muli %select_n3A_558, %mul3A_560 : vector<16xi32>
      %add3A_562 = arith.addi %mul3A_542, %mul3A_561 : vector<16xi32>
      %add3A_563 = arith.constant 5.000000e-01 : f32
      %add3A_564 = vector.broadcast %add3A_563 : f32 to vector<16xf32>
      %add3A_565 = arith.addf %sub3A_513, %add3A_564 : vector<16xf32>
      %mul3A_566 = arith.constant 6.400000e+01 : f32
      %mul3A_567 = vector.broadcast %mul3A_566 : f32 to vector<16xf32>
      %mul3A_568 = arith.mulf %add3A_565, %mul3A_567 : vector<16xf32>
      %sub3A_569 = arith.constant 5.000000e-01 : f32
      %sub3A_570 = vector.broadcast %sub3A_569 : f32 to vector<16xf32>
      %sub3A_571 = arith.subf %mul3A_568, %sub3A_570 : vector<16xf32>
      %convert_element_type3A_572 = arith.fptosi %sub3A_571 : vector<16xf32> to vector<16xi32>
      %convert_element_type3A_573 = arith.sitofp %convert_element_type3A_572 : vector<16xi32> to vector<16xf32>
      %gt3A_574 = arith.cmpf ogt, %sub3A_571, %convert_element_type3A_573 : vector<16xf32>
      %add3A_575 = arith.constant 1 : i32
      %add3A_576 = vector.broadcast %add3A_575 : i32 to vector<16xi32>
      %add3A_577 = arith.addi %convert_element_type3A_572, %add3A_576 : vector<16xi32>
      %select_n3A_578 = arith.select %gt3A_574, %add3A_577, %convert_element_type3A_572 : vector<16xi1>, vector<16xi32>
      %add3A_579 = arith.addi %add3A_562, %select_n3A_578 : vector<16xi32>
      %max3A = arith.constant 0 : i32
      %max3A_580 = vector.broadcast %max3A : i32 to vector<16xi32>
      %max3A_581 = arith.maxsi %add3A_579, %max3A_580 : vector<16xi32>
      %min3A = arith.constant 262143 : i32
      %min3A_582 = vector.broadcast %min3A : i32 to vector<16xi32>
      %min3A_583 = arith.minsi %max3A_581, %min3A_582 : vector<16xi32>
      %add3A_584 = vector.broadcast %mul3A_23 : i32 to vector<16xi32>
      %add3A_585 = arith.addi %min3A_583, %add3A_584 : vector<16xi32>
      %swap3A_586 = arith.index_cast %multiple_of3A_491 : i32 to index
      %swap3A_587 = tpu.vector_load %arg17[%swap3A_586] {strides = array<i32>} : memref<8192xi32, #tpu.memory_space<vmem>>, vector<16xi32>,
      %swap3A_588 = vector.shape_cast %swap3A_587 : vector<16xi32> to vector<16xi32>
      %swap3A_589 = vector.shape_cast %add3A_585 : vector<16xi32> to vector<16xi32>
      tpu.vector_store %arg17[%swap3A_586], %swap3A_589 {strides = array<i32>} : memref<8192xi32, #tpu.memory_space<vmem>>, vector<16xi32>,
      %scan3A_590 = arith.constant 1 : i32
      %scan3A_591 = arith.addi %scan3A_488, %scan3A_590 : i32
      %mul3A_592 = arith.constant 16 : i32
      %mul3A_593 = arith.muli %scan3A_591, %mul3A_592 : i32
      %multiple_of3A_594 = tpu.assume_multiple %mul3A_593, 16 : i32
      %get3A_595 = arith.index_cast %multiple_of3A_594 : i32 to index
      %get3A_596 = tpu.vector_load %arg11[%get3A_595] {strides = array<i32>} : memref<8192xf32, #tpu.memory_space<vmem>>, vector<16xf32>,
      %get3A_597 = vector.shape_cast %get3A_596 : vector<16xf32> to vector<16xf32>
      %get3A_598 = arith.index_cast %multiple_of3A_594 : i32 to index
      %get3A_599 = tpu.vector_load %arg12[%get3A_598] {strides = array<i32>} : memref<8192xf32, #tpu.memory_space<vmem>>, vector<16xf32>,
      %get3A_600 = vector.shape_cast %get3A_599 : vector<16xf32> to vector<16xf32>
      %get3A_601 = arith.index_cast %multiple_of3A_594 : i32 to index
      %get3A_602 = tpu.vector_load %arg13[%get3A_601] {strides = array<i32>} : memref<8192xf32, #tpu.memory_space<vmem>>, vector<16xf32>,
      %get3A_603 = vector.shape_cast %get3A_602 : vector<16xf32> to vector<16xf32>
      %mul3A_604 = arith.mulf %get3A_597, %get3A_260 : vector<16xf32>
      %mul3A_605 = arith.mulf %get3A_600, %get3A_263 : vector<16xf32>
      %add3A_606 = arith.addf %mul3A_604, %mul3A_605 : vector<16xf32>
      %mul3A_607 = arith.mulf %get3A_603, %get3A_266 : vector<16xf32>
      %add3A_608 = arith.addf %add3A_606, %mul3A_607 : vector<16xf32>
      %add3A_609 = arith.addf %add3A_608, %get3A_269 : vector<16xf32>
      %mul3A_610 = arith.mulf %add3A_609, %div3A_277 : vector<16xf32>
      %mul3A_611 = arith.mulf %mul3A_610, %get3A_260 : vector<16xf32>
      %sub3A_612 = arith.subf %get3A_597, %mul3A_611 : vector<16xf32>
      %mul3A_613 = arith.mulf %mul3A_610, %get3A_263 : vector<16xf32>
      %sub3A_614 = arith.subf %get3A_600, %mul3A_613 : vector<16xf32>
      %mul3A_615 = arith.mulf %mul3A_610, %get3A_266 : vector<16xf32>
      %sub3A_616 = arith.subf %get3A_603, %mul3A_615 : vector<16xf32>
      %swap3A_617 = arith.index_cast %multiple_of3A_594 : i32 to index
      %swap3A_618 = tpu.vector_load %arg14[%swap3A_617] {strides = array<i32>} : memref<8192xf32, #tpu.memory_space<vmem>>, vector<16xf32>,
      %swap3A_619 = vector.shape_cast %swap3A_618 : vector<16xf32> to vector<16xf32>
      %swap3A_620 = vector.shape_cast %sub3A_612 : vector<16xf32> to vector<16xf32>
      tpu.vector_store %arg14[%swap3A_617], %swap3A_620 {strides = array<i32>} : memref<8192xf32, #tpu.memory_space<vmem>>, vector<16xf32>,
      %swap3A_621 = arith.index_cast %multiple_of3A_594 : i32 to index
      %swap3A_622 = tpu.vector_load %arg15[%swap3A_621] {strides = array<i32>} : memref<8192xf32, #tpu.memory_space<vmem>>, vector<16xf32>,
      %swap3A_623 = vector.shape_cast %swap3A_622 : vector<16xf32> to vector<16xf32>
      %swap3A_624 = vector.shape_cast %sub3A_614 : vector<16xf32> to vector<16xf32>
      tpu.vector_store %arg15[%swap3A_621], %swap3A_624 {strides = array<i32>} : memref<8192xf32, #tpu.memory_space<vmem>>, vector<16xf32>,
      %swap3A_625 = arith.index_cast %multiple_of3A_594 : i32 to index
      %swap3A_626 = tpu.vector_load %arg16[%swap3A_625] {strides = array<i32>} : memref<8192xf32, #tpu.memory_space<vmem>>, vector<16xf32>,
      %swap3A_627 = vector.shape_cast %swap3A_626 : vector<16xf32> to vector<16xf32>
      %swap3A_628 = vector.shape_cast %sub3A_616 : vector<16xf32> to vector<16xf32>
      tpu.vector_store %arg16[%swap3A_625], %swap3A_628 {strides = array<i32>} : memref<8192xf32, #tpu.memory_space<vmem>>, vector<16xf32>,
      %add3A_629 = arith.constant 5.000000e-01 : f32
      %add3A_630 = vector.broadcast %add3A_629 : f32 to vector<16xf32>
      %add3A_631 = arith.addf %sub3A_612, %add3A_630 : vector<16xf32>
      %mul3A_632 = arith.constant 6.400000e+01 : f32
      %mul3A_633 = vector.broadcast %mul3A_632 : f32 to vector<16xf32>
      %mul3A_634 = arith.mulf %add3A_631, %mul3A_633 : vector<16xf32>
      %sub3A_635 = arith.constant 5.000000e-01 : f32
      %sub3A_636 = vector.broadcast %sub3A_635 : f32 to vector<16xf32>
      %sub3A_637 = arith.subf %mul3A_634, %sub3A_636 : vector<16xf32>
      %convert_element_type3A_638 = arith.fptosi %sub3A_637 : vector<16xf32> to vector<16xi32>
      %convert_element_type3A_639 = arith.sitofp %convert_element_type3A_638 : vector<16xi32> to vector<16xf32>
      %gt3A_640 = arith.cmpf ogt, %sub3A_637, %convert_element_type3A_639 : vector<16xf32>
      %add3A_641 = arith.constant 1 : i32
      %add3A_642 = vector.broadcast %add3A_641 : i32 to vector<16xi32>
      %add3A_643 = arith.addi %convert_element_type3A_638, %add3A_642 : vector<16xi32>
      %select_n3A_644 = arith.select %gt3A_640, %add3A_643, %convert_element_type3A_638 : vector<16xi1>, vector<16xi32>
      %mul3A_645 = arith.constant 4096 : i32
      %mul3A_646 = vector.broadcast %mul3A_645 : i32 to vector<16xi32>
      %mul3A_647 = arith.muli %select_n3A_644, %mul3A_646 : vector<16xi32>
      %add3A_648 = arith.constant 5.000000e-01 : f32
      %add3A_649 = vector.broadcast %add3A_648 : f32 to vector<16xf32>
      %add3A_650 = arith.addf %sub3A_614, %add3A_649 : vector<16xf32>
      %mul3A_651 = arith.constant 6.400000e+01 : f32
      %mul3A_652 = vector.broadcast %mul3A_651 : f32 to vector<16xf32>
      %mul3A_653 = arith.mulf %add3A_650, %mul3A_652 : vector<16xf32>
      %sub3A_654 = arith.constant 5.000000e-01 : f32
      %sub3A_655 = vector.broadcast %sub3A_654 : f32 to vector<16xf32>
      %sub3A_656 = arith.subf %mul3A_653, %sub3A_655 : vector<16xf32>
      %convert_element_type3A_657 = arith.fptosi %sub3A_656 : vector<16xf32> to vector<16xi32>
      %convert_element_type3A_658 = arith.sitofp %convert_element_type3A_657 : vector<16xi32> to vector<16xf32>
      %gt3A_659 = arith.cmpf ogt, %sub3A_656, %convert_element_type3A_658 : vector<16xf32>
      %add3A_660 = arith.constant 1 : i32
      %add3A_661 = vector.broadcast %add3A_660 : i32 to vector<16xi32>
      %add3A_662 = arith.addi %convert_element_type3A_657, %add3A_661 : vector<16xi32>
      %select_n3A_663 = arith.select %gt3A_659, %add3A_662, %convert_element_type3A_657 : vector<16xi1>, vector<16xi32>
      %mul3A_664 = arith.constant 64 : i32
      %mul3A_665 = vector.broadcast %mul3A_664 : i32 to vector<16xi32>
      %mul3A_666 = arith.muli %select_n3A_663, %mul3A_665 : vector<16xi32>
      %add3A_667 = arith.addi %mul3A_647, %mul3A_666 : vector<16xi32>
      %add3A_668 = arith.constant 5.000000e-01 : f32
      %add3A_669 = vector.broadcast %add3A_668 : f32 to vector<16xf32>
      %add3A_670 = arith.addf %sub3A_616, %add3A_669 : vector<16xf32>
      %mul3A_671 = arith.constant 6.400000e+01 : f32
      %mul3A_672 = vector.broadcast %mul3A_671 : f32 to vector<16xf32>
      %mul3A_673 = arith.mulf %add3A_670, %mul3A_672 : vector<16xf32>
      %sub3A_674 = arith.constant 5.000000e-01 : f32
      %sub3A_675 = vector.broadcast %sub3A_674 : f32 to vector<16xf32>
      %sub3A_676 = arith.subf %mul3A_673, %sub3A_675 : vector<16xf32>
      %convert_element_type3A_677 = arith.fptosi %sub3A_676 : vector<16xf32> to vector<16xi32>
      %convert_element_type3A_678 = arith.sitofp %convert_element_type3A_677 : vector<16xi32> to vector<16xf32>
      %gt3A_679 = arith.cmpf ogt, %sub3A_676, %convert_element_type3A_678 : vector<16xf32>
      %add3A_680 = arith.constant 1 : i32
      %add3A_681 = vector.broadcast %add3A_680 : i32 to vector<16xi32>
      %add3A_682 = arith.addi %convert_element_type3A_677, %add3A_681 : vector<16xi32>
      %select_n3A_683 = arith.select %gt3A_679, %add3A_682, %convert_element_type3A_677 : vector<16xi1>, vector<16xi32>
      %add3A_684 = arith.addi %add3A_667, %select_n3A_683 : vector<16xi32>
      %max3A_685 = arith.constant 0 : i32
      %max3A_686 = vector.broadcast %max3A_685 : i32 to vector<16xi32>
      %max3A_687 = arith.maxsi %add3A_684, %max3A_686 : vector<16xi32>
      %min3A_688 = arith.constant 262143 : i32
      %min3A_689 = vector.broadcast %min3A_688 : i32 to vector<16xi32>
      %min3A_690 = arith.minsi %max3A_687, %min3A_689 : vector<16xi32>
      %add3A_691 = vector.broadcast %mul3A_23 : i32 to vector<16xi32>
      %add3A_692 = arith.addi %min3A_690, %add3A_691 : vector<16xi32>
      %swap3A_693 = arith.index_cast %multiple_of3A_594 : i32 to index
      %swap3A_694 = tpu.vector_load %arg17[%swap3A_693] {strides = array<i32>} : memref<8192xi32, #tpu.memory_space<vmem>>, vector<16xi32>,
      %swap3A_695 = vector.shape_cast %swap3A_694 : vector<16xi32> to vector<16xi32>
      %swap3A_696 = vector.shape_cast %add3A_692 : vector<16xi32> to vector<16xi32>
      tpu.vector_store %arg17[%swap3A_693], %swap3A_696 {strides = array<i32>} : memref<8192xi32, #tpu.memory_space<vmem>>, vector<16xi32>,
      %scan3A_697 = arith.constant 2 : i32
      %scan3A_698 = arith.addi %scan3A_488, %scan3A_697 : i32
      %mul3A_699 = arith.constant 16 : i32
      %mul3A_700 = arith.muli %scan3A_698, %mul3A_699 : i32
      %multiple_of3A_701 = tpu.assume_multiple %mul3A_700, 16 : i32
      %get3A_702 = arith.index_cast %multiple_of3A_701 : i32 to index
      %get3A_703 = tpu.vector_load %arg11[%get3A_702] {strides = array<i32>} : memref<8192xf32, #tpu.memory_space<vmem>>, vector<16xf32>,
      %get3A_704 = vector.shape_cast %get3A_703 : vector<16xf32> to vector<16xf32>
      %get3A_705 = arith.index_cast %multiple_of3A_701 : i32 to index
      %get3A_706 = tpu.vector_load %arg12[%get3A_705] {strides = array<i32>} : memref<8192xf32, #tpu.memory_space<vmem>>, vector<16xf32>,
      %get3A_707 = vector.shape_cast %get3A_706 : vector<16xf32> to vector<16xf32>
      %get3A_708 = arith.index_cast %multiple_of3A_701 : i32 to index
      %get3A_709 = tpu.vector_load %arg13[%get3A_708] {strides = array<i32>} : memref<8192xf32, #tpu.memory_space<vmem>>, vector<16xf32>,
      %get3A_710 = vector.shape_cast %get3A_709 : vector<16xf32> to vector<16xf32>
      %mul3A_711 = arith.mulf %get3A_704, %get3A_260 : vector<16xf32>
      %mul3A_712 = arith.mulf %get3A_707, %get3A_263 : vector<16xf32>
      %add3A_713 = arith.addf %mul3A_711, %mul3A_712 : vector<16xf32>
      %mul3A_714 = arith.mulf %get3A_710, %get3A_266 : vector<16xf32>
      %add3A_715 = arith.addf %add3A_713, %mul3A_714 : vector<16xf32>
      %add3A_716 = arith.addf %add3A_715, %get3A_269 : vector<16xf32>
      %mul3A_717 = arith.mulf %add3A_716, %div3A_277 : vector<16xf32>
      %mul3A_718 = arith.mulf %mul3A_717, %get3A_260 : vector<16xf32>
      %sub3A_719 = arith.subf %get3A_704, %mul3A_718 : vector<16xf32>
      %mul3A_720 = arith.mulf %mul3A_717, %get3A_263 : vector<16xf32>
      %sub3A_721 = arith.subf %get3A_707, %mul3A_720 : vector<16xf32>
      %mul3A_722 = arith.mulf %mul3A_717, %get3A_266 : vector<16xf32>
      %sub3A_723 = arith.subf %get3A_710, %mul3A_722 : vector<16xf32>
      %swap3A_724 = arith.index_cast %multiple_of3A_701 : i32 to index
      %swap3A_725 = tpu.vector_load %arg14[%swap3A_724] {strides = array<i32>} : memref<8192xf32, #tpu.memory_space<vmem>>, vector<16xf32>,
      %swap3A_726 = vector.shape_cast %swap3A_725 : vector<16xf32> to vector<16xf32>
      %swap3A_727 = vector.shape_cast %sub3A_719 : vector<16xf32> to vector<16xf32>
      tpu.vector_store %arg14[%swap3A_724], %swap3A_727 {strides = array<i32>} : memref<8192xf32, #tpu.memory_space<vmem>>, vector<16xf32>,
      %swap3A_728 = arith.index_cast %multiple_of3A_701 : i32 to index
      %swap3A_729 = tpu.vector_load %arg15[%swap3A_728] {strides = array<i32>} : memref<8192xf32, #tpu.memory_space<vmem>>, vector<16xf32>,
      %swap3A_730 = vector.shape_cast %swap3A_729 : vector<16xf32> to vector<16xf32>
      %swap3A_731 = vector.shape_cast %sub3A_721 : vector<16xf32> to vector<16xf32>
      tpu.vector_store %arg15[%swap3A_728], %swap3A_731 {strides = array<i32>} : memref<8192xf32, #tpu.memory_space<vmem>>, vector<16xf32>,
      %swap3A_732 = arith.index_cast %multiple_of3A_701 : i32 to index
      %swap3A_733 = tpu.vector_load %arg16[%swap3A_732] {strides = array<i32>} : memref<8192xf32, #tpu.memory_space<vmem>>, vector<16xf32>,
      %swap3A_734 = vector.shape_cast %swap3A_733 : vector<16xf32> to vector<16xf32>
      %swap3A_735 = vector.shape_cast %sub3A_723 : vector<16xf32> to vector<16xf32>
      tpu.vector_store %arg16[%swap3A_732], %swap3A_735 {strides = array<i32>} : memref<8192xf32, #tpu.memory_space<vmem>>, vector<16xf32>,
      %add3A_736 = arith.constant 5.000000e-01 : f32
      %add3A_737 = vector.broadcast %add3A_736 : f32 to vector<16xf32>
      %add3A_738 = arith.addf %sub3A_719, %add3A_737 : vector<16xf32>
      %mul3A_739 = arith.constant 6.400000e+01 : f32
      %mul3A_740 = vector.broadcast %mul3A_739 : f32 to vector<16xf32>
      %mul3A_741 = arith.mulf %add3A_738, %mul3A_740 : vector<16xf32>
      %sub3A_742 = arith.constant 5.000000e-01 : f32
      %sub3A_743 = vector.broadcast %sub3A_742 : f32 to vector<16xf32>
      %sub3A_744 = arith.subf %mul3A_741, %sub3A_743 : vector<16xf32>
      %convert_element_type3A_745 = arith.fptosi %sub3A_744 : vector<16xf32> to vector<16xi32>
      %convert_element_type3A_746 = arith.sitofp %convert_element_type3A_745 : vector<16xi32> to vector<16xf32>
      %gt3A_747 = arith.cmpf ogt, %sub3A_744, %convert_element_type3A_746 : vector<16xf32>
      %add3A_748 = arith.constant 1 : i32
      %add3A_749 = vector.broadcast %add3A_748 : i32 to vector<16xi32>
      %add3A_750 = arith.addi %convert_element_type3A_745, %add3A_749 : vector<16xi32>
      %select_n3A_751 = arith.select %gt3A_747, %add3A_750, %convert_element_type3A_745 : vector<16xi1>, vector<16xi32>
      %mul3A_752 = arith.constant 4096 : i32
      %mul3A_753 = vector.broadcast %mul3A_752 : i32 to vector<16xi32>
      %mul3A_754 = arith.muli %select_n3A_751, %mul3A_753 : vector<16xi32>
      %add3A_755 = arith.constant 5.000000e-01 : f32
      %add3A_756 = vector.broadcast %add3A_755 : f32 to vector<16xf32>
      %add3A_757 = arith.addf %sub3A_721, %add3A_756 : vector<16xf32>
      %mul3A_758 = arith.constant 6.400000e+01 : f32
      %mul3A_759 = vector.broadcast %mul3A_758 : f32 to vector<16xf32>
      %mul3A_760 = arith.mulf %add3A_757, %mul3A_759 : vector<16xf32>
      %sub3A_761 = arith.constant 5.000000e-01 : f32
      %sub3A_762 = vector.broadcast %sub3A_761 : f32 to vector<16xf32>
      %sub3A_763 = arith.subf %mul3A_760, %sub3A_762 : vector<16xf32>
      %convert_element_type3A_764 = arith.fptosi %sub3A_763 : vector<16xf32> to vector<16xi32>
      %convert_element_type3A_765 = arith.sitofp %convert_element_type3A_764 : vector<16xi32> to vector<16xf32>
      %gt3A_766 = arith.cmpf ogt, %sub3A_763, %convert_element_type3A_765 : vector<16xf32>
      %add3A_767 = arith.constant 1 : i32
      %add3A_768 = vector.broadcast %add3A_767 : i32 to vector<16xi32>
      %add3A_769 = arith.addi %convert_element_type3A_764, %add3A_768 : vector<16xi32>
      %select_n3A_770 = arith.select %gt3A_766, %add3A_769, %convert_element_type3A_764 : vector<16xi1>, vector<16xi32>
      %mul3A_771 = arith.constant 64 : i32
      %mul3A_772 = vector.broadcast %mul3A_771 : i32 to vector<16xi32>
      %mul3A_773 = arith.muli %select_n3A_770, %mul3A_772 : vector<16xi32>
      %add3A_774 = arith.addi %mul3A_754, %mul3A_773 : vector<16xi32>
      %add3A_775 = arith.constant 5.000000e-01 : f32
      %add3A_776 = vector.broadcast %add3A_775 : f32 to vector<16xf32>
      %add3A_777 = arith.addf %sub3A_723, %add3A_776 : vector<16xf32>
      %mul3A_778 = arith.constant 6.400000e+01 : f32
      %mul3A_779 = vector.broadcast %mul3A_778 : f32 to vector<16xf32>
      %mul3A_780 = arith.mulf %add3A_777, %mul3A_779 : vector<16xf32>
      %sub3A_781 = arith.constant 5.000000e-01 : f32
      %sub3A_782 = vector.broadcast %sub3A_781 : f32 to vector<16xf32>
      %sub3A_783 = arith.subf %mul3A_780, %sub3A_782 : vector<16xf32>
      %convert_element_type3A_784 = arith.fptosi %sub3A_783 : vector<16xf32> to vector<16xi32>
      %convert_element_type3A_785 = arith.sitofp %convert_element_type3A_784 : vector<16xi32> to vector<16xf32>
      %gt3A_786 = arith.cmpf ogt, %sub3A_783, %convert_element_type3A_785 : vector<16xf32>
      %add3A_787 = arith.constant 1 : i32
      %add3A_788 = vector.broadcast %add3A_787 : i32 to vector<16xi32>
      %add3A_789 = arith.addi %convert_element_type3A_784, %add3A_788 : vector<16xi32>
      %select_n3A_790 = arith.select %gt3A_786, %add3A_789, %convert_element_type3A_784 : vector<16xi1>, vector<16xi32>
      %add3A_791 = arith.addi %add3A_774, %select_n3A_790 : vector<16xi32>
      %max3A_792 = arith.constant 0 : i32
      %max3A_793 = vector.broadcast %max3A_792 : i32 to vector<16xi32>
      %max3A_794 = arith.maxsi %add3A_791, %max3A_793 : vector<16xi32>
      %min3A_795 = arith.constant 262143 : i32
      %min3A_796 = vector.broadcast %min3A_795 : i32 to vector<16xi32>
      %min3A_797 = arith.minsi %max3A_794, %min3A_796 : vector<16xi32>
      %add3A_798 = vector.broadcast %mul3A_23 : i32 to vector<16xi32>
      %add3A_799 = arith.addi %min3A_797, %add3A_798 : vector<16xi32>
      %swap3A_800 = arith.index_cast %multiple_of3A_701 : i32 to index
      %swap3A_801 = tpu.vector_load %arg17[%swap3A_800] {strides = array<i32>} : memref<8192xi32, #tpu.memory_space<vmem>>, vector<16xi32>,
      %swap3A_802 = vector.shape_cast %swap3A_801 : vector<16xi32> to vector<16xi32>
      %swap3A_803 = vector.shape_cast %add3A_799 : vector<16xi32> to vector<16xi32>
      tpu.vector_store %arg17[%swap3A_800], %swap3A_803 {strides = array<i32>} : memref<8192xi32, #tpu.memory_space<vmem>>, vector<16xi32>,
      %scan3A_804 = arith.constant 3 : i32
      %scan3A_805 = arith.addi %scan3A_488, %scan3A_804 : i32
      %mul3A_806 = arith.constant 16 : i32
      %mul3A_807 = arith.muli %scan3A_805, %mul3A_806 : i32
      %multiple_of3A_808 = tpu.assume_multiple %mul3A_807, 16 : i32
      %get3A_809 = arith.index_cast %multiple_of3A_808 : i32 to index
      %get3A_810 = tpu.vector_load %arg11[%get3A_809] {strides = array<i32>} : memref<8192xf32, #tpu.memory_space<vmem>>, vector<16xf32>,
      %get3A_811 = vector.shape_cast %get3A_810 : vector<16xf32> to vector<16xf32>
      %get3A_812 = arith.index_cast %multiple_of3A_808 : i32 to index
      %get3A_813 = tpu.vector_load %arg12[%get3A_812] {strides = array<i32>} : memref<8192xf32, #tpu.memory_space<vmem>>, vector<16xf32>,
      %get3A_814 = vector.shape_cast %get3A_813 : vector<16xf32> to vector<16xf32>
      %get3A_815 = arith.index_cast %multiple_of3A_808 : i32 to index
      %get3A_816 = tpu.vector_load %arg13[%get3A_815] {strides = array<i32>} : memref<8192xf32, #tpu.memory_space<vmem>>, vector<16xf32>,
      %get3A_817 = vector.shape_cast %get3A_816 : vector<16xf32> to vector<16xf32>
      %mul3A_818 = arith.mulf %get3A_811, %get3A_260 : vector<16xf32>
      %mul3A_819 = arith.mulf %get3A_814, %get3A_263 : vector<16xf32>
      %add3A_820 = arith.addf %mul3A_818, %mul3A_819 : vector<16xf32>
      %mul3A_821 = arith.mulf %get3A_817, %get3A_266 : vector<16xf32>
      %add3A_822 = arith.addf %add3A_820, %mul3A_821 : vector<16xf32>
      %add3A_823 = arith.addf %add3A_822, %get3A_269 : vector<16xf32>
      %mul3A_824 = arith.mulf %add3A_823, %div3A_277 : vector<16xf32>
      %mul3A_825 = arith.mulf %mul3A_824, %get3A_260 : vector<16xf32>
      %sub3A_826 = arith.subf %get3A_811, %mul3A_825 : vector<16xf32>
      %mul3A_827 = arith.mulf %mul3A_824, %get3A_263 : vector<16xf32>
      %sub3A_828 = arith.subf %get3A_814, %mul3A_827 : vector<16xf32>
      %mul3A_829 = arith.mulf %mul3A_824, %get3A_266 : vector<16xf32>
      %sub3A_830 = arith.subf %get3A_817, %mul3A_829 : vector<16xf32>
      %swap3A_831 = arith.index_cast %multiple_of3A_808 : i32 to index
      %swap3A_832 = tpu.vector_load %arg14[%swap3A_831] {strides = array<i32>} : memref<8192xf32, #tpu.memory_space<vmem>>, vector<16xf32>,
      %swap3A_833 = vector.shape_cast %swap3A_832 : vector<16xf32> to vector<16xf32>
      %swap3A_834 = vector.shape_cast %sub3A_826 : vector<16xf32> to vector<16xf32>
      tpu.vector_store %arg14[%swap3A_831], %swap3A_834 {strides = array<i32>} : memref<8192xf32, #tpu.memory_space<vmem>>, vector<16xf32>,
      %swap3A_835 = arith.index_cast %multiple_of3A_808 : i32 to index
      %swap3A_836 = tpu.vector_load %arg15[%swap3A_835] {strides = array<i32>} : memref<8192xf32, #tpu.memory_space<vmem>>, vector<16xf32>,
      %swap3A_837 = vector.shape_cast %swap3A_836 : vector<16xf32> to vector<16xf32>
      %swap3A_838 = vector.shape_cast %sub3A_828 : vector<16xf32> to vector<16xf32>
      tpu.vector_store %arg15[%swap3A_835], %swap3A_838 {strides = array<i32>} : memref<8192xf32, #tpu.memory_space<vmem>>, vector<16xf32>,
      %swap3A_839 = arith.index_cast %multiple_of3A_808 : i32 to index
      %swap3A_840 = tpu.vector_load %arg16[%swap3A_839] {strides = array<i32>} : memref<8192xf32, #tpu.memory_space<vmem>>, vector<16xf32>,
      %swap3A_841 = vector.shape_cast %swap3A_840 : vector<16xf32> to vector<16xf32>
      %swap3A_842 = vector.shape_cast %sub3A_830 : vector<16xf32> to vector<16xf32>
      tpu.vector_store %arg16[%swap3A_839], %swap3A_842 {strides = array<i32>} : memref<8192xf32, #tpu.memory_space<vmem>>, vector<16xf32>,
      %add3A_843 = arith.constant 5.000000e-01 : f32
      %add3A_844 = vector.broadcast %add3A_843 : f32 to vector<16xf32>
      %add3A_845 = arith.addf %sub3A_826, %add3A_844 : vector<16xf32>
      %mul3A_846 = arith.constant 6.400000e+01 : f32
      %mul3A_847 = vector.broadcast %mul3A_846 : f32 to vector<16xf32>
      %mul3A_848 = arith.mulf %add3A_845, %mul3A_847 : vector<16xf32>
      %sub3A_849 = arith.constant 5.000000e-01 : f32
      %sub3A_850 = vector.broadcast %sub3A_849 : f32 to vector<16xf32>
      %sub3A_851 = arith.subf %mul3A_848, %sub3A_850 : vector<16xf32>
      %convert_element_type3A_852 = arith.fptosi %sub3A_851 : vector<16xf32> to vector<16xi32>
      %convert_element_type3A_853 = arith.sitofp %convert_element_type3A_852 : vector<16xi32> to vector<16xf32>
      %gt3A_854 = arith.cmpf ogt, %sub3A_851, %convert_element_type3A_853 : vector<16xf32>
      %add3A_855 = arith.constant 1 : i32
      %add3A_856 = vector.broadcast %add3A_855 : i32 to vector<16xi32>
      %add3A_857 = arith.addi %convert_element_type3A_852, %add3A_856 : vector<16xi32>
      %select_n3A_858 = arith.select %gt3A_854, %add3A_857, %convert_element_type3A_852 : vector<16xi1>, vector<16xi32>
      %mul3A_859 = arith.constant 4096 : i32
      %mul3A_860 = vector.broadcast %mul3A_859 : i32 to vector<16xi32>
      %mul3A_861 = arith.muli %select_n3A_858, %mul3A_860 : vector<16xi32>
      %add3A_862 = arith.constant 5.000000e-01 : f32
      %add3A_863 = vector.broadcast %add3A_862 : f32 to vector<16xf32>
      %add3A_864 = arith.addf %sub3A_828, %add3A_863 : vector<16xf32>
      %mul3A_865 = arith.constant 6.400000e+01 : f32
      %mul3A_866 = vector.broadcast %mul3A_865 : f32 to vector<16xf32>
      %mul3A_867 = arith.mulf %add3A_864, %mul3A_866 : vector<16xf32>
      %sub3A_868 = arith.constant 5.000000e-01 : f32
      %sub3A_869 = vector.broadcast %sub3A_868 : f32 to vector<16xf32>
      %sub3A_870 = arith.subf %mul3A_867, %sub3A_869 : vector<16xf32>
      %convert_element_type3A_871 = arith.fptosi %sub3A_870 : vector<16xf32> to vector<16xi32>
      %convert_element_type3A_872 = arith.sitofp %convert_element_type3A_871 : vector<16xi32> to vector<16xf32>
      %gt3A_873 = arith.cmpf ogt, %sub3A_870, %convert_element_type3A_872 : vector<16xf32>
      %add3A_874 = arith.constant 1 : i32
      %add3A_875 = vector.broadcast %add3A_874 : i32 to vector<16xi32>
      %add3A_876 = arith.addi %convert_element_type3A_871, %add3A_875 : vector<16xi32>
      %select_n3A_877 = arith.select %gt3A_873, %add3A_876, %convert_element_type3A_871 : vector<16xi1>, vector<16xi32>
      %mul3A_878 = arith.constant 64 : i32
      %mul3A_879 = vector.broadcast %mul3A_878 : i32 to vector<16xi32>
      %mul3A_880 = arith.muli %select_n3A_877, %mul3A_879 : vector<16xi32>
      %add3A_881 = arith.addi %mul3A_861, %mul3A_880 : vector<16xi32>
      %add3A_882 = arith.constant 5.000000e-01 : f32
      %add3A_883 = vector.broadcast %add3A_882 : f32 to vector<16xf32>
      %add3A_884 = arith.addf %sub3A_830, %add3A_883 : vector<16xf32>
      %mul3A_885 = arith.constant 6.400000e+01 : f32
      %mul3A_886 = vector.broadcast %mul3A_885 : f32 to vector<16xf32>
      %mul3A_887 = arith.mulf %add3A_884, %mul3A_886 : vector<16xf32>
      %sub3A_888 = arith.constant 5.000000e-01 : f32
      %sub3A_889 = vector.broadcast %sub3A_888 : f32 to vector<16xf32>
      %sub3A_890 = arith.subf %mul3A_887, %sub3A_889 : vector<16xf32>
      %convert_element_type3A_891 = arith.fptosi %sub3A_890 : vector<16xf32> to vector<16xi32>
      %convert_element_type3A_892 = arith.sitofp %convert_element_type3A_891 : vector<16xi32> to vector<16xf32>
      %gt3A_893 = arith.cmpf ogt, %sub3A_890, %convert_element_type3A_892 : vector<16xf32>
      %add3A_894 = arith.constant 1 : i32
      %add3A_895 = vector.broadcast %add3A_894 : i32 to vector<16xi32>
      %add3A_896 = arith.addi %convert_element_type3A_891, %add3A_895 : vector<16xi32>
      %select_n3A_897 = arith.select %gt3A_893, %add3A_896, %convert_element_type3A_891 : vector<16xi1>, vector<16xi32>
      %add3A_898 = arith.addi %add3A_881, %select_n3A_897 : vector<16xi32>
      %max3A_899 = arith.constant 0 : i32
      %max3A_900 = vector.broadcast %max3A_899 : i32 to vector<16xi32>
      %max3A_901 = arith.maxsi %add3A_898, %max3A_900 : vector<16xi32>
      %min3A_902 = arith.constant 262143 : i32
      %min3A_903 = vector.broadcast %min3A_902 : i32 to vector<16xi32>
      %min3A_904 = arith.minsi %max3A_901, %min3A_903 : vector<16xi32>
      %add3A_905 = vector.broadcast %mul3A_23 : i32 to vector<16xi32>
      %add3A_906 = arith.addi %min3A_904, %add3A_905 : vector<16xi32>
      %swap3A_907 = arith.index_cast %multiple_of3A_808 : i32 to index
      %swap3A_908 = tpu.vector_load %arg17[%swap3A_907] {strides = array<i32>} : memref<8192xi32, #tpu.memory_space<vmem>>, vector<16xi32>,
      %swap3A_909 = vector.shape_cast %swap3A_908 : vector<16xi32> to vector<16xi32>
      %swap3A_910 = vector.shape_cast %add3A_906 : vector<16xi32> to vector<16xi32>
      tpu.vector_store %arg17[%swap3A_907], %swap3A_910 {strides = array<i32>} : memref<8192xi32, #tpu.memory_space<vmem>>, vector<16xi32>,
      %scan3A_911 = arith.constant 4 : i32
      %scan3A_912 = arith.addi %scan3A_488, %scan3A_911 : i32
      %mul3A_913 = arith.constant 16 : i32
      %mul3A_914 = arith.muli %scan3A_912, %mul3A_913 : i32
      %multiple_of3A_915 = tpu.assume_multiple %mul3A_914, 16 : i32
      %get3A_916 = arith.index_cast %multiple_of3A_915 : i32 to index
      %get3A_917 = tpu.vector_load %arg11[%get3A_916] {strides = array<i32>} : memref<8192xf32, #tpu.memory_space<vmem>>, vector<16xf32>,
      %get3A_918 = vector.shape_cast %get3A_917 : vector<16xf32> to vector<16xf32>
      %get3A_919 = arith.index_cast %multiple_of3A_915 : i32 to index
      %get3A_920 = tpu.vector_load %arg12[%get3A_919] {strides = array<i32>} : memref<8192xf32, #tpu.memory_space<vmem>>, vector<16xf32>,
      %get3A_921 = vector.shape_cast %get3A_920 : vector<16xf32> to vector<16xf32>
      %get3A_922 = arith.index_cast %multiple_of3A_915 : i32 to index
      %get3A_923 = tpu.vector_load %arg13[%get3A_922] {strides = array<i32>} : memref<8192xf32, #tpu.memory_space<vmem>>, vector<16xf32>,
      %get3A_924 = vector.shape_cast %get3A_923 : vector<16xf32> to vector<16xf32>
      %mul3A_925 = arith.mulf %get3A_918, %get3A_260 : vector<16xf32>
      %mul3A_926 = arith.mulf %get3A_921, %get3A_263 : vector<16xf32>
      %add3A_927 = arith.addf %mul3A_925, %mul3A_926 : vector<16xf32>
      %mul3A_928 = arith.mulf %get3A_924, %get3A_266 : vector<16xf32>
      %add3A_929 = arith.addf %add3A_927, %mul3A_928 : vector<16xf32>
      %add3A_930 = arith.addf %add3A_929, %get3A_269 : vector<16xf32>
      %mul3A_931 = arith.mulf %add3A_930, %div3A_277 : vector<16xf32>
      %mul3A_932 = arith.mulf %mul3A_931, %get3A_260 : vector<16xf32>
      %sub3A_933 = arith.subf %get3A_918, %mul3A_932 : vector<16xf32>
      %mul3A_934 = arith.mulf %mul3A_931, %get3A_263 : vector<16xf32>
      %sub3A_935 = arith.subf %get3A_921, %mul3A_934 : vector<16xf32>
      %mul3A_936 = arith.mulf %mul3A_931, %get3A_266 : vector<16xf32>
      %sub3A_937 = arith.subf %get3A_924, %mul3A_936 : vector<16xf32>
      %swap3A_938 = arith.index_cast %multiple_of3A_915 : i32 to index
      %swap3A_939 = tpu.vector_load %arg14[%swap3A_938] {strides = array<i32>} : memref<8192xf32, #tpu.memory_space<vmem>>, vector<16xf32>,
      %swap3A_940 = vector.shape_cast %swap3A_939 : vector<16xf32> to vector<16xf32>
      %swap3A_941 = vector.shape_cast %sub3A_933 : vector<16xf32> to vector<16xf32>
      tpu.vector_store %arg14[%swap3A_938], %swap3A_941 {strides = array<i32>} : memref<8192xf32, #tpu.memory_space<vmem>>, vector<16xf32>,
      %swap3A_942 = arith.index_cast %multiple_of3A_915 : i32 to index
      %swap3A_943 = tpu.vector_load %arg15[%swap3A_942] {strides = array<i32>} : memref<8192xf32, #tpu.memory_space<vmem>>, vector<16xf32>,
      %swap3A_944 = vector.shape_cast %swap3A_943 : vector<16xf32> to vector<16xf32>
      %swap3A_945 = vector.shape_cast %sub3A_935 : vector<16xf32> to vector<16xf32>
      tpu.vector_store %arg15[%swap3A_942], %swap3A_945 {strides = array<i32>} : memref<8192xf32, #tpu.memory_space<vmem>>, vector<16xf32>,
      %swap3A_946 = arith.index_cast %multiple_of3A_915 : i32 to index
      %swap3A_947 = tpu.vector_load %arg16[%swap3A_946] {strides = array<i32>} : memref<8192xf32, #tpu.memory_space<vmem>>, vector<16xf32>,
      %swap3A_948 = vector.shape_cast %swap3A_947 : vector<16xf32> to vector<16xf32>
      %swap3A_949 = vector.shape_cast %sub3A_937 : vector<16xf32> to vector<16xf32>
      tpu.vector_store %arg16[%swap3A_946], %swap3A_949 {strides = array<i32>} : memref<8192xf32, #tpu.memory_space<vmem>>, vector<16xf32>,
      %add3A_950 = arith.constant 5.000000e-01 : f32
      %add3A_951 = vector.broadcast %add3A_950 : f32 to vector<16xf32>
      %add3A_952 = arith.addf %sub3A_933, %add3A_951 : vector<16xf32>
      %mul3A_953 = arith.constant 6.400000e+01 : f32
      %mul3A_954 = vector.broadcast %mul3A_953 : f32 to vector<16xf32>
      %mul3A_955 = arith.mulf %add3A_952, %mul3A_954 : vector<16xf32>
      %sub3A_956 = arith.constant 5.000000e-01 : f32
      %sub3A_957 = vector.broadcast %sub3A_956 : f32 to vector<16xf32>
      %sub3A_958 = arith.subf %mul3A_955, %sub3A_957 : vector<16xf32>
      %convert_element_type3A_959 = arith.fptosi %sub3A_958 : vector<16xf32> to vector<16xi32>
      %convert_element_type3A_960 = arith.sitofp %convert_element_type3A_959 : vector<16xi32> to vector<16xf32>
      %gt3A_961 = arith.cmpf ogt, %sub3A_958, %convert_element_type3A_960 : vector<16xf32>
      %add3A_962 = arith.constant 1 : i32
      %add3A_963 = vector.broadcast %add3A_962 : i32 to vector<16xi32>
      %add3A_964 = arith.addi %convert_element_type3A_959, %add3A_963 : vector<16xi32>
      %select_n3A_965 = arith.select %gt3A_961, %add3A_964, %convert_element_type3A_959 : vector<16xi1>, vector<16xi32>
      %mul3A_966 = arith.constant 4096 : i32
      %mul3A_967 = vector.broadcast %mul3A_966 : i32 to vector<16xi32>
      %mul3A_968 = arith.muli %select_n3A_965, %mul3A_967 : vector<16xi32>
      %add3A_969 = arith.constant 5.000000e-01 : f32
      %add3A_970 = vector.broadcast %add3A_969 : f32 to vector<16xf32>
      %add3A_971 = arith.addf %sub3A_935, %add3A_970 : vector<16xf32>
      %mul3A_972 = arith.constant 6.400000e+01 : f32
      %mul3A_973 = vector.broadcast %mul3A_972 : f32 to vector<16xf32>
      %mul3A_974 = arith.mulf %add3A_971, %mul3A_973 : vector<16xf32>
      %sub3A_975 = arith.constant 5.000000e-01 : f32
      %sub3A_976 = vector.broadcast %sub3A_975 : f32 to vector<16xf32>
      %sub3A_977 = arith.subf %mul3A_974, %sub3A_976 : vector<16xf32>
      %convert_element_type3A_978 = arith.fptosi %sub3A_977 : vector<16xf32> to vector<16xi32>
      %convert_element_type3A_979 = arith.sitofp %convert_element_type3A_978 : vector<16xi32> to vector<16xf32>
      %gt3A_980 = arith.cmpf ogt, %sub3A_977, %convert_element_type3A_979 : vector<16xf32>
      %add3A_981 = arith.constant 1 : i32
      %add3A_982 = vector.broadcast %add3A_981 : i32 to vector<16xi32>
      %add3A_983 = arith.addi %convert_element_type3A_978, %add3A_982 : vector<16xi32>
      %select_n3A_984 = arith.select %gt3A_980, %add3A_983, %convert_element_type3A_978 : vector<16xi1>, vector<16xi32>
      %mul3A_985 = arith.constant 64 : i32
      %mul3A_986 = vector.broadcast %mul3A_985 : i32 to vector<16xi32>
      %mul3A_987 = arith.muli %select_n3A_984, %mul3A_986 : vector<16xi32>
      %add3A_988 = arith.addi %mul3A_968, %mul3A_987 : vector<16xi32>
      %add3A_989 = arith.constant 5.000000e-01 : f32
      %add3A_990 = vector.broadcast %add3A_989 : f32 to vector<16xf32>
      %add3A_991 = arith.addf %sub3A_937, %add3A_990 : vector<16xf32>
      %mul3A_992 = arith.constant 6.400000e+01 : f32
      %mul3A_993 = vector.broadcast %mul3A_992 : f32 to vector<16xf32>
      %mul3A_994 = arith.mulf %add3A_991, %mul3A_993 : vector<16xf32>
      %sub3A_995 = arith.constant 5.000000e-01 : f32
      %sub3A_996 = vector.broadcast %sub3A_995 : f32 to vector<16xf32>
      %sub3A_997 = arith.subf %mul3A_994, %sub3A_996 : vector<16xf32>
      %convert_element_type3A_998 = arith.fptosi %sub3A_997 : vector<16xf32> to vector<16xi32>
      %convert_element_type3A_999 = arith.sitofp %convert_element_type3A_998 : vector<16xi32> to vector<16xf32>
      %gt3A_1000 = arith.cmpf ogt, %sub3A_997, %convert_element_type3A_999 : vector<16xf32>
      %add3A_1001 = arith.constant 1 : i32
      %add3A_1002 = vector.broadcast %add3A_1001 : i32 to vector<16xi32>
      %add3A_1003 = arith.addi %convert_element_type3A_998, %add3A_1002 : vector<16xi32>
      %select_n3A_1004 = arith.select %gt3A_1000, %add3A_1003, %convert_element_type3A_998 : vector<16xi1>, vector<16xi32>
      %add3A_1005 = arith.addi %add3A_988, %select_n3A_1004 : vector<16xi32>
      %max3A_1006 = arith.constant 0 : i32
      %max3A_1007 = vector.broadcast %max3A_1006 : i32 to vector<16xi32>
      %max3A_1008 = arith.maxsi %add3A_1005, %max3A_1007 : vector<16xi32>
      %min3A_1009 = arith.constant 262143 : i32
      %min3A_1010 = vector.broadcast %min3A_1009 : i32 to vector<16xi32>
      %min3A_1011 = arith.minsi %max3A_1008, %min3A_1010 : vector<16xi32>
      %add3A_1012 = vector.broadcast %mul3A_23 : i32 to vector<16xi32>
      %add3A_1013 = arith.addi %min3A_1011, %add3A_1012 : vector<16xi32>
      %swap3A_1014 = arith.index_cast %multiple_of3A_915 : i32 to index
      %swap3A_1015 = tpu.vector_load %arg17[%swap3A_1014] {strides = array<i32>} : memref<8192xi32, #tpu.memory_space<vmem>>, vector<16xi32>,
      %swap3A_1016 = vector.shape_cast %swap3A_1015 : vector<16xi32> to vector<16xi32>
      %swap3A_1017 = vector.shape_cast %add3A_1013 : vector<16xi32> to vector<16xi32>
      tpu.vector_store %arg17[%swap3A_1014], %swap3A_1017 {strides = array<i32>} : memref<8192xi32, #tpu.memory_space<vmem>>, vector<16xi32>,
      %scan3A_1018 = arith.constant 5 : i32
      %scan3A_1019 = arith.addi %scan3A_488, %scan3A_1018 : i32
      %mul3A_1020 = arith.constant 16 : i32
      %mul3A_1021 = arith.muli %scan3A_1019, %mul3A_1020 : i32
      %multiple_of3A_1022 = tpu.assume_multiple %mul3A_1021, 16 : i32
      %get3A_1023 = arith.index_cast %multiple_of3A_1022 : i32 to index
      %get3A_1024 = tpu.vector_load %arg11[%get3A_1023] {strides = array<i32>} : memref<8192xf32, #tpu.memory_space<vmem>>, vector<16xf32>,
      %get3A_1025 = vector.shape_cast %get3A_1024 : vector<16xf32> to vector<16xf32>
      %get3A_1026 = arith.index_cast %multiple_of3A_1022 : i32 to index
      %get3A_1027 = tpu.vector_load %arg12[%get3A_1026] {strides = array<i32>} : memref<8192xf32, #tpu.memory_space<vmem>>, vector<16xf32>,
      %get3A_1028 = vector.shape_cast %get3A_1027 : vector<16xf32> to vector<16xf32>
      %get3A_1029 = arith.index_cast %multiple_of3A_1022 : i32 to index
      %get3A_1030 = tpu.vector_load %arg13[%get3A_1029] {strides = array<i32>} : memref<8192xf32, #tpu.memory_space<vmem>>, vector<16xf32>,
      %get3A_1031 = vector.shape_cast %get3A_1030 : vector<16xf32> to vector<16xf32>
      %mul3A_1032 = arith.mulf %get3A_1025, %get3A_260 : vector<16xf32>
      %mul3A_1033 = arith.mulf %get3A_1028, %get3A_263 : vector<16xf32>
      %add3A_1034 = arith.addf %mul3A_1032, %mul3A_1033 : vector<16xf32>
      %mul3A_1035 = arith.mulf %get3A_1031, %get3A_266 : vector<16xf32>
      %add3A_1036 = arith.addf %add3A_1034, %mul3A_1035 : vector<16xf32>
      %add3A_1037 = arith.addf %add3A_1036, %get3A_269 : vector<16xf32>
      %mul3A_1038 = arith.mulf %add3A_1037, %div3A_277 : vector<16xf32>
      %mul3A_1039 = arith.mulf %mul3A_1038, %get3A_260 : vector<16xf32>
      %sub3A_1040 = arith.subf %get3A_1025, %mul3A_1039 : vector<16xf32>
      %mul3A_1041 = arith.mulf %mul3A_1038, %get3A_263 : vector<16xf32>
      %sub3A_1042 = arith.subf %get3A_1028, %mul3A_1041 : vector<16xf32>
      %mul3A_1043 = arith.mulf %mul3A_1038, %get3A_266 : vector<16xf32>
      %sub3A_1044 = arith.subf %get3A_1031, %mul3A_1043 : vector<16xf32>
      %swap3A_1045 = arith.index_cast %multiple_of3A_1022 : i32 to index
      %swap3A_1046 = tpu.vector_load %arg14[%swap3A_1045] {strides = array<i32>} : memref<8192xf32, #tpu.memory_space<vmem>>, vector<16xf32>,
      %swap3A_1047 = vector.shape_cast %swap3A_1046 : vector<16xf32> to vector<16xf32>
      %swap3A_1048 = vector.shape_cast %sub3A_1040 : vector<16xf32> to vector<16xf32>
      tpu.vector_store %arg14[%swap3A_1045], %swap3A_1048 {strides = array<i32>} : memref<8192xf32, #tpu.memory_space<vmem>>, vector<16xf32>,
      %swap3A_1049 = arith.index_cast %multiple_of3A_1022 : i32 to index
      %swap3A_1050 = tpu.vector_load %arg15[%swap3A_1049] {strides = array<i32>} : memref<8192xf32, #tpu.memory_space<vmem>>, vector<16xf32>,
      %swap3A_1051 = vector.shape_cast %swap3A_1050 : vector<16xf32> to vector<16xf32>
      %swap3A_1052 = vector.shape_cast %sub3A_1042 : vector<16xf32> to vector<16xf32>
      tpu.vector_store %arg15[%swap3A_1049], %swap3A_1052 {strides = array<i32>} : memref<8192xf32, #tpu.memory_space<vmem>>, vector<16xf32>,
      %swap3A_1053 = arith.index_cast %multiple_of3A_1022 : i32 to index
      %swap3A_1054 = tpu.vector_load %arg16[%swap3A_1053] {strides = array<i32>} : memref<8192xf32, #tpu.memory_space<vmem>>, vector<16xf32>,
      %swap3A_1055 = vector.shape_cast %swap3A_1054 : vector<16xf32> to vector<16xf32>
      %swap3A_1056 = vector.shape_cast %sub3A_1044 : vector<16xf32> to vector<16xf32>
      tpu.vector_store %arg16[%swap3A_1053], %swap3A_1056 {strides = array<i32>} : memref<8192xf32, #tpu.memory_space<vmem>>, vector<16xf32>,
      %add3A_1057 = arith.constant 5.000000e-01 : f32
      %add3A_1058 = vector.broadcast %add3A_1057 : f32 to vector<16xf32>
      %add3A_1059 = arith.addf %sub3A_1040, %add3A_1058 : vector<16xf32>
      %mul3A_1060 = arith.constant 6.400000e+01 : f32
      %mul3A_1061 = vector.broadcast %mul3A_1060 : f32 to vector<16xf32>
      %mul3A_1062 = arith.mulf %add3A_1059, %mul3A_1061 : vector<16xf32>
      %sub3A_1063 = arith.constant 5.000000e-01 : f32
      %sub3A_1064 = vector.broadcast %sub3A_1063 : f32 to vector<16xf32>
      %sub3A_1065 = arith.subf %mul3A_1062, %sub3A_1064 : vector<16xf32>
      %convert_element_type3A_1066 = arith.fptosi %sub3A_1065 : vector<16xf32> to vector<16xi32>
      %convert_element_type3A_1067 = arith.sitofp %convert_element_type3A_1066 : vector<16xi32> to vector<16xf32>
      %gt3A_1068 = arith.cmpf ogt, %sub3A_1065, %convert_element_type3A_1067 : vector<16xf32>
      %add3A_1069 = arith.constant 1 : i32
      %add3A_1070 = vector.broadcast %add3A_1069 : i32 to vector<16xi32>
      %add3A_1071 = arith.addi %convert_element_type3A_1066, %add3A_1070 : vector<16xi32>
      %select_n3A_1072 = arith.select %gt3A_1068, %add3A_1071, %convert_element_type3A_1066 : vector<16xi1>, vector<16xi32>
      %mul3A_1073 = arith.constant 4096 : i32
      %mul3A_1074 = vector.broadcast %mul3A_1073 : i32 to vector<16xi32>
      %mul3A_1075 = arith.muli %select_n3A_1072, %mul3A_1074 : vector<16xi32>
      %add3A_1076 = arith.constant 5.000000e-01 : f32
      %add3A_1077 = vector.broadcast %add3A_1076 : f32 to vector<16xf32>
      %add3A_1078 = arith.addf %sub3A_1042, %add3A_1077 : vector<16xf32>
      %mul3A_1079 = arith.constant 6.400000e+01 : f32
      %mul3A_1080 = vector.broadcast %mul3A_1079 : f32 to vector<16xf32>
      %mul3A_1081 = arith.mulf %add3A_1078, %mul3A_1080 : vector<16xf32>
      %sub3A_1082 = arith.constant 5.000000e-01 : f32
      %sub3A_1083 = vector.broadcast %sub3A_1082 : f32 to vector<16xf32>
      %sub3A_1084 = arith.subf %mul3A_1081, %sub3A_1083 : vector<16xf32>
      %convert_element_type3A_1085 = arith.fptosi %sub3A_1084 : vector<16xf32> to vector<16xi32>
      %convert_element_type3A_1086 = arith.sitofp %convert_element_type3A_1085 : vector<16xi32> to vector<16xf32>
      %gt3A_1087 = arith.cmpf ogt, %sub3A_1084, %convert_element_type3A_1086 : vector<16xf32>
      %add3A_1088 = arith.constant 1 : i32
      %add3A_1089 = vector.broadcast %add3A_1088 : i32 to vector<16xi32>
      %add3A_1090 = arith.addi %convert_element_type3A_1085, %add3A_1089 : vector<16xi32>
      %select_n3A_1091 = arith.select %gt3A_1087, %add3A_1090, %convert_element_type3A_1085 : vector<16xi1>, vector<16xi32>
      %mul3A_1092 = arith.constant 64 : i32
      %mul3A_1093 = vector.broadcast %mul3A_1092 : i32 to vector<16xi32>
      %mul3A_1094 = arith.muli %select_n3A_1091, %mul3A_1093 : vector<16xi32>
      %add3A_1095 = arith.addi %mul3A_1075, %mul3A_1094 : vector<16xi32>
      %add3A_1096 = arith.constant 5.000000e-01 : f32
      %add3A_1097 = vector.broadcast %add3A_1096 : f32 to vector<16xf32>
      %add3A_1098 = arith.addf %sub3A_1044, %add3A_1097 : vector<16xf32>
      %mul3A_1099 = arith.constant 6.400000e+01 : f32
      %mul3A_1100 = vector.broadcast %mul3A_1099 : f32 to vector<16xf32>
      %mul3A_1101 = arith.mulf %add3A_1098, %mul3A_1100 : vector<16xf32>
      %sub3A_1102 = arith.constant 5.000000e-01 : f32
      %sub3A_1103 = vector.broadcast %sub3A_1102 : f32 to vector<16xf32>
      %sub3A_1104 = arith.subf %mul3A_1101, %sub3A_1103 : vector<16xf32>
      %convert_element_type3A_1105 = arith.fptosi %sub3A_1104 : vector<16xf32> to vector<16xi32>
      %convert_element_type3A_1106 = arith.sitofp %convert_element_type3A_1105 : vector<16xi32> to vector<16xf32>
      %gt3A_1107 = arith.cmpf ogt, %sub3A_1104, %convert_element_type3A_1106 : vector<16xf32>
      %add3A_1108 = arith.constant 1 : i32
      %add3A_1109 = vector.broadcast %add3A_1108 : i32 to vector<16xi32>
      %add3A_1110 = arith.addi %convert_element_type3A_1105, %add3A_1109 : vector<16xi32>
      %select_n3A_1111 = arith.select %gt3A_1107, %add3A_1110, %convert_element_type3A_1105 : vector<16xi1>, vector<16xi32>
      %add3A_1112 = arith.addi %add3A_1095, %select_n3A_1111 : vector<16xi32>
      %max3A_1113 = arith.constant 0 : i32
      %max3A_1114 = vector.broadcast %max3A_1113 : i32 to vector<16xi32>
      %max3A_1115 = arith.maxsi %add3A_1112, %max3A_1114 : vector<16xi32>
      %min3A_1116 = arith.constant 262143 : i32
      %min3A_1117 = vector.broadcast %min3A_1116 : i32 to vector<16xi32>
      %min3A_1118 = arith.minsi %max3A_1115, %min3A_1117 : vector<16xi32>
      %add3A_1119 = vector.broadcast %mul3A_23 : i32 to vector<16xi32>
      %add3A_1120 = arith.addi %min3A_1118, %add3A_1119 : vector<16xi32>
      %swap3A_1121 = arith.index_cast %multiple_of3A_1022 : i32 to index
      %swap3A_1122 = tpu.vector_load %arg17[%swap3A_1121] {strides = array<i32>} : memref<8192xi32, #tpu.memory_space<vmem>>, vector<16xi32>,
      %swap3A_1123 = vector.shape_cast %swap3A_1122 : vector<16xi32> to vector<16xi32>
      %swap3A_1124 = vector.shape_cast %add3A_1120 : vector<16xi32> to vector<16xi32>
      tpu.vector_store %arg17[%swap3A_1121], %swap3A_1124 {strides = array<i32>} : memref<8192xi32, #tpu.memory_space<vmem>>, vector<16xi32>,
      %scan3A_1125 = arith.constant 6 : i32
      %scan3A_1126 = arith.addi %scan3A_488, %scan3A_1125 : i32
      %mul3A_1127 = arith.constant 16 : i32
      %mul3A_1128 = arith.muli %scan3A_1126, %mul3A_1127 : i32
      %multiple_of3A_1129 = tpu.assume_multiple %mul3A_1128, 16 : i32
      %get3A_1130 = arith.index_cast %multiple_of3A_1129 : i32 to index
      %get3A_1131 = tpu.vector_load %arg11[%get3A_1130] {strides = array<i32>} : memref<8192xf32, #tpu.memory_space<vmem>>, vector<16xf32>,
      %get3A_1132 = vector.shape_cast %get3A_1131 : vector<16xf32> to vector<16xf32>
      %get3A_1133 = arith.index_cast %multiple_of3A_1129 : i32 to index
      %get3A_1134 = tpu.vector_load %arg12[%get3A_1133] {strides = array<i32>} : memref<8192xf32, #tpu.memory_space<vmem>>, vector<16xf32>,
      %get3A_1135 = vector.shape_cast %get3A_1134 : vector<16xf32> to vector<16xf32>
      %get3A_1136 = arith.index_cast %multiple_of3A_1129 : i32 to index
      %get3A_1137 = tpu.vector_load %arg13[%get3A_1136] {strides = array<i32>} : memref<8192xf32, #tpu.memory_space<vmem>>, vector<16xf32>,
      %get3A_1138 = vector.shape_cast %get3A_1137 : vector<16xf32> to vector<16xf32>
      %mul3A_1139 = arith.mulf %get3A_1132, %get3A_260 : vector<16xf32>
      %mul3A_1140 = arith.mulf %get3A_1135, %get3A_263 : vector<16xf32>
      %add3A_1141 = arith.addf %mul3A_1139, %mul3A_1140 : vector<16xf32>
      %mul3A_1142 = arith.mulf %get3A_1138, %get3A_266 : vector<16xf32>
      %add3A_1143 = arith.addf %add3A_1141, %mul3A_1142 : vector<16xf32>
      %add3A_1144 = arith.addf %add3A_1143, %get3A_269 : vector<16xf32>
      %mul3A_1145 = arith.mulf %add3A_1144, %div3A_277 : vector<16xf32>
      %mul3A_1146 = arith.mulf %mul3A_1145, %get3A_260 : vector<16xf32>
      %sub3A_1147 = arith.subf %get3A_1132, %mul3A_1146 : vector<16xf32>
      %mul3A_1148 = arith.mulf %mul3A_1145, %get3A_263 : vector<16xf32>
      %sub3A_1149 = arith.subf %get3A_1135, %mul3A_1148 : vector<16xf32>
      %mul3A_1150 = arith.mulf %mul3A_1145, %get3A_266 : vector<16xf32>
      %sub3A_1151 = arith.subf %get3A_1138, %mul3A_1150 : vector<16xf32>
      %swap3A_1152 = arith.index_cast %multiple_of3A_1129 : i32 to index
      %swap3A_1153 = tpu.vector_load %arg14[%swap3A_1152] {strides = array<i32>} : memref<8192xf32, #tpu.memory_space<vmem>>, vector<16xf32>,
      %swap3A_1154 = vector.shape_cast %swap3A_1153 : vector<16xf32> to vector<16xf32>
      %swap3A_1155 = vector.shape_cast %sub3A_1147 : vector<16xf32> to vector<16xf32>
      tpu.vector_store %arg14[%swap3A_1152], %swap3A_1155 {strides = array<i32>} : memref<8192xf32, #tpu.memory_space<vmem>>, vector<16xf32>,
      %swap3A_1156 = arith.index_cast %multiple_of3A_1129 : i32 to index
      %swap3A_1157 = tpu.vector_load %arg15[%swap3A_1156] {strides = array<i32>} : memref<8192xf32, #tpu.memory_space<vmem>>, vector<16xf32>,
      %swap3A_1158 = vector.shape_cast %swap3A_1157 : vector<16xf32> to vector<16xf32>
      %swap3A_1159 = vector.shape_cast %sub3A_1149 : vector<16xf32> to vector<16xf32>
      tpu.vector_store %arg15[%swap3A_1156], %swap3A_1159 {strides = array<i32>} : memref<8192xf32, #tpu.memory_space<vmem>>, vector<16xf32>,
      %swap3A_1160 = arith.index_cast %multiple_of3A_1129 : i32 to index
      %swap3A_1161 = tpu.vector_load %arg16[%swap3A_1160] {strides = array<i32>} : memref<8192xf32, #tpu.memory_space<vmem>>, vector<16xf32>,
      %swap3A_1162 = vector.shape_cast %swap3A_1161 : vector<16xf32> to vector<16xf32>
      %swap3A_1163 = vector.shape_cast %sub3A_1151 : vector<16xf32> to vector<16xf32>
      tpu.vector_store %arg16[%swap3A_1160], %swap3A_1163 {strides = array<i32>} : memref<8192xf32, #tpu.memory_space<vmem>>, vector<16xf32>,
      %add3A_1164 = arith.constant 5.000000e-01 : f32
      %add3A_1165 = vector.broadcast %add3A_1164 : f32 to vector<16xf32>
      %add3A_1166 = arith.addf %sub3A_1147, %add3A_1165 : vector<16xf32>
      %mul3A_1167 = arith.constant 6.400000e+01 : f32
      %mul3A_1168 = vector.broadcast %mul3A_1167 : f32 to vector<16xf32>
      %mul3A_1169 = arith.mulf %add3A_1166, %mul3A_1168 : vector<16xf32>
      %sub3A_1170 = arith.constant 5.000000e-01 : f32
      %sub3A_1171 = vector.broadcast %sub3A_1170 : f32 to vector<16xf32>
      %sub3A_1172 = arith.subf %mul3A_1169, %sub3A_1171 : vector<16xf32>
      %convert_element_type3A_1173 = arith.fptosi %sub3A_1172 : vector<16xf32> to vector<16xi32>
      %convert_element_type3A_1174 = arith.sitofp %convert_element_type3A_1173 : vector<16xi32> to vector<16xf32>
      %gt3A_1175 = arith.cmpf ogt, %sub3A_1172, %convert_element_type3A_1174 : vector<16xf32>
      %add3A_1176 = arith.constant 1 : i32
      %add3A_1177 = vector.broadcast %add3A_1176 : i32 to vector<16xi32>
      %add3A_1178 = arith.addi %convert_element_type3A_1173, %add3A_1177 : vector<16xi32>
      %select_n3A_1179 = arith.select %gt3A_1175, %add3A_1178, %convert_element_type3A_1173 : vector<16xi1>, vector<16xi32>
      %mul3A_1180 = arith.constant 4096 : i32
      %mul3A_1181 = vector.broadcast %mul3A_1180 : i32 to vector<16xi32>
      %mul3A_1182 = arith.muli %select_n3A_1179, %mul3A_1181 : vector<16xi32>
      %add3A_1183 = arith.constant 5.000000e-01 : f32
      %add3A_1184 = vector.broadcast %add3A_1183 : f32 to vector<16xf32>
      %add3A_1185 = arith.addf %sub3A_1149, %add3A_1184 : vector<16xf32>
      %mul3A_1186 = arith.constant 6.400000e+01 : f32
      %mul3A_1187 = vector.broadcast %mul3A_1186 : f32 to vector<16xf32>
      %mul3A_1188 = arith.mulf %add3A_1185, %mul3A_1187 : vector<16xf32>
      %sub3A_1189 = arith.constant 5.000000e-01 : f32
      %sub3A_1190 = vector.broadcast %sub3A_1189 : f32 to vector<16xf32>
      %sub3A_1191 = arith.subf %mul3A_1188, %sub3A_1190 : vector<16xf32>
      %convert_element_type3A_1192 = arith.fptosi %sub3A_1191 : vector<16xf32> to vector<16xi32>
      %convert_element_type3A_1193 = arith.sitofp %convert_element_type3A_1192 : vector<16xi32> to vector<16xf32>
      %gt3A_1194 = arith.cmpf ogt, %sub3A_1191, %convert_element_type3A_1193 : vector<16xf32>
      %add3A_1195 = arith.constant 1 : i32
      %add3A_1196 = vector.broadcast %add3A_1195 : i32 to vector<16xi32>
      %add3A_1197 = arith.addi %convert_element_type3A_1192, %add3A_1196 : vector<16xi32>
      %select_n3A_1198 = arith.select %gt3A_1194, %add3A_1197, %convert_element_type3A_1192 : vector<16xi1>, vector<16xi32>
      %mul3A_1199 = arith.constant 64 : i32
      %mul3A_1200 = vector.broadcast %mul3A_1199 : i32 to vector<16xi32>
      %mul3A_1201 = arith.muli %select_n3A_1198, %mul3A_1200 : vector<16xi32>
      %add3A_1202 = arith.addi %mul3A_1182, %mul3A_1201 : vector<16xi32>
      %add3A_1203 = arith.constant 5.000000e-01 : f32
      %add3A_1204 = vector.broadcast %add3A_1203 : f32 to vector<16xf32>
      %add3A_1205 = arith.addf %sub3A_1151, %add3A_1204 : vector<16xf32>
      %mul3A_1206 = arith.constant 6.400000e+01 : f32
      %mul3A_1207 = vector.broadcast %mul3A_1206 : f32 to vector<16xf32>
      %mul3A_1208 = arith.mulf %add3A_1205, %mul3A_1207 : vector<16xf32>
      %sub3A_1209 = arith.constant 5.000000e-01 : f32
      %sub3A_1210 = vector.broadcast %sub3A_1209 : f32 to vector<16xf32>
      %sub3A_1211 = arith.subf %mul3A_1208, %sub3A_1210 : vector<16xf32>
      %convert_element_type3A_1212 = arith.fptosi %sub3A_1211 : vector<16xf32> to vector<16xi32>
      %convert_element_type3A_1213 = arith.sitofp %convert_element_type3A_1212 : vector<16xi32> to vector<16xf32>
      %gt3A_1214 = arith.cmpf ogt, %sub3A_1211, %convert_element_type3A_1213 : vector<16xf32>
      %add3A_1215 = arith.constant 1 : i32
      %add3A_1216 = vector.broadcast %add3A_1215 : i32 to vector<16xi32>
      %add3A_1217 = arith.addi %convert_element_type3A_1212, %add3A_1216 : vector<16xi32>
      %select_n3A_1218 = arith.select %gt3A_1214, %add3A_1217, %convert_element_type3A_1212 : vector<16xi1>, vector<16xi32>
      %add3A_1219 = arith.addi %add3A_1202, %select_n3A_1218 : vector<16xi32>
      %max3A_1220 = arith.constant 0 : i32
      %max3A_1221 = vector.broadcast %max3A_1220 : i32 to vector<16xi32>
      %max3A_1222 = arith.maxsi %add3A_1219, %max3A_1221 : vector<16xi32>
      %min3A_1223 = arith.constant 262143 : i32
      %min3A_1224 = vector.broadcast %min3A_1223 : i32 to vector<16xi32>
      %min3A_1225 = arith.minsi %max3A_1222, %min3A_1224 : vector<16xi32>
      %add3A_1226 = vector.broadcast %mul3A_23 : i32 to vector<16xi32>
      %add3A_1227 = arith.addi %min3A_1225, %add3A_1226 : vector<16xi32>
      %swap3A_1228 = arith.index_cast %multiple_of3A_1129 : i32 to index
      %swap3A_1229 = tpu.vector_load %arg17[%swap3A_1228] {strides = array<i32>} : memref<8192xi32, #tpu.memory_space<vmem>>, vector<16xi32>,
      %swap3A_1230 = vector.shape_cast %swap3A_1229 : vector<16xi32> to vector<16xi32>
      %swap3A_1231 = vector.shape_cast %add3A_1227 : vector<16xi32> to vector<16xi32>
      tpu.vector_store %arg17[%swap3A_1228], %swap3A_1231 {strides = array<i32>} : memref<8192xi32, #tpu.memory_space<vmem>>, vector<16xi32>,
      %scan3A_1232 = arith.constant 7 : i32
      %scan3A_1233 = arith.addi %scan3A_488, %scan3A_1232 : i32
      %mul3A_1234 = arith.constant 16 : i32
      %mul3A_1235 = arith.muli %scan3A_1233, %mul3A_1234 : i32
      %multiple_of3A_1236 = tpu.assume_multiple %mul3A_1235, 16 : i32
      %get3A_1237 = arith.index_cast %multiple_of3A_1236 : i32 to index
      %get3A_1238 = tpu.vector_load %arg11[%get3A_1237] {strides = array<i32>} : memref<8192xf32, #tpu.memory_space<vmem>>, vector<16xf32>,
      %get3A_1239 = vector.shape_cast %get3A_1238 : vector<16xf32> to vector<16xf32>
      %get3A_1240 = arith.index_cast %multiple_of3A_1236 : i32 to index
      %get3A_1241 = tpu.vector_load %arg12[%get3A_1240] {strides = array<i32>} : memref<8192xf32, #tpu.memory_space<vmem>>, vector<16xf32>,
      %get3A_1242 = vector.shape_cast %get3A_1241 : vector<16xf32> to vector<16xf32>
      %get3A_1243 = arith.index_cast %multiple_of3A_1236 : i32 to index
      %get3A_1244 = tpu.vector_load %arg13[%get3A_1243] {strides = array<i32>} : memref<8192xf32, #tpu.memory_space<vmem>>, vector<16xf32>,
      %get3A_1245 = vector.shape_cast %get3A_1244 : vector<16xf32> to vector<16xf32>
      %mul3A_1246 = arith.mulf %get3A_1239, %get3A_260 : vector<16xf32>
      %mul3A_1247 = arith.mulf %get3A_1242, %get3A_263 : vector<16xf32>
      %add3A_1248 = arith.addf %mul3A_1246, %mul3A_1247 : vector<16xf32>
      %mul3A_1249 = arith.mulf %get3A_1245, %get3A_266 : vector<16xf32>
      %add3A_1250 = arith.addf %add3A_1248, %mul3A_1249 : vector<16xf32>
      %add3A_1251 = arith.addf %add3A_1250, %get3A_269 : vector<16xf32>
      %mul3A_1252 = arith.mulf %add3A_1251, %div3A_277 : vector<16xf32>
      %mul3A_1253 = arith.mulf %mul3A_1252, %get3A_260 : vector<16xf32>
      %sub3A_1254 = arith.subf %get3A_1239, %mul3A_1253 : vector<16xf32>
      %mul3A_1255 = arith.mulf %mul3A_1252, %get3A_263 : vector<16xf32>
      %sub3A_1256 = arith.subf %get3A_1242, %mul3A_1255 : vector<16xf32>
      %mul3A_1257 = arith.mulf %mul3A_1252, %get3A_266 : vector<16xf32>
      %sub3A_1258 = arith.subf %get3A_1245, %mul3A_1257 : vector<16xf32>
      %swap3A_1259 = arith.index_cast %multiple_of3A_1236 : i32 to index
      %swap3A_1260 = tpu.vector_load %arg14[%swap3A_1259] {strides = array<i32>} : memref<8192xf32, #tpu.memory_space<vmem>>, vector<16xf32>,
      %swap3A_1261 = vector.shape_cast %swap3A_1260 : vector<16xf32> to vector<16xf32>
      %swap3A_1262 = vector.shape_cast %sub3A_1254 : vector<16xf32> to vector<16xf32>
      tpu.vector_store %arg14[%swap3A_1259], %swap3A_1262 {strides = array<i32>} : memref<8192xf32, #tpu.memory_space<vmem>>, vector<16xf32>,
      %swap3A_1263 = arith.index_cast %multiple_of3A_1236 : i32 to index
      %swap3A_1264 = tpu.vector_load %arg15[%swap3A_1263] {strides = array<i32>} : memref<8192xf32, #tpu.memory_space<vmem>>, vector<16xf32>,
      %swap3A_1265 = vector.shape_cast %swap3A_1264 : vector<16xf32> to vector<16xf32>
      %swap3A_1266 = vector.shape_cast %sub3A_1256 : vector<16xf32> to vector<16xf32>
      tpu.vector_store %arg15[%swap3A_1263], %swap3A_1266 {strides = array<i32>} : memref<8192xf32, #tpu.memory_space<vmem>>, vector<16xf32>,
      %swap3A_1267 = arith.index_cast %multiple_of3A_1236 : i32 to index
      %swap3A_1268 = tpu.vector_load %arg16[%swap3A_1267] {strides = array<i32>} : memref<8192xf32, #tpu.memory_space<vmem>>, vector<16xf32>,
      %swap3A_1269 = vector.shape_cast %swap3A_1268 : vector<16xf32> to vector<16xf32>
      %swap3A_1270 = vector.shape_cast %sub3A_1258 : vector<16xf32> to vector<16xf32>
      tpu.vector_store %arg16[%swap3A_1267], %swap3A_1270 {strides = array<i32>} : memref<8192xf32, #tpu.memory_space<vmem>>, vector<16xf32>,
      %add3A_1271 = arith.constant 5.000000e-01 : f32
      %add3A_1272 = vector.broadcast %add3A_1271 : f32 to vector<16xf32>
      %add3A_1273 = arith.addf %sub3A_1254, %add3A_1272 : vector<16xf32>
      %mul3A_1274 = arith.constant 6.400000e+01 : f32
      %mul3A_1275 = vector.broadcast %mul3A_1274 : f32 to vector<16xf32>
      %mul3A_1276 = arith.mulf %add3A_1273, %mul3A_1275 : vector<16xf32>
      %sub3A_1277 = arith.constant 5.000000e-01 : f32
      %sub3A_1278 = vector.broadcast %sub3A_1277 : f32 to vector<16xf32>
      %sub3A_1279 = arith.subf %mul3A_1276, %sub3A_1278 : vector<16xf32>
      %convert_element_type3A_1280 = arith.fptosi %sub3A_1279 : vector<16xf32> to vector<16xi32>
      %convert_element_type3A_1281 = arith.sitofp %convert_element_type3A_1280 : vector<16xi32> to vector<16xf32>
      %gt3A_1282 = arith.cmpf ogt, %sub3A_1279, %convert_element_type3A_1281 : vector<16xf32>
      %add3A_1283 = arith.constant 1 : i32
      %add3A_1284 = vector.broadcast %add3A_1283 : i32 to vector<16xi32>
      %add3A_1285 = arith.addi %convert_element_type3A_1280, %add3A_1284 : vector<16xi32>
      %select_n3A_1286 = arith.select %gt3A_1282, %add3A_1285, %convert_element_type3A_1280 : vector<16xi1>, vector<16xi32>
      %mul3A_1287 = arith.constant 4096 : i32
      %mul3A_1288 = vector.broadcast %mul3A_1287 : i32 to vector<16xi32>
      %mul3A_1289 = arith.muli %select_n3A_1286, %mul3A_1288 : vector<16xi32>
      %add3A_1290 = arith.constant 5.000000e-01 : f32
      %add3A_1291 = vector.broadcast %add3A_1290 : f32 to vector<16xf32>
      %add3A_1292 = arith.addf %sub3A_1256, %add3A_1291 : vector<16xf32>
      %mul3A_1293 = arith.constant 6.400000e+01 : f32
      %mul3A_1294 = vector.broadcast %mul3A_1293 : f32 to vector<16xf32>
      %mul3A_1295 = arith.mulf %add3A_1292, %mul3A_1294 : vector<16xf32>
      %sub3A_1296 = arith.constant 5.000000e-01 : f32
      %sub3A_1297 = vector.broadcast %sub3A_1296 : f32 to vector<16xf32>
      %sub3A_1298 = arith.subf %mul3A_1295, %sub3A_1297 : vector<16xf32>
      %convert_element_type3A_1299 = arith.fptosi %sub3A_1298 : vector<16xf32> to vector<16xi32>
      %convert_element_type3A_1300 = arith.sitofp %convert_element_type3A_1299 : vector<16xi32> to vector<16xf32>
      %gt3A_1301 = arith.cmpf ogt, %sub3A_1298, %convert_element_type3A_1300 : vector<16xf32>
      %add3A_1302 = arith.constant 1 : i32
      %add3A_1303 = vector.broadcast %add3A_1302 : i32 to vector<16xi32>
      %add3A_1304 = arith.addi %convert_element_type3A_1299, %add3A_1303 : vector<16xi32>
      %select_n3A_1305 = arith.select %gt3A_1301, %add3A_1304, %convert_element_type3A_1299 : vector<16xi1>, vector<16xi32>
      %mul3A_1306 = arith.constant 64 : i32
      %mul3A_1307 = vector.broadcast %mul3A_1306 : i32 to vector<16xi32>
      %mul3A_1308 = arith.muli %select_n3A_1305, %mul3A_1307 : vector<16xi32>
      %add3A_1309 = arith.addi %mul3A_1289, %mul3A_1308 : vector<16xi32>
      %add3A_1310 = arith.constant 5.000000e-01 : f32
      %add3A_1311 = vector.broadcast %add3A_1310 : f32 to vector<16xf32>
      %add3A_1312 = arith.addf %sub3A_1258, %add3A_1311 : vector<16xf32>
      %mul3A_1313 = arith.constant 6.400000e+01 : f32
      %mul3A_1314 = vector.broadcast %mul3A_1313 : f32 to vector<16xf32>
      %mul3A_1315 = arith.mulf %add3A_1312, %mul3A_1314 : vector<16xf32>
      %sub3A_1316 = arith.constant 5.000000e-01 : f32
      %sub3A_1317 = vector.broadcast %sub3A_1316 : f32 to vector<16xf32>
      %sub3A_1318 = arith.subf %mul3A_1315, %sub3A_1317 : vector<16xf32>
      %convert_element_type3A_1319 = arith.fptosi %sub3A_1318 : vector<16xf32> to vector<16xi32>
      %convert_element_type3A_1320 = arith.sitofp %convert_element_type3A_1319 : vector<16xi32> to vector<16xf32>
      %gt3A_1321 = arith.cmpf ogt, %sub3A_1318, %convert_element_type3A_1320 : vector<16xf32>
      %add3A_1322 = arith.constant 1 : i32
      %add3A_1323 = vector.broadcast %add3A_1322 : i32 to vector<16xi32>
      %add3A_1324 = arith.addi %convert_element_type3A_1319, %add3A_1323 : vector<16xi32>
      %select_n3A_1325 = arith.select %gt3A_1321, %add3A_1324, %convert_element_type3A_1319 : vector<16xi1>, vector<16xi32>
      %add3A_1326 = arith.addi %add3A_1309, %select_n3A_1325 : vector<16xi32>
      %max3A_1327 = arith.constant 0 : i32
      %max3A_1328 = vector.broadcast %max3A_1327 : i32 to vector<16xi32>
      %max3A_1329 = arith.maxsi %add3A_1326, %max3A_1328 : vector<16xi32>
      %min3A_1330 = arith.constant 262143 : i32
      %min3A_1331 = vector.broadcast %min3A_1330 : i32 to vector<16xi32>
      %min3A_1332 = arith.minsi %max3A_1329, %min3A_1331 : vector<16xi32>
      %add3A_1333 = vector.broadcast %mul3A_23 : i32 to vector<16xi32>
      %add3A_1334 = arith.addi %min3A_1332, %add3A_1333 : vector<16xi32>
      %swap3A_1335 = arith.index_cast %multiple_of3A_1236 : i32 to index
      %swap3A_1336 = tpu.vector_load %arg17[%swap3A_1335] {strides = array<i32>} : memref<8192xi32, #tpu.memory_space<vmem>>, vector<16xi32>,
      %swap3A_1337 = vector.shape_cast %swap3A_1336 : vector<16xi32> to vector<16xi32>
      %swap3A_1338 = vector.shape_cast %add3A_1334 : vector<16xi32> to vector<16xi32>
      tpu.vector_store %arg17[%swap3A_1335], %swap3A_1338 {strides = array<i32>} : memref<8192xi32, #tpu.memory_space<vmem>>, vector<16xi32>,
    }
    %scan3A_283 = arith.constant 512 : i32
    %dma_start3A_284 = arith.constant 0 : i32
    %dma_start3A_285 = tpu.memref_slice %arg18[%dma_start3A_284] : memref<8192xf32, #tpu.memory_space<vmem>> -> memref<2048xf32, #tpu.memory_space<vmem>>
    %dma_start3A_286 = arith.constant 0 : i32
    %dma_start3A_287 = tpu.memref_slice %arg17[%dma_start3A_286] : memref<8192xi32, #tpu.memory_space<vmem>> -> memref<2048xi32, #tpu.memory_space<vmem>>
    %dma_start3A_288 = arith.constant 0 : i32
    %dma_start3A_289 = tpu.memref_slice %arg6[%dma_start3A_288] : memref<2097152xf32, #tpu.memory_space<hbm>> -> memref<2097152xf32, #tpu.memory_space<hbm>>
    tpu.enqueue_indirect_dma source(%dma_start3A_289 : memref<2097152xf32, #tpu.memory_space<hbm>>) target(%dma_start3A_285 : memref<2048xf32, #tpu.memory_space<vmem>>) offsets(%dma_start3A_287 : memref<2048xi32, #tpu.memory_space<vmem>>) semaphore(%arg24 : memref<!tpu.dma_semaphore, #tpu.memory_space<semaphore_mem>>)
    %dma_start3A_290 = arith.constant 0 : i32
    %dma_start3A_291 = tpu.memref_slice %arg19[%dma_start3A_290] : memref<8192xf32, #tpu.memory_space<vmem>> -> memref<2048xf32, #tpu.memory_space<vmem>>
    %dma_start3A_292 = arith.constant 0 : i32
    %dma_start3A_293 = tpu.memref_slice %arg17[%dma_start3A_292] : memref<8192xi32, #tpu.memory_space<vmem>> -> memref<2048xi32, #tpu.memory_space<vmem>>
    %dma_start3A_294 = arith.constant 0 : i32
    %dma_start3A_295 = tpu.memref_slice %arg7[%dma_start3A_294] : memref<2097152xf32, #tpu.memory_space<hbm>> -> memref<2097152xf32, #tpu.memory_space<hbm>>
    tpu.enqueue_indirect_dma source(%dma_start3A_295 : memref<2097152xf32, #tpu.memory_space<hbm>>) target(%dma_start3A_291 : memref<2048xf32, #tpu.memory_space<vmem>>) offsets(%dma_start3A_293 : memref<2048xi32, #tpu.memory_space<vmem>>) semaphore(%arg25 : memref<!tpu.dma_semaphore, #tpu.memory_space<semaphore_mem>>)
    %dma_start3A_296 = arith.constant 0 : i32
    %dma_start3A_297 = tpu.memref_slice %arg20[%dma_start3A_296] : memref<8192xf32, #tpu.memory_space<vmem>> -> memref<2048xf32, #tpu.memory_space<vmem>>
    %dma_start3A_298 = arith.constant 0 : i32
    %dma_start3A_299 = tpu.memref_slice %arg17[%dma_start3A_298] : memref<8192xi32, #tpu.memory_space<vmem>> -> memref<2048xi32, #tpu.memory_space<vmem>>
    %dma_start3A_300 = arith.constant 0 : i32
    %dma_start3A_301 = tpu.memref_slice %arg8[%dma_start3A_300] : memref<2097152xf32, #tpu.memory_space<hbm>> -> memref<2097152xf32, #tpu.memory_space<hbm>>
    tpu.enqueue_indirect_dma source(%dma_start3A_301 : memref<2097152xf32, #tpu.memory_space<hbm>>) target(%dma_start3A_297 : memref<2048xf32, #tpu.memory_space<vmem>>) offsets(%dma_start3A_299 : memref<2048xi32, #tpu.memory_space<vmem>>) semaphore(%arg26 : memref<!tpu.dma_semaphore, #tpu.memory_space<semaphore_mem>>)
    %dma_start3A_302 = arith.constant 0 : i32
    %dma_start3A_303 = tpu.memref_slice %arg21[%dma_start3A_302] : memref<8192xf32, #tpu.memory_space<vmem>> -> memref<2048xf32, #tpu.memory_space<vmem>>
    %dma_start3A_304 = arith.constant 0 : i32
    %dma_start3A_305 = tpu.memref_slice %arg17[%dma_start3A_304] : memref<8192xi32, #tpu.memory_space<vmem>> -> memref<2048xi32, #tpu.memory_space<vmem>>
    %dma_start3A_306 = arith.constant 0 : i32
    %dma_start3A_307 = tpu.memref_slice %arg9[%dma_start3A_306] : memref<2097152xf32, #tpu.memory_space<hbm>> -> memref<2097152xf32, #tpu.memory_space<hbm>>
    tpu.enqueue_indirect_dma source(%dma_start3A_307 : memref<2097152xf32, #tpu.memory_space<hbm>>) target(%dma_start3A_303 : memref<2048xf32, #tpu.memory_space<vmem>>) offsets(%dma_start3A_305 : memref<2048xi32, #tpu.memory_space<vmem>>) semaphore(%arg27 : memref<!tpu.dma_semaphore, #tpu.memory_space<semaphore_mem>>)
    %dma_start3A_308 = arith.constant 2048 : i32
    %dma_start3A_309 = tpu.memref_slice %arg18[%dma_start3A_308] : memref<8192xf32, #tpu.memory_space<vmem>> -> memref<2048xf32, #tpu.memory_space<vmem>>
    %dma_start3A_310 = arith.constant 2048 : i32
    %dma_start3A_311 = tpu.memref_slice %arg17[%dma_start3A_310] : memref<8192xi32, #tpu.memory_space<vmem>> -> memref<2048xi32, #tpu.memory_space<vmem>>
    %dma_start3A_312 = arith.constant 0 : i32
    %dma_start3A_313 = tpu.memref_slice %arg6[%dma_start3A_312] : memref<2097152xf32, #tpu.memory_space<hbm>> -> memref<2097152xf32, #tpu.memory_space<hbm>>
    tpu.enqueue_indirect_dma source(%dma_start3A_313 : memref<2097152xf32, #tpu.memory_space<hbm>>) target(%dma_start3A_309 : memref<2048xf32, #tpu.memory_space<vmem>>) offsets(%dma_start3A_311 : memref<2048xi32, #tpu.memory_space<vmem>>) semaphore(%arg24 : memref<!tpu.dma_semaphore, #tpu.memory_space<semaphore_mem>>)
    %dma_start3A_314 = arith.constant 2048 : i32
    %dma_start3A_315 = tpu.memref_slice %arg19[%dma_start3A_314] : memref<8192xf32, #tpu.memory_space<vmem>> -> memref<2048xf32, #tpu.memory_space<vmem>>
    %dma_start3A_316 = arith.constant 2048 : i32
    %dma_start3A_317 = tpu.memref_slice %arg17[%dma_start3A_316] : memref<8192xi32, #tpu.memory_space<vmem>> -> memref<2048xi32, #tpu.memory_space<vmem>>
    %dma_start3A_318 = arith.constant 0 : i32
    %dma_start3A_319 = tpu.memref_slice %arg7[%dma_start3A_318] : memref<2097152xf32, #tpu.memory_space<hbm>> -> memref<2097152xf32, #tpu.memory_space<hbm>>
    tpu.enqueue_indirect_dma source(%dma_start3A_319 : memref<2097152xf32, #tpu.memory_space<hbm>>) target(%dma_start3A_315 : memref<2048xf32, #tpu.memory_space<vmem>>) offsets(%dma_start3A_317 : memref<2048xi32, #tpu.memory_space<vmem>>) semaphore(%arg25 : memref<!tpu.dma_semaphore, #tpu.memory_space<semaphore_mem>>)
    %dma_start3A_320 = arith.constant 2048 : i32
    %dma_start3A_321 = tpu.memref_slice %arg20[%dma_start3A_320] : memref<8192xf32, #tpu.memory_space<vmem>> -> memref<2048xf32, #tpu.memory_space<vmem>>
    %dma_start3A_322 = arith.constant 2048 : i32
    %dma_start3A_323 = tpu.memref_slice %arg17[%dma_start3A_322] : memref<8192xi32, #tpu.memory_space<vmem>> -> memref<2048xi32, #tpu.memory_space<vmem>>
    %dma_start3A_324 = arith.constant 0 : i32
    %dma_start3A_325 = tpu.memref_slice %arg8[%dma_start3A_324] : memref<2097152xf32, #tpu.memory_space<hbm>> -> memref<2097152xf32, #tpu.memory_space<hbm>>
    tpu.enqueue_indirect_dma source(%dma_start3A_325 : memref<2097152xf32, #tpu.memory_space<hbm>>) target(%dma_start3A_321 : memref<2048xf32, #tpu.memory_space<vmem>>) offsets(%dma_start3A_323 : memref<2048xi32, #tpu.memory_space<vmem>>) semaphore(%arg26 : memref<!tpu.dma_semaphore, #tpu.memory_space<semaphore_mem>>)
    %dma_start3A_326 = arith.constant 2048 : i32
    %dma_start3A_327 = tpu.memref_slice %arg21[%dma_start3A_326] : memref<8192xf32, #tpu.memory_space<vmem>> -> memref<2048xf32, #tpu.memory_space<vmem>>
    %dma_start3A_328 = arith.constant 2048 : i32
    %dma_start3A_329 = tpu.memref_slice %arg17[%dma_start3A_328] : memref<8192xi32, #tpu.memory_space<vmem>> -> memref<2048xi32, #tpu.memory_space<vmem>>
    %dma_start3A_330 = arith.constant 0 : i32
    %dma_start3A_331 = tpu.memref_slice %arg9[%dma_start3A_330] : memref<2097152xf32, #tpu.memory_space<hbm>> -> memref<2097152xf32, #tpu.memory_space<hbm>>
    tpu.enqueue_indirect_dma source(%dma_start3A_331 : memref<2097152xf32, #tpu.memory_space<hbm>>) target(%dma_start3A_327 : memref<2048xf32, #tpu.memory_space<vmem>>) offsets(%dma_start3A_329 : memref<2048xi32, #tpu.memory_space<vmem>>) semaphore(%arg27 : memref<!tpu.dma_semaphore, #tpu.memory_space<semaphore_mem>>)
    %dma_start3A_332 = arith.constant 4096 : i32
    %dma_start3A_333 = tpu.memref_slice %arg18[%dma_start3A_332] : memref<8192xf32, #tpu.memory_space<vmem>> -> memref<2048xf32, #tpu.memory_space<vmem>>
    %dma_start3A_334 = arith.constant 4096 : i32
    %dma_start3A_335 = tpu.memref_slice %arg17[%dma_start3A_334] : memref<8192xi32, #tpu.memory_space<vmem>> -> memref<2048xi32, #tpu.memory_space<vmem>>
    %dma_start3A_336 = arith.constant 0 : i32
    %dma_start3A_337 = tpu.memref_slice %arg6[%dma_start3A_336] : memref<2097152xf32, #tpu.memory_space<hbm>> -> memref<2097152xf32, #tpu.memory_space<hbm>>
    tpu.enqueue_indirect_dma source(%dma_start3A_337 : memref<2097152xf32, #tpu.memory_space<hbm>>) target(%dma_start3A_333 : memref<2048xf32, #tpu.memory_space<vmem>>) offsets(%dma_start3A_335 : memref<2048xi32, #tpu.memory_space<vmem>>) semaphore(%arg24 : memref<!tpu.dma_semaphore, #tpu.memory_space<semaphore_mem>>)
    %dma_start3A_338 = arith.constant 4096 : i32
    %dma_start3A_339 = tpu.memref_slice %arg19[%dma_start3A_338] : memref<8192xf32, #tpu.memory_space<vmem>> -> memref<2048xf32, #tpu.memory_space<vmem>>
    %dma_start3A_340 = arith.constant 4096 : i32
    %dma_start3A_341 = tpu.memref_slice %arg17[%dma_start3A_340] : memref<8192xi32, #tpu.memory_space<vmem>> -> memref<2048xi32, #tpu.memory_space<vmem>>
    %dma_start3A_342 = arith.constant 0 : i32
    %dma_start3A_343 = tpu.memref_slice %arg7[%dma_start3A_342] : memref<2097152xf32, #tpu.memory_space<hbm>> -> memref<2097152xf32, #tpu.memory_space<hbm>>
    tpu.enqueue_indirect_dma source(%dma_start3A_343 : memref<2097152xf32, #tpu.memory_space<hbm>>) target(%dma_start3A_339 : memref<2048xf32, #tpu.memory_space<vmem>>) offsets(%dma_start3A_341 : memref<2048xi32, #tpu.memory_space<vmem>>) semaphore(%arg25 : memref<!tpu.dma_semaphore, #tpu.memory_space<semaphore_mem>>)
    %dma_start3A_344 = arith.constant 4096 : i32
    %dma_start3A_345 = tpu.memref_slice %arg20[%dma_start3A_344] : memref<8192xf32, #tpu.memory_space<vmem>> -> memref<2048xf32, #tpu.memory_space<vmem>>
    %dma_start3A_346 = arith.constant 4096 : i32
    %dma_start3A_347 = tpu.memref_slice %arg17[%dma_start3A_346] : memref<8192xi32, #tpu.memory_space<vmem>> -> memref<2048xi32, #tpu.memory_space<vmem>>
    %dma_start3A_348 = arith.constant 0 : i32
    %dma_start3A_349 = tpu.memref_slice %arg8[%dma_start3A_348] : memref<2097152xf32, #tpu.memory_space<hbm>> -> memref<2097152xf32, #tpu.memory_space<hbm>>
    tpu.enqueue_indirect_dma source(%dma_start3A_349 : memref<2097152xf32, #tpu.memory_space<hbm>>) target(%dma_start3A_345 : memref<2048xf32, #tpu.memory_space<vmem>>) offsets(%dma_start3A_347 : memref<2048xi32, #tpu.memory_space<vmem>>) semaphore(%arg26 : memref<!tpu.dma_semaphore, #tpu.memory_space<semaphore_mem>>)
    %dma_start3A_350 = arith.constant 4096 : i32
    %dma_start3A_351 = tpu.memref_slice %arg21[%dma_start3A_350] : memref<8192xf32, #tpu.memory_space<vmem>> -> memref<2048xf32, #tpu.memory_space<vmem>>
    %dma_start3A_352 = arith.constant 4096 : i32
    %dma_start3A_353 = tpu.memref_slice %arg17[%dma_start3A_352] : memref<8192xi32, #tpu.memory_space<vmem>> -> memref<2048xi32, #tpu.memory_space<vmem>>
    %dma_start3A_354 = arith.constant 0 : i32
    %dma_start3A_355 = tpu.memref_slice %arg9[%dma_start3A_354] : memref<2097152xf32, #tpu.memory_space<hbm>> -> memref<2097152xf32, #tpu.memory_space<hbm>>
    tpu.enqueue_indirect_dma source(%dma_start3A_355 : memref<2097152xf32, #tpu.memory_space<hbm>>) target(%dma_start3A_351 : memref<2048xf32, #tpu.memory_space<vmem>>) offsets(%dma_start3A_353 : memref<2048xi32, #tpu.memory_space<vmem>>) semaphore(%arg27 : memref<!tpu.dma_semaphore, #tpu.memory_space<semaphore_mem>>)
    %dma_start3A_356 = arith.constant 6144 : i32
    %dma_start3A_357 = tpu.memref_slice %arg18[%dma_start3A_356] : memref<8192xf32, #tpu.memory_space<vmem>> -> memref<2048xf32, #tpu.memory_space<vmem>>
    %dma_start3A_358 = arith.constant 6144 : i32
    %dma_start3A_359 = tpu.memref_slice %arg17[%dma_start3A_358] : memref<8192xi32, #tpu.memory_space<vmem>> -> memref<2048xi32, #tpu.memory_space<vmem>>
    %dma_start3A_360 = arith.constant 0 : i32
    %dma_start3A_361 = tpu.memref_slice %arg6[%dma_start3A_360] : memref<2097152xf32, #tpu.memory_space<hbm>> -> memref<2097152xf32, #tpu.memory_space<hbm>>
    tpu.enqueue_indirect_dma source(%dma_start3A_361 : memref<2097152xf32, #tpu.memory_space<hbm>>) target(%dma_start3A_357 : memref<2048xf32, #tpu.memory_space<vmem>>) offsets(%dma_start3A_359 : memref<2048xi32, #tpu.memory_space<vmem>>) semaphore(%arg24 : memref<!tpu.dma_semaphore, #tpu.memory_space<semaphore_mem>>)
    %dma_start3A_362 = arith.constant 6144 : i32
    %dma_start3A_363 = tpu.memref_slice %arg19[%dma_start3A_362] : memref<8192xf32, #tpu.memory_space<vmem>> -> memref<2048xf32, #tpu.memory_space<vmem>>
    %dma_start3A_364 = arith.constant 6144 : i32
    %dma_start3A_365 = tpu.memref_slice %arg17[%dma_start3A_364] : memref<8192xi32, #tpu.memory_space<vmem>> -> memref<2048xi32, #tpu.memory_space<vmem>>
    %dma_start3A_366 = arith.constant 0 : i32
    %dma_start3A_367 = tpu.memref_slice %arg7[%dma_start3A_366] : memref<2097152xf32, #tpu.memory_space<hbm>> -> memref<2097152xf32, #tpu.memory_space<hbm>>
    tpu.enqueue_indirect_dma source(%dma_start3A_367 : memref<2097152xf32, #tpu.memory_space<hbm>>) target(%dma_start3A_363 : memref<2048xf32, #tpu.memory_space<vmem>>) offsets(%dma_start3A_365 : memref<2048xi32, #tpu.memory_space<vmem>>) semaphore(%arg25 : memref<!tpu.dma_semaphore, #tpu.memory_space<semaphore_mem>>)
    %dma_start3A_368 = arith.constant 6144 : i32
    %dma_start3A_369 = tpu.memref_slice %arg20[%dma_start3A_368] : memref<8192xf32, #tpu.memory_space<vmem>> -> memref<2048xf32, #tpu.memory_space<vmem>>
    %dma_start3A_370 = arith.constant 6144 : i32
    %dma_start3A_371 = tpu.memref_slice %arg17[%dma_start3A_370] : memref<8192xi32, #tpu.memory_space<vmem>> -> memref<2048xi32, #tpu.memory_space<vmem>>
    %dma_start3A_372 = arith.constant 0 : i32
    %dma_start3A_373 = tpu.memref_slice %arg8[%dma_start3A_372] : memref<2097152xf32, #tpu.memory_space<hbm>> -> memref<2097152xf32, #tpu.memory_space<hbm>>
    tpu.enqueue_indirect_dma source(%dma_start3A_373 : memref<2097152xf32, #tpu.memory_space<hbm>>) target(%dma_start3A_369 : memref<2048xf32, #tpu.memory_space<vmem>>) offsets(%dma_start3A_371 : memref<2048xi32, #tpu.memory_space<vmem>>) semaphore(%arg26 : memref<!tpu.dma_semaphore, #tpu.memory_space<semaphore_mem>>)
    %dma_start3A_374 = arith.constant 6144 : i32
    %dma_start3A_375 = tpu.memref_slice %arg21[%dma_start3A_374] : memref<8192xf32, #tpu.memory_space<vmem>> -> memref<2048xf32, #tpu.memory_space<vmem>>
    %dma_start3A_376 = arith.constant 6144 : i32
    %dma_start3A_377 = tpu.memref_slice %arg17[%dma_start3A_376] : memref<8192xi32, #tpu.memory_space<vmem>> -> memref<2048xi32, #tpu.memory_space<vmem>>
    %dma_start3A_378 = arith.constant 0 : i32
    %dma_start3A_379 = tpu.memref_slice %arg9[%dma_start3A_378] : memref<2097152xf32, #tpu.memory_space<hbm>> -> memref<2097152xf32, #tpu.memory_space<hbm>>
    tpu.enqueue_indirect_dma source(%dma_start3A_379 : memref<2097152xf32, #tpu.memory_space<hbm>>) target(%dma_start3A_375 : memref<2048xf32, #tpu.memory_space<vmem>>) offsets(%dma_start3A_377 : memref<2048xi32, #tpu.memory_space<vmem>>) semaphore(%arg27 : memref<!tpu.dma_semaphore, #tpu.memory_space<semaphore_mem>>)
    %dma_wait3A_380 = arith.constant 0 : i32
    %dma_wait3A_381 = tpu.memref_slice %arg18[%dma_wait3A_380] : memref<8192xf32, #tpu.memory_space<vmem>> -> memref<2048xf32, #tpu.memory_space<vmem>>
    %dma_wait3A_382 = arith.constant 0 : i32
    %dma_wait3A_383 = tpu.memref_slice %arg17[%dma_wait3A_382] : memref<8192xi32, #tpu.memory_space<vmem>> -> memref<2048xi32, #tpu.memory_space<vmem>>
    %dma_wait3A_384 = arith.constant 0 : i32
    %dma_wait3A_385 = tpu.memref_slice %arg6[%dma_wait3A_384] : memref<2097152xf32, #tpu.memory_space<hbm>> -> memref<2097152xf32, #tpu.memory_space<hbm>>
    tpu.wait_indirect_dma semaphore(%arg24 : memref<!tpu.dma_semaphore, #tpu.memory_space<semaphore_mem>>) src(%dma_wait3A_385 : memref<2097152xf32, #tpu.memory_space<hbm>>) dst(%dma_wait3A_381 : memref<2048xf32, #tpu.memory_space<vmem>>)
    %dma_wait3A_386 = arith.constant 0 : i32
    %dma_wait3A_387 = tpu.memref_slice %arg19[%dma_wait3A_386] : memref<8192xf32, #tpu.memory_space<vmem>> -> memref<2048xf32, #tpu.memory_space<vmem>>
    %dma_wait3A_388 = arith.constant 0 : i32
    %dma_wait3A_389 = tpu.memref_slice %arg17[%dma_wait3A_388] : memref<8192xi32, #tpu.memory_space<vmem>> -> memref<2048xi32, #tpu.memory_space<vmem>>
    %dma_wait3A_390 = arith.constant 0 : i32
    %dma_wait3A_391 = tpu.memref_slice %arg7[%dma_wait3A_390] : memref<2097152xf32, #tpu.memory_space<hbm>> -> memref<2097152xf32, #tpu.memory_space<hbm>>
    tpu.wait_indirect_dma semaphore(%arg25 : memref<!tpu.dma_semaphore, #tpu.memory_space<semaphore_mem>>) src(%dma_wait3A_391 : memref<2097152xf32, #tpu.memory_space<hbm>>) dst(%dma_wait3A_387 : memref<2048xf32, #tpu.memory_space<vmem>>)
    %dma_wait3A_392 = arith.constant 0 : i32
    %dma_wait3A_393 = tpu.memref_slice %arg20[%dma_wait3A_392] : memref<8192xf32, #tpu.memory_space<vmem>> -> memref<2048xf32, #tpu.memory_space<vmem>>
    %dma_wait3A_394 = arith.constant 0 : i32
    %dma_wait3A_395 = tpu.memref_slice %arg17[%dma_wait3A_394] : memref<8192xi32, #tpu.memory_space<vmem>> -> memref<2048xi32, #tpu.memory_space<vmem>>
    %dma_wait3A_396 = arith.constant 0 : i32
    %dma_wait3A_397 = tpu.memref_slice %arg8[%dma_wait3A_396] : memref<2097152xf32, #tpu.memory_space<hbm>> -> memref<2097152xf32, #tpu.memory_space<hbm>>
    tpu.wait_indirect_dma semaphore(%arg26 : memref<!tpu.dma_semaphore, #tpu.memory_space<semaphore_mem>>) src(%dma_wait3A_397 : memref<2097152xf32, #tpu.memory_space<hbm>>) dst(%dma_wait3A_393 : memref<2048xf32, #tpu.memory_space<vmem>>)
    %dma_wait3A_398 = arith.constant 0 : i32
    %dma_wait3A_399 = tpu.memref_slice %arg21[%dma_wait3A_398] : memref<8192xf32, #tpu.memory_space<vmem>> -> memref<2048xf32, #tpu.memory_space<vmem>>
    %dma_wait3A_400 = arith.constant 0 : i32
    %dma_wait3A_401 = tpu.memref_slice %arg17[%dma_wait3A_400] : memref<8192xi32, #tpu.memory_space<vmem>> -> memref<2048xi32, #tpu.memory_space<vmem>>
    %dma_wait3A_402 = arith.constant 0 : i32
    %dma_wait3A_403 = tpu.memref_slice %arg9[%dma_wait3A_402] : memref<2097152xf32, #tpu.memory_space<hbm>> -> memref<2097152xf32, #tpu.memory_space<hbm>>
    tpu.wait_indirect_dma semaphore(%arg27 : memref<!tpu.dma_semaphore, #tpu.memory_space<semaphore_mem>>) src(%dma_wait3A_403 : memref<2097152xf32, #tpu.memory_space<hbm>>) dst(%dma_wait3A_399 : memref<2048xf32, #tpu.memory_space<vmem>>)
    %dma_wait3A_404 = arith.constant 2048 : i32
    %dma_wait3A_405 = tpu.memref_slice %arg18[%dma_wait3A_404] : memref<8192xf32, #tpu.memory_space<vmem>> -> memref<2048xf32, #tpu.memory_space<vmem>>
    %dma_wait3A_406 = arith.constant 2048 : i32
    %dma_wait3A_407 = tpu.memref_slice %arg17[%dma_wait3A_406] : memref<8192xi32, #tpu.memory_space<vmem>> -> memref<2048xi32, #tpu.memory_space<vmem>>
    %dma_wait3A_408 = arith.constant 0 : i32
    %dma_wait3A_409 = tpu.memref_slice %arg6[%dma_wait3A_408] : memref<2097152xf32, #tpu.memory_space<hbm>> -> memref<2097152xf32, #tpu.memory_space<hbm>>
    tpu.wait_indirect_dma semaphore(%arg24 : memref<!tpu.dma_semaphore, #tpu.memory_space<semaphore_mem>>) src(%dma_wait3A_409 : memref<2097152xf32, #tpu.memory_space<hbm>>) dst(%dma_wait3A_405 : memref<2048xf32, #tpu.memory_space<vmem>>)
    %dma_wait3A_410 = arith.constant 2048 : i32
    %dma_wait3A_411 = tpu.memref_slice %arg19[%dma_wait3A_410] : memref<8192xf32, #tpu.memory_space<vmem>> -> memref<2048xf32, #tpu.memory_space<vmem>>
    %dma_wait3A_412 = arith.constant 2048 : i32
    %dma_wait3A_413 = tpu.memref_slice %arg17[%dma_wait3A_412] : memref<8192xi32, #tpu.memory_space<vmem>> -> memref<2048xi32, #tpu.memory_space<vmem>>
    %dma_wait3A_414 = arith.constant 0 : i32
    %dma_wait3A_415 = tpu.memref_slice %arg7[%dma_wait3A_414] : memref<2097152xf32, #tpu.memory_space<hbm>> -> memref<2097152xf32, #tpu.memory_space<hbm>>
    tpu.wait_indirect_dma semaphore(%arg25 : memref<!tpu.dma_semaphore, #tpu.memory_space<semaphore_mem>>) src(%dma_wait3A_415 : memref<2097152xf32, #tpu.memory_space<hbm>>) dst(%dma_wait3A_411 : memref<2048xf32, #tpu.memory_space<vmem>>)
    %dma_wait3A_416 = arith.constant 2048 : i32
    %dma_wait3A_417 = tpu.memref_slice %arg20[%dma_wait3A_416] : memref<8192xf32, #tpu.memory_space<vmem>> -> memref<2048xf32, #tpu.memory_space<vmem>>
    %dma_wait3A_418 = arith.constant 2048 : i32
    %dma_wait3A_419 = tpu.memref_slice %arg17[%dma_wait3A_418] : memref<8192xi32, #tpu.memory_space<vmem>> -> memref<2048xi32, #tpu.memory_space<vmem>>
    %dma_wait3A_420 = arith.constant 0 : i32
    %dma_wait3A_421 = tpu.memref_slice %arg8[%dma_wait3A_420] : memref<2097152xf32, #tpu.memory_space<hbm>> -> memref<2097152xf32, #tpu.memory_space<hbm>>
    tpu.wait_indirect_dma semaphore(%arg26 : memref<!tpu.dma_semaphore, #tpu.memory_space<semaphore_mem>>) src(%dma_wait3A_421 : memref<2097152xf32, #tpu.memory_space<hbm>>) dst(%dma_wait3A_417 : memref<2048xf32, #tpu.memory_space<vmem>>)
    %dma_wait3A_422 = arith.constant 2048 : i32
    %dma_wait3A_423 = tpu.memref_slice %arg21[%dma_wait3A_422] : memref<8192xf32, #tpu.memory_space<vmem>> -> memref<2048xf32, #tpu.memory_space<vmem>>
    %dma_wait3A_424 = arith.constant 2048 : i32
    %dma_wait3A_425 = tpu.memref_slice %arg17[%dma_wait3A_424] : memref<8192xi32, #tpu.memory_space<vmem>> -> memref<2048xi32, #tpu.memory_space<vmem>>
    %dma_wait3A_426 = arith.constant 0 : i32
    %dma_wait3A_427 = tpu.memref_slice %arg9[%dma_wait3A_426] : memref<2097152xf32, #tpu.memory_space<hbm>> -> memref<2097152xf32, #tpu.memory_space<hbm>>
    tpu.wait_indirect_dma semaphore(%arg27 : memref<!tpu.dma_semaphore, #tpu.memory_space<semaphore_mem>>) src(%dma_wait3A_427 : memref<2097152xf32, #tpu.memory_space<hbm>>) dst(%dma_wait3A_423 : memref<2048xf32, #tpu.memory_space<vmem>>)
    %dma_wait3A_428 = arith.constant 4096 : i32
    %dma_wait3A_429 = tpu.memref_slice %arg18[%dma_wait3A_428] : memref<8192xf32, #tpu.memory_space<vmem>> -> memref<2048xf32, #tpu.memory_space<vmem>>
    %dma_wait3A_430 = arith.constant 4096 : i32
    %dma_wait3A_431 = tpu.memref_slice %arg17[%dma_wait3A_430] : memref<8192xi32, #tpu.memory_space<vmem>> -> memref<2048xi32, #tpu.memory_space<vmem>>
    %dma_wait3A_432 = arith.constant 0 : i32
    %dma_wait3A_433 = tpu.memref_slice %arg6[%dma_wait3A_432] : memref<2097152xf32, #tpu.memory_space<hbm>> -> memref<2097152xf32, #tpu.memory_space<hbm>>
    tpu.wait_indirect_dma semaphore(%arg24 : memref<!tpu.dma_semaphore, #tpu.memory_space<semaphore_mem>>) src(%dma_wait3A_433 : memref<2097152xf32, #tpu.memory_space<hbm>>) dst(%dma_wait3A_429 : memref<2048xf32, #tpu.memory_space<vmem>>)
    %dma_wait3A_434 = arith.constant 4096 : i32
    %dma_wait3A_435 = tpu.memref_slice %arg19[%dma_wait3A_434] : memref<8192xf32, #tpu.memory_space<vmem>> -> memref<2048xf32, #tpu.memory_space<vmem>>
    %dma_wait3A_436 = arith.constant 4096 : i32
    %dma_wait3A_437 = tpu.memref_slice %arg17[%dma_wait3A_436] : memref<8192xi32, #tpu.memory_space<vmem>> -> memref<2048xi32, #tpu.memory_space<vmem>>
    %dma_wait3A_438 = arith.constant 0 : i32
    %dma_wait3A_439 = tpu.memref_slice %arg7[%dma_wait3A_438] : memref<2097152xf32, #tpu.memory_space<hbm>> -> memref<2097152xf32, #tpu.memory_space<hbm>>
    tpu.wait_indirect_dma semaphore(%arg25 : memref<!tpu.dma_semaphore, #tpu.memory_space<semaphore_mem>>) src(%dma_wait3A_439 : memref<2097152xf32, #tpu.memory_space<hbm>>) dst(%dma_wait3A_435 : memref<2048xf32, #tpu.memory_space<vmem>>)
    %dma_wait3A_440 = arith.constant 4096 : i32
    %dma_wait3A_441 = tpu.memref_slice %arg20[%dma_wait3A_440] : memref<8192xf32, #tpu.memory_space<vmem>> -> memref<2048xf32, #tpu.memory_space<vmem>>
    %dma_wait3A_442 = arith.constant 4096 : i32
    %dma_wait3A_443 = tpu.memref_slice %arg17[%dma_wait3A_442] : memref<8192xi32, #tpu.memory_space<vmem>> -> memref<2048xi32, #tpu.memory_space<vmem>>
    %dma_wait3A_444 = arith.constant 0 : i32
    %dma_wait3A_445 = tpu.memref_slice %arg8[%dma_wait3A_444] : memref<2097152xf32, #tpu.memory_space<hbm>> -> memref<2097152xf32, #tpu.memory_space<hbm>>
    tpu.wait_indirect_dma semaphore(%arg26 : memref<!tpu.dma_semaphore, #tpu.memory_space<semaphore_mem>>) src(%dma_wait3A_445 : memref<2097152xf32, #tpu.memory_space<hbm>>) dst(%dma_wait3A_441 : memref<2048xf32, #tpu.memory_space<vmem>>)
    %dma_wait3A_446 = arith.constant 4096 : i32
    %dma_wait3A_447 = tpu.memref_slice %arg21[%dma_wait3A_446] : memref<8192xf32, #tpu.memory_space<vmem>> -> memref<2048xf32, #tpu.memory_space<vmem>>
    %dma_wait3A_448 = arith.constant 4096 : i32
    %dma_wait3A_449 = tpu.memref_slice %arg17[%dma_wait3A_448] : memref<8192xi32, #tpu.memory_space<vmem>> -> memref<2048xi32, #tpu.memory_space<vmem>>
    %dma_wait3A_450 = arith.constant 0 : i32
    %dma_wait3A_451 = tpu.memref_slice %arg9[%dma_wait3A_450] : memref<2097152xf32, #tpu.memory_space<hbm>> -> memref<2097152xf32, #tpu.memory_space<hbm>>
    tpu.wait_indirect_dma semaphore(%arg27 : memref<!tpu.dma_semaphore, #tpu.memory_space<semaphore_mem>>) src(%dma_wait3A_451 : memref<2097152xf32, #tpu.memory_space<hbm>>) dst(%dma_wait3A_447 : memref<2048xf32, #tpu.memory_space<vmem>>)
    %dma_wait3A_452 = arith.constant 6144 : i32
    %dma_wait3A_453 = tpu.memref_slice %arg18[%dma_wait3A_452] : memref<8192xf32, #tpu.memory_space<vmem>> -> memref<2048xf32, #tpu.memory_space<vmem>>
    %dma_wait3A_454 = arith.constant 6144 : i32
    %dma_wait3A_455 = tpu.memref_slice %arg17[%dma_wait3A_454] : memref<8192xi32, #tpu.memory_space<vmem>> -> memref<2048xi32, #tpu.memory_space<vmem>>
    %dma_wait3A_456 = arith.constant 0 : i32
    %dma_wait3A_457 = tpu.memref_slice %arg6[%dma_wait3A_456] : memref<2097152xf32, #tpu.memory_space<hbm>> -> memref<2097152xf32, #tpu.memory_space<hbm>>
    tpu.wait_indirect_dma semaphore(%arg24 : memref<!tpu.dma_semaphore, #tpu.memory_space<semaphore_mem>>) src(%dma_wait3A_457 : memref<2097152xf32, #tpu.memory_space<hbm>>) dst(%dma_wait3A_453 : memref<2048xf32, #tpu.memory_space<vmem>>)
    %dma_wait3A_458 = arith.constant 6144 : i32
    %dma_wait3A_459 = tpu.memref_slice %arg19[%dma_wait3A_458] : memref<8192xf32, #tpu.memory_space<vmem>> -> memref<2048xf32, #tpu.memory_space<vmem>>
    %dma_wait3A_460 = arith.constant 6144 : i32
    %dma_wait3A_461 = tpu.memref_slice %arg17[%dma_wait3A_460] : memref<8192xi32, #tpu.memory_space<vmem>> -> memref<2048xi32, #tpu.memory_space<vmem>>
    %dma_wait3A_462 = arith.constant 0 : i32
    %dma_wait3A_463 = tpu.memref_slice %arg7[%dma_wait3A_462] : memref<2097152xf32, #tpu.memory_space<hbm>> -> memref<2097152xf32, #tpu.memory_space<hbm>>
    tpu.wait_indirect_dma semaphore(%arg25 : memref<!tpu.dma_semaphore, #tpu.memory_space<semaphore_mem>>) src(%dma_wait3A_463 : memref<2097152xf32, #tpu.memory_space<hbm>>) dst(%dma_wait3A_459 : memref<2048xf32, #tpu.memory_space<vmem>>)
    %dma_wait3A_464 = arith.constant 6144 : i32
    %dma_wait3A_465 = tpu.memref_slice %arg20[%dma_wait3A_464] : memref<8192xf32, #tpu.memory_space<vmem>> -> memref<2048xf32, #tpu.memory_space<vmem>>
    %dma_wait3A_466 = arith.constant 6144 : i32
    %dma_wait3A_467 = tpu.memref_slice %arg17[%dma_wait3A_466] : memref<8192xi32, #tpu.memory_space<vmem>> -> memref<2048xi32, #tpu.memory_space<vmem>>
    %dma_wait3A_468 = arith.constant 0 : i32
    %dma_wait3A_469 = tpu.memref_slice %arg8[%dma_wait3A_468] : memref<2097152xf32, #tpu.memory_space<hbm>> -> memref<2097152xf32, #tpu.memory_space<hbm>>
    tpu.wait_indirect_dma semaphore(%arg26 : memref<!tpu.dma_semaphore, #tpu.memory_space<semaphore_mem>>) src(%dma_wait3A_469 : memref<2097152xf32, #tpu.memory_space<hbm>>) dst(%dma_wait3A_465 : memref<2048xf32, #tpu.memory_space<vmem>>)
    %dma_wait3A_470 = arith.constant 6144 : i32
    %dma_wait3A_471 = tpu.memref_slice %arg21[%dma_wait3A_470] : memref<8192xf32, #tpu.memory_space<vmem>> -> memref<2048xf32, #tpu.memory_space<vmem>>
    %dma_wait3A_472 = arith.constant 6144 : i32
    %dma_wait3A_473 = tpu.memref_slice %arg17[%dma_wait3A_472] : memref<8192xi32, #tpu.memory_space<vmem>> -> memref<2048xi32, #tpu.memory_space<vmem>>
    %dma_wait3A_474 = arith.constant 0 : i32
    %dma_wait3A_475 = tpu.memref_slice %arg9[%dma_wait3A_474] : memref<2097152xf32, #tpu.memory_space<hbm>> -> memref<2097152xf32, #tpu.memory_space<hbm>>
    tpu.wait_indirect_dma semaphore(%arg27 : memref<!tpu.dma_semaphore, #tpu.memory_space<semaphore_mem>>) src(%dma_wait3A_475 : memref<2097152xf32, #tpu.memory_space<hbm>>) dst(%dma_wait3A_471 : memref<2048xf32, #tpu.memory_space<vmem>>)
    %scan3A_476 = arith.constant 0 : i32
    %scan3A_477 = arith.constant 512 : i32
    %scan3A_478 = arith.addi %scan3A_476, %scan3A_477 : i32
    %scan3A_479 = arith.constant 8 : i32
    %scan3A_480 = scf.for %scan3A_488 = %scan3A_476 to %scan3A_478 step %scan3A_479 iter_args(%scan3A_489 = %scan3A_249) -> (vector<16xf32>)  : i32 {
      %mul3A_490 = arith.constant 16 : i32
      %mul3A_491 = arith.muli %scan3A_488, %mul3A_490 : i32
      %multiple_of3A_492 = tpu.assume_multiple %mul3A_491, 16 : i32
      %get3A_493 = arith.index_cast %multiple_of3A_492 : i32 to index
      %get3A_494 = tpu.vector_load %arg14[%get3A_493] {strides = array<i32>} : memref<8192xf32, #tpu.memory_space<vmem>>, vector<16xf32>,
      %get3A_495 = vector.shape_cast %get3A_494 : vector<16xf32> to vector<16xf32>
      %get3A_496 = arith.index_cast %multiple_of3A_492 : i32 to index
      %get3A_497 = tpu.vector_load %arg18[%get3A_496] {strides = array<i32>} : memref<8192xf32, #tpu.memory_space<vmem>>, vector<16xf32>,
      %get3A_498 = vector.shape_cast %get3A_497 : vector<16xf32> to vector<16xf32>
      %sub3A_499 = arith.subf %get3A_495, %get3A_498 : vector<16xf32>
      %get3A_500 = arith.index_cast %multiple_of3A_492 : i32 to index
      %get3A_501 = tpu.vector_load %arg15[%get3A_500] {strides = array<i32>} : memref<8192xf32, #tpu.memory_space<vmem>>, vector<16xf32>,
      %get3A_502 = vector.shape_cast %get3A_501 : vector<16xf32> to vector<16xf32>
      %get3A_503 = arith.index_cast %multiple_of3A_492 : i32 to index
      %get3A_504 = tpu.vector_load %arg19[%get3A_503] {strides = array<i32>} : memref<8192xf32, #tpu.memory_space<vmem>>, vector<16xf32>,
      %get3A_505 = vector.shape_cast %get3A_504 : vector<16xf32> to vector<16xf32>
      %sub3A_506 = arith.subf %get3A_502, %get3A_505 : vector<16xf32>
      %get3A_507 = arith.index_cast %multiple_of3A_492 : i32 to index
      %get3A_508 = tpu.vector_load %arg16[%get3A_507] {strides = array<i32>} : memref<8192xf32, #tpu.memory_space<vmem>>, vector<16xf32>,
      %get3A_509 = vector.shape_cast %get3A_508 : vector<16xf32> to vector<16xf32>
      %get3A_510 = arith.index_cast %multiple_of3A_492 : i32 to index
      %get3A_511 = tpu.vector_load %arg20[%get3A_510] {strides = array<i32>} : memref<8192xf32, #tpu.memory_space<vmem>>, vector<16xf32>,
      %get3A_512 = vector.shape_cast %get3A_511 : vector<16xf32> to vector<16xf32>
      %sub3A_513 = arith.subf %get3A_509, %get3A_512 : vector<16xf32>
      %get3A_514 = arith.index_cast %multiple_of3A_492 : i32 to index
      %get3A_515 = tpu.vector_load %arg21[%get3A_514] {strides = array<i32>} : memref<8192xf32, #tpu.memory_space<vmem>>, vector<16xf32>,
      %get3A_516 = vector.shape_cast %get3A_515 : vector<16xf32> to vector<16xf32>
      %mul3A_517 = arith.mulf %sub3A_499, %sub3A_499 : vector<16xf32>
      %mul3A_518 = arith.mulf %sub3A_506, %sub3A_506 : vector<16xf32>
      %add3A_519 = arith.addf %mul3A_517, %mul3A_518 : vector<16xf32>
      %mul3A_520 = arith.mulf %sub3A_513, %sub3A_513 : vector<16xf32>
      %add3A_521 = arith.addf %add3A_519, %mul3A_520 : vector<16xf32>
      %mul3A_522 = arith.mulf %get3A_516, %add3A_521 : vector<16xf32>
      %add3A_523 = arith.addf %scan3A_489, %mul3A_522 : vector<16xf32>
      %scan3A_524 = arith.constant 1 : i32
      %scan3A_525 = arith.addi %scan3A_488, %scan3A_524 : i32
      %mul3A_526 = arith.constant 16 : i32
      %mul3A_527 = arith.muli %scan3A_525, %mul3A_526 : i32
      %multiple_of3A_528 = tpu.assume_multiple %mul3A_527, 16 : i32
      %get3A_529 = arith.index_cast %multiple_of3A_528 : i32 to index
      %get3A_530 = tpu.vector_load %arg14[%get3A_529] {strides = array<i32>} : memref<8192xf32, #tpu.memory_space<vmem>>, vector<16xf32>,
      %get3A_531 = vector.shape_cast %get3A_530 : vector<16xf32> to vector<16xf32>
      %get3A_532 = arith.index_cast %multiple_of3A_528 : i32 to index
      %get3A_533 = tpu.vector_load %arg18[%get3A_532] {strides = array<i32>} : memref<8192xf32, #tpu.memory_space<vmem>>, vector<16xf32>,
      %get3A_534 = vector.shape_cast %get3A_533 : vector<16xf32> to vector<16xf32>
      %sub3A_535 = arith.subf %get3A_531, %get3A_534 : vector<16xf32>
      %get3A_536 = arith.index_cast %multiple_of3A_528 : i32 to index
      %get3A_537 = tpu.vector_load %arg15[%get3A_536] {strides = array<i32>} : memref<8192xf32, #tpu.memory_space<vmem>>, vector<16xf32>,
      %get3A_538 = vector.shape_cast %get3A_537 : vector<16xf32> to vector<16xf32>
      %get3A_539 = arith.index_cast %multiple_of3A_528 : i32 to index
      %get3A_540 = tpu.vector_load %arg19[%get3A_539] {strides = array<i32>} : memref<8192xf32, #tpu.memory_space<vmem>>, vector<16xf32>,
      %get3A_541 = vector.shape_cast %get3A_540 : vector<16xf32> to vector<16xf32>
      %sub3A_542 = arith.subf %get3A_538, %get3A_541 : vector<16xf32>
      %get3A_543 = arith.index_cast %multiple_of3A_528 : i32 to index
      %get3A_544 = tpu.vector_load %arg16[%get3A_543] {strides = array<i32>} : memref<8192xf32, #tpu.memory_space<vmem>>, vector<16xf32>,
      %get3A_545 = vector.shape_cast %get3A_544 : vector<16xf32> to vector<16xf32>
      %get3A_546 = arith.index_cast %multiple_of3A_528 : i32 to index
      %get3A_547 = tpu.vector_load %arg20[%get3A_546] {strides = array<i32>} : memref<8192xf32, #tpu.memory_space<vmem>>, vector<16xf32>,
      %get3A_548 = vector.shape_cast %get3A_547 : vector<16xf32> to vector<16xf32>
      %sub3A_549 = arith.subf %get3A_545, %get3A_548 : vector<16xf32>
      %get3A_550 = arith.index_cast %multiple_of3A_528 : i32 to index
      %get3A_551 = tpu.vector_load %arg21[%get3A_550] {strides = array<i32>} : memref<8192xf32, #tpu.memory_space<vmem>>, vector<16xf32>,
      %get3A_552 = vector.shape_cast %get3A_551 : vector<16xf32> to vector<16xf32>
      %mul3A_553 = arith.mulf %sub3A_535, %sub3A_535 : vector<16xf32>
      %mul3A_554 = arith.mulf %sub3A_542, %sub3A_542 : vector<16xf32>
      %add3A_555 = arith.addf %mul3A_553, %mul3A_554 : vector<16xf32>
      %mul3A_556 = arith.mulf %sub3A_549, %sub3A_549 : vector<16xf32>
      %add3A_557 = arith.addf %add3A_555, %mul3A_556 : vector<16xf32>
      %mul3A_558 = arith.mulf %get3A_552, %add3A_557 : vector<16xf32>
      %add3A_559 = arith.addf %add3A_523, %mul3A_558 : vector<16xf32>
      %scan3A_560 = arith.constant 2 : i32
      %scan3A_561 = arith.addi %scan3A_488, %scan3A_560 : i32
      %mul3A_562 = arith.constant 16 : i32
      %mul3A_563 = arith.muli %scan3A_561, %mul3A_562 : i32
      %multiple_of3A_564 = tpu.assume_multiple %mul3A_563, 16 : i32
      %get3A_565 = arith.index_cast %multiple_of3A_564 : i32 to index
      %get3A_566 = tpu.vector_load %arg14[%get3A_565] {strides = array<i32>} : memref<8192xf32, #tpu.memory_space<vmem>>, vector<16xf32>,
      %get3A_567 = vector.shape_cast %get3A_566 : vector<16xf32> to vector<16xf32>
      %get3A_568 = arith.index_cast %multiple_of3A_564 : i32 to index
      %get3A_569 = tpu.vector_load %arg18[%get3A_568] {strides = array<i32>} : memref<8192xf32, #tpu.memory_space<vmem>>, vector<16xf32>,
      %get3A_570 = vector.shape_cast %get3A_569 : vector<16xf32> to vector<16xf32>
      %sub3A_571 = arith.subf %get3A_567, %get3A_570 : vector<16xf32>
      %get3A_572 = arith.index_cast %multiple_of3A_564 : i32 to index
      %get3A_573 = tpu.vector_load %arg15[%get3A_572] {strides = array<i32>} : memref<8192xf32, #tpu.memory_space<vmem>>, vector<16xf32>,
      %get3A_574 = vector.shape_cast %get3A_573 : vector<16xf32> to vector<16xf32>
      %get3A_575 = arith.index_cast %multiple_of3A_564 : i32 to index
      %get3A_576 = tpu.vector_load %arg19[%get3A_575] {strides = array<i32>} : memref<8192xf32, #tpu.memory_space<vmem>>, vector<16xf32>,
      %get3A_577 = vector.shape_cast %get3A_576 : vector<16xf32> to vector<16xf32>
      %sub3A_578 = arith.subf %get3A_574, %get3A_577 : vector<16xf32>
      %get3A_579 = arith.index_cast %multiple_of3A_564 : i32 to index
      %get3A_580 = tpu.vector_load %arg16[%get3A_579] {strides = array<i32>} : memref<8192xf32, #tpu.memory_space<vmem>>, vector<16xf32>,
      %get3A_581 = vector.shape_cast %get3A_580 : vector<16xf32> to vector<16xf32>
      %get3A_582 = arith.index_cast %multiple_of3A_564 : i32 to index
      %get3A_583 = tpu.vector_load %arg20[%get3A_582] {strides = array<i32>} : memref<8192xf32, #tpu.memory_space<vmem>>, vector<16xf32>,
      %get3A_584 = vector.shape_cast %get3A_583 : vector<16xf32> to vector<16xf32>
      %sub3A_585 = arith.subf %get3A_581, %get3A_584 : vector<16xf32>
      %get3A_586 = arith.index_cast %multiple_of3A_564 : i32 to index
      %get3A_587 = tpu.vector_load %arg21[%get3A_586] {strides = array<i32>} : memref<8192xf32, #tpu.memory_space<vmem>>, vector<16xf32>,
      %get3A_588 = vector.shape_cast %get3A_587 : vector<16xf32> to vector<16xf32>
      %mul3A_589 = arith.mulf %sub3A_571, %sub3A_571 : vector<16xf32>
      %mul3A_590 = arith.mulf %sub3A_578, %sub3A_578 : vector<16xf32>
      %add3A_591 = arith.addf %mul3A_589, %mul3A_590 : vector<16xf32>
      %mul3A_592 = arith.mulf %sub3A_585, %sub3A_585 : vector<16xf32>
      %add3A_593 = arith.addf %add3A_591, %mul3A_592 : vector<16xf32>
      %mul3A_594 = arith.mulf %get3A_588, %add3A_593 : vector<16xf32>
      %add3A_595 = arith.addf %add3A_559, %mul3A_594 : vector<16xf32>
      %scan3A_596 = arith.constant 3 : i32
      %scan3A_597 = arith.addi %scan3A_488, %scan3A_596 : i32
      %mul3A_598 = arith.constant 16 : i32
      %mul3A_599 = arith.muli %scan3A_597, %mul3A_598 : i32
      %multiple_of3A_600 = tpu.assume_multiple %mul3A_599, 16 : i32
      %get3A_601 = arith.index_cast %multiple_of3A_600 : i32 to index
      %get3A_602 = tpu.vector_load %arg14[%get3A_601] {strides = array<i32>} : memref<8192xf32, #tpu.memory_space<vmem>>, vector<16xf32>,
      %get3A_603 = vector.shape_cast %get3A_602 : vector<16xf32> to vector<16xf32>
      %get3A_604 = arith.index_cast %multiple_of3A_600 : i32 to index
      %get3A_605 = tpu.vector_load %arg18[%get3A_604] {strides = array<i32>} : memref<8192xf32, #tpu.memory_space<vmem>>, vector<16xf32>,
      %get3A_606 = vector.shape_cast %get3A_605 : vector<16xf32> to vector<16xf32>
      %sub3A_607 = arith.subf %get3A_603, %get3A_606 : vector<16xf32>
      %get3A_608 = arith.index_cast %multiple_of3A_600 : i32 to index
      %get3A_609 = tpu.vector_load %arg15[%get3A_608] {strides = array<i32>} : memref<8192xf32, #tpu.memory_space<vmem>>, vector<16xf32>,
      %get3A_610 = vector.shape_cast %get3A_609 : vector<16xf32> to vector<16xf32>
      %get3A_611 = arith.index_cast %multiple_of3A_600 : i32 to index
      %get3A_612 = tpu.vector_load %arg19[%get3A_611] {strides = array<i32>} : memref<8192xf32, #tpu.memory_space<vmem>>, vector<16xf32>,
      %get3A_613 = vector.shape_cast %get3A_612 : vector<16xf32> to vector<16xf32>
      %sub3A_614 = arith.subf %get3A_610, %get3A_613 : vector<16xf32>
      %get3A_615 = arith.index_cast %multiple_of3A_600 : i32 to index
      %get3A_616 = tpu.vector_load %arg16[%get3A_615] {strides = array<i32>} : memref<8192xf32, #tpu.memory_space<vmem>>, vector<16xf32>,
      %get3A_617 = vector.shape_cast %get3A_616 : vector<16xf32> to vector<16xf32>
      %get3A_618 = arith.index_cast %multiple_of3A_600 : i32 to index
      %get3A_619 = tpu.vector_load %arg20[%get3A_618] {strides = array<i32>} : memref<8192xf32, #tpu.memory_space<vmem>>, vector<16xf32>,
      %get3A_620 = vector.shape_cast %get3A_619 : vector<16xf32> to vector<16xf32>
      %sub3A_621 = arith.subf %get3A_617, %get3A_620 : vector<16xf32>
      %get3A_622 = arith.index_cast %multiple_of3A_600 : i32 to index
      %get3A_623 = tpu.vector_load %arg21[%get3A_622] {strides = array<i32>} : memref<8192xf32, #tpu.memory_space<vmem>>, vector<16xf32>,
      %get3A_624 = vector.shape_cast %get3A_623 : vector<16xf32> to vector<16xf32>
      %mul3A_625 = arith.mulf %sub3A_607, %sub3A_607 : vector<16xf32>
      %mul3A_626 = arith.mulf %sub3A_614, %sub3A_614 : vector<16xf32>
      %add3A_627 = arith.addf %mul3A_625, %mul3A_626 : vector<16xf32>
      %mul3A_628 = arith.mulf %sub3A_621, %sub3A_621 : vector<16xf32>
      %add3A_629 = arith.addf %add3A_627, %mul3A_628 : vector<16xf32>
      %mul3A_630 = arith.mulf %get3A_624, %add3A_629 : vector<16xf32>
      %add3A_631 = arith.addf %add3A_595, %mul3A_630 : vector<16xf32>
      %scan3A_632 = arith.constant 4 : i32
      %scan3A_633 = arith.addi %scan3A_488, %scan3A_632 : i32
      %mul3A_634 = arith.constant 16 : i32
      %mul3A_635 = arith.muli %scan3A_633, %mul3A_634 : i32
      %multiple_of3A_636 = tpu.assume_multiple %mul3A_635, 16 : i32
      %get3A_637 = arith.index_cast %multiple_of3A_636 : i32 to index
      %get3A_638 = tpu.vector_load %arg14[%get3A_637] {strides = array<i32>} : memref<8192xf32, #tpu.memory_space<vmem>>, vector<16xf32>,
      %get3A_639 = vector.shape_cast %get3A_638 : vector<16xf32> to vector<16xf32>
      %get3A_640 = arith.index_cast %multiple_of3A_636 : i32 to index
      %get3A_641 = tpu.vector_load %arg18[%get3A_640] {strides = array<i32>} : memref<8192xf32, #tpu.memory_space<vmem>>, vector<16xf32>,
      %get3A_642 = vector.shape_cast %get3A_641 : vector<16xf32> to vector<16xf32>
      %sub3A_643 = arith.subf %get3A_639, %get3A_642 : vector<16xf32>
      %get3A_644 = arith.index_cast %multiple_of3A_636 : i32 to index
      %get3A_645 = tpu.vector_load %arg15[%get3A_644] {strides = array<i32>} : memref<8192xf32, #tpu.memory_space<vmem>>, vector<16xf32>,
      %get3A_646 = vector.shape_cast %get3A_645 : vector<16xf32> to vector<16xf32>
      %get3A_647 = arith.index_cast %multiple_of3A_636 : i32 to index
      %get3A_648 = tpu.vector_load %arg19[%get3A_647] {strides = array<i32>} : memref<8192xf32, #tpu.memory_space<vmem>>, vector<16xf32>,
      %get3A_649 = vector.shape_cast %get3A_648 : vector<16xf32> to vector<16xf32>
      %sub3A_650 = arith.subf %get3A_646, %get3A_649 : vector<16xf32>
      %get3A_651 = arith.index_cast %multiple_of3A_636 : i32 to index
      %get3A_652 = tpu.vector_load %arg16[%get3A_651] {strides = array<i32>} : memref<8192xf32, #tpu.memory_space<vmem>>, vector<16xf32>,
      %get3A_653 = vector.shape_cast %get3A_652 : vector<16xf32> to vector<16xf32>
      %get3A_654 = arith.index_cast %multiple_of3A_636 : i32 to index
      %get3A_655 = tpu.vector_load %arg20[%get3A_654] {strides = array<i32>} : memref<8192xf32, #tpu.memory_space<vmem>>, vector<16xf32>,
      %get3A_656 = vector.shape_cast %get3A_655 : vector<16xf32> to vector<16xf32>
      %sub3A_657 = arith.subf %get3A_653, %get3A_656 : vector<16xf32>
      %get3A_658 = arith.index_cast %multiple_of3A_636 : i32 to index
      %get3A_659 = tpu.vector_load %arg21[%get3A_658] {strides = array<i32>} : memref<8192xf32, #tpu.memory_space<vmem>>, vector<16xf32>,
      %get3A_660 = vector.shape_cast %get3A_659 : vector<16xf32> to vector<16xf32>
      %mul3A_661 = arith.mulf %sub3A_643, %sub3A_643 : vector<16xf32>
      %mul3A_662 = arith.mulf %sub3A_650, %sub3A_650 : vector<16xf32>
      %add3A_663 = arith.addf %mul3A_661, %mul3A_662 : vector<16xf32>
      %mul3A_664 = arith.mulf %sub3A_657, %sub3A_657 : vector<16xf32>
      %add3A_665 = arith.addf %add3A_663, %mul3A_664 : vector<16xf32>
      %mul3A_666 = arith.mulf %get3A_660, %add3A_665 : vector<16xf32>
      %add3A_667 = arith.addf %add3A_631, %mul3A_666 : vector<16xf32>
      %scan3A_668 = arith.constant 5 : i32
      %scan3A_669 = arith.addi %scan3A_488, %scan3A_668 : i32
      %mul3A_670 = arith.constant 16 : i32
      %mul3A_671 = arith.muli %scan3A_669, %mul3A_670 : i32
      %multiple_of3A_672 = tpu.assume_multiple %mul3A_671, 16 : i32
      %get3A_673 = arith.index_cast %multiple_of3A_672 : i32 to index
      %get3A_674 = tpu.vector_load %arg14[%get3A_673] {strides = array<i32>} : memref<8192xf32, #tpu.memory_space<vmem>>, vector<16xf32>,
      %get3A_675 = vector.shape_cast %get3A_674 : vector<16xf32> to vector<16xf32>
      %get3A_676 = arith.index_cast %multiple_of3A_672 : i32 to index
      %get3A_677 = tpu.vector_load %arg18[%get3A_676] {strides = array<i32>} : memref<8192xf32, #tpu.memory_space<vmem>>, vector<16xf32>,
      %get3A_678 = vector.shape_cast %get3A_677 : vector<16xf32> to vector<16xf32>
      %sub3A_679 = arith.subf %get3A_675, %get3A_678 : vector<16xf32>
      %get3A_680 = arith.index_cast %multiple_of3A_672 : i32 to index
      %get3A_681 = tpu.vector_load %arg15[%get3A_680] {strides = array<i32>} : memref<8192xf32, #tpu.memory_space<vmem>>, vector<16xf32>,
      %get3A_682 = vector.shape_cast %get3A_681 : vector<16xf32> to vector<16xf32>
      %get3A_683 = arith.index_cast %multiple_of3A_672 : i32 to index
      %get3A_684 = tpu.vector_load %arg19[%get3A_683] {strides = array<i32>} : memref<8192xf32, #tpu.memory_space<vmem>>, vector<16xf32>,
      %get3A_685 = vector.shape_cast %get3A_684 : vector<16xf32> to vector<16xf32>
      %sub3A_686 = arith.subf %get3A_682, %get3A_685 : vector<16xf32>
      %get3A_687 = arith.index_cast %multiple_of3A_672 : i32 to index
      %get3A_688 = tpu.vector_load %arg16[%get3A_687] {strides = array<i32>} : memref<8192xf32, #tpu.memory_space<vmem>>, vector<16xf32>,
      %get3A_689 = vector.shape_cast %get3A_688 : vector<16xf32> to vector<16xf32>
      %get3A_690 = arith.index_cast %multiple_of3A_672 : i32 to index
      %get3A_691 = tpu.vector_load %arg20[%get3A_690] {strides = array<i32>} : memref<8192xf32, #tpu.memory_space<vmem>>, vector<16xf32>,
      %get3A_692 = vector.shape_cast %get3A_691 : vector<16xf32> to vector<16xf32>
      %sub3A_693 = arith.subf %get3A_689, %get3A_692 : vector<16xf32>
      %get3A_694 = arith.index_cast %multiple_of3A_672 : i32 to index
      %get3A_695 = tpu.vector_load %arg21[%get3A_694] {strides = array<i32>} : memref<8192xf32, #tpu.memory_space<vmem>>, vector<16xf32>,
      %get3A_696 = vector.shape_cast %get3A_695 : vector<16xf32> to vector<16xf32>
      %mul3A_697 = arith.mulf %sub3A_679, %sub3A_679 : vector<16xf32>
      %mul3A_698 = arith.mulf %sub3A_686, %sub3A_686 : vector<16xf32>
      %add3A_699 = arith.addf %mul3A_697, %mul3A_698 : vector<16xf32>
      %mul3A_700 = arith.mulf %sub3A_693, %sub3A_693 : vector<16xf32>
      %add3A_701 = arith.addf %add3A_699, %mul3A_700 : vector<16xf32>
      %mul3A_702 = arith.mulf %get3A_696, %add3A_701 : vector<16xf32>
      %add3A_703 = arith.addf %add3A_667, %mul3A_702 : vector<16xf32>
      %scan3A_704 = arith.constant 6 : i32
      %scan3A_705 = arith.addi %scan3A_488, %scan3A_704 : i32
      %mul3A_706 = arith.constant 16 : i32
      %mul3A_707 = arith.muli %scan3A_705, %mul3A_706 : i32
      %multiple_of3A_708 = tpu.assume_multiple %mul3A_707, 16 : i32
      %get3A_709 = arith.index_cast %multiple_of3A_708 : i32 to index
      %get3A_710 = tpu.vector_load %arg14[%get3A_709] {strides = array<i32>} : memref<8192xf32, #tpu.memory_space<vmem>>, vector<16xf32>,
      %get3A_711 = vector.shape_cast %get3A_710 : vector<16xf32> to vector<16xf32>
      %get3A_712 = arith.index_cast %multiple_of3A_708 : i32 to index
      %get3A_713 = tpu.vector_load %arg18[%get3A_712] {strides = array<i32>} : memref<8192xf32, #tpu.memory_space<vmem>>, vector<16xf32>,
      %get3A_714 = vector.shape_cast %get3A_713 : vector<16xf32> to vector<16xf32>
      %sub3A_715 = arith.subf %get3A_711, %get3A_714 : vector<16xf32>
      %get3A_716 = arith.index_cast %multiple_of3A_708 : i32 to index
      %get3A_717 = tpu.vector_load %arg15[%get3A_716] {strides = array<i32>} : memref<8192xf32, #tpu.memory_space<vmem>>, vector<16xf32>,
      %get3A_718 = vector.shape_cast %get3A_717 : vector<16xf32> to vector<16xf32>
      %get3A_719 = arith.index_cast %multiple_of3A_708 : i32 to index
      %get3A_720 = tpu.vector_load %arg19[%get3A_719] {strides = array<i32>} : memref<8192xf32, #tpu.memory_space<vmem>>, vector<16xf32>,
      %get3A_721 = vector.shape_cast %get3A_720 : vector<16xf32> to vector<16xf32>
      %sub3A_722 = arith.subf %get3A_718, %get3A_721 : vector<16xf32>
      %get3A_723 = arith.index_cast %multiple_of3A_708 : i32 to index
      %get3A_724 = tpu.vector_load %arg16[%get3A_723] {strides = array<i32>} : memref<8192xf32, #tpu.memory_space<vmem>>, vector<16xf32>,
      %get3A_725 = vector.shape_cast %get3A_724 : vector<16xf32> to vector<16xf32>
      %get3A_726 = arith.index_cast %multiple_of3A_708 : i32 to index
      %get3A_727 = tpu.vector_load %arg20[%get3A_726] {strides = array<i32>} : memref<8192xf32, #tpu.memory_space<vmem>>, vector<16xf32>,
      %get3A_728 = vector.shape_cast %get3A_727 : vector<16xf32> to vector<16xf32>
      %sub3A_729 = arith.subf %get3A_725, %get3A_728 : vector<16xf32>
      %get3A_730 = arith.index_cast %multiple_of3A_708 : i32 to index
      %get3A_731 = tpu.vector_load %arg21[%get3A_730] {strides = array<i32>} : memref<8192xf32, #tpu.memory_space<vmem>>, vector<16xf32>,
      %get3A_732 = vector.shape_cast %get3A_731 : vector<16xf32> to vector<16xf32>
      %mul3A_733 = arith.mulf %sub3A_715, %sub3A_715 : vector<16xf32>
      %mul3A_734 = arith.mulf %sub3A_722, %sub3A_722 : vector<16xf32>
      %add3A_735 = arith.addf %mul3A_733, %mul3A_734 : vector<16xf32>
      %mul3A_736 = arith.mulf %sub3A_729, %sub3A_729 : vector<16xf32>
      %add3A_737 = arith.addf %add3A_735, %mul3A_736 : vector<16xf32>
      %mul3A_738 = arith.mulf %get3A_732, %add3A_737 : vector<16xf32>
      %add3A_739 = arith.addf %add3A_703, %mul3A_738 : vector<16xf32>
      %scan3A_740 = arith.constant 7 : i32
      %scan3A_741 = arith.addi %scan3A_488, %scan3A_740 : i32
      %mul3A_742 = arith.constant 16 : i32
      %mul3A_743 = arith.muli %scan3A_741, %mul3A_742 : i32
      %multiple_of3A_744 = tpu.assume_multiple %mul3A_743, 16 : i32
      %get3A_745 = arith.index_cast %multiple_of3A_744 : i32 to index
      %get3A_746 = tpu.vector_load %arg14[%get3A_745] {strides = array<i32>} : memref<8192xf32, #tpu.memory_space<vmem>>, vector<16xf32>,
      %get3A_747 = vector.shape_cast %get3A_746 : vector<16xf32> to vector<16xf32>
      %get3A_748 = arith.index_cast %multiple_of3A_744 : i32 to index
      %get3A_749 = tpu.vector_load %arg18[%get3A_748] {strides = array<i32>} : memref<8192xf32, #tpu.memory_space<vmem>>, vector<16xf32>,
      %get3A_750 = vector.shape_cast %get3A_749 : vector<16xf32> to vector<16xf32>
      %sub3A_751 = arith.subf %get3A_747, %get3A_750 : vector<16xf32>
      %get3A_752 = arith.index_cast %multiple_of3A_744 : i32 to index
      %get3A_753 = tpu.vector_load %arg15[%get3A_752] {strides = array<i32>} : memref<8192xf32, #tpu.memory_space<vmem>>, vector<16xf32>,
      %get3A_754 = vector.shape_cast %get3A_753 : vector<16xf32> to vector<16xf32>
      %get3A_755 = arith.index_cast %multiple_of3A_744 : i32 to index
      %get3A_756 = tpu.vector_load %arg19[%get3A_755] {strides = array<i32>} : memref<8192xf32, #tpu.memory_space<vmem>>, vector<16xf32>,
      %get3A_757 = vector.shape_cast %get3A_756 : vector<16xf32> to vector<16xf32>
      %sub3A_758 = arith.subf %get3A_754, %get3A_757 : vector<16xf32>
      %get3A_759 = arith.index_cast %multiple_of3A_744 : i32 to index
      %get3A_760 = tpu.vector_load %arg16[%get3A_759] {strides = array<i32>} : memref<8192xf32, #tpu.memory_space<vmem>>, vector<16xf32>,
      %get3A_761 = vector.shape_cast %get3A_760 : vector<16xf32> to vector<16xf32>
      %get3A_762 = arith.index_cast %multiple_of3A_744 : i32 to index
      %get3A_763 = tpu.vector_load %arg20[%get3A_762] {strides = array<i32>} : memref<8192xf32, #tpu.memory_space<vmem>>, vector<16xf32>,
      %get3A_764 = vector.shape_cast %get3A_763 : vector<16xf32> to vector<16xf32>
      %sub3A_765 = arith.subf %get3A_761, %get3A_764 : vector<16xf32>
      %get3A_766 = arith.index_cast %multiple_of3A_744 : i32 to index
      %get3A_767 = tpu.vector_load %arg21[%get3A_766] {strides = array<i32>} : memref<8192xf32, #tpu.memory_space<vmem>>, vector<16xf32>,
      %get3A_768 = vector.shape_cast %get3A_767 : vector<16xf32> to vector<16xf32>
      %mul3A_769 = arith.mulf %sub3A_751, %sub3A_751 : vector<16xf32>
      %mul3A_770 = arith.mulf %sub3A_758, %sub3A_758 : vector<16xf32>
      %add3A_771 = arith.addf %mul3A_769, %mul3A_770 : vector<16xf32>
      %mul3A_772 = arith.mulf %sub3A_765, %sub3A_765 : vector<16xf32>
      %add3A_773 = arith.addf %add3A_771, %mul3A_772 : vector<16xf32>
      %mul3A_774 = arith.mulf %get3A_768, %add3A_773 : vector<16xf32>
      %add3A_775 = arith.addf %add3A_739, %mul3A_774 : vector<16xf32>
      scf.yield %add3A_775 : vector<16xf32>
    }
    %scan3A_481 = arith.constant 512 : i32
    %swap3A = arith.constant 0 : index
    %swap3A_482 = tpu.vector_load %arg23[%swap3A] {strides = array<i32>} : memref<16xf32, #tpu.memory_space<vmem>>, vector<16xf32>,
    %swap3A_483 = vector.shape_cast %swap3A_482 : vector<16xf32> to vector<16xf32>
    %swap3A_484 = vector.shape_cast %scan3A_480 : vector<16xf32> to vector<16xf32>
    tpu.vector_store %arg23[%swap3A], %swap3A_484 {strides = array<i32>} : memref<16xf32, #tpu.memory_space<vmem>>, vector<16xf32>,
    %mul3A_485 = arith.constant 16 : i32
    %mul3A_486 = arith.muli %add3A, %mul3A_485 : i32
    %multiple_of3A_487 = tpu.assume_multiple %mul3A_486, 16 : i32
    "tpu.region"() ({
      %run_scoped3A = tpu.sem_alloc : memref<!tpu.dma_semaphore, #tpu.memory_space<semaphore_mem>>
      %dma_start3A_488 = tpu.memref_slice %arg10[%multiple_of3A_487] : memref<512xf32, #tpu.memory_space<hbm>> -> memref<16xf32, #tpu.memory_space<hbm>>
      %dma_start3A_489 = tpu.memref_slice %arg10[%multiple_of3A_487] : memref<512xf32, #tpu.memory_space<hbm>> -> memref<16xf32, #tpu.memory_space<hbm>>
      tpu.enqueue_dma source(%arg23 : memref<16xf32, #tpu.memory_space<vmem>>) target(%dma_start3A_489 : memref<16xf32, #tpu.memory_space<hbm>>) target_semaphore(%run_scoped3A : memref<!tpu.dma_semaphore, #tpu.memory_space<semaphore_mem>>)
      %dma_wait3A_490 = tpu.memref_slice %arg10[%multiple_of3A_487] : memref<512xf32, #tpu.memory_space<hbm>> -> memref<16xf32, #tpu.memory_space<hbm>>
      %dma_wait3A_491 = tpu.memref_slice %arg10[%multiple_of3A_487] : memref<512xf32, #tpu.memory_space<hbm>> -> memref<16xf32, #tpu.memory_space<hbm>>
      tpu.wait_dma2 semaphore(%run_scoped3A : memref<!tpu.dma_semaphore, #tpu.memory_space<semaphore_mem>>) src(%arg23 : memref<16xf32, #tpu.memory_space<vmem>>) dst(%dma_wait3A_491 : memref<16xf32, #tpu.memory_space<hbm>>)
      tpu.yield
    }) : () -> ()
    return
  }
}

</mosaic_0001>

<sc_bundles>
// kernel: _sc_loss.3.cloned.1.call-start
scs
__scs_entry_jumppad:
0x0: {  	(pc) =	sbr.rel $0x88, $3  }
0x1: {  	(tag) =	ssettag $0x0;
	lr =	simm.s32 $0x1  }
0x2: {  	[smem:$0x3F99] =	sst lr;
	_ =	strace $0xD0000000  }
0x3: {  	_ = 	snop  }
0x4: {  	_ = 	snop  }
0x5: {  	_ = 	snop  }
0x6: {  	_ = 	snop  }
0x7: {  	_ = 	snop  }
__scs_overlays_trampoline_lowered:
0x8: {  	[smem:$0x3FA8] =	sst s0  }
0x9: {  	[smem:$0x3FA9] =	sst s1  }
0xa: {  	[smem:$0x3FAA] =	sst s2  }
0xb: {  	[smem:$0x3FAB] =	sst s3  }
0xc: {  	[smem:$0x3FAC] =	sst s4  }
0xd: {  	[smem:$0x3FAD] =	sst s5  }
0xe: {  	[smem:$0x3FAE] =	sst s6  }
0xf: {  	[smem:$0x3FAF] =	sst s7  }
0x10: {  	[smem:$0x3FB0] =	sst s8  }
0x11: {  	[smem:$0x3FB1] =	sst s9;
	s0 =	simm.s32 @!p0 $0x0  }
0x12: {  	s1 =	sld [smem:$0x3F97];
	s0 =	simm.s32 @p0 $0x1  }
0x13: {  	[smem:$0x3FB2] =	sst s0;
	s0 =	simm.s32 @!p1 $0x0  }
0x14: {  	s2 =	sld [smem:$0x3F96];
	s0 =	simm.s32 @p1 $0x1  }
0x15: {  	[smem:$0x3FB3] =	sst s0;
	s0 =	simm.s32 @!p2 $0x0  }
0x16: {  	s3 =	sld [smem:$0x3FDB];
	s0 =	simm.s32 @p2 $0x1  }
0x17: {  	s4 =	simm.s32 $0x1BF5;
	[smem:$0x3FB5] =	sst s0  }
0x18: {  	s0 =	sld [smem:$0x3F98];
	_ =	swait.ge [sflag:s4], $0x0  }
0x19: {  	s7 =	sld [smem:$0x3F99]  }
0x1a: {  	s8 =	sadd.s32 $0xFFFFE003, lr  }
0x1b: {  	s9 =	sadd.s32 $0xFFFFFEF7, lr;
	s5 =	simm.s32 $0xFFFFFFFF;
	p2 =	slt.u32 s8, $0xFFFFF086  }
0x1c: {  	p1 =	slt.u32 s9, $0xF7A;
	s5 =	simm.s32 @!p2 $0x0  }
0x1d: {  	s5 =	simm.s32 @p1 $0x1;
	p0 =	seq.s32 s7, s2  }
0x1e: {  	s7 =	smul.u32 @!p0 $0xF7A, s2;
	p2 =	seq.s32 @!p0 s5, $0x0  }
0x1f: {  	s9 =	smul.u32 $0xF7A, s1;
	s8 =	simm.s32 @!p0 $0x1BF5;
	p2 =	por !p2, p0  }
0x20: {  	[sflag:s8] =	ssyncset.s32 @!p0 $0xFFFFF086;
	s6 =	sadd.s32 @!p0 s3, s7;
	s7 =	simm.s32 @!p0 $0x108  }
0x21: {  	s3 =	sadd.s32 s3, s9;
	s6 =	sadd.s32 @!p0 $0x88, s6;
	s7 =	simm.s32 @p2 $0x1082  }
0x22: {  	[simem:s7], [sflag:s8] =	dma.local @!p0 [hbm:s6], $0xF7A  }
0x23: {  	s9 =	sor.u32 $0xD0000000, s2;
	s6 =	simm.s32 $0x108;
	_ =	swait.ge @!p0 [sflag:s8], $0x0  }
0x24: {  	s3 =	sadd.s32 $0x88, s3;
	s6 =	simm.s32 @!p1 $0x1082;
	[sflag:s4] =	ssyncset.s32 $0xFFFFF086  }
0x25: {  	[simem:s6], [sflag:s4] =	dma.local [hbm:s3], $0xF7A  }
0x26: {  	[smem:$0x3F99] =	sst s1;
	(tag) =	ssettag s2;
	_ =	strace s9  }
0x27: {  	s1 =	sld [smem:$0x3FA9]  }
0x28: {  	s2 =	sld [smem:$0x3FAA]  }
0x29: {  	s4 =	sld [smem:$0x3FAC]  }
0x2a: {  	p0 =	seq.s32 s5, $0x0;
	s5 =	sld [smem:$0x3FAD]  }
0x2b: {  	s6 =	sld [smem:$0x3FAE]  }
0x2c: {  	s7 =	sld [smem:$0x3FAF]  }
0x2d: {  	s3 =	simm.s32 $0x108;
	s8 =	sld [smem:$0x3FB0]  }
0x2e: {  	s3 =	simm.s32 @!p0 $0x1082;
	s9 =	sld [smem:$0x3FB1]  }
0x2f: {  	lr =	sadd.s32 s0, s3;
	s0 =	sld [smem:$0x3FA8]  }
0x30: {  	s3 =	sld [smem:$0x3FAB]  }
0x31: {  	[smem:$0x3FB4] =	sst s10  }
0x32: {  	s10 =	sld [smem:$0x3FB2];
	_ =	sdelay $0x3  }
0x33: {  	p0 =	seq.s32 s10, $0x1;
	s10 =	sld [smem:$0x3FB4];
	_ =	sdelay $0x3  }
0x34: {  	[smem:$0x3FB4] =	sst s10  }
0x35: {  	s10 =	sld [smem:$0x3FB3];
	_ =	sdelay $0x3  }
0x36: {  	p1 =	seq.s32 s10, $0x1;
	s10 =	sld [smem:$0x3FB4];
	_ =	sdelay $0x3  }
0x37: {  	[smem:$0x3FB4] =	sst s10  }
0x38: {  	s10 =	sld [smem:$0x3FB5]  }
0x39: {  	_ = 	snop;
	(pc) =	sbr.ind lr, $3  }
0x3a: {  	_ = 	snop  }
0x3b: {  	_ = 	snop  }
0x3c: {  	p2 =	seq.s32 s10, $0x1;
	s10 =	sld [smem:$0x3FB4]  }
0x3d: {  	_ =	shalt  }
0x3e: {  	_ =	shalt  }
0x3f: {  	_ =	shalt  }
0x40: {  	_ =	shalt  }
0x41: {  	_ =	shalt  }
0x42: {  	_ =	shalt  }
0x43: {  	_ =	shalt  }
0x44: {  	_ =	shalt  }
0x45: {  	_ =	shalt  }
0x46: {  	_ =	shalt  }
0x47: {  	_ =	shalt  }
0x48: {  	_ =	shalt  }
0x49: {  	_ =	shalt  }
0x4a: {  	_ =	shalt  }
0x4b: {  	_ =	shalt  }
0x4c: {  	_ =	shalt  }
0x4d: {  	_ =	shalt  }
0x4e: {  	_ =	shalt  }
0x4f: {  	_ =	shalt  }
0x50: {  	_ =	shalt  }
0x51: {  	_ =	shalt  }
0x52: {  	_ =	shalt  }
0x53: {  	_ =	shalt  }
0x54: {  	_ =	shalt  }
0x55: {  	_ =	shalt  }
0x56: {  	_ =	shalt  }
0x57: {  	_ =	shalt  }
0x58: {  	_ =	shalt  }
0x59: {  	_ =	shalt  }
0x5a: {  	_ =	shalt  }
0x5b: {  	_ =	shalt  }
0x5c: {  	_ =	shalt  }
0x5d: {  	_ =	shalt  }
0x5e: {  	_ =	shalt  }
0x5f: {  	_ =	shalt  }
0x60: {  	_ =	shalt  }
0x61: {  	_ =	shalt  }
0x62: {  	_ =	shalt  }
0x63: {  	_ =	shalt  }
0x64: {  	_ =	shalt  }
0x65: {  	_ =	shalt  }
0x66: {  	_ =	shalt  }
0x67: {  	_ =	shalt  }
0x68: {  	_ =	shalt  }
0x69: {  	_ =	shalt  }
0x6a: {  	_ =	shalt  }
0x6b: {  	_ =	shalt  }
0x6c: {  	_ =	shalt  }
0x6d: {  	_ =	shalt  }
0x6e: {  	_ =	shalt  }
0x6f: {  	_ =	shalt  }
0x70: {  	_ =	shalt  }
0x71: {  	_ =	shalt  }
0x72: {  	_ =	shalt  }
0x73: {  	_ =	shalt  }
0x74: {  	_ =	shalt  }
0x75: {  	_ =	shalt  }
0x76: {  	_ =	shalt  }
0x77: {  	_ =	shalt  }
0x78: {  	_ =	shalt  }
0x79: {  	_ =	shalt  }
0x7a: {  	_ =	shalt  }
0x7b: {  	_ =	shalt  }
0x7c: {  	_ =	shalt  }
0x7d: {  	_ =	shalt  }
0x7e: {  	_ =	shalt  }
0x7f: {  	_ =	shalt  }
0x80: {  	_ =	shalt  }
0x81: {  	_ =	shalt  }
0x82: {  	_ =	shalt  }
0x83: {  	_ =	shalt  }
0x84: {  	_ =	shalt  }
0x85: {  	_ =	shalt  }
0x86: {  	_ =	shalt  }
0x87: {  	_ =	shalt  }
.Lfunc_end0:
.L_simem_size_0:
called_computation_lowered:
.L_overlay_start_0:
0x88: {  	s2 =	sld [smem:$0x3FD9]  }
0x89: {  	s3 =	sld [smem:$0x3FFE];
	_ =	sdelay $0x1  }
0x8a: {  	s1 =	srdreg.scid  }
0x8b: {  	s0 =	sand.u32 $0x1, s1  }
0x8c: {  	s18 =	sshll.u32 s0, $0xA;
	s2 =	sadd.s32 s3, s2  }
0x8d: {  	s2 =	sadd.s32 s2, s18  }
0x8e: {  	[smem:$0x3FC0] =	sst s2  }
0x8f: {  	_ = 	snop  }
0x90: {  	s2 =	sld [smem:$0x3FC9]  }
0x91: {  	s19 =	sld [smem:$0x3FC8]  }
0x92: {  	s4 =	sld [smem:$0x3FC7]  }
0x93: {  	s5 =	sld [smem:$0x3FC6]  }
0x94: {  	s6 =	sld [smem:$0x3FC5]  }
0x95: {  	s7 =	sld [smem:$0x3FC4]  }
0x96: {  	s8 =	sld [smem:$0x3FC3]  }
0x97: {  	s9 =	sld [smem:$0x3FC2]  }
0x98: {  	s10 =	sld [smem:$0x3FD0];
	(tm) =	ssettm $0x1  }
0x99: {  	s11 =	sld [smem:$0x3FFB];
	_ =	sdelay $0x3  }
0x9a: {  	_ =	strace s11  }
0x9b: {  	s11 =	sld [smem:$0x3FFC];
	_ =	sdelay $0x3  }
0x9c: {  	_ =	strace s11  }
0x9d: {  	s11 =	sld [smem:$0x3FFD];
	_ =	sdelay $0x3  }
0x9e: {  	_ =	strace s11  }
0x9f: {  	_ =	strace $0x8FFFFFFF  }
0xa0: {  	s20 =	sld [smem:$0x3FDB];
	_ =	sdelay $0x1  }
0xa1: {  	s12 =	simm.s32 $_scs_section_size  }
0xa2: {  	s13 =	simm.s32 $_size__tile_overlayer_lowered;
	s14 =	simm.s32 $_tile_overlayer_lowered  }
0xa3: {  	s23 =	simm.s32 $0x1BFF;
	s22 =	sshll.u32 s14, $0x1;
	s11 =	sadd.s32 s12, s20  }
0xa4: {  	s15 =	simm.s32 $0x0;
	s21 =	sshll.u32 s13, $0x1;
	s13 =	sadd.s32 s22, s11  }
0xa5: {  	[timem:s15], [sflag:s23] =	dma.local [hbm:s13], s21  }
0xa6: {  	_ =	swait.ge [sflag:s23], s21  }
0xa7: {  	s12 =	ssub.s32 $0x0, s21;
	[sflag:s23] =	ssyncset.done $0x0  }
0xa8: {  	[sflag:s23] =	ssyncadd.s32 s12;
	_ =	sdelay $0x1  }
0xa9: {  	s24 =	simm.s32 $0x1B8B  }
0xaa: {  	_ =	swait.ge [sflag:s24], $0x1  }
0xab: {  	[sflag:s24] =	ssyncset.done $0x0  }
0xac: {  	s25 =	simm.s32 $0x1B8E;
	[sflag:s24] =	ssyncadd.s32 $0xFFFFFFFF  }
0xad: {  	s26 =	simm.s32 $execute0_lowered;
	[smem:$0x3FD2] =	sst s25  }
0xae: {  	s12 =	sshll.u32 s26, $0x1;
	_ =	strace $0x80000046;
	[dreg:$0x1] =	wrdreg $0xFFFFFFFF  }
0xaf: {  	s28 =	simm.s32 $_size_execute0_lowered;
	s11 =	sadd.s32 s11, s12;
	[dreg:$0x0] =	wrdreg $0x0  }
0xb0: {  	s12 =	sshll.u32 s28, $0x1;
	[dreg:$0x2] =	wrdreg s11  }
0xb1: {  	[dreg:$0x3] =	wrdreg s12  }
0xb2: {  	[dreg:$0x4] =	wrdreg $0xC0  }
0xb3: {  	_ =	task [dreg:s15], $0x5FFFF  }
0xb4: {  	[dreg:$0x1] =	wrdreg $0xFFFFFFFF  }
0xb5: {  	[dreg:$0x0] =	wrdreg $0x60  }
0xb6: {  	[dreg:$0x2] =	wrdreg s2  }
0xb7: {  	[dreg:$0x3] =	wrdreg s19  }
0xb8: {  	[dreg:$0x4] =	wrdreg s4  }
0xb9: {  	[dreg:$0x5] =	wrdreg s5  }
0xba: {  	[dreg:$0x6] =	wrdreg s6  }
0xbb: {  	[dreg:$0x7] =	wrdreg s7  }
0xbc: {  	[dreg:$0x8] =	wrdreg s8  }
0xbd: {  	[dreg:$0x9] =	wrdreg s9  }
0xbe: {  	[dreg:$0xa] =	wrdreg s10  }
0xbf: {  	[dreg:$0xb] =	wrdreg $0x9  }
0xc0: {  	_ =	task.clear_ibuf [dreg:s15], $0xCFFFF;
	_ =	strace $0x90000046  }
0xc1: {  	s29 =	simm.s32 $0x9;
	_ =	strace $0x80000048  }
0xc2: {  	_ =	swait.ge [sflag:s29], $0x1  }
0xc3: {  	[sflag:s29] =	ssyncadd.s32 $0xFFFFFFFF  }
0xc4: {  	_ =	strace $0x90000048  }
0xc5: {  	_ =	sfence  }
0xc6: {  	s30 =	sld [smem:$0x0];
	_ =	sdelay $0x2  }
0xc7: {  	s31 =	sshll.u32 s1, $0xD;
	s1 =	sshrl.u32 s1, $0x2  }
0xc8: {  	s3 =	sand.u32 $0x4000, s31;
	s1 =	sadd.s32 s1, s30  }
0xc9: {  	s0 =	sor.u32 s3, s0;
	s1 =	sshll.u32 s1, $0x11  }
0xca: {  	s0 =	sor.u32 s1, s0  }
0xcb: {  	s0 =	sadd.s32 $0x8F2B, s0  }
0xcc: {  	[sflag:s0] =	ssyncadd.remote.s32 $0x1  }
0xcd: {  	_ =	sfence.sel $0xFFFF  }
0xce: {  	[dreg:$0x0] =	wrdreg $0xFFFFFFFF;
	(pc) =	sbr.abs _section_cstart, $3  }
0xcf: {  	[dreg:$0x1] =	wrdreg $0xFFFFFFFF  }
0xd0: {  	_ =	task.clear_ibuf [dreg:s15], $0x2FFFF;
	_ =	strace $0x9FFFFFFF  }
0xd1: {  	(tm) =	ssettm $0x7FFFFFFF  }
tec
execute0_lowered:
.L_overlay_start_1:
0x0: {  	(tag) =	ssettag $0x1  }
0x1: {  	s0 =	rddreg [dreg:$0x0]  }
0x2: {  	s5 =	rddreg [dreg:$0x1]  }
0x3: {  	s7 =	rddreg [dreg:$0x2]  }
0x4: {  	s8 =	rddreg [dreg:$0x3]  }
0x5: {  	s1 =	rddreg [dreg:$0x4]  }
0x6: {  	s2 =	rddreg [dreg:$0x5]  }
0x7: {  	s3 =	rddreg [dreg:$0x6]  }
0x8: {  	s4 =	rddreg [dreg:$0x7]  }
0x9: {  	s9 =	rddreg [dreg:$0x8];
	s6 =	simm.s32 $0x0  }
0xa: {  	s10 =	srdreg.scid;
	s13 =	stileid.u32;
	s18 =	simm.s32 $0x800  }
0xb: {  	s19 =	simm.s32 $0xC000;
	s24 =	simm.s32 $0xC800;
	s30 =	simm.s32 $0xD000  }
0xc: {  	s20 =	simm.s32 $0x11800;
	s21 =	simm.s32 $0x13800;
	s22 =	simm.s32 $0x15800  }
0xd: {  	s23 =	simm.s32 $0x1;
	s25 =	simm.s32 $0x2;
	s26 =	simm.s32 $0x3  }
0xe: {  	s28 =	simm.s32 $0x4;
	s29 =	simm.s32 $0x0;
	[smem:$0x7FF] =	sst s6  }
0xf: {  	s10 =	sand.u32 $0x1, s10;
	s12 =	sshll.u32 s13, $0x1;
	s13 =	sshrl.u32 s13, $0x1  }
0x10: {  	_ =	strace $0x80000047;
	s11 =	ssub.s32 $0x2, s10;
	s31 =	sshll.u32 s13, $0xA  }
0x11: {  	s12 =	sor.u32 s10, s12;
	s17 =	sshll.u32 s13, $0x12;
	s0 =	sadd.s32 s0, s31  }
0x12: {  	s14 =	sshrl.u32 s11, $0x1;
	s5 =	sadd.s32 s5, s31;
	[dreg:$0xa] =	wrdreg s0  }
0x13: {  	s15 =	sshll.u32 s12, $0x4;
	s16 =	sadd.s32 s7, s31;
	[dreg:$0xb] =	wrdreg s5  }
0x14: {  	s31 =	sshll.u32 s12, $0x1;
	s14 =	ssub.s32 s11, s14;
	[dreg:$0xc] =	wrdreg s16  }
0x15: {  	s10 =	sadd.s32 s8, s15;
	s12 =	sadd.s32 s9, s31;
	s16 =	simm.s32 $0xD800  }
0x16: {  	v1 =	vimm.s32 $0x0;
	v0 =	vmov s17;
	s11 =	sadd.s32 $0x8, s10;
	s13 =	smax.u32 s14, $0x1;
	s14 =	simm.s32 $0x5  }
.LBB2_1:
0x17: {  	s0 =	rddreg [dreg:$0xa]  }
0x18: {  	[tilespmem:s6], [sflag:$0x5] =	stream.linear.gather [hbm4b:s0+s6], $0x2000, $0x38;
	[tilespmem:$0x16100] =	vst v63  }
0x19: {  	_ =	swait.ge [sflag:s14], $0x2000  }
0x1a: {  	[sflag:s14] =	ssyncset.done $0x0  }
0x1b: {  	s5 =	simm.s32 $0x2000;
	s8 =	rddreg [dreg:$0xb];
	[sflag:s14] =	ssyncadd.s32 $0xFFFFE000  }
0x1c: {  	[tilespmem:s5], [sflag:$0x5] =	stream.linear.gather [hbm4b:s8+s6], $0x2000, $0x38;
	[tilespmem:$0x16100] =	vst v63  }
0x1d: {  	_ =	swait.ge [sflag:s14], $0x2000  }
0x1e: {  	[sflag:s14] =	ssyncset.done $0x0  }
0x1f: {  	s15 =	simm.s32 $0x4000;
	s9 =	rddreg [dreg:$0xc];
	[sflag:s14] =	ssyncadd.s32 $0xFFFFE000  }
0x20: {  	[tilespmem:s15], [sflag:$0x5] =	stream.linear.gather [hbm4b:s9+s6], $0x2000, $0x38;
	[tilespmem:$0x16100] =	vst v63  }
0x21: {  	_ =	swait.ge [sflag:s14], $0x2000  }
0x22: {  	[sflag:s14] =	ssyncset.done $0x0  }
0x23: {  	s17 =	simm.s32 $0x16000;
	[sflag:s14] =	ssyncadd.s32 $0xFFFFE000  }
0x24: {  	[tilespmem:s17], [sflag:$0x5] =	stream.linear.gather [hbm4b:s10+s6], $0x40, $0x38;
	[tilespmem:$0x16100] =	vst v63  }
0x25: {  	_ =	swait.ge [sflag:s14], $0x40  }
0x26: {  	[sflag:s14] =	ssyncset.done $0x0  }
0x27: {  	[sflag:s14] =	ssyncadd.s32 $0xFFFFFFC0  }
0x28: {  	v2 =	vld [tilespmem:$0x16000]  }
0x29: {  	v3 =	vld [tilespmem:$0x16010];
	_ =	sdelay $0x1  }
0x2a: {  	v4 =	vld [tilespmem:$0x16020];
	_ =	sdelay $0x2  }
0x2b: {  	v5 =	vmul.f32 v2, v2;
	v6 =	vmul.f32 v3, v3;
	_ =	sdelay $0x1  }
0x2c: {  	v5 =	vadd.f32 v6, v5;
	v6 =	vmul.f32 v4, v4;
	_ =	sdelay $0x1  }
0x2d: {  	v5 =	vadd.f32 v6, v5;
	_ =	sdelay $0x1  }
0x2e: {  	(erf) = vrcp.f32 v5;
	_ =	sdelay $0x7  }
0x2f: {  	s31 =	simm.s32 $0xFFFFFFF8;
	s7 =	simm.s32 $0x2040  }
0x30: {  	s0 =	simm.s32 $0x40;
	s5 =	simm.s32 $0x4040;
	s8 =	simm.s32 $0x8040;
	v6 =	vpop (erf)  }
0x31: {  	s15 =	simm.s32 $0x6040;
	s9 =	simm.s32 $0xA040;
	s17 =	simm.s32 $0xC040;
	v5 =	vld [tilespmem:$0x16030];
	v6 =	vadd.f32 v6, v6  }
.LBB2_2:
0x32: {  	v7 =	vld [tilespmem:s0+$0xFFFFFFC0]  }
0x33: {  	v8 =	vld [tilespmem:s7+$0xFFFFFFC0];
	_ =	sdelay $0x1  }
0x34: {  	v9 =	vld [tilespmem:s5+$0xFFFFFFC0];
	_ =	sdelay $0x2  }
0x35: {  	v10 =	vmul.f32 v7, v2;
	v11 =	vmul.f32 v8, v3;
	_ =	sdelay $0x1  }
0x36: {  	v45 =	vmul.f32 v9, v4;
	v10 =	vadd.f32 v11, v10;
	_ =	sdelay $0x1  }
0x37: {  	v10 =	vadd.f32 v45, v10;
	_ =	sdelay $0x1  }
0x38: {  	v10 =	vadd.f32 v10, v5;
	_ =	sdelay $0x1  }
0x39: {  	v10 =	vmul.f32 v10, v6;
	_ =	sdelay $0x1  }
0x3a: {  	v46 =	vmul.f32 v10, v2;
	v12 =	vmul.f32 v10, v3  }
0x3b: {  	v10 =	vmul.f32 v10, v4  }
0x3c: {  	v7 =	vsub.f32 v7, v46;
	v8 =	vsub.f32 v8, v12  }
0x3d: {  	v9 =	vsub.f32 v9, v10  }
0x3e: {  	v47 =	vadd.f32 $5.000000000e-01, v7;
	v48 =	vadd.f32 $5.000000000e-01, v8  }
0x3f: {  	v49 =	vadd.f32 $5.000000000e-01, v9  }
0x40: {  	v10 =	vmul.f32 $6.400000000e+01, v47;
	v11 =	vmul.f32 $6.400000000e+01, v48  }
0x41: {  	v12 =	vmul.f32 $6.400000000e+01, v49  }
0x42: {  	v10 =	vadd.f32 $-5.000000000e-01, v10;
	v11 =	vadd.f32 $-5.000000000e-01, v11  }
0x43: {  	v12 =	vadd.f32 $-5.000000000e-01, v12  }
0x44: {  	v13 =	vtrunc.f32 v10;
	v50 =	vtrunc.f32 v11  }
0x45: {  	v52 =	vtrunc.f32 v12;
	v14 =	vcvt.f32.s32 v13  }
0x46: {  	vm0 =	vgt.f32 v10, v13;
	v51 =	vcvt.f32.s32 v50;
	vm1 =	vgt.f32 v11, v50  }
0x47: {  	vm10 =	vgt.f32 v12, v52;
	v10 =	vcvt.f32.s32 v52;
	v11 =	vsel vm1, $0x1, v1  }
0x48: {  	v53 =	vsel vm0, $0x1, v1;
	v54 =	vsel vm10, $0x1, v1;
	v11 =	vadd.s32 v51, v11  }
0x49: {  	v12 =	vadd.s32 v14, v53;
	v10 =	vadd.s32 v10, v54;
	v11 =	vshll.u32 v11, $0x6  }
0x4a: {  	v12 =	vshll.u32 v12, $0xC;
	v10 =	vadd.s32 v11, v10  }
0x4b: {  	v10 =	vadd.s32 v12, v10  }
0x4c: {  	vm11 =	vgt.s32 v10, $0x0  }
0x4d: {  	[tilespmem:s15+$0xFFFFFFC0] =	vst v7;
	v7 =	vnsel vm11, $0x0, v10  }
0x4e: {  	[tilespmem:s8+$0xFFFFFFC0] =	vst v8;
	v7 =	vmin.u32 v7, $0x3FFFF  }
0x4f: {  	[tilespmem:s9+$0xFFFFFFC0] =	vst v9;
	v7 =	vor.u32 v0, v7  }
0x50: {  	[tilespmem:s17+$0xFFFFFFC0] =	vst v7  }
0x51: {  	v7 =	vld [tilespmem:s0+$0xFFFFFFD0]  }
0x52: {  	v8 =	vld [tilespmem:s7+$0xFFFFFFD0];
	_ =	sdelay $0x1  }
0x53: {  	v9 =	vld [tilespmem:s5+$0xFFFFFFD0];
	_ =	sdelay $0x2  }
0x54: {  	v55 =	vmul.f32 v7, v2;
	v56 =	vmul.f32 v8, v3;
	_ =	sdelay $0x1  }
0x55: {  	v57 =	vmul.f32 v9, v4;
	v10 =	vadd.f32 v56, v55;
	_ =	sdelay $0x1  }
0x56: {  	v10 =	vadd.f32 v57, v10;
	_ =	sdelay $0x1  }
0x57: {  	v10 =	vadd.f32 v10, v5;
	_ =	sdelay $0x1  }
0x58: {  	v10 =	vmul.f32 v10, v6;
	_ =	sdelay $0x1  }
0x59: {  	v58 =	vmul.f32 v10, v2;
	v59 =	vmul.f32 v10, v3  }
0x5a: {  	v10 =	vmul.f32 v10, v4  }
0x5b: {  	v7 =	vsub.f32 v7, v58;
	v8 =	vsub.f32 v8, v59  }
0x5c: {  	v9 =	vsub.f32 v9, v10  }
0x5d: {  	v60 =	vadd.f32 $5.000000000e-01, v7;
	v61 =	vadd.f32 $5.000000000e-01, v8  }
0x5e: {  	v62 =	vadd.f32 $5.000000000e-01, v9  }
0x5f: {  	v10 =	vmul.f32 $6.400000000e+01, v60;
	v11 =	vmul.f32 $6.400000000e+01, v61  }
0x60: {  	v12 =	vmul.f32 $6.400000000e+01, v62  }
0x61: {  	v10 =	vadd.f32 $-5.000000000e-01, v10;
	v11 =	vadd.f32 $-5.000000000e-01, v11  }
0x62: {  	v12 =	vadd.f32 $-5.000000000e-01, v12  }
0x63: {  	v63 =	vtrunc.f32 v10;
	v17 =	vtrunc.f32 v11  }
0x64: {  	v19 =	vtrunc.f32 v12;
	v16 =	vcvt.f32.s32 v63  }
0x65: {  	vm12 =	vgt.f32 v10, v63;
	v18 =	vcvt.f32.s32 v17;
	vm13 =	vgt.f32 v11, v17  }
0x66: {  	vm14 =	vgt.f32 v12, v19;
	v10 =	vcvt.f32.s32 v19;
	v11 =	vsel vm13, $0x1, v1  }
0x67: {  	v20 =	vsel vm12, $0x1, v1;
	v21 =	vsel vm14, $0x1, v1;
	v11 =	vadd.s32 v18, v11  }
0x68: {  	v12 =	vadd.s32 v16, v20;
	v10 =	vadd.s32 v10, v21;
	v11 =	vshll.u32 v11, $0x6  }
0x69: {  	v12 =	vshll.u32 v12, $0xC;
	v10 =	vadd.s32 v11, v10  }
0x6a: {  	v10 =	vadd.s32 v12, v10  }
0x6b: {  	vm15 =	vgt.s32 v10, $0x0  }
0x6c: {  	[tilespmem:s15+$0xFFFFFFD0] =	vst v7;
	v7 =	vnsel vm15, $0x0, v10  }
0x6d: {  	[tilespmem:s8+$0xFFFFFFD0] =	vst v8;
	v7 =	vmin.u32 v7, $0x3FFFF  }
0x6e: {  	[tilespmem:s9+$0xFFFFFFD0] =	vst v9;
	v7 =	vor.u32 v0, v7  }
0x6f: {  	[tilespmem:s17+$0xFFFFFFD0] =	vst v7  }
0x70: {  	v7 =	vld [tilespmem:s0+$0xFFFFFFE0]  }
0x71: {  	v8 =	vld [tilespmem:s7+$0xFFFFFFE0];
	_ =	sdelay $0x1  }
0x72: {  	v9 =	vld [tilespmem:s5+$0xFFFFFFE0];
	_ =	sdelay $0x2  }
0x73: {  	v22 =	vmul.f32 v7, v2;
	v23 =	vmul.f32 v8, v3;
	_ =	sdelay $0x1  }
0x74: {  	v24 =	vmul.f32 v9, v4;
	v10 =	vadd.f32 v23, v22;
	_ =	sdelay $0x1  }
0x75: {  	v10 =	vadd.f32 v24, v10;
	_ =	sdelay $0x1  }
0x76: {  	v10 =	vadd.f32 v10, v5;
	_ =	sdelay $0x1  }
0x77: {  	v10 =	vmul.f32 v10, v6;
	_ =	sdelay $0x1  }
0x78: {  	v25 =	vmul.f32 v10, v2;
	v26 =	vmul.f32 v10, v3  }
0x79: {  	v10 =	vmul.f32 v10, v4  }
0x7a: {  	v7 =	vsub.f32 v7, v25;
	v8 =	vsub.f32 v8, v26  }
0x7b: {  	v9 =	vsub.f32 v9, v10  }
0x7c: {  	v27 =	vadd.f32 $5.000000000e-01, v7;
	v28 =	vadd.f32 $5.000000000e-01, v8  }
0x7d: {  	v29 =	vadd.f32 $5.000000000e-01, v9  }
0x7e: {  	v10 =	vmul.f32 $6.400000000e+01, v27;
	v11 =	vmul.f32 $6.400000000e+01, v28  }
0x7f: {  	v12 =	vmul.f32 $6.400000000e+01, v29  }
0x80: {  	v10 =	vadd.f32 $-5.000000000e-01, v10;
	v11 =	vadd.f32 $-5.000000000e-01, v11  }
0x81: {  	v12 =	vadd.f32 $-5.000000000e-01, v12  }
0x82: {  	v30 =	vtrunc.f32 v10;
	v32 =	vtrunc.f32 v11  }
0x83: {  	v34 =	vtrunc.f32 v12;
	v31 =	vcvt.f32.s32 v30  }
0x84: {  	vm4 =	vgt.f32 v10, v30;
	v33 =	vcvt.f32.s32 v32;
	vm5 =	vgt.f32 v11, v32  }
0x85: {  	vm6 =	vgt.f32 v12, v34;
	v10 =	vcvt.f32.s32 v34;
	v11 =	vsel vm5, $0x1, v1  }
0x86: {  	v35 =	vsel vm4, $0x1, v1;
	v36 =	vsel vm6, $0x1, v1;
	v11 =	vadd.s32 v33, v11  }
0x87: {  	v12 =	vadd.s32 v31, v35;
	v10 =	vadd.s32 v10, v36;
	v11 =	vshll.u32 v11, $0x6  }
0x88: {  	v12 =	vshll.u32 v12, $0xC;
	v10 =	vadd.s32 v11, v10  }
0x89: {  	v10 =	vadd.s32 v12, v10  }
0x8a: {  	vm7 =	vgt.s32 v10, $0x0  }
0x8b: {  	[tilespmem:s15+$0xFFFFFFE0] =	vst v7;
	v7 =	vnsel vm7, $0x0, v10  }
0x8c: {  	[tilespmem:s8+$0xFFFFFFE0] =	vst v8;
	v7 =	vmin.u32 v7, $0x3FFFF  }
0x8d: {  	[tilespmem:s9+$0xFFFFFFE0] =	vst v9;
	v7 =	vor.u32 v0, v7  }
0x8e: {  	[tilespmem:s17+$0xFFFFFFE0] =	vst v7  }
0x8f: {  	v7 =	vld [tilespmem:s0+$0xFFFFFFF0]  }
0x90: {  	v8 =	vld [tilespmem:s7+$0xFFFFFFF0];
	_ =	sdelay $0x1  }
0x91: {  	v9 =	vld [tilespmem:s5+$0xFFFFFFF0];
	_ =	sdelay $0x2  }
0x92: {  	v37 =	vmul.f32 v7, v2;
	v38 =	vmul.f32 v8, v3;
	_ =	sdelay $0x1  }
0x93: {  	v39 =	vmul.f32 v9, v4;
	v10 =	vadd.f32 v38, v37;
	_ =	sdelay $0x1  }
0x94: {  	v10 =	vadd.f32 v39, v10;
	_ =	sdelay $0x1  }
0x95: {  	v10 =	vadd.f32 v10, v5;
	_ =	sdelay $0x1  }
0x96: {  	v10 =	vmul.f32 v10, v6;
	_ =	sdelay $0x1  }
0x97: {  	v40 =	vmul.f32 v10, v2;
	v41 =	vmul.f32 v10, v3  }
0x98: {  	v10 =	vmul.f32 v10, v4  }
0x99: {  	v7 =	vsub.f32 v7, v40;
	v8 =	vsub.f32 v8, v41  }
0x9a: {  	v9 =	vsub.f32 v9, v10  }
0x9b: {  	v42 =	vadd.f32 $5.000000000e-01, v7;
	v43 =	vadd.f32 $5.000000000e-01, v8  }
0x9c: {  	v44 =	vadd.f32 $5.000000000e-01, v9  }
0x9d: {  	v10 =	vmul.f32 $6.400000000e+01, v42;
	v11 =	vmul.f32 $6.400000000e+01, v43  }
0x9e: {  	v12 =	vmul.f32 $6.400000000e+01, v44  }
0x9f: {  	v10 =	vadd.f32 $-5.000000000e-01, v10;
	v11 =	vadd.f32 $-5.000000000e-01, v11  }
0xa0: {  	v12 =	vadd.f32 $-5.000000000e-01, v12  }
0xa1: {  	v45 =	vtrunc.f32 v10;
	v47 =	vtrunc.f32 v11  }
0xa2: {  	v49 =	vtrunc.f32 v12;
	v46 =	vcvt.f32.s32 v45  }
0xa3: {  	vm8 =	vgt.f32 v10, v45;
	v48 =	vcvt.f32.s32 v47;
	vm9 =	vgt.f32 v11, v47  }
0xa4: {  	vm10 =	vgt.f32 v12, v49;
	v10 =	vcvt.f32.s32 v49;
	v11 =	vsel vm9, $0x1, v1  }
0xa5: {  	v50 =	vsel vm8, $0x1, v1;
	v51 =	vsel vm10, $0x1, v1;
	v11 =	vadd.s32 v48, v11  }
0xa6: {  	v12 =	vadd.s32 v46, v50;
	v10 =	vadd.s32 v10, v51;
	v11 =	vshll.u32 v11, $0x6  }
0xa7: {  	v12 =	vshll.u32 v12, $0xC;
	v10 =	vadd.s32 v11, v10  }
0xa8: {  	v10 =	vadd.s32 v12, v10  }
0xa9: {  	vm11 =	vgt.s32 v10, $0x0  }
0xaa: {  	[tilespmem:s15+$0xFFFFFFF0] =	vst v7;
	v7 =	vnsel vm11, $0x0, v10  }
0xab: {  	[tilespmem:s8+$0xFFFFFFF0] =	vst v8;
	v7 =	vmin.u32 v7, $0x3FFFF  }
0xac: {  	[tilespmem:s9+$0xFFFFFFF0] =	vst v9;
	v7 =	vor.u32 v0, v7  }
0xad: {  	[tilespmem:s17+$0xFFFFFFF0] =	vst v7  }
0xae: {  	v7 =	vld [tilespmem:s0+$0x0]  }
0xaf: {  	v8 =	vld [tilespmem:s7+$0x0];
	_ =	sdelay $0x1  }
0xb0: {  	v9 =	vld [tilespmem:s5+$0x0];
	_ =	sdelay $0x2  }
0xb1: {  	v52 =	vmul.f32 v7, v2;
	v53 =	vmul.f32 v8, v3;
	_ =	sdelay $0x1  }
0xb2: {  	v54 =	vmul.f32 v9, v4;
	v10 =	vadd.f32 v53, v52;
	_ =	sdelay $0x1  }
0xb3: {  	v10 =	vadd.f32 v54, v10;
	_ =	sdelay $0x1  }
0xb4: {  	v10 =	vadd.f32 v10, v5;
	_ =	sdelay $0x1  }
0xb5: {  	v10 =	vmul.f32 v10, v6;
	_ =	sdelay $0x1  }
0xb6: {  	v55 =	vmul.f32 v10, v2;
	v56 =	vmul.f32 v10, v3  }
0xb7: {  	v10 =	vmul.f32 v10, v4  }
0xb8: {  	v7 =	vsub.f32 v7, v55;
	v8 =	vsub.f32 v8, v56  }
0xb9: {  	v9 =	vsub.f32 v9, v10  }
0xba: {  	v57 =	vadd.f32 $5.000000000e-01, v7;
	v58 =	vadd.f32 $5.000000000e-01, v8  }
0xbb: {  	v59 =	vadd.f32 $5.000000000e-01, v9  }
0xbc: {  	v10 =	vmul.f32 $6.400000000e+01, v57;
	v11 =	vmul.f32 $6.400000000e+01, v58  }
0xbd: {  	v12 =	vmul.f32 $6.400000000e+01, v59  }
0xbe: {  	v10 =	vadd.f32 $-5.000000000e-01, v10;
	v11 =	vadd.f32 $-5.000000000e-01, v11  }
0xbf: {  	v12 =	vadd.f32 $-5.000000000e-01, v12  }
0xc0: {  	v60 =	vtrunc.f32 v10;
	v62 =	vtrunc.f32 v11  }
0xc1: {  	v15 =	vtrunc.f32 v12;
	v61 =	vcvt.f32.s32 v60  }
0xc2: {  	vm12 =	vgt.f32 v10, v60;
	v63 =	vcvt.f32.s32 v62;
	vm13 =	vgt.f32 v11, v62  }
0xc3: {  	vm14 =	vgt.f32 v12, v15;
	v10 =	vcvt.f32.s32 v15;
	v11 =	vsel vm13, $0x1, v1  }
0xc4: {  	v16 =	vsel vm12, $0x1, v1;
	v17 =	vsel vm14, $0x1, v1;
	v11 =	vadd.s32 v63, v11  }
0xc5: {  	v12 =	vadd.s32 v61, v16;
	v10 =	vadd.s32 v10, v17;
	v11 =	vshll.u32 v11, $0x6  }
0xc6: {  	v12 =	vshll.u32 v12, $0xC;
	v10 =	vadd.s32 v11, v10  }
0xc7: {  	v10 =	vadd.s32 v12, v10  }
0xc8: {  	vm15 =	vgt.s32 v10, $0x0  }
0xc9: {  	[tilespmem:s15+$0x0] =	vst v7;
	v7 =	vnsel vm15, $0x0, v10  }
0xca: {  	[tilespmem:s8+$0x0] =	vst v8;
	v7 =	vmin.u32 v7, $0x3FFFF  }
0xcb: {  	[tilespmem:s9+$0x0] =	vst v9;
	v7 =	vor.u32 v0, v7  }
0xcc: {  	[tilespmem:s17+$0x0] =	vst v7  }
0xcd: {  	v7 =	vld [tilespmem:s0+$0x10]  }
0xce: {  	v8 =	vld [tilespmem:s7+$0x10];
	_ =	sdelay $0x1  }
0xcf: {  	v9 =	vld [tilespmem:s5+$0x10];
	_ =	sdelay $0x2  }
0xd0: {  	v18 =	vmul.f32 v7, v2;
	v19 =	vmul.f32 v8, v3;
	_ =	sdelay $0x1  }
0xd1: {  	v20 =	vmul.f32 v9, v4;
	v10 =	vadd.f32 v19, v18;
	_ =	sdelay $0x1  }
0xd2: {  	v10 =	vadd.f32 v20, v10;
	_ =	sdelay $0x1  }
0xd3: {  	v10 =	vadd.f32 v10, v5;
	_ =	sdelay $0x1  }
0xd4: {  	v10 =	vmul.f32 v10, v6;
	_ =	sdelay $0x1  }
0xd5: {  	v21 =	vmul.f32 v10, v2;
	v22 =	vmul.f32 v10, v3  }
0xd6: {  	v10 =	vmul.f32 v10, v4  }
0xd7: {  	v7 =	vsub.f32 v7, v21;
	v8 =	vsub.f32 v8, v22  }
0xd8: {  	v9 =	vsub.f32 v9, v10  }
0xd9: {  	v23 =	vadd.f32 $5.000000000e-01, v7;
	v24 =	vadd.f32 $5.000000000e-01, v8  }
0xda: {  	v25 =	vadd.f32 $5.000000000e-01, v9  }
0xdb: {  	v10 =	vmul.f32 $6.400000000e+01, v23;
	v11 =	vmul.f32 $6.400000000e+01, v24  }
0xdc: {  	v12 =	vmul.f32 $6.400000000e+01, v25  }
0xdd: {  	v10 =	vadd.f32 $-5.000000000e-01, v10;
	v11 =	vadd.f32 $-5.000000000e-01, v11  }
0xde: {  	v12 =	vadd.f32 $-5.000000000e-01, v12  }
0xdf: {  	v26 =	vtrunc.f32 v10;
	v28 =	vtrunc.f32 v11  }
0xe0: {  	v30 =	vtrunc.f32 v12;
	v27 =	vcvt.f32.s32 v26  }
0xe1: {  	vm4 =	vgt.f32 v10, v26;
	v29 =	vcvt.f32.s32 v28;
	vm5 =	vgt.f32 v11, v28  }
0xe2: {  	vm6 =	vgt.f32 v12, v30;
	v10 =	vcvt.f32.s32 v30;
	v11 =	vsel vm5, $0x1, v1  }
0xe3: {  	v31 =	vsel vm4, $0x1, v1;
	v32 =	vsel vm6, $0x1, v1;
	v11 =	vadd.s32 v29, v11  }
0xe4: {  	v12 =	vadd.s32 v27, v31;
	v10 =	vadd.s32 v10, v32;
	v11 =	vshll.u32 v11, $0x6  }
0xe5: {  	v12 =	vshll.u32 v12, $0xC;
	v10 =	vadd.s32 v11, v10  }
0xe6: {  	v10 =	vadd.s32 v12, v10  }
0xe7: {  	vm7 =	vgt.s32 v10, $0x0  }
0xe8: {  	[tilespmem:s15+$0x10] =	vst v7;
	v7 =	vnsel vm7, $0x0, v10  }
0xe9: {  	[tilespmem:s8+$0x10] =	vst v8;
	v7 =	vmin.u32 v7, $0x3FFFF  }
0xea: {  	[tilespmem:s9+$0x10] =	vst v9;
	v7 =	vor.u32 v0, v7  }
0xeb: {  	[tilespmem:s17+$0x10] =	vst v7  }
0xec: {  	v7 =	vld [tilespmem:s0+$0x20]  }
0xed: {  	v8 =	vld [tilespmem:s7+$0x20];
	_ =	sdelay $0x1  }
0xee: {  	v9 =	vld [tilespmem:s5+$0x20];
	_ =	sdelay $0x2  }
0xef: {  	v33 =	vmul.f32 v7, v2;
	v34 =	vmul.f32 v8, v3;
	_ =	sdelay $0x1  }
0xf0: {  	v35 =	vmul.f32 v9, v4;
	v10 =	vadd.f32 v34, v33;
	_ =	sdelay $0x1  }
0xf1: {  	v10 =	vadd.f32 v35, v10;
	_ =	sdelay $0x1  }
0xf2: {  	v10 =	vadd.f32 v10, v5;
	_ =	sdelay $0x1  }
0xf3: {  	v10 =	vmul.f32 v10, v6;
	_ =	sdelay $0x1  }
0xf4: {  	v36 =	vmul.f32 v10, v2;
	v37 =	vmul.f32 v10, v3  }
0xf5: {  	v10 =	vmul.f32 v10, v4  }
0xf6: {  	v7 =	vsub.f32 v7, v36;
	v8 =	vsub.f32 v8, v37  }
0xf7: {  	v9 =	vsub.f32 v9, v10  }
0xf8: {  	v38 =	vadd.f32 $5.000000000e-01, v7;
	v39 =	vadd.f32 $5.000000000e-01, v8  }
0xf9: {  	v40 =	vadd.f32 $5.000000000e-01, v9  }
0xfa: {  	v10 =	vmul.f32 $6.400000000e+01, v38;
	v11 =	vmul.f32 $6.400000000e+01, v39  }
0xfb: {  	v12 =	vmul.f32 $6.400000000e+01, v40  }
0xfc: {  	v10 =	vadd.f32 $-5.000000000e-01, v10;
	v11 =	vadd.f32 $-5.000000000e-01, v11  }
0xfd: {  	v12 =	vadd.f32 $-5.000000000e-01, v12  }
0xfe: {  	v41 =	vtrunc.f32 v10;
	v43 =	vtrunc.f32 v11  }
0xff: {  	v45 =	vtrunc.f32 v12;
	v42 =	vcvt.f32.s32 v41  }
0x100: {  	vm8 =	vgt.f32 v10, v41;
	v44 =	vcvt.f32.s32 v43;
	vm9 =	vgt.f32 v11, v43  }
0x101: {  	vm10 =	vgt.f32 v12, v45;
	v10 =	vcvt.f32.s32 v45;
	v11 =	vsel vm9, $0x1, v1  }
0x102: {  	v46 =	vsel vm8, $0x1, v1;
	v47 =	vsel vm10, $0x1, v1;
	v11 =	vadd.s32 v44, v11  }
0x103: {  	v12 =	vadd.s32 v42, v46;
	v10 =	vadd.s32 v10, v47;
	v11 =	vshll.u32 v11, $0x6  }
0x104: {  	v12 =	vshll.u32 v12, $0xC;
	v10 =	vadd.s32 v11, v10  }
0x105: {  	v10 =	vadd.s32 v12, v10  }
0x106: {  	vm11 =	vgt.s32 v10, $0x0  }
0x107: {  	[tilespmem:s15+$0x20] =	vst v7;
	v7 =	vnsel vm11, $0x0, v10  }
0x108: {  	[tilespmem:s8+$0x20] =	vst v8;
	v7 =	vmin.u32 v7, $0x3FFFF  }
0x109: {  	[tilespmem:s9+$0x20] =	vst v9;
	v7 =	vor.u32 v0, v7  }
0x10a: {  	[tilespmem:s17+$0x20] =	vst v7  }
0x10b: {  	v7 =	vld [tilespmem:s0+$0x30]  }
0x10c: {  	v8 =	vld [tilespmem:s7+$0x30];
	_ =	sdelay $0x1  }
0x10d: {  	v9 =	vld [tilespmem:s5+$0x30];
	_ =	sdelay $0x2  }
0x10e: {  	v48 =	vmul.f32 v7, v2;
	v49 =	vmul.f32 v8, v3;
	_ =	sdelay $0x1  }
0x10f: {  	v50 =	vmul.f32 v9, v4;
	v10 =	vadd.f32 v49, v48;
	_ =	sdelay $0x1  }
0x110: {  	v10 =	vadd.f32 v50, v10;
	_ =	sdelay $0x1  }
0x111: {  	v10 =	vadd.f32 v10, v5;
	_ =	sdelay $0x1  }
0x112: {  	v10 =	vmul.f32 v10, v6;
	_ =	sdelay $0x1  }
0x113: {  	v51 =	vmul.f32 v10, v2;
	v52 =	vmul.f32 v10, v3  }
0x114: {  	v10 =	vmul.f32 v10, v4  }
0x115: {  	v7 =	vsub.f32 v7, v51;
	v8 =	vsub.f32 v8, v52  }
0x116: {  	v9 =	vsub.f32 v9, v10  }
0x117: {  	v53 =	vadd.f32 $5.000000000e-01, v7;
	v54 =	vadd.f32 $5.000000000e-01, v8  }
0x118: {  	v55 =	vadd.f32 $5.000000000e-01, v9  }
0x119: {  	v10 =	vmul.f32 $6.400000000e+01, v53;
	v11 =	vmul.f32 $6.400000000e+01, v54  }
0x11a: {  	v12 =	vmul.f32 $6.400000000e+01, v55  }
0x11b: {  	v10 =	vadd.f32 $-5.000000000e-01, v10;
	v11 =	vadd.f32 $-5.000000000e-01, v11  }
0x11c: {  	v12 =	vadd.f32 $-5.000000000e-01, v12  }
0x11d: {  	v56 =	vtrunc.f32 v10;
	v58 =	vtrunc.f32 v11  }
0x11e: {  	v60 =	vtrunc.f32 v12;
	v57 =	vcvt.f32.s32 v56  }
0x11f: {  	vm12 =	vgt.f32 v10, v56;
	v59 =	vcvt.f32.s32 v58;
	vm13 =	vgt.f32 v11, v58  }
0x120: {  	vm14 =	vgt.f32 v12, v60;
	v10 =	vcvt.f32.s32 v60;
	v11 =	vsel vm13, $0x1, v1  }
0x121: {  	v61 =	vsel vm12, $0x1, v1;
	v62 =	vsel vm14, $0x1, v1;
	v11 =	vadd.s32 v59, v11  }
0x122: {  	v12 =	vadd.s32 v57, v61;
	v10 =	vadd.s32 v10, v62;
	v11 =	vshll.u32 v11, $0x6  }
0x123: {  	s31 =	sadd.s32 $0x8, s31;
	v63 =	vshll.u32 v12, $0xC;
	v10 =	vadd.s32 v11, v10  }
0x124: {  	p0 =	slt.u32 s31, $0x1F8;
	v10 =	vadd.s32 v63, v10  }
.Ltmp0:
0x125: {  	vm15 =	vgt.s32 v10, $0x0;
	(pc) =	sbr.rel @p0 .LBB2_2-.Ltmp0, $4  }
0x126: {  	[tilespmem:s15+$0x30] =	vst v7;
	v7 =	vnsel vm15, $0x0, v10  }
0x127: {  	s0 =	sadd.s32 $0x80, s0;
	[tilespmem:s8+$0x30] =	vst v8;
	v7 =	vmin.u32 v7, $0x3FFFF  }
0x128: {  	s7 =	sadd.s32 $0x80, s7;
	s5 =	sadd.s32 $0x80, s5;
	s15 =	sadd.s32 $0x80, s15;
	[tilespmem:s9+$0x30] =	vst v9;
	v7 =	vor.u32 v0, v7  }
0x129: {  	s8 =	sadd.s32 $0x80, s8;
	s9 =	sadd.s32 $0x80, s9;
	[tilespmem:s17+$0x30] =	vst v7;
	s17 =	sadd.s32 $0x80, s17  }
0x12a: {  	s0 =	simm.s32 $0xE000  }
0x12b: {  	[tilespmem:s0], [sflag:$0x1] =	stream.indirect.gather [hbm4b:s1+s18], $0x1, s19, s18, $0xb8;
	[tilespmem:$0x16100] =	vst v63  }
0x12c: {  	s5 =	simm.s32 $0x10000  }
0x12d: {  	[tilespmem:s5], [sflag:$0x2] =	stream.indirect.gather [hbm4b:s2+s18], $0x1, s19, s18, $0xb8;
	[tilespmem:$0x16100] =	vst v63  }
0x12e: {  	s7 =	simm.s32 $0x12000  }
0x12f: {  	[tilespmem:s7], [sflag:$0x3] =	stream.indirect.gather [hbm4b:s3+s18], $0x1, s19, s18, $0xb8;
	[tilespmem:$0x16100] =	vst v63  }
0x130: {  	s8 =	simm.s32 $0x14000  }
0x131: {  	[tilespmem:s8], [sflag:$0x4] =	stream.indirect.gather [hbm4b:s4+s18], $0x1, s19, s18, $0xb8;
	[tilespmem:$0x16100] =	vst v63  }
0x132: {  	s9 =	simm.s32 $0xE800  }
0x133: {  	[tilespmem:s9], [sflag:$0x1] =	stream.indirect.gather [hbm4b:s1+s18], $0x1, s24, s18, $0xb8;
	[tilespmem:$0x16100] =	vst v63  }
0x134: {  	s15 =	simm.s32 $0x10800  }
0x135: {  	[tilespmem:s15], [sflag:$0x2] =	stream.indirect.gather [hbm4b:s2+s18], $0x1, s24, s18, $0xb8;
	[tilespmem:$0x16100] =	vst v63  }
0x136: {  	s17 =	simm.s32 $0x12800  }
0x137: {  	[tilespmem:s17], [sflag:$0x3] =	stream.indirect.gather [hbm4b:s3+s18], $0x1, s24, s18, $0xb8;
	[tilespmem:$0x16100] =	vst v63  }
0x138: {  	s5 =	simm.s32 $0x14800  }
0x139: {  	[tilespmem:s5], [sflag:$0x4] =	stream.indirect.gather [hbm4b:s4+s18], $0x1, s24, s18, $0xb8;
	[tilespmem:$0x16100] =	vst v63  }
0x13a: {  	s7 =	simm.s32 $0xF000  }
0x13b: {  	[tilespmem:s7], [sflag:$0x1] =	stream.indirect.gather [hbm4b:s1+s18], $0x1, s30, s18, $0xb8;
	[tilespmem:$0x16100] =	vst v63  }
0x13c: {  	s8 =	simm.s32 $0x11000  }
0x13d: {  	[tilespmem:s8], [sflag:$0x2] =	stream.indirect.gather [hbm4b:s2+s18], $0x1, s30, s18, $0xb8;
	[tilespmem:$0x16100] =	vst v63  }
0x13e: {  	s9 =	simm.s32 $0x13000  }
0x13f: {  	[tilespmem:s9], [sflag:$0x3] =	stream.indirect.gather [hbm4b:s3+s18], $0x1, s30, s18, $0xb8;
	[tilespmem:$0x16100] =	vst v63  }
0x140: {  	s15 =	simm.s32 $0x15000  }
0x141: {  	[tilespmem:s15], [sflag:$0x4] =	stream.indirect.gather [hbm4b:s4+s18], $0x1, s30, s18, $0xb8;
	[tilespmem:$0x16100] =	vst v63  }
0x142: {  	s17 =	simm.s32 $0xF800  }
0x143: {  	[tilespmem:s17], [sflag:$0x1] =	stream.indirect.gather [hbm4b:s1+s18], $0x1, s16, s18, $0xb8;
	[tilespmem:$0x16100] =	vst v63  }
0x144: {  	_ = 	snop  }
0x145: {  	[tilespmem:s20], [sflag:$0x2] =	stream.indirect.gather [hbm4b:s2+s18], $0x1, s16, s18, $0xb8;
	[tilespmem:$0x16100] =	vst v63  }
0x146: {  	_ = 	snop  }
0x147: {  	[tilespmem:s21], [sflag:$0x3] =	stream.indirect.gather [hbm4b:s3+s18], $0x1, s16, s18, $0xb8;
	[tilespmem:$0x16100] =	vst v63  }
0x148: {  	_ = 	snop  }
0x149: {  	[tilespmem:s22], [sflag:$0x4] =	stream.indirect.gather [hbm4b:s4+s18], $0x1, s16, s18, $0xb8;
	[tilespmem:$0x16100] =	vst v63  }
0x14a: {  	_ =	swait.ge [sflag:s23], $0x800  }
0x14b: {  	[sflag:s23] =	ssyncset.done $0x0  }
0x14c: {  	[sflag:s23] =	ssyncadd.s32 $0xFFFFF800  }
0x14d: {  	_ =	swait.ge [sflag:s25], $0x800  }
0x14e: {  	[sflag:s25] =	ssyncset.done $0x0  }
0x14f: {  	[sflag:s25] =	ssyncadd.s32 $0xFFFFF800  }
0x150: {  	_ =	swait.ge [sflag:s26], $0x800  }
0x151: {  	[sflag:s26] =	ssyncset.done $0x0  }
0x152: {  	[sflag:s26] =	ssyncadd.s32 $0xFFFFF800  }
0x153: {  	_ =	swait.ge [sflag:s28], $0x800  }
0x154: {  	[sflag:s28] =	ssyncset.done $0x0  }
0x155: {  	[sflag:s28] =	ssyncadd.s32 $0xFFFFF800  }
0x156: {  	_ =	swait.ge [sflag:s23], $0x800  }
0x157: {  	[sflag:s23] =	ssyncset.done $0x0  }
0x158: {  	[sflag:s23] =	ssyncadd.s32 $0xFFFFF800  }
0x159: {  	_ =	swait.ge [sflag:s25], $0x800  }
0x15a: {  	[sflag:s25] =	ssyncset.done $0x0  }
0x15b: {  	[sflag:s25] =	ssyncadd.s32 $0xFFFFF800  }
0x15c: {  	_ =	swait.ge [sflag:s26], $0x800  }
0x15d: {  	[sflag:s26] =	ssyncset.done $0x0  }
0x15e: {  	[sflag:s26] =	ssyncadd.s32 $0xFFFFF800  }
0x15f: {  	_ =	swait.ge [sflag:s28], $0x800  }
0x160: {  	[sflag:s28] =	ssyncset.done $0x0  }
0x161: {  	[sflag:s28] =	ssyncadd.s32 $0xFFFFF800  }
0x162: {  	_ =	swait.ge [sflag:s23], $0x800  }
0x163: {  	[sflag:s23] =	ssyncset.done $0x0  }
0x164: {  	[sflag:s23] =	ssyncadd.s32 $0xFFFFF800  }
0x165: {  	_ =	swait.ge [sflag:s25], $0x800  }
0x166: {  	[sflag:s25] =	ssyncset.done $0x0  }
0x167: {  	[sflag:s25] =	ssyncadd.s32 $0xFFFFF800  }
0x168: {  	_ =	swait.ge [sflag:s26], $0x800  }
0x169: {  	[sflag:s26] =	ssyncset.done $0x0  }
0x16a: {  	[sflag:s26] =	ssyncadd.s32 $0xFFFFF800  }
0x16b: {  	_ =	swait.ge [sflag:s28], $0x800  }
0x16c: {  	[sflag:s28] =	ssyncset.done $0x0  }
0x16d: {  	[sflag:s28] =	ssyncadd.s32 $0xFFFFF800  }
0x16e: {  	_ =	swait.ge [sflag:s23], $0x800  }
0x16f: {  	[sflag:s23] =	ssyncset.done $0x0  }
0x170: {  	[sflag:s23] =	ssyncadd.s32 $0xFFFFF800  }
0x171: {  	_ =	swait.ge [sflag:s25], $0x800  }
0x172: {  	[sflag:s25] =	ssyncset.done $0x0  }
0x173: {  	[sflag:s25] =	ssyncadd.s32 $0xFFFFF800  }
0x174: {  	_ =	swait.ge [sflag:s26], $0x800  }
0x175: {  	[sflag:s26] =	ssyncset.done $0x0  }
0x176: {  	[sflag:s26] =	ssyncadd.s32 $0xFFFFF800  }
0x177: {  	_ =	swait.ge [sflag:s28], $0x800  }
0x178: {  	[sflag:s28] =	ssyncset.done $0x0  }
0x179: {  	s15 =	simm.s32 $0xA040;
	[sflag:s28] =	ssyncadd.s32 $0xFFFFF800  }
0x17a: {  	s0 =	simm.s32 $0x12040;
	v2 =	vld [tilespmem:s15+$0x30]  }
0x17b: {  	v3 =	vld [tilespmem:s0+$0x30]  }
0x17c: {  	v4 =	vld [tilespmem:s15+$0x20]  }
0x17d: {  	s5 =	simm.s32 $0x6040;
	v5 =	vld [tilespmem:s0+$0x20]  }
0x17e: {  	s7 =	simm.s32 $0xE040;
	v6 =	vld [tilespmem:s5+$0x30]  }
0x17f: {  	s8 =	simm.s32 $0x8040;
	v7 =	vld [tilespmem:s7+$0x30]  }
0x180: {  	s9 =	simm.s32 $0x10040;
	v8 =	vld [tilespmem:s8+$0x30]  }
0x181: {  	v9 =	vld [tilespmem:s9+$0x30]  }
0x182: {  	v10 =	vld [tilespmem:s15+$0x10]  }
0x183: {  	v11 =	vld [tilespmem:s0+$0x10]  }
0x184: {  	v12 =	vld [tilespmem:s5+$0x20]  }
0x185: {  	v13 =	vld [tilespmem:s7+$0x20]  }
0x186: {  	v14 =	vld [tilespmem:s8+$0x20]  }
0x187: {  	v15 =	vld [tilespmem:s9+$0x20]  }
0x188: {  	v16 =	vld [tilespmem:s15+$0x0]  }
0x189: {  	v17 =	vld [tilespmem:s0+$0x0]  }
0x18a: {  	v18 =	vld [tilespmem:s5+$0x10]  }
0x18b: {  	v19 =	vld [tilespmem:s7+$0x10]  }
0x18c: {  	v20 =	vld [tilespmem:s8+$0x10]  }
0x18d: {  	v21 =	vld [tilespmem:s9+$0x10]  }
0x18e: {  	v22 =	vld [tilespmem:s15+$0xFFFFFFF0]  }
0x18f: {  	v23 =	vld [tilespmem:s0+$0xFFFFFFF0]  }
0x190: {  	v24 =	vld [tilespmem:s5+$0x0]  }
0x191: {  	v25 =	vld [tilespmem:s7+$0x0]  }
0x192: {  	v26 =	vld [tilespmem:s15+$0xFFFFFFE0]  }
0x193: {  	v27 =	vld [tilespmem:s0+$0xFFFFFFE0]  }
0x194: {  	v28 =	vld [tilespmem:s5+$0xFFFFFFF0]  }
0x195: {  	v29 =	vld [tilespmem:s7+$0xFFFFFFF0]  }
0x196: {  	v30 =	vld [tilespmem:s15+$0xFFFFFFD0]  }
0x197: {  	v31 =	vld [tilespmem:s0+$0xFFFFFFD0]  }
0x198: {  	v32 =	vld [tilespmem:s5+$0xFFFFFFE0]  }
0x199: {  	v33 =	vld [tilespmem:s7+$0xFFFFFFE0]  }
0x19a: {  	v34 =	vld [tilespmem:s8+$0xFFFFFFE0]  }
0x19b: {  	v35 =	vld [tilespmem:s15+$0xFFFFFFC0]  }
0x19c: {  	v36 =	vld [tilespmem:s0+$0xFFFFFFC0]  }
0x19d: {  	v37 =	vld [tilespmem:s5+$0xFFFFFFD0]  }
0x19e: {  	v38 =	vld [tilespmem:s7+$0xFFFFFFD0];
	v4 =	vsub.f32 v4, v5;
	v2 =	vsub.f32 v2, v3  }
0x19f: {  	v3 =	vld [tilespmem:s5+$0xFFFFFFC0];
	v6 =	vsub.f32 v6, v7;
	v7 =	vsub.f32 v8, v9  }
0x1a0: {  	v5 =	vld [tilespmem:s7+$0xFFFFFFC0];
	v10 =	vsub.f32 v10, v11;
	v8 =	vsub.f32 v12, v13  }
0x1a1: {  	v11 =	vld [tilespmem:s8+$0xFFFFFFC0];
	v12 =	vsub.f32 v16, v17;
	v9 =	vsub.f32 v14, v15  }
0x1a2: {  	v15 =	vld [tilespmem:s9+$0xFFFFFFC0];
	v13 =	vsub.f32 v18, v19;
	v14 =	vsub.f32 v20, v21  }
0x1a3: {  	v16 =	vld [tilespmem:s8+$0xFFFFFFD0];
	v17 =	vsub.f32 v22, v23;
	v19 =	vsub.f32 v24, v25  }
0x1a4: {  	v18 =	vld [tilespmem:s9+$0xFFFFFFD0];
	v20 =	vsub.f32 v26, v27;
	v21 =	vsub.f32 v28, v29  }
0x1a5: {  	v22 =	vsub.f32 v30, v31;
	v23 =	vsub.f32 v32, v33;
	v24 =	vld [tilespmem:s9+$0xFFFFFFE0]  }
0x1a6: {  	v25 =	vimm.f32 $0.0e+00;
	v26 =	vld [tilespmem:s8+$0xFFFFFFF0];
	v17 =	vmul.f32 v17, v17;
	v3 =	vsub.f32 v3, v5  }
0x1a7: {  	v28 =	vld [tilespmem:s9+$0xFFFFFFF0];
	v5 =	vsub.f32 v35, v36;
	v27 =	vsub.f32 v11, v15;
	v11 =	vmul.f32 v10, v10  }
0x1a8: {  	v29 =	vld [tilespmem:s8+$0x0];
	v10 =	vmul.f32 v4, v4;
	v4 =	vsub.f32 v37, v38;
	v15 =	vmul.f32 v12, v12  }
0x1a9: {  	s15 =	simm.s32 $0x14040;
	v16 =	vsub.f32 v16, v18;
	v18 =	vld [tilespmem:s9+$0x0];
	v3 =	vmul.f32 v3, v3;
	v12 =	vmul.f32 v27, v27  }
0x1aa: {  	v62 =	vmul.f32 v20, v20;
	v24 =	vsub.f32 v34, v24;
	v27 =	vld [tilespmem:s15+$0xFFFFFFC0];
	v5 =	vmul.f32 v5, v5  }
0x1ab: {  	v63 =	vld [tilespmem:s15+$0xFFFFFFD0];
	v4 =	vmul.f32 v4, v4;
	v16 =	vmul.f32 v16, v16;
	v3 =	vadd.f32 v12, v3  }
0x1ac: {  	v22 =	vmul.f32 v22, v22;
	v23 =	vmul.f32 v23, v23;
	v20 =	vld [tilespmem:s15+$0xFFFFFFE0];
	v26 =	vsub.f32 v26, v28  }
0x1ad: {  	v12 =	vld [tilespmem:s15+$0x30];
	v4 =	vadd.f32 v16, v4;
	v3 =	vadd.f32 v5, v3;
	v5 =	vmul.f32 v24, v24  }
0x1ae: {  	v26 =	vmul.f32 v26, v26;
	v16 =	vld [tilespmem:s15+$0x20];
	v28 =	vsub.f32 v29, v18;
	v24 =	vmul.f32 v21, v21  }
0x1af: {  	v18 =	vld [tilespmem:s15+$0x10];
	v4 =	vadd.f32 v22, v4;
	v3 =	vmul.f32 v3, v27;
	v5 =	vadd.f32 v5, v23  }
0x1b0: {  	v21 =	vld [tilespmem:s15+$0xFFFFFFF0];
	v22 =	vadd.f32 v26, v24;
	v26 =	vmul.f32 v19, v19;
	v27 =	vmul.f32 v28, v28  }
0x1b1: {  	s31 =	simm.s32 $0xA0C0;
	s17 =	simm.s32 $0x0;
	v24 =	vmul.f32 v4, v63;
	v19 =	vld [tilespmem:s15+$0x0];
	v23 =	vadd.f32 v3, v25;
	v25 =	vadd.f32 v62, v5  }
.LBB2_4:
0x1b2: {  	v4 =	vld [tilespmem:s31+$0x30];
	v3 =	vadd.f32 v27, v26;
	v5 =	vmul.f32 v13, v13;
	v13 =	vmul.f32 v14, v14;
	s0 =	sadd.s32 $0x80, s0  }
0x1b3: {  	v17 =	vadd.f32 v17, v22;
	v14 =	vld [tilespmem:s0+$0x30];
	v23 =	vadd.f32 v24, v23;
	v20 =	vmul.f32 v25, v20  }
0x1b4: {  	v8 =	vmul.f32 v8, v8;
	v9 =	vmul.f32 v9, v9;
	v22 =	vld [tilespmem:s31+$0x20];
	v5 =	vadd.f32 v13, v5  }
0x1b5: {  	s5 =	sadd.s32 $0x80, s5;
	v3 =	vadd.f32 v15, v3;
	v13 =	vld [tilespmem:s0+$0x20];
	v20 =	vadd.f32 v20, v23;
	v17 =	vmul.f32 v17, v21  }
0x1b6: {  	v6 =	vmul.f32 v6, v6;
	v7 =	vmul.f32 v7, v7;
	s7 =	sadd.s32 $0x80, s7;
	v8 =	vadd.f32 v9, v8;
	v15 =	vld [tilespmem:s5+$0x30]  }
0x1b7: {  	s8 =	sadd.s32 $0x80, s8;
	v3 =	vmul.f32 v3, v19;
	v5 =	vadd.f32 v11, v5;
	v9 =	vld [tilespmem:s7+$0x30];
	v17 =	vadd.f32 v17, v20  }
0x1b8: {  	v2 =	vmul.f32 v2, v2;
	s9 =	sadd.s32 $0x80, s9;
	v6 =	vadd.f32 v7, v6;
	v11 =	vld [tilespmem:s8+$0x30]  }
0x1b9: {  	v8 =	vadd.f32 v10, v8;
	v5 =	vmul.f32 v5, v18;
	v7 =	vld [tilespmem:s9+$0x30];
	v3 =	vadd.f32 v3, v17  }
0x1ba: {  	v10 =	vld [tilespmem:s31+$0x10]  }
0x1bb: {  	v2 =	vadd.f32 v2, v6;
	v17 =	vld [tilespmem:s0+$0x10];
	v3 =	vadd.f32 v5, v3;
	v5 =	vmul.f32 v8, v16  }
0x1bc: {  	v8 =	vld [tilespmem:s5+$0x20]  }
0x1bd: {  	v2 =	vmul.f32 v2, v12;
	v16 =	vld [tilespmem:s7+$0x20];
	v3 =	vadd.f32 v5, v3  }
0x1be: {  	v5 =	vld [tilespmem:s8+$0x20]  }
0x1bf: {  	v12 =	vld [tilespmem:s9+$0x20];
	v3 =	vadd.f32 v2, v3  }
0x1c0: {  	v18 =	vld [tilespmem:s31+$0x0]  }
0x1c1: {  	v19 =	vld [tilespmem:s0+$0x0]  }
0x1c2: {  	v20 =	vld [tilespmem:s5+$0x10]  }
0x1c3: {  	v21 =	vld [tilespmem:s7+$0x10]  }
0x1c4: {  	v23 =	vld [tilespmem:s8+$0x10]  }
0x1c5: {  	v24 =	vld [tilespmem:s9+$0x10]  }
0x1c6: {  	v25 =	vld [tilespmem:s31+$0xFFFFFFF0]  }
0x1c7: {  	v26 =	vld [tilespmem:s0+$0xFFFFFFF0]  }
0x1c8: {  	v27 =	vld [tilespmem:s5+$0x0]  }
0x1c9: {  	v28 =	vld [tilespmem:s7+$0x0]  }
0x1ca: {  	v29 =	vld [tilespmem:s31+$0xFFFFFFE0]  }
0x1cb: {  	v30 =	vld [tilespmem:s0+$0xFFFFFFE0]  }
0x1cc: {  	v31 =	vld [tilespmem:s5+$0xFFFFFFF0]  }
0x1cd: {  	v32 =	vld [tilespmem:s7+$0xFFFFFFF0]  }
0x1ce: {  	v33 =	vld [tilespmem:s31+$0xFFFFFFD0]  }
0x1cf: {  	v34 =	vld [tilespmem:s0+$0xFFFFFFD0]  }
0x1d0: {  	v35 =	vld [tilespmem:s5+$0xFFFFFFE0]  }
0x1d1: {  	v36 =	vld [tilespmem:s7+$0xFFFFFFE0]  }
0x1d2: {  	v37 =	vld [tilespmem:s8+$0xFFFFFFE0]  }
0x1d3: {  	v38 =	vld [tilespmem:s31+$0xFFFFFFC0]  }
0x1d4: {  	v39 =	vld [tilespmem:s0+$0xFFFFFFC0]  }
0x1d5: {  	v40 =	vld [tilespmem:s5+$0xFFFFFFD0]  }
0x1d6: {  	v22 =	vsub.f32 v22, v13;
	v2 =	vsub.f32 v4, v14;
	v41 =	vld [tilespmem:s7+$0xFFFFFFD0]  }
0x1d7: {  	v6 =	vsub.f32 v15, v9;
	v7 =	vsub.f32 v11, v7;
	v4 =	vld [tilespmem:s5+$0xFFFFFFC0]  }
0x1d8: {  	v10 =	vsub.f32 v10, v17;
	v8 =	vsub.f32 v8, v16;
	v11 =	vld [tilespmem:s7+$0xFFFFFFC0]  }
0x1d9: {  	v9 =	vsub.f32 v5, v12;
	v16 =	vsub.f32 v18, v19;
	v15 =	vld [tilespmem:s8+$0xFFFFFFC0]  }
0x1da: {  	s17 =	sadd.s32 $0x8, s17;
	v13 =	vsub.f32 v20, v21;
	v14 =	vsub.f32 v23, v24;
	v5 =	vld [tilespmem:s9+$0xFFFFFFC0]  }
0x1db: {  	p0 =	slt.u32 s17, $0x1F8;
	v17 =	vsub.f32 v25, v26;
	v19 =	vsub.f32 v27, v28;
	v12 =	vld [tilespmem:s8+$0xFFFFFFD0]  }
0x1dc: {  	v20 =	vsub.f32 v29, v30;
	v21 =	vsub.f32 v31, v32;
	v18 =	vld [tilespmem:s9+$0xFFFFFFD0]  }
0x1dd: {  	v23 =	vsub.f32 v33, v34;
	v24 =	vsub.f32 v35, v36;
	v25 =	vld [tilespmem:s9+$0xFFFFFFE0]  }
0x1de: {  	v26 =	vsub.f32 v38, v39;
	v4 =	vsub.f32 v4, v11;
	v27 =	vld [tilespmem:s8+$0xFFFFFFF0]  }
0x1df: {  	v11 =	vmul.f32 v10, v10;
	v10 =	vmul.f32 v22, v22;
	v5 =	vsub.f32 v15, v5;
	v28 =	vld [tilespmem:s9+$0xFFFFFFF0]  }
0x1e0: {  	v17 =	vmul.f32 v17, v17;
	v22 =	vsub.f32 v40, v41;
	v15 =	vmul.f32 v16, v16;
	v29 =	vld [tilespmem:s8+$0x0]  }
0x1e1: {  	s15 =	sadd.s32 $0x80, s15;
	v4 =	vmul.f32 v4, v4;
	v5 =	vmul.f32 v5, v5;
	v12 =	vsub.f32 v12, v18;
	v18 =	vld [tilespmem:s9+$0x0]  }
0x1e2: {  	v31 =	vmul.f32 v20, v20;
	v16 =	vmul.f32 v26, v26;
	v30 =	vld [tilespmem:s15+$0xFFFFFFC0];
	v25 =	vsub.f32 v37, v25  }
0x1e3: {  	v4 =	vadd.f32 v5, v4;
	v5 =	vmul.f32 v22, v22;
	v20 =	vmul.f32 v12, v12;
	v12 =	vld [tilespmem:s15+$0x30]  }
0x1e4: {  	v22 =	vmul.f32 v23, v23;
	v23 =	vmul.f32 v24, v24;
	v32 =	vld [tilespmem:s15+$0xFFFFFFD0];
	v24 =	vsub.f32 v27, v28  }
.Ltmp1:
0x1e5: {  	v25 =	vmul.f32 v25, v25;
	v4 =	vadd.f32 v16, v4;
	v5 =	vadd.f32 v20, v5;
	v16 =	vld [tilespmem:s15+$0x20];
	(pc) =	sbr.rel @p0 .LBB2_4-.Ltmp1, $4  }
0x1e6: {  	v26 =	vmul.f32 v21, v21;
	v20 =	vld [tilespmem:s15+$0xFFFFFFE0];
	v24 =	vmul.f32 v24, v24;
	v27 =	vsub.f32 v29, v18  }
0x1e7: {  	v25 =	vadd.f32 v25, v23;
	v4 =	vmul.f32 v4, v30;
	v5 =	vadd.f32 v22, v5;
	v18 =	vld [tilespmem:s15+$0x10]  }
0x1e8: {  	v21 =	vld [tilespmem:s15+$0xFFFFFFF0];
	v22 =	vadd.f32 v24, v26;
	v26 =	vmul.f32 v19, v19;
	v27 =	vmul.f32 v27, v27  }
0x1e9: {  	s31 =	sadd.s32 $0x80, s31;
	v25 =	vadd.f32 v31, v25;
	v23 =	vadd.f32 v4, v3;
	v24 =	vmul.f32 v5, v32;
	v19 =	vld [tilespmem:s15+$0x0]  }
0x1ea: {  	s0 =	simm.s32 $0x16000  }
0x1eb: {  	[tilespmem:s0], [sflag:$0x5] =	stream.linear.gather [hbm4b:s11+s6], $0x40, $0x38;
	[tilespmem:$0x16100] =	vst v63  }
0x1ec: {  	_ =	swait.ge [sflag:s14], $0x40  }
0x1ed: {  	[sflag:s14] =	ssyncset.done $0x0  }
0x1ee: {  	[sflag:s14] =	ssyncadd.s32 $0xFFFFFFC0  }
0x1ef: {  	v3 =	vld [tilespmem:$0x16000]  }
0x1f0: {  	v4 =	vld [tilespmem:$0x16010];
	_ =	sdelay $0x1  }
0x1f1: {  	v5 =	vld [tilespmem:$0x16020];
	_ =	sdelay $0x2  }
0x1f2: {  	v26 =	vadd.f32 v27, v26;
	v28 =	vmul.f32 v3, v3;
	v29 =	vmul.f32 v4, v4  }
0x1f3: {  	v13 =	vmul.f32 v13, v13;
	v14 =	vmul.f32 v14, v14;
	v17 =	vadd.f32 v17, v22  }
0x1f4: {  	v8 =	vmul.f32 v8, v8;
	v59 =	vmul.f32 v5, v5;
	v58 =	vadd.f32 v29, v28  }
0x1f5: {  	v9 =	vmul.f32 v9, v9;
	v23 =	vadd.f32 v24, v23;
	v20 =	vmul.f32 v25, v20  }
0x1f6: {  	v6 =	vmul.f32 v6, v6;
	v13 =	vadd.f32 v14, v13;
	v60 =	vadd.f32 v59, v58  }
0x1f7: {  	v15 =	vadd.f32 v15, v26;
	v20 =	vadd.f32 v20, v23;
	v17 =	vmul.f32 v17, v21  }
0x1f8: {  	v7 =	vmul.f32 v7, v7;
	(erf) = vrcp.f32 v60  }
0x1f9: {  	v62 =	vmul.f32 v15, v19;
	v11 =	vadd.f32 v11, v13;
	v61 =	vadd.f32 v17, v20  }
0x1fa: {  	v8 =	vadd.f32 v9, v8  }
0x1fb: {  	v6 =	vadd.f32 v7, v6;
	v63 =	vmul.f32 v11, v18;
	v7 =	vadd.f32 v62, v61  }
0x1fc: {  	v2 =	vmul.f32 v2, v2;
	v8 =	vadd.f32 v10, v8  }
0x1fd: {  	v7 =	vadd.f32 v63, v7  }
0x1fe: {  	v2 =	vadd.f32 v2, v6;
	v8 =	vmul.f32 v8, v16;
	_ =	sdelay $0x1  }
0x1ff: {  	s31 =	simm.s32 $0xFFFFFFF8;
	s7 =	simm.s32 $0x2040;
	v2 =	vmul.f32 v2, v12;
	v6 =	vadd.f32 v8, v7  }
0x200: {  	s5 =	simm.s32 $0x4040;
	s15 =	simm.s32 $0x6040;
	s8 =	simm.s32 $0x8040;
	v7 =	vpop (erf)  }
0x201: {  	s9 =	simm.s32 $0xA040;
	s17 =	simm.s32 $0xC040;
	s0 =	simm.s32 $0x40;
	v2 =	vadd.f32 v2, v6;
	v6 =	vld [tilespmem:$0x16030];
	v7 =	vadd.f32 v7, v7  }
.LBB2_6:
0x202: {  	v8 =	vld [tilespmem:s0+$0xFFFFFFC0]  }
0x203: {  	v9 =	vld [tilespmem:s7+$0xFFFFFFC0];
	_ =	sdelay $0x1  }
0x204: {  	v10 =	vld [tilespmem:s5+$0xFFFFFFC0];
	_ =	sdelay $0x2  }
0x205: {  	v11 =	vmul.f32 v8, v3;
	v12 =	vmul.f32 v9, v4;
	_ =	sdelay $0x1  }
0x206: {  	v44 =	vmul.f32 v10, v5;
	v11 =	vadd.f32 v12, v11;
	_ =	sdelay $0x1  }
0x207: {  	v11 =	vadd.f32 v44, v11;
	_ =	sdelay $0x1  }
0x208: {  	v11 =	vadd.f32 v11, v6;
	_ =	sdelay $0x1  }
0x209: {  	v11 =	vmul.f32 v11, v7;
	_ =	sdelay $0x1  }
0x20a: {  	v45 =	vmul.f32 v11, v3;
	v13 =	vmul.f32 v11, v4  }
0x20b: {  	v11 =	vmul.f32 v11, v5  }
0x20c: {  	v8 =	vsub.f32 v8, v45;
	v9 =	vsub.f32 v9, v13  }
0x20d: {  	v10 =	vsub.f32 v10, v11  }
0x20e: {  	v46 =	vadd.f32 $5.000000000e-01, v8;
	v47 =	vadd.f32 $5.000000000e-01, v9  }
0x20f: {  	v48 =	vadd.f32 $5.000000000e-01, v10  }
0x210: {  	v11 =	vmul.f32 $6.400000000e+01, v46;
	v12 =	vmul.f32 $6.400000000e+01, v47  }
0x211: {  	v13 =	vmul.f32 $6.400000000e+01, v48  }
0x212: {  	v11 =	vadd.f32 $-5.000000000e-01, v11;
	v12 =	vadd.f32 $-5.000000000e-01, v12  }
0x213: {  	v13 =	vadd.f32 $-5.000000000e-01, v13  }
0x214: {  	v14 =	vtrunc.f32 v11;
	v49 =	vtrunc.f32 v12  }
0x215: {  	v51 =	vtrunc.f32 v13;
	v15 =	vcvt.f32.s32 v14  }
0x216: {  	vm0 =	vgt.f32 v11, v14;
	v50 =	vcvt.f32.s32 v49;
	vm1 =	vgt.f32 v12, v49  }
0x217: {  	vm10 =	vgt.f32 v13, v51;
	v11 =	vcvt.f32.s32 v51;
	v12 =	vsel vm1, $0x1, v1  }
0x218: {  	v52 =	vsel vm0, $0x1, v1;
	v53 =	vsel vm10, $0x1, v1;
	v12 =	vadd.s32 v50, v12  }
0x219: {  	v13 =	vadd.s32 v15, v52;
	v11 =	vadd.s32 v11, v53;
	v12 =	vshll.u32 v12, $0x6  }
0x21a: {  	v13 =	vshll.u32 v13, $0xC;
	v11 =	vadd.s32 v12, v11  }
0x21b: {  	v11 =	vadd.s32 v13, v11  }
0x21c: {  	vm11 =	vgt.s32 v11, $0x0  }
0x21d: {  	[tilespmem:s15+$0xFFFFFFC0] =	vst v8;
	v8 =	vnsel vm11, $0x0, v11  }
0x21e: {  	[tilespmem:s8+$0xFFFFFFC0] =	vst v9;
	v8 =	vmin.u32 v8, $0x3FFFF  }
0x21f: {  	[tilespmem:s9+$0xFFFFFFC0] =	vst v10;
	v8 =	vor.u32 v0, v8  }
0x220: {  	[tilespmem:s17+$0xFFFFFFC0] =	vst v8  }
0x221: {  	v8 =	vld [tilespmem:s0+$0xFFFFFFD0]  }
0x222: {  	v9 =	vld [tilespmem:s7+$0xFFFFFFD0];
	_ =	sdelay $0x1  }
0x223: {  	v10 =	vld [tilespmem:s5+$0xFFFFFFD0];
	_ =	sdelay $0x2  }
0x224: {  	v54 =	vmul.f32 v8, v3;
	v55 =	vmul.f32 v9, v4;
	_ =	sdelay $0x1  }
0x225: {  	v56 =	vmul.f32 v10, v5;
	v11 =	vadd.f32 v55, v54;
	_ =	sdelay $0x1  }
0x226: {  	v11 =	vadd.f32 v56, v11;
	_ =	sdelay $0x1  }
0x227: {  	v11 =	vadd.f32 v11, v6;
	_ =	sdelay $0x1  }
0x228: {  	v11 =	vmul.f32 v11, v7;
	_ =	sdelay $0x1  }
0x229: {  	v57 =	vmul.f32 v11, v3;
	v58 =	vmul.f32 v11, v4  }
0x22a: {  	v11 =	vmul.f32 v11, v5  }
0x22b: {  	v8 =	vsub.f32 v8, v57;
	v9 =	vsub.f32 v9, v58  }
0x22c: {  	v10 =	vsub.f32 v10, v11  }
0x22d: {  	v59 =	vadd.f32 $5.000000000e-01, v8;
	v60 =	vadd.f32 $5.000000000e-01, v9  }
0x22e: {  	v61 =	vadd.f32 $5.000000000e-01, v10  }
0x22f: {  	v11 =	vmul.f32 $6.400000000e+01, v59;
	v12 =	vmul.f32 $6.400000000e+01, v60  }
0x230: {  	v13 =	vmul.f32 $6.400000000e+01, v61  }
0x231: {  	v11 =	vadd.f32 $-5.000000000e-01, v11;
	v12 =	vadd.f32 $-5.000000000e-01, v12  }
0x232: {  	v13 =	vadd.f32 $-5.000000000e-01, v13  }
0x233: {  	v62 =	vtrunc.f32 v11;
	v16 =	vtrunc.f32 v12  }
0x234: {  	v18 =	vtrunc.f32 v13;
	v63 =	vcvt.f32.s32 v62  }
0x235: {  	vm12 =	vgt.f32 v11, v62;
	v17 =	vcvt.f32.s32 v16;
	vm13 =	vgt.f32 v12, v16  }
0x236: {  	vm14 =	vgt.f32 v13, v18;
	v11 =	vcvt.f32.s32 v18;
	v12 =	vsel vm13, $0x1, v1  }
0x237: {  	v19 =	vsel vm12, $0x1, v1;
	v20 =	vsel vm14, $0x1, v1;
	v12 =	vadd.s32 v17, v12  }
0x238: {  	v13 =	vadd.s32 v63, v19;
	v11 =	vadd.s32 v11, v20;
	v12 =	vshll.u32 v12, $0x6  }
0x239: {  	v13 =	vshll.u32 v13, $0xC;
	v11 =	vadd.s32 v12, v11  }
0x23a: {  	v11 =	vadd.s32 v13, v11  }
0x23b: {  	vm15 =	vgt.s32 v11, $0x0  }
0x23c: {  	[tilespmem:s15+$0xFFFFFFD0] =	vst v8;
	v8 =	vnsel vm15, $0x0, v11  }
0x23d: {  	[tilespmem:s8+$0xFFFFFFD0] =	vst v9;
	v8 =	vmin.u32 v8, $0x3FFFF  }
0x23e: {  	[tilespmem:s9+$0xFFFFFFD0] =	vst v10;
	v8 =	vor.u32 v0, v8  }
0x23f: {  	[tilespmem:s17+$0xFFFFFFD0] =	vst v8  }
0x240: {  	v8 =	vld [tilespmem:s0+$0xFFFFFFE0]  }
0x241: {  	v9 =	vld [tilespmem:s7+$0xFFFFFFE0];
	_ =	sdelay $0x1  }
0x242: {  	v10 =	vld [tilespmem:s5+$0xFFFFFFE0];
	_ =	sdelay $0x2  }
0x243: {  	v21 =	vmul.f32 v8, v3;
	v22 =	vmul.f32 v9, v4;
	_ =	sdelay $0x1  }
0x244: {  	v23 =	vmul.f32 v10, v5;
	v11 =	vadd.f32 v22, v21;
	_ =	sdelay $0x1  }
0x245: {  	v11 =	vadd.f32 v23, v11;
	_ =	sdelay $0x1  }
0x246: {  	v11 =	vadd.f32 v11, v6;
	_ =	sdelay $0x1  }
0x247: {  	v11 =	vmul.f32 v11, v7;
	_ =	sdelay $0x1  }
0x248: {  	v24 =	vmul.f32 v11, v3;
	v25 =	vmul.f32 v11, v4  }
0x249: {  	v11 =	vmul.f32 v11, v5  }
0x24a: {  	v8 =	vsub.f32 v8, v24;
	v9 =	vsub.f32 v9, v25  }
0x24b: {  	v10 =	vsub.f32 v10, v11  }
0x24c: {  	v26 =	vadd.f32 $5.000000000e-01, v8;
	v27 =	vadd.f32 $5.000000000e-01, v9  }
0x24d: {  	v28 =	vadd.f32 $5.000000000e-01, v10  }
0x24e: {  	v11 =	vmul.f32 $6.400000000e+01, v26;
	v12 =	vmul.f32 $6.400000000e+01, v27  }
0x24f: {  	v13 =	vmul.f32 $6.400000000e+01, v28  }
0x250: {  	v11 =	vadd.f32 $-5.000000000e-01, v11;
	v12 =	vadd.f32 $-5.000000000e-01, v12  }
0x251: {  	v13 =	vadd.f32 $-5.000000000e-01, v13  }
0x252: {  	v29 =	vtrunc.f32 v11;
	v31 =	vtrunc.f32 v12  }
0x253: {  	v33 =	vtrunc.f32 v13;
	v30 =	vcvt.f32.s32 v29  }
0x254: {  	vm4 =	vgt.f32 v11, v29;
	v32 =	vcvt.f32.s32 v31;
	vm5 =	vgt.f32 v12, v31  }
0x255: {  	vm6 =	vgt.f32 v13, v33;
	v11 =	vcvt.f32.s32 v33;
	v12 =	vsel vm5, $0x1, v1  }
0x256: {  	v34 =	vsel vm4, $0x1, v1;
	v35 =	vsel vm6, $0x1, v1;
	v12 =	vadd.s32 v32, v12  }
0x257: {  	v13 =	vadd.s32 v30, v34;
	v11 =	vadd.s32 v11, v35;
	v12 =	vshll.u32 v12, $0x6  }
0x258: {  	v13 =	vshll.u32 v13, $0xC;
	v11 =	vadd.s32 v12, v11  }
0x259: {  	v11 =	vadd.s32 v13, v11  }
0x25a: {  	vm7 =	vgt.s32 v11, $0x0  }
0x25b: {  	[tilespmem:s15+$0xFFFFFFE0] =	vst v8;
	v8 =	vnsel vm7, $0x0, v11  }
0x25c: {  	[tilespmem:s8+$0xFFFFFFE0] =	vst v9;
	v8 =	vmin.u32 v8, $0x3FFFF  }
0x25d: {  	[tilespmem:s9+$0xFFFFFFE0] =	vst v10;
	v8 =	vor.u32 v0, v8  }
0x25e: {  	[tilespmem:s17+$0xFFFFFFE0] =	vst v8  }
0x25f: {  	v8 =	vld [tilespmem:s0+$0xFFFFFFF0]  }
0x260: {  	v9 =	vld [tilespmem:s7+$0xFFFFFFF0];
	_ =	sdelay $0x1  }
0x261: {  	v10 =	vld [tilespmem:s5+$0xFFFFFFF0];
	_ =	sdelay $0x2  }
0x262: {  	v36 =	vmul.f32 v8, v3;
	v37 =	vmul.f32 v9, v4;
	_ =	sdelay $0x1  }
0x263: {  	v38 =	vmul.f32 v10, v5;
	v11 =	vadd.f32 v37, v36;
	_ =	sdelay $0x1  }
0x264: {  	v11 =	vadd.f32 v38, v11;
	_ =	sdelay $0x1  }
0x265: {  	v11 =	vadd.f32 v11, v6;
	_ =	sdelay $0x1  }
0x266: {  	v11 =	vmul.f32 v11, v7;
	_ =	sdelay $0x1  }
0x267: {  	v39 =	vmul.f32 v11, v3;
	v40 =	vmul.f32 v11, v4  }
0x268: {  	v11 =	vmul.f32 v11, v5  }
0x269: {  	v8 =	vsub.f32 v8, v39;
	v9 =	vsub.f32 v9, v40  }
0x26a: {  	v10 =	vsub.f32 v10, v11  }
0x26b: {  	v41 =	vadd.f32 $5.000000000e-01, v8;
	v42 =	vadd.f32 $5.000000000e-01, v9  }
0x26c: {  	v43 =	vadd.f32 $5.000000000e-01, v10  }
0x26d: {  	v11 =	vmul.f32 $6.400000000e+01, v41;
	v12 =	vmul.f32 $6.400000000e+01, v42  }
0x26e: {  	v13 =	vmul.f32 $6.400000000e+01, v43  }
0x26f: {  	v11 =	vadd.f32 $-5.000000000e-01, v11;
	v12 =	vadd.f32 $-5.000000000e-01, v12  }
0x270: {  	v13 =	vadd.f32 $-5.000000000e-01, v13  }
0x271: {  	v44 =	vtrunc.f32 v11;
	v46 =	vtrunc.f32 v12  }
0x272: {  	v48 =	vtrunc.f32 v13;
	v45 =	vcvt.f32.s32 v44  }
0x273: {  	vm8 =	vgt.f32 v11, v44;
	v47 =	vcvt.f32.s32 v46;
	vm9 =	vgt.f32 v12, v46  }
0x274: {  	vm10 =	vgt.f32 v13, v48;
	v11 =	vcvt.f32.s32 v48;
	v12 =	vsel vm9, $0x1, v1  }
0x275: {  	v49 =	vsel vm8, $0x1, v1;
	v50 =	vsel vm10, $0x1, v1;
	v12 =	vadd.s32 v47, v12  }
0x276: {  	v13 =	vadd.s32 v45, v49;
	v11 =	vadd.s32 v11, v50;
	v12 =	vshll.u32 v12, $0x6  }
0x277: {  	v13 =	vshll.u32 v13, $0xC;
	v11 =	vadd.s32 v12, v11  }
0x278: {  	v11 =	vadd.s32 v13, v11  }
0x279: {  	vm11 =	vgt.s32 v11, $0x0  }
0x27a: {  	[tilespmem:s15+$0xFFFFFFF0] =	vst v8;
	v8 =	vnsel vm11, $0x0, v11  }
0x27b: {  	[tilespmem:s8+$0xFFFFFFF0] =	vst v9;
	v8 =	vmin.u32 v8, $0x3FFFF  }
0x27c: {  	[tilespmem:s9+$0xFFFFFFF0] =	vst v10;
	v8 =	vor.u32 v0, v8  }
0x27d: {  	[tilespmem:s17+$0xFFFFFFF0] =	vst v8  }
0x27e: {  	v8 =	vld [tilespmem:s0+$0x0]  }
0x27f: {  	v9 =	vld [tilespmem:s7+$0x0];
	_ =	sdelay $0x1  }
0x280: {  	v10 =	vld [tilespmem:s5+$0x0];
	_ =	sdelay $0x2  }
0x281: {  	v51 =	vmul.f32 v8, v3;
	v52 =	vmul.f32 v9, v4;
	_ =	sdelay $0x1  }
0x282: {  	v53 =	vmul.f32 v10, v5;
	v11 =	vadd.f32 v52, v51;
	_ =	sdelay $0x1  }
0x283: {  	v11 =	vadd.f32 v53, v11;
	_ =	sdelay $0x1  }
0x284: {  	v11 =	vadd.f32 v11, v6;
	_ =	sdelay $0x1  }
0x285: {  	v11 =	vmul.f32 v11, v7;
	_ =	sdelay $0x1  }
0x286: {  	v54 =	vmul.f32 v11, v3;
	v55 =	vmul.f32 v11, v4  }
0x287: {  	v11 =	vmul.f32 v11, v5  }
0x288: {  	v8 =	vsub.f32 v8, v54;
	v9 =	vsub.f32 v9, v55  }
0x289: {  	v10 =	vsub.f32 v10, v11  }
0x28a: {  	v56 =	vadd.f32 $5.000000000e-01, v8;
	v57 =	vadd.f32 $5.000000000e-01, v9  }
0x28b: {  	v58 =	vadd.f32 $5.000000000e-01, v10  }
0x28c: {  	v11 =	vmul.f32 $6.400000000e+01, v56;
	v12 =	vmul.f32 $6.400000000e+01, v57  }
0x28d: {  	v13 =	vmul.f32 $6.400000000e+01, v58  }
0x28e: {  	v11 =	vadd.f32 $-5.000000000e-01, v11;
	v12 =	vadd.f32 $-5.000000000e-01, v12  }
0x28f: {  	v13 =	vadd.f32 $-5.000000000e-01, v13  }
0x290: {  	v59 =	vtrunc.f32 v11;
	v61 =	vtrunc.f32 v12  }
0x291: {  	v63 =	vtrunc.f32 v13;
	v60 =	vcvt.f32.s32 v59  }
0x292: {  	vm12 =	vgt.f32 v11, v59;
	v62 =	vcvt.f32.s32 v61;
	vm13 =	vgt.f32 v12, v61  }
0x293: {  	vm14 =	vgt.f32 v13, v63;
	v11 =	vcvt.f32.s32 v63;
	v12 =	vsel vm13, $0x1, v1  }
0x294: {  	v16 =	vsel vm12, $0x1, v1;
	v17 =	vsel vm14, $0x1, v1;
	v12 =	vadd.s32 v62, v12  }
0x295: {  	v13 =	vadd.s32 v60, v16;
	v11 =	vadd.s32 v11, v17;
	v12 =	vshll.u32 v12, $0x6  }
0x296: {  	v13 =	vshll.u32 v13, $0xC;
	v11 =	vadd.s32 v12, v11  }
0x297: {  	v11 =	vadd.s32 v13, v11  }
0x298: {  	vm15 =	vgt.s32 v11, $0x0  }
0x299: {  	[tilespmem:s15+$0x0] =	vst v8;
	v8 =	vnsel vm15, $0x0, v11  }
0x29a: {  	[tilespmem:s8+$0x0] =	vst v9;
	v8 =	vmin.u32 v8, $0x3FFFF  }
0x29b: {  	[tilespmem:s9+$0x0] =	vst v10;
	v8 =	vor.u32 v0, v8  }
0x29c: {  	[tilespmem:s17+$0x0] =	vst v8  }
0x29d: {  	v8 =	vld [tilespmem:s0+$0x10]  }
0x29e: {  	v9 =	vld [tilespmem:s7+$0x10];
	_ =	sdelay $0x1  }
0x29f: {  	v10 =	vld [tilespmem:s5+$0x10];
	_ =	sdelay $0x2  }
0x2a0: {  	v18 =	vmul.f32 v8, v3;
	v19 =	vmul.f32 v9, v4;
	_ =	sdelay $0x1  }
0x2a1: {  	v20 =	vmul.f32 v10, v5;
	v11 =	vadd.f32 v19, v18;
	_ =	sdelay $0x1  }
0x2a2: {  	v11 =	vadd.f32 v20, v11;
	_ =	sdelay $0x1  }
0x2a3: {  	v11 =	vadd.f32 v11, v6;
	_ =	sdelay $0x1  }
0x2a4: {  	v11 =	vmul.f32 v11, v7;
	_ =	sdelay $0x1  }
0x2a5: {  	v21 =	vmul.f32 v11, v3;
	v22 =	vmul.f32 v11, v4  }
0x2a6: {  	v11 =	vmul.f32 v11, v5  }
0x2a7: {  	v8 =	vsub.f32 v8, v21;
	v9 =	vsub.f32 v9, v22  }
0x2a8: {  	v10 =	vsub.f32 v10, v11  }
0x2a9: {  	v23 =	vadd.f32 $5.000000000e-01, v8;
	v24 =	vadd.f32 $5.000000000e-01, v9  }
0x2aa: {  	v25 =	vadd.f32 $5.000000000e-01, v10  }
0x2ab: {  	v11 =	vmul.f32 $6.400000000e+01, v23;
	v12 =	vmul.f32 $6.400000000e+01, v24  }
0x2ac: {  	v13 =	vmul.f32 $6.400000000e+01, v25  }
0x2ad: {  	v11 =	vadd.f32 $-5.000000000e-01, v11;
	v12 =	vadd.f32 $-5.000000000e-01, v12  }
0x2ae: {  	v13 =	vadd.f32 $-5.000000000e-01, v13  }
0x2af: {  	v26 =	vtrunc.f32 v11;
	v28 =	vtrunc.f32 v12  }
0x2b0: {  	v30 =	vtrunc.f32 v13;
	v27 =	vcvt.f32.s32 v26  }
0x2b1: {  	vm4 =	vgt.f32 v11, v26;
	v29 =	vcvt.f32.s32 v28;
	vm5 =	vgt.f32 v12, v28  }
0x2b2: {  	vm6 =	vgt.f32 v13, v30;
	v11 =	vcvt.f32.s32 v30;
	v12 =	vsel vm5, $0x1, v1  }
0x2b3: {  	v31 =	vsel vm4, $0x1, v1;
	v32 =	vsel vm6, $0x1, v1;
	v12 =	vadd.s32 v29, v12  }
0x2b4: {  	v13 =	vadd.s32 v27, v31;
	v11 =	vadd.s32 v11, v32;
	v12 =	vshll.u32 v12, $0x6  }
0x2b5: {  	v13 =	vshll.u32 v13, $0xC;
	v11 =	vadd.s32 v12, v11  }
0x2b6: {  	v11 =	vadd.s32 v13, v11  }
0x2b7: {  	vm7 =	vgt.s32 v11, $0x0  }
0x2b8: {  	[tilespmem:s15+$0x10] =	vst v8;
	v8 =	vnsel vm7, $0x0, v11  }
0x2b9: {  	[tilespmem:s8+$0x10] =	vst v9;
	v8 =	vmin.u32 v8, $0x3FFFF  }
0x2ba: {  	[tilespmem:s9+$0x10] =	vst v10;
	v8 =	vor.u32 v0, v8  }
0x2bb: {  	[tilespmem:s17+$0x10] =	vst v8  }
0x2bc: {  	v8 =	vld [tilespmem:s0+$0x20]  }
0x2bd: {  	v9 =	vld [tilespmem:s7+$0x20];
	_ =	sdelay $0x1  }
0x2be: {  	v10 =	vld [tilespmem:s5+$0x20];
	_ =	sdelay $0x2  }
0x2bf: {  	v33 =	vmul.f32 v8, v3;
	v34 =	vmul.f32 v9, v4;
	_ =	sdelay $0x1  }
0x2c0: {  	v35 =	vmul.f32 v10, v5;
	v11 =	vadd.f32 v34, v33;
	_ =	sdelay $0x1  }
0x2c1: {  	v11 =	vadd.f32 v35, v11;
	_ =	sdelay $0x1  }
0x2c2: {  	v11 =	vadd.f32 v11, v6;
	_ =	sdelay $0x1  }
0x2c3: {  	v11 =	vmul.f32 v11, v7;
	_ =	sdelay $0x1  }
0x2c4: {  	v36 =	vmul.f32 v11, v3;
	v37 =	vmul.f32 v11, v4  }
0x2c5: {  	v11 =	vmul.f32 v11, v5  }
0x2c6: {  	v8 =	vsub.f32 v8, v36;
	v9 =	vsub.f32 v9, v37  }
0x2c7: {  	v10 =	vsub.f32 v10, v11  }
0x2c8: {  	v38 =	vadd.f32 $5.000000000e-01, v8;
	v39 =	vadd.f32 $5.000000000e-01, v9  }
0x2c9: {  	v40 =	vadd.f32 $5.000000000e-01, v10  }
0x2ca: {  	v11 =	vmul.f32 $6.400000000e+01, v38;
	v12 =	vmul.f32 $6.400000000e+01, v39  }
0x2cb: {  	v13 =	vmul.f32 $6.400000000e+01, v40  }
0x2cc: {  	v11 =	vadd.f32 $-5.000000000e-01, v11;
	v12 =	vadd.f32 $-5.000000000e-01, v12  }
0x2cd: {  	v13 =	vadd.f32 $-5.000000000e-01, v13  }
0x2ce: {  	v41 =	vtrunc.f32 v11;
	v43 =	vtrunc.f32 v12  }
0x2cf: {  	v45 =	vtrunc.f32 v13;
	v42 =	vcvt.f32.s32 v41  }
0x2d0: {  	vm8 =	vgt.f32 v11, v41;
	v44 =	vcvt.f32.s32 v43;
	vm9 =	vgt.f32 v12, v43  }
0x2d1: {  	vm10 =	vgt.f32 v13, v45;
	v11 =	vcvt.f32.s32 v45;
	v12 =	vsel vm9, $0x1, v1  }
0x2d2: {  	v46 =	vsel vm8, $0x1, v1;
	v47 =	vsel vm10, $0x1, v1;
	v12 =	vadd.s32 v44, v12  }
0x2d3: {  	v13 =	vadd.s32 v42, v46;
	v11 =	vadd.s32 v11, v47;
	v12 =	vshll.u32 v12, $0x6  }
0x2d4: {  	v13 =	vshll.u32 v13, $0xC;
	v11 =	vadd.s32 v12, v11  }
0x2d5: {  	v11 =	vadd.s32 v13, v11  }
0x2d6: {  	vm11 =	vgt.s32 v11, $0x0  }
0x2d7: {  	[tilespmem:s15+$0x20] =	vst v8;
	v8 =	vnsel vm11, $0x0, v11  }
0x2d8: {  	[tilespmem:s8+$0x20] =	vst v9;
	v8 =	vmin.u32 v8, $0x3FFFF  }
0x2d9: {  	[tilespmem:s9+$0x20] =	vst v10;
	v8 =	vor.u32 v0, v8  }
0x2da: {  	[tilespmem:s17+$0x20] =	vst v8  }
0x2db: {  	v8 =	vld [tilespmem:s0+$0x30]  }
0x2dc: {  	v9 =	vld [tilespmem:s7+$0x30];
	_ =	sdelay $0x1  }
0x2dd: {  	v10 =	vld [tilespmem:s5+$0x30];
	_ =	sdelay $0x2  }
0x2de: {  	v48 =	vmul.f32 v8, v3;
	v49 =	vmul.f32 v9, v4;
	_ =	sdelay $0x1  }
0x2df: {  	v50 =	vmul.f32 v10, v5;
	v11 =	vadd.f32 v49, v48;
	_ =	sdelay $0x1  }
0x2e0: {  	v11 =	vadd.f32 v50, v11;
	_ =	sdelay $0x1  }
0x2e1: {  	v11 =	vadd.f32 v11, v6;
	_ =	sdelay $0x1  }
0x2e2: {  	v11 =	vmul.f32 v11, v7;
	_ =	sdelay $0x1  }
0x2e3: {  	v51 =	vmul.f32 v11, v3;
	v52 =	vmul.f32 v11, v4  }
0x2e4: {  	v11 =	vmul.f32 v11, v5  }
0x2e5: {  	v8 =	vsub.f32 v8, v51;
	v9 =	vsub.f32 v9, v52  }
0x2e6: {  	v10 =	vsub.f32 v10, v11  }
0x2e7: {  	v53 =	vadd.f32 $5.000000000e-01, v8;
	v54 =	vadd.f32 $5.000000000e-01, v9  }
0x2e8: {  	v55 =	vadd.f32 $5.000000000e-01, v10  }
0x2e9: {  	v11 =	vmul.f32 $6.400000000e+01, v53;
	v12 =	vmul.f32 $6.400000000e+01, v54  }
0x2ea: {  	v13 =	vmul.f32 $6.400000000e+01, v55  }
0x2eb: {  	v11 =	vadd.f32 $-5.000000000e-01, v11;
	v12 =	vadd.f32 $-5.000000000e-01, v12  }
0x2ec: {  	v13 =	vadd.f32 $-5.000000000e-01, v13  }
0x2ed: {  	v56 =	vtrunc.f32 v11;
	v58 =	vtrunc.f32 v12  }
0x2ee: {  	v60 =	vtrunc.f32 v13;
	v57 =	vcvt.f32.s32 v56  }
0x2ef: {  	vm12 =	vgt.f32 v11, v56;
	v59 =	vcvt.f32.s32 v58;
	vm13 =	vgt.f32 v12, v58  }
0x2f0: {  	vm14 =	vgt.f32 v13, v60;
	v11 =	vcvt.f32.s32 v60;
	v12 =	vsel vm13, $0x1, v1  }
0x2f1: {  	v61 =	vsel vm12, $0x1, v1;
	v62 =	vsel vm14, $0x1, v1;
	v12 =	vadd.s32 v59, v12  }
0x2f2: {  	v13 =	vadd.s32 v57, v61;
	v11 =	vadd.s32 v11, v62;
	v12 =	vshll.u32 v12, $0x6  }
0x2f3: {  	s31 =	sadd.s32 $0x8, s31;
	v63 =	vshll.u32 v13, $0xC;
	v11 =	vadd.s32 v12, v11  }
0x2f4: {  	p0 =	slt.u32 s31, $0x1F8;
	v11 =	vadd.s32 v63, v11  }
.Ltmp2:
0x2f5: {  	vm15 =	vgt.s32 v11, $0x0;
	(pc) =	sbr.rel @p0 .LBB2_6-.Ltmp2, $4  }
0x2f6: {  	[tilespmem:s15+$0x30] =	vst v8;
	v8 =	vnsel vm15, $0x0, v11  }
0x2f7: {  	s0 =	sadd.s32 $0x80, s0;
	[tilespmem:s8+$0x30] =	vst v9;
	v8 =	vmin.u32 v8, $0x3FFFF  }
0x2f8: {  	s7 =	sadd.s32 $0x80, s7;
	s5 =	sadd.s32 $0x80, s5;
	s15 =	sadd.s32 $0x80, s15;
	[tilespmem:s9+$0x30] =	vst v10;
	v8 =	vor.u32 v0, v8  }
0x2f9: {  	s8 =	sadd.s32 $0x80, s8;
	s9 =	sadd.s32 $0x80, s9;
	[tilespmem:s17+$0x30] =	vst v8;
	s17 =	sadd.s32 $0x80, s17  }
0x2fa: {  	s0 =	simm.s32 $0xE000  }
0x2fb: {  	[tilespmem:s0], [sflag:$0x1] =	stream.indirect.gather [hbm4b:s1+s18], $0x1, s19, s18, $0xb8;
	[tilespmem:$0x16100] =	vst v63  }
0x2fc: {  	s5 =	simm.s32 $0x10000  }
0x2fd: {  	[tilespmem:s5], [sflag:$0x2] =	stream.indirect.gather [hbm4b:s2+s18], $0x1, s19, s18, $0xb8;
	[tilespmem:$0x16100] =	vst v63  }
0x2fe: {  	s7 =	simm.s32 $0x12000  }
0x2ff: {  	[tilespmem:s7], [sflag:$0x3] =	stream.indirect.gather [hbm4b:s3+s18], $0x1, s19, s18, $0xb8;
	[tilespmem:$0x16100] =	vst v63  }
0x300: {  	s8 =	simm.s32 $0x14000  }
0x301: {  	[tilespmem:s8], [sflag:$0x4] =	stream.indirect.gather [hbm4b:s4+s18], $0x1, s19, s18, $0xb8;
	[tilespmem:$0x16100] =	vst v63  }
0x302: {  	s9 =	simm.s32 $0xE800  }
0x303: {  	[tilespmem:s9], [sflag:$0x1] =	stream.indirect.gather [hbm4b:s1+s18], $0x1, s24, s18, $0xb8;
	[tilespmem:$0x16100] =	vst v63  }
0x304: {  	s15 =	simm.s32 $0x10800  }
0x305: {  	[tilespmem:s15], [sflag:$0x2] =	stream.indirect.gather [hbm4b:s2+s18], $0x1, s24, s18, $0xb8;
	[tilespmem:$0x16100] =	vst v63  }
0x306: {  	s17 =	simm.s32 $0x12800  }
0x307: {  	[tilespmem:s17], [sflag:$0x3] =	stream.indirect.gather [hbm4b:s3+s18], $0x1, s24, s18, $0xb8;
	[tilespmem:$0x16100] =	vst v63  }
0x308: {  	s5 =	simm.s32 $0x14800  }
0x309: {  	[tilespmem:s5], [sflag:$0x4] =	stream.indirect.gather [hbm4b:s4+s18], $0x1, s24, s18, $0xb8;
	[tilespmem:$0x16100] =	vst v63  }
0x30a: {  	s7 =	simm.s32 $0xF000  }
0x30b: {  	[tilespmem:s7], [sflag:$0x1] =	stream.indirect.gather [hbm4b:s1+s18], $0x1, s30, s18, $0xb8;
	[tilespmem:$0x16100] =	vst v63  }
0x30c: {  	s8 =	simm.s32 $0x11000  }
0x30d: {  	[tilespmem:s8], [sflag:$0x2] =	stream.indirect.gather [hbm4b:s2+s18], $0x1, s30, s18, $0xb8;
	[tilespmem:$0x16100] =	vst v63  }
0x30e: {  	s9 =	simm.s32 $0x13000  }
0x30f: {  	[tilespmem:s9], [sflag:$0x3] =	stream.indirect.gather [hbm4b:s3+s18], $0x1, s30, s18, $0xb8;
	[tilespmem:$0x16100] =	vst v63  }
0x310: {  	s15 =	simm.s32 $0x15000  }
0x311: {  	[tilespmem:s15], [sflag:$0x4] =	stream.indirect.gather [hbm4b:s4+s18], $0x1, s30, s18, $0xb8;
	[tilespmem:$0x16100] =	vst v63  }
0x312: {  	s17 =	simm.s32 $0xF800  }
0x313: {  	[tilespmem:s17], [sflag:$0x1] =	stream.indirect.gather [hbm4b:s1+s18], $0x1, s16, s18, $0xb8;
	[tilespmem:$0x16100] =	vst v63  }
0x314: {  	_ = 	snop  }
0x315: {  	[tilespmem:s20], [sflag:$0x2] =	stream.indirect.gather [hbm4b:s2+s18], $0x1, s16, s18, $0xb8;
	[tilespmem:$0x16100] =	vst v63  }
0x316: {  	_ = 	snop  }
0x317: {  	[tilespmem:s21], [sflag:$0x3] =	stream.indirect.gather [hbm4b:s3+s18], $0x1, s16, s18, $0xb8;
	[tilespmem:$0x16100] =	vst v63  }
0x318: {  	_ = 	snop  }
0x319: {  	[tilespmem:s22], [sflag:$0x4] =	stream.indirect.gather [hbm4b:s4+s18], $0x1, s16, s18, $0xb8;
	[tilespmem:$0x16100] =	vst v63  }
0x31a: {  	_ =	swait.ge [sflag:s23], $0x800  }
0x31b: {  	[sflag:s23] =	ssyncset.done $0x0  }
0x31c: {  	[sflag:s23] =	ssyncadd.s32 $0xFFFFF800  }
0x31d: {  	_ =	swait.ge [sflag:s25], $0x800  }
0x31e: {  	[sflag:s25] =	ssyncset.done $0x0  }
0x31f: {  	[sflag:s25] =	ssyncadd.s32 $0xFFFFF800  }
0x320: {  	_ =	swait.ge [sflag:s26], $0x800  }
0x321: {  	[sflag:s26] =	ssyncset.done $0x0  }
0x322: {  	[sflag:s26] =	ssyncadd.s32 $0xFFFFF800  }
0x323: {  	_ =	swait.ge [sflag:s28], $0x800  }
0x324: {  	[sflag:s28] =	ssyncset.done $0x0  }
0x325: {  	[sflag:s28] =	ssyncadd.s32 $0xFFFFF800  }
0x326: {  	_ =	swait.ge [sflag:s23], $0x800  }
0x327: {  	[sflag:s23] =	ssyncset.done $0x0  }
0x328: {  	[sflag:s23] =	ssyncadd.s32 $0xFFFFF800  }
0x329: {  	_ =	swait.ge [sflag:s25], $0x800  }
0x32a: {  	[sflag:s25] =	ssyncset.done $0x0  }
0x32b: {  	[sflag:s25] =	ssyncadd.s32 $0xFFFFF800  }
0x32c: {  	_ =	swait.ge [sflag:s26], $0x800  }
0x32d: {  	[sflag:s26] =	ssyncset.done $0x0  }
0x32e: {  	[sflag:s26] =	ssyncadd.s32 $0xFFFFF800  }
0x32f: {  	_ =	swait.ge [sflag:s28], $0x800  }
0x330: {  	[sflag:s28] =	ssyncset.done $0x0  }
0x331: {  	[sflag:s28] =	ssyncadd.s32 $0xFFFFF800  }
0x332: {  	_ =	swait.ge [sflag:s23], $0x800  }
0x333: {  	[sflag:s23] =	ssyncset.done $0x0  }
0x334: {  	[sflag:s23] =	ssyncadd.s32 $0xFFFFF800  }
0x335: {  	_ =	swait.ge [sflag:s25], $0x800  }
0x336: {  	[sflag:s25] =	ssyncset.done $0x0  }
0x337: {  	[sflag:s25] =	ssyncadd.s32 $0xFFFFF800  }
0x338: {  	_ =	swait.ge [sflag:s26], $0x800  }
0x339: {  	[sflag:s26] =	ssyncset.done $0x0  }
0x33a: {  	[sflag:s26] =	ssyncadd.s32 $0xFFFFF800  }
0x33b: {  	_ =	swait.ge [sflag:s28], $0x800  }
0x33c: {  	[sflag:s28] =	ssyncset.done $0x0  }
0x33d: {  	[sflag:s28] =	ssyncadd.s32 $0xFFFFF800  }
0x33e: {  	_ =	swait.ge [sflag:s23], $0x800  }
0x33f: {  	[sflag:s23] =	ssyncset.done $0x0  }
0x340: {  	[sflag:s23] =	ssyncadd.s32 $0xFFFFF800  }
0x341: {  	_ =	swait.ge [sflag:s25], $0x800  }
0x342: {  	[sflag:s25] =	ssyncset.done $0x0  }
0x343: {  	[sflag:s25] =	ssyncadd.s32 $0xFFFFF800  }
0x344: {  	_ =	swait.ge [sflag:s26], $0x800  }
0x345: {  	[sflag:s26] =	ssyncset.done $0x0  }
0x346: {  	[sflag:s26] =	ssyncadd.s32 $0xFFFFF800  }
0x347: {  	_ =	swait.ge [sflag:s28], $0x800  }
0x348: {  	[sflag:s28] =	ssyncset.done $0x0  }
0x349: {  	s15 =	simm.s32 $0xA040;
	[sflag:s28] =	ssyncadd.s32 $0xFFFFF800  }
0x34a: {  	s0 =	simm.s32 $0x12040;
	v3 =	vld [tilespmem:s15+$0x30]  }
0x34b: {  	v4 =	vld [tilespmem:s0+$0x30]  }
0x34c: {  	v5 =	vld [tilespmem:s15+$0x20]  }
0x34d: {  	s5 =	simm.s32 $0x6040;
	v6 =	vld [tilespmem:s0+$0x20]  }
0x34e: {  	s7 =	simm.s32 $0xE040;
	v7 =	vld [tilespmem:s5+$0x30]  }
0x34f: {  	s8 =	simm.s32 $0x8040;
	v8 =	vld [tilespmem:s7+$0x30]  }
0x350: {  	s9 =	simm.s32 $0x10040;
	v9 =	vld [tilespmem:s8+$0x30]  }
0x351: {  	v10 =	vld [tilespmem:s9+$0x30]  }
0x352: {  	v11 =	vld [tilespmem:s15+$0x10]  }
0x353: {  	v12 =	vld [tilespmem:s0+$0x10]  }
0x354: {  	v13 =	vld [tilespmem:s5+$0x20]  }
0x355: {  	v14 =	vld [tilespmem:s7+$0x20]  }
0x356: {  	v15 =	vld [tilespmem:s8+$0x20]  }
0x357: {  	v16 =	vld [tilespmem:s9+$0x20]  }
0x358: {  	v17 =	vld [tilespmem:s15+$0x0]  }
0x359: {  	v18 =	vld [tilespmem:s0+$0x0]  }
0x35a: {  	v19 =	vld [tilespmem:s5+$0x10]  }
0x35b: {  	v20 =	vld [tilespmem:s7+$0x10]  }
0x35c: {  	v21 =	vld [tilespmem:s8+$0x10]  }
0x35d: {  	v22 =	vld [tilespmem:s9+$0x10]  }
0x35e: {  	v23 =	vld [tilespmem:s15+$0xFFFFFFF0]  }
0x35f: {  	v24 =	vld [tilespmem:s0+$0xFFFFFFF0]  }
0x360: {  	v25 =	vld [tilespmem:s5+$0x0]  }
0x361: {  	v26 =	vld [tilespmem:s7+$0x0]  }
0x362: {  	v27 =	vld [tilespmem:s15+$0xFFFFFFE0]  }
0x363: {  	v28 =	vld [tilespmem:s0+$0xFFFFFFE0]  }
0x364: {  	v29 =	vld [tilespmem:s5+$0xFFFFFFF0]  }
0x365: {  	v30 =	vld [tilespmem:s7+$0xFFFFFFF0]  }
0x366: {  	v31 =	vld [tilespmem:s15+$0xFFFFFFD0]  }
0x367: {  	v32 =	vld [tilespmem:s0+$0xFFFFFFD0]  }
0x368: {  	v33 =	vld [tilespmem:s5+$0xFFFFFFE0]  }
0x369: {  	v34 =	vld [tilespmem:s7+$0xFFFFFFE0]  }
0x36a: {  	v35 =	vld [tilespmem:s8+$0xFFFFFFE0]  }
0x36b: {  	v36 =	vld [tilespmem:s15+$0xFFFFFFC0]  }
0x36c: {  	v37 =	vld [tilespmem:s0+$0xFFFFFFC0]  }
0x36d: {  	v38 =	vld [tilespmem:s5+$0xFFFFFFD0]  }
0x36e: {  	v39 =	vld [tilespmem:s7+$0xFFFFFFD0];
	v40 =	vsub.f32 v5, v6  }
0x36f: {  	v41 =	vld [tilespmem:s5+$0xFFFFFFC0];
	v3 =	vsub.f32 v3, v4;
	v4 =	vsub.f32 v7, v8  }
0x370: {  	v5 =	vsub.f32 v9, v10;
	v8 =	vld [tilespmem:s7+$0xFFFFFFC0];
	v9 =	vsub.f32 v11, v12  }
0x371: {  	v6 =	vsub.f32 v13, v14;
	v12 =	vld [tilespmem:s8+$0xFFFFFFC0];
	v13 =	vsub.f32 v17, v18  }
0x372: {  	v7 =	vsub.f32 v15, v16;
	v14 =	vld [tilespmem:s9+$0xFFFFFFC0];
	v10 =	vsub.f32 v19, v20  }
0x373: {  	v11 =	vsub.f32 v21, v22;
	v16 =	vld [tilespmem:s8+$0xFFFFFFD0];
	v15 =	vsub.f32 v23, v24  }
0x374: {  	v20 =	vsub.f32 v25, v26;
	v17 =	vld [tilespmem:s9+$0xFFFFFFD0];
	v18 =	vsub.f32 v27, v28  }
0x375: {  	v19 =	vsub.f32 v29, v30;
	v21 =	vsub.f32 v31, v32;
	v23 =	vld [tilespmem:s9+$0xFFFFFFE0]  }
0x376: {  	v22 =	vsub.f32 v33, v34;
	v25 =	vsub.f32 v36, v37;
	v26 =	vld [tilespmem:s8+$0xFFFFFFF0];
	v9 =	vmul.f32 v9, v9  }
0x377: {  	v15 =	vmul.f32 v15, v15;
	v24 =	vsub.f32 v41, v8;
	v12 =	vsub.f32 v12, v14;
	v14 =	vld [tilespmem:s9+$0xFFFFFFF0]  }
0x378: {  	v60 =	vld [tilespmem:s8+$0x0];
	v27 =	vsub.f32 v38, v39;
	v13 =	vmul.f32 v13, v13;
	v21 =	vmul.f32 v21, v21  }
0x379: {  	s15 =	simm.s32 $0x14040;
	v61 =	vld [tilespmem:s9+$0x0];
	v16 =	vsub.f32 v16, v17;
	v24 =	vmul.f32 v24, v24;
	v12 =	vmul.f32 v12, v12  }
0x37a: {  	v62 =	vld [tilespmem:s15+$0xFFFFFFC0];
	v17 =	vmul.f32 v25, v25;
	v23 =	vsub.f32 v35, v23;
	v25 =	vmul.f32 v18, v18  }
0x37b: {  	v16 =	vmul.f32 v16, v16;
	v18 =	vadd.f32 v12, v24;
	v24 =	vmul.f32 v27, v27;
	v12 =	vld [tilespmem:s15+$0x30]  }
0x37c: {  	v22 =	vmul.f32 v22, v22;
	v19 =	vmul.f32 v19, v19;
	v27 =	vld [tilespmem:s15+$0xFFFFFFD0];
	v26 =	vsub.f32 v26, v14  }
0x37d: {  	v23 =	vmul.f32 v23, v23;
	v14 =	vld [tilespmem:s15+$0x20];
	v18 =	vadd.f32 v17, v18;
	v16 =	vadd.f32 v16, v24  }
0x37e: {  	v8 =	vmul.f32 v40, v40;
	v17 =	vld [tilespmem:s15+$0xFFFFFFE0];
	v24 =	vmul.f32 v26, v26;
	v26 =	vsub.f32 v60, v61  }
0x37f: {  	v22 =	vadd.f32 v23, v22;
	v63 =	vmul.f32 v18, v62;
	v21 =	vadd.f32 v21, v16;
	v16 =	vld [tilespmem:s15+$0x10]  }
0x380: {  	v23 =	vmul.f32 v20, v20;
	v18 =	vld [tilespmem:s15+$0xFFFFFFF0];
	v19 =	vadd.f32 v24, v19;
	v24 =	vmul.f32 v26, v26  }
0x381: {  	s31 =	simm.s32 $0xA0C0;
	s17 =	simm.s32 $0x0;
	v22 =	vadd.f32 v25, v22;
	v20 =	vadd.f32 v63, v2;
	v21 =	vmul.f32 v21, v27;
	v2 =	vld [tilespmem:s15+$0x0]  }
.LBB2_8:
0x382: {  	v25 =	vld [tilespmem:s31+$0x30];
	v23 =	vadd.f32 v24, v23;
	v10 =	vmul.f32 v10, v10;
	v11 =	vmul.f32 v11, v11;
	s0 =	sadd.s32 $0x80, s0  }
0x383: {  	v15 =	vadd.f32 v15, v19;
	v24 =	vld [tilespmem:s0+$0x30];
	v20 =	vadd.f32 v21, v20;
	v17 =	vmul.f32 v22, v17  }
0x384: {  	v6 =	vmul.f32 v6, v6;
	v7 =	vmul.f32 v7, v7;
	v19 =	vld [tilespmem:s31+$0x20];
	v10 =	vadd.f32 v11, v10  }
0x385: {  	s5 =	sadd.s32 $0x80, s5;
	v13 =	vadd.f32 v13, v23;
	v11 =	vld [tilespmem:s0+$0x20];
	v17 =	vadd.f32 v17, v20;
	v15 =	vmul.f32 v15, v18  }
0x386: {  	v4 =	vmul.f32 v4, v4;
	v5 =	vmul.f32 v5, v5;
	s7 =	sadd.s32 $0x80, s7;
	v6 =	vadd.f32 v7, v6;
	v18 =	vld [tilespmem:s5+$0x30]  }
0x387: {  	s8 =	sadd.s32 $0x80, s8;
	v2 =	vmul.f32 v13, v2;
	v9 =	vadd.f32 v9, v10;
	v7 =	vld [tilespmem:s7+$0x30];
	v15 =	vadd.f32 v15, v17  }
0x388: {  	v3 =	vmul.f32 v3, v3;
	s9 =	sadd.s32 $0x80, s9;
	v4 =	vadd.f32 v5, v4;
	v10 =	vld [tilespmem:s8+$0x30]  }
0x389: {  	v6 =	vadd.f32 v8, v6;
	v9 =	vmul.f32 v9, v16;
	v5 =	vld [tilespmem:s9+$0x30];
	v2 =	vadd.f32 v2, v15  }
0x38a: {  	v8 =	vld [tilespmem:s31+$0x10]  }
0x38b: {  	v3 =	vadd.f32 v3, v4;
	v6 =	vmul.f32 v6, v14;
	v13 =	vld [tilespmem:s0+$0x10];
	v2 =	vadd.f32 v9, v2  }
0x38c: {  	v9 =	vld [tilespmem:s5+$0x20]  }
0x38d: {  	v3 =	vmul.f32 v3, v12;
	v14 =	vld [tilespmem:s7+$0x20];
	v2 =	vadd.f32 v6, v2  }
0x38e: {  	v12 =	vld [tilespmem:s8+$0x20]  }
0x38f: {  	v15 =	vld [tilespmem:s9+$0x20];
	v2 =	vadd.f32 v3, v2  }
0x390: {  	v16 =	vld [tilespmem:s31+$0x0]  }
0x391: {  	v17 =	vld [tilespmem:s0+$0x0]  }
0x392: {  	v20 =	vld [tilespmem:s5+$0x10]  }
0x393: {  	v21 =	vld [tilespmem:s7+$0x10]  }
0x394: {  	v22 =	vld [tilespmem:s8+$0x10]  }
0x395: {  	v23 =	vld [tilespmem:s9+$0x10]  }
0x396: {  	v26 =	vld [tilespmem:s31+$0xFFFFFFF0]  }
0x397: {  	v27 =	vld [tilespmem:s0+$0xFFFFFFF0]  }
0x398: {  	v28 =	vld [tilespmem:s5+$0x0]  }
0x399: {  	v29 =	vld [tilespmem:s7+$0x0]  }
0x39a: {  	v30 =	vld [tilespmem:s31+$0xFFFFFFE0]  }
0x39b: {  	v31 =	vld [tilespmem:s0+$0xFFFFFFE0]  }
0x39c: {  	v32 =	vld [tilespmem:s5+$0xFFFFFFF0]  }
0x39d: {  	v33 =	vld [tilespmem:s7+$0xFFFFFFF0]  }
0x39e: {  	v34 =	vld [tilespmem:s31+$0xFFFFFFD0]  }
0x39f: {  	v35 =	vld [tilespmem:s0+$0xFFFFFFD0]  }
0x3a0: {  	v36 =	vld [tilespmem:s5+$0xFFFFFFE0]  }
0x3a1: {  	v37 =	vld [tilespmem:s7+$0xFFFFFFE0]  }
0x3a2: {  	v38 =	vld [tilespmem:s8+$0xFFFFFFE0]  }
0x3a3: {  	v39 =	vld [tilespmem:s31+$0xFFFFFFC0]  }
0x3a4: {  	v40 =	vld [tilespmem:s0+$0xFFFFFFC0]  }
0x3a5: {  	v41 =	vld [tilespmem:s5+$0xFFFFFFD0]  }
0x3a6: {  	v19 =	vsub.f32 v19, v11;
	v3 =	vsub.f32 v25, v24;
	v42 =	vld [tilespmem:s7+$0xFFFFFFD0]  }
0x3a7: {  	v4 =	vsub.f32 v18, v7;
	v5 =	vsub.f32 v10, v5;
	v24 =	vld [tilespmem:s5+$0xFFFFFFC0]  }
0x3a8: {  	v8 =	vsub.f32 v8, v13;
	v6 =	vsub.f32 v9, v14;
	v18 =	vld [tilespmem:s7+$0xFFFFFFC0]  }
0x3a9: {  	v7 =	vsub.f32 v12, v15;
	v13 =	vsub.f32 v16, v17;
	v9 =	vld [tilespmem:s8+$0xFFFFFFC0]  }
0x3aa: {  	s17 =	sadd.s32 $0x8, s17;
	v10 =	vsub.f32 v20, v21;
	v11 =	vsub.f32 v22, v23;
	v12 =	vld [tilespmem:s9+$0xFFFFFFC0]  }
0x3ab: {  	p0 =	slt.u32 s17, $0x1F8;
	v15 =	vsub.f32 v26, v27;
	v20 =	vsub.f32 v28, v29;
	v14 =	vld [tilespmem:s8+$0xFFFFFFD0]  }
0x3ac: {  	v17 =	vsub.f32 v30, v31;
	v21 =	vsub.f32 v32, v33;
	v16 =	vld [tilespmem:s9+$0xFFFFFFD0]  }
0x3ad: {  	v22 =	vsub.f32 v34, v35;
	v23 =	vsub.f32 v36, v37;
	v25 =	vld [tilespmem:s9+$0xFFFFFFE0]  }
0x3ae: {  	v18 =	vsub.f32 v24, v18;
	v24 =	vsub.f32 v39, v40;
	v26 =	vld [tilespmem:s8+$0xFFFFFFF0]  }
0x3af: {  	v12 =	vsub.f32 v9, v12;
	v27 =	vld [tilespmem:s9+$0xFFFFFFF0];
	v9 =	vmul.f32 v8, v8;
	v8 =	vmul.f32 v19, v19  }
0x3b0: {  	v13 =	vmul.f32 v13, v13;
	v15 =	vmul.f32 v15, v15;
	v19 =	vsub.f32 v41, v42;
	v28 =	vld [tilespmem:s8+$0x0]  }
0x3b1: {  	s15 =	sadd.s32 $0x80, s15;
	v18 =	vmul.f32 v18, v18;
	v12 =	vmul.f32 v12, v12;
	v14 =	vsub.f32 v14, v16;
	v16 =	vld [tilespmem:s9+$0x0]  }
0x3b2: {  	v30 =	vmul.f32 v17, v17;
	v24 =	vmul.f32 v24, v24;
	v29 =	vld [tilespmem:s15+$0xFFFFFFC0];
	v25 =	vsub.f32 v38, v25  }
0x3b3: {  	v17 =	vadd.f32 v12, v18;
	v18 =	vmul.f32 v19, v19;
	v14 =	vmul.f32 v14, v14;
	v12 =	vld [tilespmem:s15+$0x30]  }
0x3b4: {  	v19 =	vmul.f32 v22, v22;
	v22 =	vmul.f32 v23, v23;
	v31 =	vld [tilespmem:s15+$0xFFFFFFD0];
	v23 =	vsub.f32 v26, v27  }
.Ltmp3:
0x3b5: {  	v25 =	vmul.f32 v25, v25;
	v24 =	vadd.f32 v24, v17;
	v18 =	vadd.f32 v14, v18;
	v14 =	vld [tilespmem:s15+$0x20];
	(pc) =	sbr.rel @p0 .LBB2_8-.Ltmp3, $4  }
0x3b6: {  	v21 =	vmul.f32 v21, v21;
	v17 =	vld [tilespmem:s15+$0xFFFFFFE0];
	v23 =	vmul.f32 v23, v23;
	v26 =	vsub.f32 v28, v16  }
0x3b7: {  	v22 =	vadd.f32 v25, v22;
	v27 =	vmul.f32 v24, v29;
	v28 =	vadd.f32 v19, v18;
	v16 =	vld [tilespmem:s15+$0x10]  }
0x3b8: {  	v18 =	vld [tilespmem:s15+$0xFFFFFFF0];
	v19 =	vadd.f32 v23, v21;
	v23 =	vmul.f32 v20, v20;
	v24 =	vmul.f32 v26, v26  }
0x3b9: {  	s31 =	sadd.s32 $0x80, s31;
	v22 =	vadd.f32 v30, v22;
	v20 =	vadd.f32 v27, v2;
	v21 =	vmul.f32 v28, v31;
	v2 =	vld [tilespmem:s15+$0x0]  }
0x3ba: {  	v23 =	vadd.f32 v24, v23;
	v10 =	vmul.f32 v10, v10;
	v11 =	vmul.f32 v11, v11  }
0x3bb: {  	v15 =	vadd.f32 v15, v19;
	v20 =	vadd.f32 v21, v20;
	v17 =	vmul.f32 v22, v17  }
0x3bc: {  	v6 =	vmul.f32 v6, v6;
	v7 =	vmul.f32 v7, v7;
	v10 =	vadd.f32 v11, v10  }
0x3bd: {  	v13 =	vadd.f32 v13, v23;
	v60 =	vadd.f32 v17, v20;
	v15 =	vmul.f32 v15, v18  }
0x3be: {  	v4 =	vmul.f32 v4, v4;
	v5 =	vmul.f32 v5, v5;
	v6 =	vadd.f32 v7, v6  }
0x3bf: {  	v2 =	vmul.f32 v13, v2;
	v9 =	vadd.f32 v9, v10;
	v61 =	vadd.f32 v15, v60  }
0x3c0: {  	v3 =	vmul.f32 v3, v3;
	v4 =	vadd.f32 v5, v4  }
0x3c1: {  	v6 =	vadd.f32 v8, v6;
	v62 =	vmul.f32 v9, v16;
	v2 =	vadd.f32 v2, v61;
	_ =	sdelay $0x1  }
0x3c2: {  	v3 =	vadd.f32 v3, v4;
	v63 =	vmul.f32 v6, v14;
	v2 =	vadd.f32 v62, v2;
	_ =	sdelay $0x1  }
0x3c3: {  	v3 =	vmul.f32 v3, v12;
	v2 =	vadd.f32 v63, v2;
	_ =	sdelay $0x1  }
0x3c4: {  	s29 =	sadd.s32 $0x1, s29;
	v2 =	vadd.f32 v3, v2  }
0x3c5: {  	p0 =	sne.s32 s29, s13  }
.Ltmp4:
0x3c6: {  	s0 =	simm.s32 $0x16080;
	[tilespmem:$0x16080] =	vst v2;
	(pc) =	sbr.rel @p0 .LBB2_1-.Ltmp4, $4  }
0x3c7: {  	[hbm4b:s12+s6] =	stream.linear.scatter [tilespmem:s0], [sflag:$0x5], $0x10, $0x38;
	[tilespmem:$0x16100] =	vst v63  }
0x3c8: {  	_ =	swait.ge [sflag:s14], $0x10  }
0x3c9: {  	[sflag:s14] =	ssyncset.done $0x0  }
0x3ca: {  	[sflag:s14] =	ssyncadd.s32 $0xFFFFFFF0  }
0x3cb: {  	_ =	sfence.sel $0x180000  }
0x3cc: {  	[bflag:$0x0] =	sbarrier.arrive $0xFFFF  }
0x3cd: {  	_ =	strace $0x90000047  }
0x3ce: {  	s0 =	stileid.u32;
	[bflag:$0x2] =	sbarrier.arrive $0xFFFF  }
0x3cf: {  	p0 =	sne.s32 s0, $0x0;
	s0 =	rddreg [dreg:$0x9]  }
0x3d0: {  	s0 =	sadd.s32 @!p0 $0x100000, s0  }
0x3d1: {  	[sflag:s0] =	ssyncadd.tile.s32 @!p0 $0x1;
	_ =	shalt  }
.Lfunc_end2:
_tile_overlayer_lowered:
.L_overlay_start_2:
0x3d2: {  	(tag) =	ssettag $0x2  }
0x3d3: {  	s0 =	rddreg [dreg:$0x0];
	s2 =	stileid.u32  }
0x3d4: {  	s1 =	rddreg [dreg:$0x1];
	p0 =	sne.s32 s2, $0x0  }
0x3d5: {  	s3 =	rddreg [dreg:$0x2];
	[bflag:$0x3] =	sbarrier.arrive $0xFFFF;
	s2 =	simm.s32 @!p0 $0x1C05  }
0x3d6: {  	[timem:s3], [sflag:s2] =	dma.local @!p0 [hbm:s0], s1  }
0x3d7: {  	s0 =	simm.s32 @!p0 $0x5  }
0x3d8: {  	_ =	swait.ge @!p0 [sflag:s0], s1  }
0x3d9: {  	s1 =	ssub.s32 @!p0 $0x0, s1;
	[sflag:s0] =	ssyncset.done @!p0 $0x0  }
0x3da: {  	[sflag:s0] =	ssyncadd.s32 @!p0 s1  }
0x3db: {  	[bflag:$0x3] =	sbarrier.arrive $0xFFFF  }
0x3dc: {  	_ =	shalt  }

</sc_bundles>
